<compile_context>
chip_gen: v7x
topology: tpu7x:2x2x1
jax: 0.10.2.dev20260603
libtpu: 0.0.44.dev20260713+nightly
codegen_flags: <defaults>
</compile_context>

<pallas_src>
import functools

import jax
import jax.numpy as jnp
from jax import lax
from jax.experimental import pallas as pl
from jax.experimental.pallas import tpu as pltpu
from jax.experimental.pallas import tpu_sc as plsc

NC, NS, L = 2, 16, 16
NW = NC * NS
S = 200
D = 32
CB = 8
FLAT = CB * S
GCH = 128
NFULL = FLAT // GCH
TAIL = FLAT - NFULL * GCH


def _sc_pool(inputs, table):
  B = inputs.shape[0]
  bw = B // NW
  nit = bw // CB
  inputs_flat = inputs.reshape(-1)
  mesh = plsc.VectorSubcoreMesh(core_axis_name="c", subcore_axis_name="s")

  @functools.partial(
      pl.kernel,
      out_type=jax.ShapeDtypeStruct((B, D), jnp.float32),
      mesh=mesh,
      compiler_params=pltpu.CompilerParams(
          needs_layout_passes=False, use_tc_tiling_on_sc=False),
      scratch_types=[
          pltpu.VMEM((FLAT,), jnp.int32),
          pltpu.VMEM((FLAT,), jnp.int32),
          pltpu.VMEM((FLAT, D), jnp.float32),
          pltpu.VMEM((FLAT, D), jnp.float32),
          pltpu.VMEM((CB, D), jnp.float32),
          pltpu.VMEM((CB, D), jnp.float32),
          pltpu.VMEM((1, D), jnp.float32),
          pltpu.SemaphoreType.DMA,
          pltpu.SemaphoreType.DMA,
          pltpu.SemaphoreType.DMA,
          pltpu.SemaphoreType.DMA,
          pltpu.SemaphoreType.DMA,
          pltpu.SemaphoreType.DMA,
      ],
  )
  def k(inputs_hbm, table_hbm, out_hbm, idx0, idx1, rows0, rows1, os0, os1,
        t0, si0, si1, sr0, sr1, so0, so1):
    wid = lax.axis_index("s") * NC + lax.axis_index("c")
    base = wid * bw
    fbase = base * S

    idxs = (idx0, idx1)
    isems = (si0, si1)
    rows = (rows0, rows1)
    rsems = (sr0, sr1)
    outs = (os0, os1)
    osems = (so0, so1)

    pltpu.sync_copy(table_hbm.at[pl.ds(0, 1)], t0)

    def idx_copy(g, b):
      return pltpu.make_async_copy(
          inputs_hbm.at[pl.ds(fbase + g * FLAT, FLAT)], idxs[b], isems[b])

    def gather_copies(b):
      copies = []
      for c in range(NFULL):
        copies.append(pltpu.make_async_copy(
            table_hbm.at[idxs[b].at[pl.ds(c * GCH, GCH)]],
            rows[b].at[pl.ds(c * GCH, GCH)], rsems[b]))
      copies.append(pltpu.make_async_copy(
          table_hbm.at[idxs[b].at[pl.ds(NFULL * GCH, TAIL)]],
          rows[b].at[pl.ds(NFULL * GCH, TAIL)], rsems[b]))
      return copies

    def out_copy(g, b):
      return pltpu.make_async_copy(
          outs[b], out_hbm.at[pl.ds(base + g * CB, CB)], osems[b])

    def compute(idx_ref, rows_ref, outb):
      for i in range(CB):
        ib = i * S
        n0v = jnp.zeros((L,), jnp.int32)
        for kv in range(S // L):
          v = idx_ref[pl.ds(ib + kv * L, L)]
          n0v = n0v + plsc.all_reduce_population_count(v == 0)
        v = idx_ref[pl.ds(ib + S - L, L)]
        lanes = lax.iota(jnp.int32, L)
        tail_new = L - (S - (S // L) * L)
        n0v = n0v + plsc.all_reduce_population_count(
            (lanes >= tail_new) & (v == 0))

        z = jnp.zeros((L,), jnp.float32)

        def sbody(kk, acc):
          accs = list(acc)
          r0 = ib + 4 * kk
          for u in range(4):
            accs[2 * u] = accs[2 * u] + rows_ref[r0 + u, pl.ds(0, L)]
            accs[2 * u + 1] = accs[2 * u + 1] + rows_ref[r0 + u, pl.ds(L, L)]
          return tuple(accs)

        acc = lax.fori_loop(0, S // 4, sbody, (z,) * 8)
        sa = (acc[0] + acc[2]) + (acc[4] + acc[6])
        sb = (acc[1] + acc[3]) + (acc[5] + acc[7])

        n0f = n0v.astype(jnp.float32)
        den = jnp.maximum(jnp.float32(S) - n0f, jnp.float32(1.0))
        ta = t0[0, pl.ds(0, L)]
        tb = t0[0, pl.ds(L, L)]
        outb[i, pl.ds(0, L)] = (sa - n0f * ta) / den
        outb[i, pl.ds(L, L)] = (sb - n0f * tb) / den

    idx_copy(0, 0).start()
    idx_copy(1, 1).start()
    idx_copy(0, 0).wait()
    for c in gather_copies(0):
      c.start()
    idx_copy(1, 1).wait()
    for c in gather_copies(1):
      c.start()

    def body2(g2, carry):
      for b in range(2):
        g = g2 * 2 + b
        for c in gather_copies(b):
          c.wait()
        @pl.when(g2 >= 1)
        def _():
          out_copy(g - 2, b).wait()
        compute(idxs[b], rows[b], outs[b])
        out_copy(g, b).start()
        @pl.when(g + 2 < nit)
        def _():
          idx_copy(g + 2, b).start()
          idx_copy(g + 2, b).wait()
          for c in gather_copies(b):
            c.start()
      return carry

    lax.fori_loop(0, nit // 2, body2, 0)

    out_copy(nit - 2, 0).wait()
    out_copy(nit - 1, 1).wait()

  return k(inputs_flat, table)


def kernel(inputs, table):
  return _sc_pool(inputs, table)

# --- scband reference (transcript-rebuilt; emitter-appended) ---
"""Pipeline reference for scband-my-model-87454124082120 (READ-ONLY COPY).

The authoritative reference and input builder live on the scoring server;
editing this copy changes nothing except your own understanding.
"""

import jax, jax.numpy as jnp
import numpy as np

VOCAB = 1000000
EMBED_DIM = 32
BATCH = 16384
SEQ = 200


def setup_inputs(seed: int = 0) -> dict:
    key = jax.random.key(seed)
    k1, k2 = jax.random.split(key)
    inputs = jax.random.randint(k1, (BATCH, SEQ), 0, VOCAB, dtype=jnp.int32)
    table = jax.random.normal(k2, (VOCAB, EMBED_DIM), dtype=jnp.float32) * 0.05
    return {"inputs": inputs, "table": table}


def reference(inputs, table):
    # Embedding lookup (mask_zero=True semantics: index 0 is the padding token)
    x = jnp.take(table, inputs, axis=0)  # [B, S, D]
    mask = (inputs != 0).astype(x.dtype)  # [B, S]
    # GlobalAveragePooling1D with mask: masked mean over the sequence axis
    num = jnp.sum(x * mask[..., None], axis=1)  # [B, D]
    den = jnp.sum(mask, axis=1, keepdims=True)  # [B, 1]
    out = num / jnp.maximum(den, 1.0)
    return out

if __name__ == "__main__":
    import jax
    _d = setup_inputs()
    print(jax.jit(kernel)(*tuple(_d.values())))

</pallas_src>

<mosaic_0001>
#map = affine_map<(d0, d1) -> (0)>
#map1 = affine_map<(d0, d1) -> (0, 0)>
module attributes {stable_mosaic.version = 14 : i64} {
  func.func @k(%arg0: i32, %arg1: i32, %arg2: memref<3276800xi32, #tpu.memory_space<hbm>>, %arg3: memref<1000000x32xf32, #tpu.memory_space<hbm>>, %arg4: memref<16384x32xf32, #tpu.memory_space<hbm>>, %arg5: memref<1600xi32, #tpu.memory_space<vmem>>, %arg6: memref<1600xi32, #tpu.memory_space<vmem>>, %arg7: memref<1600x32xf32, #tpu.memory_space<vmem>>, %arg8: memref<1600x32xf32, #tpu.memory_space<vmem>>, %arg9: memref<8x32xf32, #tpu.memory_space<vmem>>, %arg10: memref<8x32xf32, #tpu.memory_space<vmem>>, %arg11: memref<1x32xf32, #tpu.memory_space<vmem>>, %arg12: memref<!tpu.dma_semaphore, #tpu.memory_space<semaphore_mem>>, %arg13: memref<!tpu.dma_semaphore, #tpu.memory_space<semaphore_mem>>, %arg14: memref<!tpu.dma_semaphore, #tpu.memory_space<semaphore_mem>>, %arg15: memref<!tpu.dma_semaphore, #tpu.memory_space<semaphore_mem>>, %arg16: memref<!tpu.dma_semaphore, #tpu.memory_space<semaphore_mem>>, %arg17: memref<!tpu.dma_semaphore, #tpu.memory_space<semaphore_mem>>) attributes {dimension_semantics = [#tpu.dimension_semantics<core_parallel>, #tpu.dimension_semantics<subcore_parallel>], iteration_bounds = array<i64: 2, 16>, scalar_prefetch = 0 : i64, scratch_operands = 13 : i64, tpu.core_type = #tpu.core_type<sc_vector_subcore>, window_params = [{transform_indices = #map}, {transform_indices = #map1}, {transform_indices = #map1}]} {
    %mul3A = arith.constant 2 : i32
    %mul3A_0 = arith.muli %arg1, %mul3A : i32
    %add3A = arith.addi %mul3A_0, %arg0 : i32
    %mul3A_1 = arith.constant 512 : i32
    %mul3A_2 = arith.muli %add3A, %mul3A_1 : i32
    %mul3A_3 = arith.constant 200 : i32
    %mul3A_4 = arith.muli %mul3A_2, %mul3A_3 : i32
    "tpu.region"() ({
      %run_scoped3A = tpu.sem_alloc : memref<!tpu.dma_semaphore, #tpu.memory_space<semaphore_mem>>
      %dma_start3A_244 = arith.constant 0 : i32
      %dma_start3A_245 = arith.constant 0 : i32
      %dma_start3A_246 = tpu.memref_slice %arg3[%dma_start3A_244, %dma_start3A_245] : memref<1000000x32xf32, #tpu.memory_space<hbm>> -> memref<1x32xf32, #tpu.memory_space<hbm>>
      %dma_start3A_247 = arith.constant 0 : i32
      %dma_start3A_248 = arith.constant 0 : i32
      %dma_start3A_249 = tpu.memref_slice %arg3[%dma_start3A_247, %dma_start3A_248] : memref<1000000x32xf32, #tpu.memory_space<hbm>> -> memref<1x32xf32, #tpu.memory_space<hbm>>
      tpu.enqueue_dma source(%dma_start3A_249 : memref<1x32xf32, #tpu.memory_space<hbm>>) target(%arg11 : memref<1x32xf32, #tpu.memory_space<vmem>>) target_semaphore(%run_scoped3A : memref<!tpu.dma_semaphore, #tpu.memory_space<semaphore_mem>>)
      %dma_wait3A_250 = arith.constant 0 : i32
      %dma_wait3A_251 = arith.constant 0 : i32
      %dma_wait3A_252 = tpu.memref_slice %arg3[%dma_wait3A_250, %dma_wait3A_251] : memref<1000000x32xf32, #tpu.memory_space<hbm>> -> memref<1x32xf32, #tpu.memory_space<hbm>>
      %dma_wait3A_253 = arith.constant 0 : i32
      %dma_wait3A_254 = arith.constant 0 : i32
      %dma_wait3A_255 = tpu.memref_slice %arg3[%dma_wait3A_253, %dma_wait3A_254] : memref<1000000x32xf32, #tpu.memory_space<hbm>> -> memref<1x32xf32, #tpu.memory_space<hbm>>
      tpu.wait_dma2 semaphore(%run_scoped3A : memref<!tpu.dma_semaphore, #tpu.memory_space<semaphore_mem>>) src(%dma_wait3A_255 : memref<1x32xf32, #tpu.memory_space<hbm>>) dst(%arg11 : memref<1x32xf32, #tpu.memory_space<vmem>>)
      tpu.yield
    }) : () -> ()
    %add3A_5 = arith.constant 0 : i32
    %add3A_6 = arith.addi %mul3A_4, %add3A_5 : i32
    %dma_start3A = tpu.memref_slice %arg2[%add3A_6] : memref<3276800xi32, #tpu.memory_space<hbm>> -> memref<1600xi32, #tpu.memory_space<hbm>>
    %dma_start3A_7 = tpu.memref_slice %arg2[%add3A_6] : memref<3276800xi32, #tpu.memory_space<hbm>> -> memref<1600xi32, #tpu.memory_space<hbm>>
    tpu.enqueue_dma source(%dma_start3A_7 : memref<1600xi32, #tpu.memory_space<hbm>>) target(%arg5 : memref<1600xi32, #tpu.memory_space<vmem>>) target_semaphore(%arg12 : memref<!tpu.dma_semaphore, #tpu.memory_space<semaphore_mem>>)
    %add3A_8 = arith.constant 1600 : i32
    %add3A_9 = arith.addi %mul3A_4, %add3A_8 : i32
    %dma_start3A_10 = tpu.memref_slice %arg2[%add3A_9] : memref<3276800xi32, #tpu.memory_space<hbm>> -> memref<1600xi32, #tpu.memory_space<hbm>>
    %dma_start3A_11 = tpu.memref_slice %arg2[%add3A_9] : memref<3276800xi32, #tpu.memory_space<hbm>> -> memref<1600xi32, #tpu.memory_space<hbm>>
    tpu.enqueue_dma source(%dma_start3A_11 : memref<1600xi32, #tpu.memory_space<hbm>>) target(%arg6 : memref<1600xi32, #tpu.memory_space<vmem>>) target_semaphore(%arg13 : memref<!tpu.dma_semaphore, #tpu.memory_space<semaphore_mem>>)
    %add3A_12 = arith.constant 0 : i32
    %add3A_13 = arith.addi %mul3A_4, %add3A_12 : i32
    %dma_wait3A = tpu.memref_slice %arg2[%add3A_13] : memref<3276800xi32, #tpu.memory_space<hbm>> -> memref<1600xi32, #tpu.memory_space<hbm>>
    %dma_wait3A_14 = tpu.memref_slice %arg2[%add3A_13] : memref<3276800xi32, #tpu.memory_space<hbm>> -> memref<1600xi32, #tpu.memory_space<hbm>>
    tpu.wait_dma2 semaphore(%arg12 : memref<!tpu.dma_semaphore, #tpu.memory_space<semaphore_mem>>) src(%dma_wait3A_14 : memref<1600xi32, #tpu.memory_space<hbm>>) dst(%arg5 : memref<1600xi32, #tpu.memory_space<vmem>>)
    %dma_start3A_15 = arith.constant 0 : i32
    %dma_start3A_16 = arith.constant 0 : i32
    %dma_start3A_17 = tpu.memref_slice %arg7[%dma_start3A_15, %dma_start3A_16] : memref<1600x32xf32, #tpu.memory_space<vmem>> -> memref<128x32xf32, #tpu.memory_space<vmem>>
    %dma_start3A_18 = arith.constant 0 : i32
    %dma_start3A_19 = tpu.memref_slice %arg5[%dma_start3A_18] : memref<1600xi32, #tpu.memory_space<vmem>> -> memref<128xi32, #tpu.memory_space<vmem>>
    %dma_start3A_20 = arith.constant 0 : i32
    %dma_start3A_21 = arith.constant 0 : i32
    %dma_start3A_22 = tpu.memref_slice %arg3[%dma_start3A_20, %dma_start3A_21] : memref<1000000x32xf32, #tpu.memory_space<hbm>> -> memref<1000000x32xf32, #tpu.memory_space<hbm>>
    tpu.enqueue_indirect_dma source(%dma_start3A_22 : memref<1000000x32xf32, #tpu.memory_space<hbm>>) target(%dma_start3A_17 : memref<128x32xf32, #tpu.memory_space<vmem>>) offsets(%dma_start3A_19 : memref<128xi32, #tpu.memory_space<vmem>>) semaphore(%arg14 : memref<!tpu.dma_semaphore, #tpu.memory_space<semaphore_mem>>)
    %dma_start3A_23 = arith.constant 128 : i32
    %dma_start3A_24 = arith.constant 0 : i32
    %dma_start3A_25 = tpu.memref_slice %arg7[%dma_start3A_23, %dma_start3A_24] : memref<1600x32xf32, #tpu.memory_space<vmem>> -> memref<128x32xf32, #tpu.memory_space<vmem>>
    %dma_start3A_26 = arith.constant 128 : i32
    %dma_start3A_27 = tpu.memref_slice %arg5[%dma_start3A_26] : memref<1600xi32, #tpu.memory_space<vmem>> -> memref<128xi32, #tpu.memory_space<vmem>>
    %dma_start3A_28 = arith.constant 0 : i32
    %dma_start3A_29 = arith.constant 0 : i32
    %dma_start3A_30 = tpu.memref_slice %arg3[%dma_start3A_28, %dma_start3A_29] : memref<1000000x32xf32, #tpu.memory_space<hbm>> -> memref<1000000x32xf32, #tpu.memory_space<hbm>>
    tpu.enqueue_indirect_dma source(%dma_start3A_30 : memref<1000000x32xf32, #tpu.memory_space<hbm>>) target(%dma_start3A_25 : memref<128x32xf32, #tpu.memory_space<vmem>>) offsets(%dma_start3A_27 : memref<128xi32, #tpu.memory_space<vmem>>) semaphore(%arg14 : memref<!tpu.dma_semaphore, #tpu.memory_space<semaphore_mem>>)
    %dma_start3A_31 = arith.constant 256 : i32
    %dma_start3A_32 = arith.constant 0 : i32
    %dma_start3A_33 = tpu.memref_slice %arg7[%dma_start3A_31, %dma_start3A_32] : memref<1600x32xf32, #tpu.memory_space<vmem>> -> memref<128x32xf32, #tpu.memory_space<vmem>>
    %dma_start3A_34 = arith.constant 256 : i32
    %dma_start3A_35 = tpu.memref_slice %arg5[%dma_start3A_34] : memref<1600xi32, #tpu.memory_space<vmem>> -> memref<128xi32, #tpu.memory_space<vmem>>
    %dma_start3A_36 = arith.constant 0 : i32
    %dma_start3A_37 = arith.constant 0 : i32
    %dma_start3A_38 = tpu.memref_slice %arg3[%dma_start3A_36, %dma_start3A_37] : memref<1000000x32xf32, #tpu.memory_space<hbm>> -> memref<1000000x32xf32, #tpu.memory_space<hbm>>
    tpu.enqueue_indirect_dma source(%dma_start3A_38 : memref<1000000x32xf32, #tpu.memory_space<hbm>>) target(%dma_start3A_33 : memref<128x32xf32, #tpu.memory_space<vmem>>) offsets(%dma_start3A_35 : memref<128xi32, #tpu.memory_space<vmem>>) semaphore(%arg14 : memref<!tpu.dma_semaphore, #tpu.memory_space<semaphore_mem>>)
    %dma_start3A_39 = arith.constant 384 : i32
    %dma_start3A_40 = arith.constant 0 : i32
    %dma_start3A_41 = tpu.memref_slice %arg7[%dma_start3A_39, %dma_start3A_40] : memref<1600x32xf32, #tpu.memory_space<vmem>> -> memref<128x32xf32, #tpu.memory_space<vmem>>
    %dma_start3A_42 = arith.constant 384 : i32
    %dma_start3A_43 = tpu.memref_slice %arg5[%dma_start3A_42] : memref<1600xi32, #tpu.memory_space<vmem>> -> memref<128xi32, #tpu.memory_space<vmem>>
    %dma_start3A_44 = arith.constant 0 : i32
    %dma_start3A_45 = arith.constant 0 : i32
    %dma_start3A_46 = tpu.memref_slice %arg3[%dma_start3A_44, %dma_start3A_45] : memref<1000000x32xf32, #tpu.memory_space<hbm>> -> memref<1000000x32xf32, #tpu.memory_space<hbm>>
    tpu.enqueue_indirect_dma source(%dma_start3A_46 : memref<1000000x32xf32, #tpu.memory_space<hbm>>) target(%dma_start3A_41 : memref<128x32xf32, #tpu.memory_space<vmem>>) offsets(%dma_start3A_43 : memref<128xi32, #tpu.memory_space<vmem>>) semaphore(%arg14 : memref<!tpu.dma_semaphore, #tpu.memory_space<semaphore_mem>>)
    %dma_start3A_47 = arith.constant 512 : i32
    %dma_start3A_48 = arith.constant 0 : i32
    %dma_start3A_49 = tpu.memref_slice %arg7[%dma_start3A_47, %dma_start3A_48] : memref<1600x32xf32, #tpu.memory_space<vmem>> -> memref<128x32xf32, #tpu.memory_space<vmem>>
    %dma_start3A_50 = arith.constant 512 : i32
    %dma_start3A_51 = tpu.memref_slice %arg5[%dma_start3A_50] : memref<1600xi32, #tpu.memory_space<vmem>> -> memref<128xi32, #tpu.memory_space<vmem>>
    %dma_start3A_52 = arith.constant 0 : i32
    %dma_start3A_53 = arith.constant 0 : i32
    %dma_start3A_54 = tpu.memref_slice %arg3[%dma_start3A_52, %dma_start3A_53] : memref<1000000x32xf32, #tpu.memory_space<hbm>> -> memref<1000000x32xf32, #tpu.memory_space<hbm>>
    tpu.enqueue_indirect_dma source(%dma_start3A_54 : memref<1000000x32xf32, #tpu.memory_space<hbm>>) target(%dma_start3A_49 : memref<128x32xf32, #tpu.memory_space<vmem>>) offsets(%dma_start3A_51 : memref<128xi32, #tpu.memory_space<vmem>>) semaphore(%arg14 : memref<!tpu.dma_semaphore, #tpu.memory_space<semaphore_mem>>)
    %dma_start3A_55 = arith.constant 640 : i32
    %dma_start3A_56 = arith.constant 0 : i32
    %dma_start3A_57 = tpu.memref_slice %arg7[%dma_start3A_55, %dma_start3A_56] : memref<1600x32xf32, #tpu.memory_space<vmem>> -> memref<128x32xf32, #tpu.memory_space<vmem>>
    %dma_start3A_58 = arith.constant 640 : i32
    %dma_start3A_59 = tpu.memref_slice %arg5[%dma_start3A_58] : memref<1600xi32, #tpu.memory_space<vmem>> -> memref<128xi32, #tpu.memory_space<vmem>>
    %dma_start3A_60 = arith.constant 0 : i32
    %dma_start3A_61 = arith.constant 0 : i32
    %dma_start3A_62 = tpu.memref_slice %arg3[%dma_start3A_60, %dma_start3A_61] : memref<1000000x32xf32, #tpu.memory_space<hbm>> -> memref<1000000x32xf32, #tpu.memory_space<hbm>>
    tpu.enqueue_indirect_dma source(%dma_start3A_62 : memref<1000000x32xf32, #tpu.memory_space<hbm>>) target(%dma_start3A_57 : memref<128x32xf32, #tpu.memory_space<vmem>>) offsets(%dma_start3A_59 : memref<128xi32, #tpu.memory_space<vmem>>) semaphore(%arg14 : memref<!tpu.dma_semaphore, #tpu.memory_space<semaphore_mem>>)
    %dma_start3A_63 = arith.constant 768 : i32
    %dma_start3A_64 = arith.constant 0 : i32
    %dma_start3A_65 = tpu.memref_slice %arg7[%dma_start3A_63, %dma_start3A_64] : memref<1600x32xf32, #tpu.memory_space<vmem>> -> memref<128x32xf32, #tpu.memory_space<vmem>>
    %dma_start3A_66 = arith.constant 768 : i32
    %dma_start3A_67 = tpu.memref_slice %arg5[%dma_start3A_66] : memref<1600xi32, #tpu.memory_space<vmem>> -> memref<128xi32, #tpu.memory_space<vmem>>
    %dma_start3A_68 = arith.constant 0 : i32
    %dma_start3A_69 = arith.constant 0 : i32
    %dma_start3A_70 = tpu.memref_slice %arg3[%dma_start3A_68, %dma_start3A_69] : memref<1000000x32xf32, #tpu.memory_space<hbm>> -> memref<1000000x32xf32, #tpu.memory_space<hbm>>
    tpu.enqueue_indirect_dma source(%dma_start3A_70 : memref<1000000x32xf32, #tpu.memory_space<hbm>>) target(%dma_start3A_65 : memref<128x32xf32, #tpu.memory_space<vmem>>) offsets(%dma_start3A_67 : memref<128xi32, #tpu.memory_space<vmem>>) semaphore(%arg14 : memref<!tpu.dma_semaphore, #tpu.memory_space<semaphore_mem>>)
    %dma_start3A_71 = arith.constant 896 : i32
    %dma_start3A_72 = arith.constant 0 : i32
    %dma_start3A_73 = tpu.memref_slice %arg7[%dma_start3A_71, %dma_start3A_72] : memref<1600x32xf32, #tpu.memory_space<vmem>> -> memref<128x32xf32, #tpu.memory_space<vmem>>
    %dma_start3A_74 = arith.constant 896 : i32
    %dma_start3A_75 = tpu.memref_slice %arg5[%dma_start3A_74] : memref<1600xi32, #tpu.memory_space<vmem>> -> memref<128xi32, #tpu.memory_space<vmem>>
    %dma_start3A_76 = arith.constant 0 : i32
    %dma_start3A_77 = arith.constant 0 : i32
    %dma_start3A_78 = tpu.memref_slice %arg3[%dma_start3A_76, %dma_start3A_77] : memref<1000000x32xf32, #tpu.memory_space<hbm>> -> memref<1000000x32xf32, #tpu.memory_space<hbm>>
    tpu.enqueue_indirect_dma source(%dma_start3A_78 : memref<1000000x32xf32, #tpu.memory_space<hbm>>) target(%dma_start3A_73 : memref<128x32xf32, #tpu.memory_space<vmem>>) offsets(%dma_start3A_75 : memref<128xi32, #tpu.memory_space<vmem>>) semaphore(%arg14 : memref<!tpu.dma_semaphore, #tpu.memory_space<semaphore_mem>>)
    %dma_start3A_79 = arith.constant 1024 : i32
    %dma_start3A_80 = arith.constant 0 : i32
    %dma_start3A_81 = tpu.memref_slice %arg7[%dma_start3A_79, %dma_start3A_80] : memref<1600x32xf32, #tpu.memory_space<vmem>> -> memref<128x32xf32, #tpu.memory_space<vmem>>
    %dma_start3A_82 = arith.constant 1024 : i32
    %dma_start3A_83 = tpu.memref_slice %arg5[%dma_start3A_82] : memref<1600xi32, #tpu.memory_space<vmem>> -> memref<128xi32, #tpu.memory_space<vmem>>
    %dma_start3A_84 = arith.constant 0 : i32
    %dma_start3A_85 = arith.constant 0 : i32
    %dma_start3A_86 = tpu.memref_slice %arg3[%dma_start3A_84, %dma_start3A_85] : memref<1000000x32xf32, #tpu.memory_space<hbm>> -> memref<1000000x32xf32, #tpu.memory_space<hbm>>
    tpu.enqueue_indirect_dma source(%dma_start3A_86 : memref<1000000x32xf32, #tpu.memory_space<hbm>>) target(%dma_start3A_81 : memref<128x32xf32, #tpu.memory_space<vmem>>) offsets(%dma_start3A_83 : memref<128xi32, #tpu.memory_space<vmem>>) semaphore(%arg14 : memref<!tpu.dma_semaphore, #tpu.memory_space<semaphore_mem>>)
    %dma_start3A_87 = arith.constant 1152 : i32
    %dma_start3A_88 = arith.constant 0 : i32
    %dma_start3A_89 = tpu.memref_slice %arg7[%dma_start3A_87, %dma_start3A_88] : memref<1600x32xf32, #tpu.memory_space<vmem>> -> memref<128x32xf32, #tpu.memory_space<vmem>>
    %dma_start3A_90 = arith.constant 1152 : i32
    %dma_start3A_91 = tpu.memref_slice %arg5[%dma_start3A_90] : memref<1600xi32, #tpu.memory_space<vmem>> -> memref<128xi32, #tpu.memory_space<vmem>>
    %dma_start3A_92 = arith.constant 0 : i32
    %dma_start3A_93 = arith.constant 0 : i32
    %dma_start3A_94 = tpu.memref_slice %arg3[%dma_start3A_92, %dma_start3A_93] : memref<1000000x32xf32, #tpu.memory_space<hbm>> -> memref<1000000x32xf32, #tpu.memory_space<hbm>>
    tpu.enqueue_indirect_dma source(%dma_start3A_94 : memref<1000000x32xf32, #tpu.memory_space<hbm>>) target(%dma_start3A_89 : memref<128x32xf32, #tpu.memory_space<vmem>>) offsets(%dma_start3A_91 : memref<128xi32, #tpu.memory_space<vmem>>) semaphore(%arg14 : memref<!tpu.dma_semaphore, #tpu.memory_space<semaphore_mem>>)
    %dma_start3A_95 = arith.constant 1280 : i32
    %dma_start3A_96 = arith.constant 0 : i32
    %dma_start3A_97 = tpu.memref_slice %arg7[%dma_start3A_95, %dma_start3A_96] : memref<1600x32xf32, #tpu.memory_space<vmem>> -> memref<128x32xf32, #tpu.memory_space<vmem>>
    %dma_start3A_98 = arith.constant 1280 : i32
    %dma_start3A_99 = tpu.memref_slice %arg5[%dma_start3A_98] : memref<1600xi32, #tpu.memory_space<vmem>> -> memref<128xi32, #tpu.memory_space<vmem>>
    %dma_start3A_100 = arith.constant 0 : i32
    %dma_start3A_101 = arith.constant 0 : i32
    %dma_start3A_102 = tpu.memref_slice %arg3[%dma_start3A_100, %dma_start3A_101] : memref<1000000x32xf32, #tpu.memory_space<hbm>> -> memref<1000000x32xf32, #tpu.memory_space<hbm>>
    tpu.enqueue_indirect_dma source(%dma_start3A_102 : memref<1000000x32xf32, #tpu.memory_space<hbm>>) target(%dma_start3A_97 : memref<128x32xf32, #tpu.memory_space<vmem>>) offsets(%dma_start3A_99 : memref<128xi32, #tpu.memory_space<vmem>>) semaphore(%arg14 : memref<!tpu.dma_semaphore, #tpu.memory_space<semaphore_mem>>)
    %dma_start3A_103 = arith.constant 1408 : i32
    %dma_start3A_104 = arith.constant 0 : i32
    %dma_start3A_105 = tpu.memref_slice %arg7[%dma_start3A_103, %dma_start3A_104] : memref<1600x32xf32, #tpu.memory_space<vmem>> -> memref<128x32xf32, #tpu.memory_space<vmem>>
    %dma_start3A_106 = arith.constant 1408 : i32
    %dma_start3A_107 = tpu.memref_slice %arg5[%dma_start3A_106] : memref<1600xi32, #tpu.memory_space<vmem>> -> memref<128xi32, #tpu.memory_space<vmem>>
    %dma_start3A_108 = arith.constant 0 : i32
    %dma_start3A_109 = arith.constant 0 : i32
    %dma_start3A_110 = tpu.memref_slice %arg3[%dma_start3A_108, %dma_start3A_109] : memref<1000000x32xf32, #tpu.memory_space<hbm>> -> memref<1000000x32xf32, #tpu.memory_space<hbm>>
    tpu.enqueue_indirect_dma source(%dma_start3A_110 : memref<1000000x32xf32, #tpu.memory_space<hbm>>) target(%dma_start3A_105 : memref<128x32xf32, #tpu.memory_space<vmem>>) offsets(%dma_start3A_107 : memref<128xi32, #tpu.memory_space<vmem>>) semaphore(%arg14 : memref<!tpu.dma_semaphore, #tpu.memory_space<semaphore_mem>>)
    %dma_start3A_111 = arith.constant 1536 : i32
    %dma_start3A_112 = arith.constant 0 : i32
    %dma_start3A_113 = tpu.memref_slice %arg7[%dma_start3A_111, %dma_start3A_112] : memref<1600x32xf32, #tpu.memory_space<vmem>> -> memref<64x32xf32, #tpu.memory_space<vmem>>
    %dma_start3A_114 = arith.constant 1536 : i32
    %dma_start3A_115 = tpu.memref_slice %arg5[%dma_start3A_114] : memref<1600xi32, #tpu.memory_space<vmem>> -> memref<64xi32, #tpu.memory_space<vmem>>
    %dma_start3A_116 = arith.constant 0 : i32
    %dma_start3A_117 = arith.constant 0 : i32
    %dma_start3A_118 = tpu.memref_slice %arg3[%dma_start3A_116, %dma_start3A_117] : memref<1000000x32xf32, #tpu.memory_space<hbm>> -> memref<1000000x32xf32, #tpu.memory_space<hbm>>
    tpu.enqueue_indirect_dma source(%dma_start3A_118 : memref<1000000x32xf32, #tpu.memory_space<hbm>>) target(%dma_start3A_113 : memref<64x32xf32, #tpu.memory_space<vmem>>) offsets(%dma_start3A_115 : memref<64xi32, #tpu.memory_space<vmem>>) semaphore(%arg14 : memref<!tpu.dma_semaphore, #tpu.memory_space<semaphore_mem>>)
    %add3A_119 = arith.constant 1600 : i32
    %add3A_120 = arith.addi %mul3A_4, %add3A_119 : i32
    %dma_wait3A_121 = tpu.memref_slice %arg2[%add3A_120] : memref<3276800xi32, #tpu.memory_space<hbm>> -> memref<1600xi32, #tpu.memory_space<hbm>>
    %dma_wait3A_122 = tpu.memref_slice %arg2[%add3A_120] : memref<3276800xi32, #tpu.memory_space<hbm>> -> memref<1600xi32, #tpu.memory_space<hbm>>
    tpu.wait_dma2 semaphore(%arg13 : memref<!tpu.dma_semaphore, #tpu.memory_space<semaphore_mem>>) src(%dma_wait3A_122 : memref<1600xi32, #tpu.memory_space<hbm>>) dst(%arg6 : memref<1600xi32, #tpu.memory_space<vmem>>)
    %dma_start3A_123 = arith.constant 0 : i32
    %dma_start3A_124 = arith.constant 0 : i32
    %dma_start3A_125 = tpu.memref_slice %arg8[%dma_start3A_123, %dma_start3A_124] : memref<1600x32xf32, #tpu.memory_space<vmem>> -> memref<128x32xf32, #tpu.memory_space<vmem>>
    %dma_start3A_126 = arith.constant 0 : i32
    %dma_start3A_127 = tpu.memref_slice %arg6[%dma_start3A_126] : memref<1600xi32, #tpu.memory_space<vmem>> -> memref<128xi32, #tpu.memory_space<vmem>>
    %dma_start3A_128 = arith.constant 0 : i32
    %dma_start3A_129 = arith.constant 0 : i32
    %dma_start3A_130 = tpu.memref_slice %arg3[%dma_start3A_128, %dma_start3A_129] : memref<1000000x32xf32, #tpu.memory_space<hbm>> -> memref<1000000x32xf32, #tpu.memory_space<hbm>>
    tpu.enqueue_indirect_dma source(%dma_start3A_130 : memref<1000000x32xf32, #tpu.memory_space<hbm>>) target(%dma_start3A_125 : memref<128x32xf32, #tpu.memory_space<vmem>>) offsets(%dma_start3A_127 : memref<128xi32, #tpu.memory_space<vmem>>) semaphore(%arg15 : memref<!tpu.dma_semaphore, #tpu.memory_space<semaphore_mem>>)
    %dma_start3A_131 = arith.constant 128 : i32
    %dma_start3A_132 = arith.constant 0 : i32
    %dma_start3A_133 = tpu.memref_slice %arg8[%dma_start3A_131, %dma_start3A_132] : memref<1600x32xf32, #tpu.memory_space<vmem>> -> memref<128x32xf32, #tpu.memory_space<vmem>>
    %dma_start3A_134 = arith.constant 128 : i32
    %dma_start3A_135 = tpu.memref_slice %arg6[%dma_start3A_134] : memref<1600xi32, #tpu.memory_space<vmem>> -> memref<128xi32, #tpu.memory_space<vmem>>
    %dma_start3A_136 = arith.constant 0 : i32
    %dma_start3A_137 = arith.constant 0 : i32
    %dma_start3A_138 = tpu.memref_slice %arg3[%dma_start3A_136, %dma_start3A_137] : memref<1000000x32xf32, #tpu.memory_space<hbm>> -> memref<1000000x32xf32, #tpu.memory_space<hbm>>
    tpu.enqueue_indirect_dma source(%dma_start3A_138 : memref<1000000x32xf32, #tpu.memory_space<hbm>>) target(%dma_start3A_133 : memref<128x32xf32, #tpu.memory_space<vmem>>) offsets(%dma_start3A_135 : memref<128xi32, #tpu.memory_space<vmem>>) semaphore(%arg15 : memref<!tpu.dma_semaphore, #tpu.memory_space<semaphore_mem>>)
    %dma_start3A_139 = arith.constant 256 : i32
    %dma_start3A_140 = arith.constant 0 : i32
    %dma_start3A_141 = tpu.memref_slice %arg8[%dma_start3A_139, %dma_start3A_140] : memref<1600x32xf32, #tpu.memory_space<vmem>> -> memref<128x32xf32, #tpu.memory_space<vmem>>
    %dma_start3A_142 = arith.constant 256 : i32
    %dma_start3A_143 = tpu.memref_slice %arg6[%dma_start3A_142] : memref<1600xi32, #tpu.memory_space<vmem>> -> memref<128xi32, #tpu.memory_space<vmem>>
    %dma_start3A_144 = arith.constant 0 : i32
    %dma_start3A_145 = arith.constant 0 : i32
    %dma_start3A_146 = tpu.memref_slice %arg3[%dma_start3A_144, %dma_start3A_145] : memref<1000000x32xf32, #tpu.memory_space<hbm>> -> memref<1000000x32xf32, #tpu.memory_space<hbm>>
    tpu.enqueue_indirect_dma source(%dma_start3A_146 : memref<1000000x32xf32, #tpu.memory_space<hbm>>) target(%dma_start3A_141 : memref<128x32xf32, #tpu.memory_space<vmem>>) offsets(%dma_start3A_143 : memref<128xi32, #tpu.memory_space<vmem>>) semaphore(%arg15 : memref<!tpu.dma_semaphore, #tpu.memory_space<semaphore_mem>>)
    %dma_start3A_147 = arith.constant 384 : i32
    %dma_start3A_148 = arith.constant 0 : i32
    %dma_start3A_149 = tpu.memref_slice %arg8[%dma_start3A_147, %dma_start3A_148] : memref<1600x32xf32, #tpu.memory_space<vmem>> -> memref<128x32xf32, #tpu.memory_space<vmem>>
    %dma_start3A_150 = arith.constant 384 : i32
    %dma_start3A_151 = tpu.memref_slice %arg6[%dma_start3A_150] : memref<1600xi32, #tpu.memory_space<vmem>> -> memref<128xi32, #tpu.memory_space<vmem>>
    %dma_start3A_152 = arith.constant 0 : i32
    %dma_start3A_153 = arith.constant 0 : i32
    %dma_start3A_154 = tpu.memref_slice %arg3[%dma_start3A_152, %dma_start3A_153] : memref<1000000x32xf32, #tpu.memory_space<hbm>> -> memref<1000000x32xf32, #tpu.memory_space<hbm>>
    tpu.enqueue_indirect_dma source(%dma_start3A_154 : memref<1000000x32xf32, #tpu.memory_space<hbm>>) target(%dma_start3A_149 : memref<128x32xf32, #tpu.memory_space<vmem>>) offsets(%dma_start3A_151 : memref<128xi32, #tpu.memory_space<vmem>>) semaphore(%arg15 : memref<!tpu.dma_semaphore, #tpu.memory_space<semaphore_mem>>)
    %dma_start3A_155 = arith.constant 512 : i32
    %dma_start3A_156 = arith.constant 0 : i32
    %dma_start3A_157 = tpu.memref_slice %arg8[%dma_start3A_155, %dma_start3A_156] : memref<1600x32xf32, #tpu.memory_space<vmem>> -> memref<128x32xf32, #tpu.memory_space<vmem>>
    %dma_start3A_158 = arith.constant 512 : i32
    %dma_start3A_159 = tpu.memref_slice %arg6[%dma_start3A_158] : memref<1600xi32, #tpu.memory_space<vmem>> -> memref<128xi32, #tpu.memory_space<vmem>>
    %dma_start3A_160 = arith.constant 0 : i32
    %dma_start3A_161 = arith.constant 0 : i32
    %dma_start3A_162 = tpu.memref_slice %arg3[%dma_start3A_160, %dma_start3A_161] : memref<1000000x32xf32, #tpu.memory_space<hbm>> -> memref<1000000x32xf32, #tpu.memory_space<hbm>>
    tpu.enqueue_indirect_dma source(%dma_start3A_162 : memref<1000000x32xf32, #tpu.memory_space<hbm>>) target(%dma_start3A_157 : memref<128x32xf32, #tpu.memory_space<vmem>>) offsets(%dma_start3A_159 : memref<128xi32, #tpu.memory_space<vmem>>) semaphore(%arg15 : memref<!tpu.dma_semaphore, #tpu.memory_space<semaphore_mem>>)
    %dma_start3A_163 = arith.constant 640 : i32
    %dma_start3A_164 = arith.constant 0 : i32
    %dma_start3A_165 = tpu.memref_slice %arg8[%dma_start3A_163, %dma_start3A_164] : memref<1600x32xf32, #tpu.memory_space<vmem>> -> memref<128x32xf32, #tpu.memory_space<vmem>>
    %dma_start3A_166 = arith.constant 640 : i32
    %dma_start3A_167 = tpu.memref_slice %arg6[%dma_start3A_166] : memref<1600xi32, #tpu.memory_space<vmem>> -> memref<128xi32, #tpu.memory_space<vmem>>
    %dma_start3A_168 = arith.constant 0 : i32
    %dma_start3A_169 = arith.constant 0 : i32
    %dma_start3A_170 = tpu.memref_slice %arg3[%dma_start3A_168, %dma_start3A_169] : memref<1000000x32xf32, #tpu.memory_space<hbm>> -> memref<1000000x32xf32, #tpu.memory_space<hbm>>
    tpu.enqueue_indirect_dma source(%dma_start3A_170 : memref<1000000x32xf32, #tpu.memory_space<hbm>>) target(%dma_start3A_165 : memref<128x32xf32, #tpu.memory_space<vmem>>) offsets(%dma_start3A_167 : memref<128xi32, #tpu.memory_space<vmem>>) semaphore(%arg15 : memref<!tpu.dma_semaphore, #tpu.memory_space<semaphore_mem>>)
    %dma_start3A_171 = arith.constant 768 : i32
    %dma_start3A_172 = arith.constant 0 : i32
    %dma_start3A_173 = tpu.memref_slice %arg8[%dma_start3A_171, %dma_start3A_172] : memref<1600x32xf32, #tpu.memory_space<vmem>> -> memref<128x32xf32, #tpu.memory_space<vmem>>
    %dma_start3A_174 = arith.constant 768 : i32
    %dma_start3A_175 = tpu.memref_slice %arg6[%dma_start3A_174] : memref<1600xi32, #tpu.memory_space<vmem>> -> memref<128xi32, #tpu.memory_space<vmem>>
    %dma_start3A_176 = arith.constant 0 : i32
    %dma_start3A_177 = arith.constant 0 : i32
    %dma_start3A_178 = tpu.memref_slice %arg3[%dma_start3A_176, %dma_start3A_177] : memref<1000000x32xf32, #tpu.memory_space<hbm>> -> memref<1000000x32xf32, #tpu.memory_space<hbm>>
    tpu.enqueue_indirect_dma source(%dma_start3A_178 : memref<1000000x32xf32, #tpu.memory_space<hbm>>) target(%dma_start3A_173 : memref<128x32xf32, #tpu.memory_space<vmem>>) offsets(%dma_start3A_175 : memref<128xi32, #tpu.memory_space<vmem>>) semaphore(%arg15 : memref<!tpu.dma_semaphore, #tpu.memory_space<semaphore_mem>>)
    %dma_start3A_179 = arith.constant 896 : i32
    %dma_start3A_180 = arith.constant 0 : i32
    %dma_start3A_181 = tpu.memref_slice %arg8[%dma_start3A_179, %dma_start3A_180] : memref<1600x32xf32, #tpu.memory_space<vmem>> -> memref<128x32xf32, #tpu.memory_space<vmem>>
    %dma_start3A_182 = arith.constant 896 : i32
    %dma_start3A_183 = tpu.memref_slice %arg6[%dma_start3A_182] : memref<1600xi32, #tpu.memory_space<vmem>> -> memref<128xi32, #tpu.memory_space<vmem>>
    %dma_start3A_184 = arith.constant 0 : i32
    %dma_start3A_185 = arith.constant 0 : i32
    %dma_start3A_186 = tpu.memref_slice %arg3[%dma_start3A_184, %dma_start3A_185] : memref<1000000x32xf32, #tpu.memory_space<hbm>> -> memref<1000000x32xf32, #tpu.memory_space<hbm>>
    tpu.enqueue_indirect_dma source(%dma_start3A_186 : memref<1000000x32xf32, #tpu.memory_space<hbm>>) target(%dma_start3A_181 : memref<128x32xf32, #tpu.memory_space<vmem>>) offsets(%dma_start3A_183 : memref<128xi32, #tpu.memory_space<vmem>>) semaphore(%arg15 : memref<!tpu.dma_semaphore, #tpu.memory_space<semaphore_mem>>)
    %dma_start3A_187 = arith.constant 1024 : i32
    %dma_start3A_188 = arith.constant 0 : i32
    %dma_start3A_189 = tpu.memref_slice %arg8[%dma_start3A_187, %dma_start3A_188] : memref<1600x32xf32, #tpu.memory_space<vmem>> -> memref<128x32xf32, #tpu.memory_space<vmem>>
    %dma_start3A_190 = arith.constant 1024 : i32
    %dma_start3A_191 = tpu.memref_slice %arg6[%dma_start3A_190] : memref<1600xi32, #tpu.memory_space<vmem>> -> memref<128xi32, #tpu.memory_space<vmem>>
    %dma_start3A_192 = arith.constant 0 : i32
    %dma_start3A_193 = arith.constant 0 : i32
    %dma_start3A_194 = tpu.memref_slice %arg3[%dma_start3A_192, %dma_start3A_193] : memref<1000000x32xf32, #tpu.memory_space<hbm>> -> memref<1000000x32xf32, #tpu.memory_space<hbm>>
    tpu.enqueue_indirect_dma source(%dma_start3A_194 : memref<1000000x32xf32, #tpu.memory_space<hbm>>) target(%dma_start3A_189 : memref<128x32xf32, #tpu.memory_space<vmem>>) offsets(%dma_start3A_191 : memref<128xi32, #tpu.memory_space<vmem>>) semaphore(%arg15 : memref<!tpu.dma_semaphore, #tpu.memory_space<semaphore_mem>>)
    %dma_start3A_195 = arith.constant 1152 : i32
    %dma_start3A_196 = arith.constant 0 : i32
    %dma_start3A_197 = tpu.memref_slice %arg8[%dma_start3A_195, %dma_start3A_196] : memref<1600x32xf32, #tpu.memory_space<vmem>> -> memref<128x32xf32, #tpu.memory_space<vmem>>
    %dma_start3A_198 = arith.constant 1152 : i32
    %dma_start3A_199 = tpu.memref_slice %arg6[%dma_start3A_198] : memref<1600xi32, #tpu.memory_space<vmem>> -> memref<128xi32, #tpu.memory_space<vmem>>
    %dma_start3A_200 = arith.constant 0 : i32
    %dma_start3A_201 = arith.constant 0 : i32
    %dma_start3A_202 = tpu.memref_slice %arg3[%dma_start3A_200, %dma_start3A_201] : memref<1000000x32xf32, #tpu.memory_space<hbm>> -> memref<1000000x32xf32, #tpu.memory_space<hbm>>
    tpu.enqueue_indirect_dma source(%dma_start3A_202 : memref<1000000x32xf32, #tpu.memory_space<hbm>>) target(%dma_start3A_197 : memref<128x32xf32, #tpu.memory_space<vmem>>) offsets(%dma_start3A_199 : memref<128xi32, #tpu.memory_space<vmem>>) semaphore(%arg15 : memref<!tpu.dma_semaphore, #tpu.memory_space<semaphore_mem>>)
    %dma_start3A_203 = arith.constant 1280 : i32
    %dma_start3A_204 = arith.constant 0 : i32
    %dma_start3A_205 = tpu.memref_slice %arg8[%dma_start3A_203, %dma_start3A_204] : memref<1600x32xf32, #tpu.memory_space<vmem>> -> memref<128x32xf32, #tpu.memory_space<vmem>>
    %dma_start3A_206 = arith.constant 1280 : i32
    %dma_start3A_207 = tpu.memref_slice %arg6[%dma_start3A_206] : memref<1600xi32, #tpu.memory_space<vmem>> -> memref<128xi32, #tpu.memory_space<vmem>>
    %dma_start3A_208 = arith.constant 0 : i32
    %dma_start3A_209 = arith.constant 0 : i32
    %dma_start3A_210 = tpu.memref_slice %arg3[%dma_start3A_208, %dma_start3A_209] : memref<1000000x32xf32, #tpu.memory_space<hbm>> -> memref<1000000x32xf32, #tpu.memory_space<hbm>>
    tpu.enqueue_indirect_dma source(%dma_start3A_210 : memref<1000000x32xf32, #tpu.memory_space<hbm>>) target(%dma_start3A_205 : memref<128x32xf32, #tpu.memory_space<vmem>>) offsets(%dma_start3A_207 : memref<128xi32, #tpu.memory_space<vmem>>) semaphore(%arg15 : memref<!tpu.dma_semaphore, #tpu.memory_space<semaphore_mem>>)
    %dma_start3A_211 = arith.constant 1408 : i32
    %dma_start3A_212 = arith.constant 0 : i32
    %dma_start3A_213 = tpu.memref_slice %arg8[%dma_start3A_211, %dma_start3A_212] : memref<1600x32xf32, #tpu.memory_space<vmem>> -> memref<128x32xf32, #tpu.memory_space<vmem>>
    %dma_start3A_214 = arith.constant 1408 : i32
    %dma_start3A_215 = tpu.memref_slice %arg6[%dma_start3A_214] : memref<1600xi32, #tpu.memory_space<vmem>> -> memref<128xi32, #tpu.memory_space<vmem>>
    %dma_start3A_216 = arith.constant 0 : i32
    %dma_start3A_217 = arith.constant 0 : i32
    %dma_start3A_218 = tpu.memref_slice %arg3[%dma_start3A_216, %dma_start3A_217] : memref<1000000x32xf32, #tpu.memory_space<hbm>> -> memref<1000000x32xf32, #tpu.memory_space<hbm>>
    tpu.enqueue_indirect_dma source(%dma_start3A_218 : memref<1000000x32xf32, #tpu.memory_space<hbm>>) target(%dma_start3A_213 : memref<128x32xf32, #tpu.memory_space<vmem>>) offsets(%dma_start3A_215 : memref<128xi32, #tpu.memory_space<vmem>>) semaphore(%arg15 : memref<!tpu.dma_semaphore, #tpu.memory_space<semaphore_mem>>)
    %dma_start3A_219 = arith.constant 1536 : i32
    %dma_start3A_220 = arith.constant 0 : i32
    %dma_start3A_221 = tpu.memref_slice %arg8[%dma_start3A_219, %dma_start3A_220] : memref<1600x32xf32, #tpu.memory_space<vmem>> -> memref<64x32xf32, #tpu.memory_space<vmem>>
    %dma_start3A_222 = arith.constant 1536 : i32
    %dma_start3A_223 = tpu.memref_slice %arg6[%dma_start3A_222] : memref<1600xi32, #tpu.memory_space<vmem>> -> memref<64xi32, #tpu.memory_space<vmem>>
    %dma_start3A_224 = arith.constant 0 : i32
    %dma_start3A_225 = arith.constant 0 : i32
    %dma_start3A_226 = tpu.memref_slice %arg3[%dma_start3A_224, %dma_start3A_225] : memref<1000000x32xf32, #tpu.memory_space<hbm>> -> memref<1000000x32xf32, #tpu.memory_space<hbm>>
    tpu.enqueue_indirect_dma source(%dma_start3A_226 : memref<1000000x32xf32, #tpu.memory_space<hbm>>) target(%dma_start3A_221 : memref<64x32xf32, #tpu.memory_space<vmem>>) offsets(%dma_start3A_223 : memref<64xi32, #tpu.memory_space<vmem>>) semaphore(%arg15 : memref<!tpu.dma_semaphore, #tpu.memory_space<semaphore_mem>>)
    %scan3A = arith.constant 0 : i32
    %scan3A_227 = arith.constant 0 : i32
    %scan3A_228 = arith.constant 32 : i32
    %scan3A_229 = arith.addi %scan3A_227, %scan3A_228 : i32
    %scan3A_230 = arith.constant 1 : i32
    scf.for %scan3A_244 = %scan3A_227 to %scan3A_229 step %scan3A_230  : i32 {
      %mul3A_245 = arith.constant 2 : i32
      %mul3A_246 = arith.muli %scan3A_244, %mul3A_245 : i32
      %add3A_247 = arith.constant 0 : i32
      %add3A_248 = arith.addi %mul3A_246, %add3A_247 : i32
      %dma_wait3A_249 = arith.constant 0 : i32
      %dma_wait3A_250 = arith.constant 0 : i32
      %dma_wait3A_251 = tpu.memref_slice %arg7[%dma_wait3A_249, %dma_wait3A_250] : memref<1600x32xf32, #tpu.memory_space<vmem>> -> memref<128x32xf32, #tpu.memory_space<vmem>>
      %dma_wait3A_252 = arith.constant 0 : i32
      %dma_wait3A_253 = tpu.memref_slice %arg5[%dma_wait3A_252] : memref<1600xi32, #tpu.memory_space<vmem>> -> memref<128xi32, #tpu.memory_space<vmem>>
      %dma_wait3A_254 = arith.constant 0 : i32
      %dma_wait3A_255 = arith.constant 0 : i32
      %dma_wait3A_256 = tpu.memref_slice %arg3[%dma_wait3A_254, %dma_wait3A_255] : memref<1000000x32xf32, #tpu.memory_space<hbm>> -> memref<1000000x32xf32, #tpu.memory_space<hbm>>
      tpu.wait_indirect_dma semaphore(%arg14 : memref<!tpu.dma_semaphore, #tpu.memory_space<semaphore_mem>>) src(%dma_wait3A_256 : memref<1000000x32xf32, #tpu.memory_space<hbm>>) dst(%dma_wait3A_251 : memref<128x32xf32, #tpu.memory_space<vmem>>)
      %dma_wait3A_257 = arith.constant 128 : i32
      %dma_wait3A_258 = arith.constant 0 : i32
      %dma_wait3A_259 = tpu.memref_slice %arg7[%dma_wait3A_257, %dma_wait3A_258] : memref<1600x32xf32, #tpu.memory_space<vmem>> -> memref<128x32xf32, #tpu.memory_space<vmem>>
      %dma_wait3A_260 = arith.constant 128 : i32
      %dma_wait3A_261 = tpu.memref_slice %arg5[%dma_wait3A_260] : memref<1600xi32, #tpu.memory_space<vmem>> -> memref<128xi32, #tpu.memory_space<vmem>>
      %dma_wait3A_262 = arith.constant 0 : i32
      %dma_wait3A_263 = arith.constant 0 : i32
      %dma_wait3A_264 = tpu.memref_slice %arg3[%dma_wait3A_262, %dma_wait3A_263] : memref<1000000x32xf32, #tpu.memory_space<hbm>> -> memref<1000000x32xf32, #tpu.memory_space<hbm>>
      tpu.wait_indirect_dma semaphore(%arg14 : memref<!tpu.dma_semaphore, #tpu.memory_space<semaphore_mem>>) src(%dma_wait3A_264 : memref<1000000x32xf32, #tpu.memory_space<hbm>>) dst(%dma_wait3A_259 : memref<128x32xf32, #tpu.memory_space<vmem>>)
      %dma_wait3A_265 = arith.constant 256 : i32
      %dma_wait3A_266 = arith.constant 0 : i32
      %dma_wait3A_267 = tpu.memref_slice %arg7[%dma_wait3A_265, %dma_wait3A_266] : memref<1600x32xf32, #tpu.memory_space<vmem>> -> memref<128x32xf32, #tpu.memory_space<vmem>>
      %dma_wait3A_268 = arith.constant 256 : i32
      %dma_wait3A_269 = tpu.memref_slice %arg5[%dma_wait3A_268] : memref<1600xi32, #tpu.memory_space<vmem>> -> memref<128xi32, #tpu.memory_space<vmem>>
      %dma_wait3A_270 = arith.constant 0 : i32
      %dma_wait3A_271 = arith.constant 0 : i32
      %dma_wait3A_272 = tpu.memref_slice %arg3[%dma_wait3A_270, %dma_wait3A_271] : memref<1000000x32xf32, #tpu.memory_space<hbm>> -> memref<1000000x32xf32, #tpu.memory_space<hbm>>
      tpu.wait_indirect_dma semaphore(%arg14 : memref<!tpu.dma_semaphore, #tpu.memory_space<semaphore_mem>>) src(%dma_wait3A_272 : memref<1000000x32xf32, #tpu.memory_space<hbm>>) dst(%dma_wait3A_267 : memref<128x32xf32, #tpu.memory_space<vmem>>)
      %dma_wait3A_273 = arith.constant 384 : i32
      %dma_wait3A_274 = arith.constant 0 : i32
      %dma_wait3A_275 = tpu.memref_slice %arg7[%dma_wait3A_273, %dma_wait3A_274] : memref<1600x32xf32, #tpu.memory_space<vmem>> -> memref<128x32xf32, #tpu.memory_space<vmem>>
      %dma_wait3A_276 = arith.constant 384 : i32
      %dma_wait3A_277 = tpu.memref_slice %arg5[%dma_wait3A_276] : memref<1600xi32, #tpu.memory_space<vmem>> -> memref<128xi32, #tpu.memory_space<vmem>>
      %dma_wait3A_278 = arith.constant 0 : i32
      %dma_wait3A_279 = arith.constant 0 : i32
      %dma_wait3A_280 = tpu.memref_slice %arg3[%dma_wait3A_278, %dma_wait3A_279] : memref<1000000x32xf32, #tpu.memory_space<hbm>> -> memref<1000000x32xf32, #tpu.memory_space<hbm>>
      tpu.wait_indirect_dma semaphore(%arg14 : memref<!tpu.dma_semaphore, #tpu.memory_space<semaphore_mem>>) src(%dma_wait3A_280 : memref<1000000x32xf32, #tpu.memory_space<hbm>>) dst(%dma_wait3A_275 : memref<128x32xf32, #tpu.memory_space<vmem>>)
      %dma_wait3A_281 = arith.constant 512 : i32
      %dma_wait3A_282 = arith.constant 0 : i32
      %dma_wait3A_283 = tpu.memref_slice %arg7[%dma_wait3A_281, %dma_wait3A_282] : memref<1600x32xf32, #tpu.memory_space<vmem>> -> memref<128x32xf32, #tpu.memory_space<vmem>>
      %dma_wait3A_284 = arith.constant 512 : i32
      %dma_wait3A_285 = tpu.memref_slice %arg5[%dma_wait3A_284] : memref<1600xi32, #tpu.memory_space<vmem>> -> memref<128xi32, #tpu.memory_space<vmem>>
      %dma_wait3A_286 = arith.constant 0 : i32
      %dma_wait3A_287 = arith.constant 0 : i32
      %dma_wait3A_288 = tpu.memref_slice %arg3[%dma_wait3A_286, %dma_wait3A_287] : memref<1000000x32xf32, #tpu.memory_space<hbm>> -> memref<1000000x32xf32, #tpu.memory_space<hbm>>
      tpu.wait_indirect_dma semaphore(%arg14 : memref<!tpu.dma_semaphore, #tpu.memory_space<semaphore_mem>>) src(%dma_wait3A_288 : memref<1000000x32xf32, #tpu.memory_space<hbm>>) dst(%dma_wait3A_283 : memref<128x32xf32, #tpu.memory_space<vmem>>)
      %dma_wait3A_289 = arith.constant 640 : i32
      %dma_wait3A_290 = arith.constant 0 : i32
      %dma_wait3A_291 = tpu.memref_slice %arg7[%dma_wait3A_289, %dma_wait3A_290] : memref<1600x32xf32, #tpu.memory_space<vmem>> -> memref<128x32xf32, #tpu.memory_space<vmem>>
      %dma_wait3A_292 = arith.constant 640 : i32
      %dma_wait3A_293 = tpu.memref_slice %arg5[%dma_wait3A_292] : memref<1600xi32, #tpu.memory_space<vmem>> -> memref<128xi32, #tpu.memory_space<vmem>>
      %dma_wait3A_294 = arith.constant 0 : i32
      %dma_wait3A_295 = arith.constant 0 : i32
      %dma_wait3A_296 = tpu.memref_slice %arg3[%dma_wait3A_294, %dma_wait3A_295] : memref<1000000x32xf32, #tpu.memory_space<hbm>> -> memref<1000000x32xf32, #tpu.memory_space<hbm>>
      tpu.wait_indirect_dma semaphore(%arg14 : memref<!tpu.dma_semaphore, #tpu.memory_space<semaphore_mem>>) src(%dma_wait3A_296 : memref<1000000x32xf32, #tpu.memory_space<hbm>>) dst(%dma_wait3A_291 : memref<128x32xf32, #tpu.memory_space<vmem>>)
      %dma_wait3A_297 = arith.constant 768 : i32
      %dma_wait3A_298 = arith.constant 0 : i32
      %dma_wait3A_299 = tpu.memref_slice %arg7[%dma_wait3A_297, %dma_wait3A_298] : memref<1600x32xf32, #tpu.memory_space<vmem>> -> memref<128x32xf32, #tpu.memory_space<vmem>>
      %dma_wait3A_300 = arith.constant 768 : i32
      %dma_wait3A_301 = tpu.memref_slice %arg5[%dma_wait3A_300] : memref<1600xi32, #tpu.memory_space<vmem>> -> memref<128xi32, #tpu.memory_space<vmem>>
      %dma_wait3A_302 = arith.constant 0 : i32
      %dma_wait3A_303 = arith.constant 0 : i32
      %dma_wait3A_304 = tpu.memref_slice %arg3[%dma_wait3A_302, %dma_wait3A_303] : memref<1000000x32xf32, #tpu.memory_space<hbm>> -> memref<1000000x32xf32, #tpu.memory_space<hbm>>
      tpu.wait_indirect_dma semaphore(%arg14 : memref<!tpu.dma_semaphore, #tpu.memory_space<semaphore_mem>>) src(%dma_wait3A_304 : memref<1000000x32xf32, #tpu.memory_space<hbm>>) dst(%dma_wait3A_299 : memref<128x32xf32, #tpu.memory_space<vmem>>)
      %dma_wait3A_305 = arith.constant 896 : i32
      %dma_wait3A_306 = arith.constant 0 : i32
      %dma_wait3A_307 = tpu.memref_slice %arg7[%dma_wait3A_305, %dma_wait3A_306] : memref<1600x32xf32, #tpu.memory_space<vmem>> -> memref<128x32xf32, #tpu.memory_space<vmem>>
      %dma_wait3A_308 = arith.constant 896 : i32
      %dma_wait3A_309 = tpu.memref_slice %arg5[%dma_wait3A_308] : memref<1600xi32, #tpu.memory_space<vmem>> -> memref<128xi32, #tpu.memory_space<vmem>>
      %dma_wait3A_310 = arith.constant 0 : i32
      %dma_wait3A_311 = arith.constant 0 : i32
      %dma_wait3A_312 = tpu.memref_slice %arg3[%dma_wait3A_310, %dma_wait3A_311] : memref<1000000x32xf32, #tpu.memory_space<hbm>> -> memref<1000000x32xf32, #tpu.memory_space<hbm>>
      tpu.wait_indirect_dma semaphore(%arg14 : memref<!tpu.dma_semaphore, #tpu.memory_space<semaphore_mem>>) src(%dma_wait3A_312 : memref<1000000x32xf32, #tpu.memory_space<hbm>>) dst(%dma_wait3A_307 : memref<128x32xf32, #tpu.memory_space<vmem>>)
      %dma_wait3A_313 = arith.constant 1024 : i32
      %dma_wait3A_314 = arith.constant 0 : i32
      %dma_wait3A_315 = tpu.memref_slice %arg7[%dma_wait3A_313, %dma_wait3A_314] : memref<1600x32xf32, #tpu.memory_space<vmem>> -> memref<128x32xf32, #tpu.memory_space<vmem>>
      %dma_wait3A_316 = arith.constant 1024 : i32
      %dma_wait3A_317 = tpu.memref_slice %arg5[%dma_wait3A_316] : memref<1600xi32, #tpu.memory_space<vmem>> -> memref<128xi32, #tpu.memory_space<vmem>>
      %dma_wait3A_318 = arith.constant 0 : i32
      %dma_wait3A_319 = arith.constant 0 : i32
      %dma_wait3A_320 = tpu.memref_slice %arg3[%dma_wait3A_318, %dma_wait3A_319] : memref<1000000x32xf32, #tpu.memory_space<hbm>> -> memref<1000000x32xf32, #tpu.memory_space<hbm>>
      tpu.wait_indirect_dma semaphore(%arg14 : memref<!tpu.dma_semaphore, #tpu.memory_space<semaphore_mem>>) src(%dma_wait3A_320 : memref<1000000x32xf32, #tpu.memory_space<hbm>>) dst(%dma_wait3A_315 : memref<128x32xf32, #tpu.memory_space<vmem>>)
      %dma_wait3A_321 = arith.constant 1152 : i32
      %dma_wait3A_322 = arith.constant 0 : i32
      %dma_wait3A_323 = tpu.memref_slice %arg7[%dma_wait3A_321, %dma_wait3A_322] : memref<1600x32xf32, #tpu.memory_space<vmem>> -> memref<128x32xf32, #tpu.memory_space<vmem>>
      %dma_wait3A_324 = arith.constant 1152 : i32
      %dma_wait3A_325 = tpu.memref_slice %arg5[%dma_wait3A_324] : memref<1600xi32, #tpu.memory_space<vmem>> -> memref<128xi32, #tpu.memory_space<vmem>>
      %dma_wait3A_326 = arith.constant 0 : i32
      %dma_wait3A_327 = arith.constant 0 : i32
      %dma_wait3A_328 = tpu.memref_slice %arg3[%dma_wait3A_326, %dma_wait3A_327] : memref<1000000x32xf32, #tpu.memory_space<hbm>> -> memref<1000000x32xf32, #tpu.memory_space<hbm>>
      tpu.wait_indirect_dma semaphore(%arg14 : memref<!tpu.dma_semaphore, #tpu.memory_space<semaphore_mem>>) src(%dma_wait3A_328 : memref<1000000x32xf32, #tpu.memory_space<hbm>>) dst(%dma_wait3A_323 : memref<128x32xf32, #tpu.memory_space<vmem>>)
      %dma_wait3A_329 = arith.constant 1280 : i32
      %dma_wait3A_330 = arith.constant 0 : i32
      %dma_wait3A_331 = tpu.memref_slice %arg7[%dma_wait3A_329, %dma_wait3A_330] : memref<1600x32xf32, #tpu.memory_space<vmem>> -> memref<128x32xf32, #tpu.memory_space<vmem>>
      %dma_wait3A_332 = arith.constant 1280 : i32
      %dma_wait3A_333 = tpu.memref_slice %arg5[%dma_wait3A_332] : memref<1600xi32, #tpu.memory_space<vmem>> -> memref<128xi32, #tpu.memory_space<vmem>>
      %dma_wait3A_334 = arith.constant 0 : i32
      %dma_wait3A_335 = arith.constant 0 : i32
      %dma_wait3A_336 = tpu.memref_slice %arg3[%dma_wait3A_334, %dma_wait3A_335] : memref<1000000x32xf32, #tpu.memory_space<hbm>> -> memref<1000000x32xf32, #tpu.memory_space<hbm>>
      tpu.wait_indirect_dma semaphore(%arg14 : memref<!tpu.dma_semaphore, #tpu.memory_space<semaphore_mem>>) src(%dma_wait3A_336 : memref<1000000x32xf32, #tpu.memory_space<hbm>>) dst(%dma_wait3A_331 : memref<128x32xf32, #tpu.memory_space<vmem>>)
      %dma_wait3A_337 = arith.constant 1408 : i32
      %dma_wait3A_338 = arith.constant 0 : i32
      %dma_wait3A_339 = tpu.memref_slice %arg7[%dma_wait3A_337, %dma_wait3A_338] : memref<1600x32xf32, #tpu.memory_space<vmem>> -> memref<128x32xf32, #tpu.memory_space<vmem>>
      %dma_wait3A_340 = arith.constant 1408 : i32
      %dma_wait3A_341 = tpu.memref_slice %arg5[%dma_wait3A_340] : memref<1600xi32, #tpu.memory_space<vmem>> -> memref<128xi32, #tpu.memory_space<vmem>>
      %dma_wait3A_342 = arith.constant 0 : i32
      %dma_wait3A_343 = arith.constant 0 : i32
      %dma_wait3A_344 = tpu.memref_slice %arg3[%dma_wait3A_342, %dma_wait3A_343] : memref<1000000x32xf32, #tpu.memory_space<hbm>> -> memref<1000000x32xf32, #tpu.memory_space<hbm>>
      tpu.wait_indirect_dma semaphore(%arg14 : memref<!tpu.dma_semaphore, #tpu.memory_space<semaphore_mem>>) src(%dma_wait3A_344 : memref<1000000x32xf32, #tpu.memory_space<hbm>>) dst(%dma_wait3A_339 : memref<128x32xf32, #tpu.memory_space<vmem>>)
      %dma_wait3A_345 = arith.constant 1536 : i32
      %dma_wait3A_346 = arith.constant 0 : i32
      %dma_wait3A_347 = tpu.memref_slice %arg7[%dma_wait3A_345, %dma_wait3A_346] : memref<1600x32xf32, #tpu.memory_space<vmem>> -> memref<64x32xf32, #tpu.memory_space<vmem>>
      %dma_wait3A_348 = arith.constant 1536 : i32
      %dma_wait3A_349 = tpu.memref_slice %arg5[%dma_wait3A_348] : memref<1600xi32, #tpu.memory_space<vmem>> -> memref<64xi32, #tpu.memory_space<vmem>>
      %dma_wait3A_350 = arith.constant 0 : i32
      %dma_wait3A_351 = arith.constant 0 : i32
      %dma_wait3A_352 = tpu.memref_slice %arg3[%dma_wait3A_350, %dma_wait3A_351] : memref<1000000x32xf32, #tpu.memory_space<hbm>> -> memref<1000000x32xf32, #tpu.memory_space<hbm>>
      tpu.wait_indirect_dma semaphore(%arg14 : memref<!tpu.dma_semaphore, #tpu.memory_space<semaphore_mem>>) src(%dma_wait3A_352 : memref<1000000x32xf32, #tpu.memory_space<hbm>>) dst(%dma_wait3A_347 : memref<64x32xf32, #tpu.memory_space<vmem>>)
      %ge3A = arith.constant 1 : i32
      %ge3A_353 = arith.cmpi sge, %scan3A_244, %ge3A : i32
      %convert_element_type3A = arith.extui %ge3A_353 : i1 to i32
      %cond3A = arith.constant 0 : i32
      %cond3A_354 = arith.cmpi ne, %convert_element_type3A, %cond3A : i32
      scf.if %cond3A_354 {
        %sub3A_2741 = arith.constant 2 : i32
        %sub3A_2742 = arith.subi %add3A_248, %sub3A_2741 : i32
        %mul3A_2743 = arith.constant 8 : i32
        %mul3A_2744 = arith.muli %sub3A_2742, %mul3A_2743 : i32
        %add3A_2745 = arith.addi %mul3A_2, %mul3A_2744 : i32
        %dma_wait3A_2746 = arith.constant 0 : i32
        %dma_wait3A_2747 = tpu.memref_slice %arg4[%add3A_2745, %dma_wait3A_2746] : memref<16384x32xf32, #tpu.memory_space<hbm>> -> memref<8x32xf32, #tpu.memory_space<hbm>>
        %dma_wait3A_2748 = arith.constant 0 : i32
        %dma_wait3A_2749 = tpu.memref_slice %arg4[%add3A_2745, %dma_wait3A_2748] : memref<16384x32xf32, #tpu.memory_space<hbm>> -> memref<8x32xf32, #tpu.memory_space<hbm>>
        tpu.wait_dma2 semaphore(%arg16 : memref<!tpu.dma_semaphore, #tpu.memory_space<semaphore_mem>>) src(%arg9 : memref<8x32xf32, #tpu.memory_space<vmem>>) dst(%dma_wait3A_2749 : memref<8x32xf32, #tpu.memory_space<hbm>>)
      } else {
      }
      %broadcast_in_dim3A = arith.constant 0 : i32
      %broadcast_in_dim3A_355 = vector.broadcast %broadcast_in_dim3A : i32 to vector<16xi32>
      %get3A = arith.constant 0 : index
      %get3A_356 = tpu.vector_load %arg5[%get3A] {strides = array<i32>} : memref<1600xi32, #tpu.memory_space<vmem>>, vector<16xi32>,
      %eq3A = arith.constant 0 : i32
      %eq3A_357 = vector.broadcast %eq3A : i32 to vector<16xi32>
      %eq3A_358 = arith.cmpi eq, %get3A_356, %eq3A_357 : vector<16xi32>
      %all_reduce_population_count3A = tpu.all_reduce %eq3A_358 {dim = 0 : i64, kind = #tpu.reduction_kind<sum>} : vector<16xi1> -> vector<16xi32>
      %add3A_359 = arith.addi %broadcast_in_dim3A_355, %all_reduce_population_count3A : vector<16xi32>
      %get3A_360 = arith.constant 16 : index
      %get3A_361 = tpu.vector_load %arg5[%get3A_360] {strides = array<i32>} : memref<1600xi32, #tpu.memory_space<vmem>>, vector<16xi32>,
      %eq3A_362 = arith.constant 0 : i32
      %eq3A_363 = vector.broadcast %eq3A_362 : i32 to vector<16xi32>
      %eq3A_364 = arith.cmpi eq, %get3A_361, %eq3A_363 : vector<16xi32>
      %all_reduce_population_count3A_365 = tpu.all_reduce %eq3A_364 {dim = 0 : i64, kind = #tpu.reduction_kind<sum>} : vector<16xi1> -> vector<16xi32>
      %add3A_366 = arith.addi %add3A_359, %all_reduce_population_count3A_365 : vector<16xi32>
      %get3A_367 = arith.constant 32 : index
      %get3A_368 = tpu.vector_load %arg5[%get3A_367] {strides = array<i32>} : memref<1600xi32, #tpu.memory_space<vmem>>, vector<16xi32>,
      %eq3A_369 = arith.constant 0 : i32
      %eq3A_370 = vector.broadcast %eq3A_369 : i32 to vector<16xi32>
      %eq3A_371 = arith.cmpi eq, %get3A_368, %eq3A_370 : vector<16xi32>
      %all_reduce_population_count3A_372 = tpu.all_reduce %eq3A_371 {dim = 0 : i64, kind = #tpu.reduction_kind<sum>} : vector<16xi1> -> vector<16xi32>
      %add3A_373 = arith.addi %add3A_366, %all_reduce_population_count3A_372 : vector<16xi32>
      %get3A_374 = arith.constant 48 : index
      %get3A_375 = tpu.vector_load %arg5[%get3A_374] {strides = array<i32>} : memref<1600xi32, #tpu.memory_space<vmem>>, vector<16xi32>,
      %eq3A_376 = arith.constant 0 : i32
      %eq3A_377 = vector.broadcast %eq3A_376 : i32 to vector<16xi32>
      %eq3A_378 = arith.cmpi eq, %get3A_375, %eq3A_377 : vector<16xi32>
      %all_reduce_population_count3A_379 = tpu.all_reduce %eq3A_378 {dim = 0 : i64, kind = #tpu.reduction_kind<sum>} : vector<16xi1> -> vector<16xi32>
      %add3A_380 = arith.addi %add3A_373, %all_reduce_population_count3A_379 : vector<16xi32>
      %get3A_381 = arith.constant 64 : index
      %get3A_382 = tpu.vector_load %arg5[%get3A_381] {strides = array<i32>} : memref<1600xi32, #tpu.memory_space<vmem>>, vector<16xi32>,
      %eq3A_383 = arith.constant 0 : i32
      %eq3A_384 = vector.broadcast %eq3A_383 : i32 to vector<16xi32>
      %eq3A_385 = arith.cmpi eq, %get3A_382, %eq3A_384 : vector<16xi32>
      %all_reduce_population_count3A_386 = tpu.all_reduce %eq3A_385 {dim = 0 : i64, kind = #tpu.reduction_kind<sum>} : vector<16xi1> -> vector<16xi32>
      %add3A_387 = arith.addi %add3A_380, %all_reduce_population_count3A_386 : vector<16xi32>
      %get3A_388 = arith.constant 80 : index
      %get3A_389 = tpu.vector_load %arg5[%get3A_388] {strides = array<i32>} : memref<1600xi32, #tpu.memory_space<vmem>>, vector<16xi32>,
      %eq3A_390 = arith.constant 0 : i32
      %eq3A_391 = vector.broadcast %eq3A_390 : i32 to vector<16xi32>
      %eq3A_392 = arith.cmpi eq, %get3A_389, %eq3A_391 : vector<16xi32>
      %all_reduce_population_count3A_393 = tpu.all_reduce %eq3A_392 {dim = 0 : i64, kind = #tpu.reduction_kind<sum>} : vector<16xi1> -> vector<16xi32>
      %add3A_394 = arith.addi %add3A_387, %all_reduce_population_count3A_393 : vector<16xi32>
      %get3A_395 = arith.constant 96 : index
      %get3A_396 = tpu.vector_load %arg5[%get3A_395] {strides = array<i32>} : memref<1600xi32, #tpu.memory_space<vmem>>, vector<16xi32>,
      %eq3A_397 = arith.constant 0 : i32
      %eq3A_398 = vector.broadcast %eq3A_397 : i32 to vector<16xi32>
      %eq3A_399 = arith.cmpi eq, %get3A_396, %eq3A_398 : vector<16xi32>
      %all_reduce_population_count3A_400 = tpu.all_reduce %eq3A_399 {dim = 0 : i64, kind = #tpu.reduction_kind<sum>} : vector<16xi1> -> vector<16xi32>
      %add3A_401 = arith.addi %add3A_394, %all_reduce_population_count3A_400 : vector<16xi32>
      %get3A_402 = arith.constant 112 : index
      %get3A_403 = tpu.vector_load %arg5[%get3A_402] {strides = array<i32>} : memref<1600xi32, #tpu.memory_space<vmem>>, vector<16xi32>,
      %eq3A_404 = arith.constant 0 : i32
      %eq3A_405 = vector.broadcast %eq3A_404 : i32 to vector<16xi32>
      %eq3A_406 = arith.cmpi eq, %get3A_403, %eq3A_405 : vector<16xi32>
      %all_reduce_population_count3A_407 = tpu.all_reduce %eq3A_406 {dim = 0 : i64, kind = #tpu.reduction_kind<sum>} : vector<16xi1> -> vector<16xi32>
      %add3A_408 = arith.addi %add3A_401, %all_reduce_population_count3A_407 : vector<16xi32>
      %get3A_409 = arith.constant 128 : index
      %get3A_410 = tpu.vector_load %arg5[%get3A_409] {strides = array<i32>} : memref<1600xi32, #tpu.memory_space<vmem>>, vector<16xi32>,
      %eq3A_411 = arith.constant 0 : i32
      %eq3A_412 = vector.broadcast %eq3A_411 : i32 to vector<16xi32>
      %eq3A_413 = arith.cmpi eq, %get3A_410, %eq3A_412 : vector<16xi32>
      %all_reduce_population_count3A_414 = tpu.all_reduce %eq3A_413 {dim = 0 : i64, kind = #tpu.reduction_kind<sum>} : vector<16xi1> -> vector<16xi32>
      %add3A_415 = arith.addi %add3A_408, %all_reduce_population_count3A_414 : vector<16xi32>
      %get3A_416 = arith.constant 144 : index
      %get3A_417 = tpu.vector_load %arg5[%get3A_416] {strides = array<i32>} : memref<1600xi32, #tpu.memory_space<vmem>>, vector<16xi32>,
      %eq3A_418 = arith.constant 0 : i32
      %eq3A_419 = vector.broadcast %eq3A_418 : i32 to vector<16xi32>
      %eq3A_420 = arith.cmpi eq, %get3A_417, %eq3A_419 : vector<16xi32>
      %all_reduce_population_count3A_421 = tpu.all_reduce %eq3A_420 {dim = 0 : i64, kind = #tpu.reduction_kind<sum>} : vector<16xi1> -> vector<16xi32>
      %add3A_422 = arith.addi %add3A_415, %all_reduce_population_count3A_421 : vector<16xi32>
      %get3A_423 = arith.constant 160 : index
      %get3A_424 = tpu.vector_load %arg5[%get3A_423] {strides = array<i32>} : memref<1600xi32, #tpu.memory_space<vmem>>, vector<16xi32>,
      %eq3A_425 = arith.constant 0 : i32
      %eq3A_426 = vector.broadcast %eq3A_425 : i32 to vector<16xi32>
      %eq3A_427 = arith.cmpi eq, %get3A_424, %eq3A_426 : vector<16xi32>
      %all_reduce_population_count3A_428 = tpu.all_reduce %eq3A_427 {dim = 0 : i64, kind = #tpu.reduction_kind<sum>} : vector<16xi1> -> vector<16xi32>
      %add3A_429 = arith.addi %add3A_422, %all_reduce_population_count3A_428 : vector<16xi32>
      %get3A_430 = arith.constant 176 : index
      %get3A_431 = tpu.vector_load %arg5[%get3A_430] {strides = array<i32>} : memref<1600xi32, #tpu.memory_space<vmem>>, vector<16xi32>,
      %eq3A_432 = arith.constant 0 : i32
      %eq3A_433 = vector.broadcast %eq3A_432 : i32 to vector<16xi32>
      %eq3A_434 = arith.cmpi eq, %get3A_431, %eq3A_433 : vector<16xi32>
      %all_reduce_population_count3A_435 = tpu.all_reduce %eq3A_434 {dim = 0 : i64, kind = #tpu.reduction_kind<sum>} : vector<16xi1> -> vector<16xi32>
      %add3A_436 = arith.addi %add3A_429, %all_reduce_population_count3A_435 : vector<16xi32>
      %get3A_437 = arith.constant 184 : index
      %get3A_438 = tpu.vector_load %arg5[%get3A_437] {strides = array<i32>} : memref<1600xi32, #tpu.memory_space<vmem>>, vector<16xi32>,
      %iota3A = tpu.iota {dimensions = array<i32: 0>} : vector<16xi32>
      %ge3A_439 = arith.constant 8 : i32
      %ge3A_440 = vector.broadcast %ge3A_439 : i32 to vector<16xi32>
      %ge3A_441 = arith.cmpi sge, %iota3A, %ge3A_440 : vector<16xi32>
      %eq3A_442 = arith.constant 0 : i32
      %eq3A_443 = vector.broadcast %eq3A_442 : i32 to vector<16xi32>
      %eq3A_444 = arith.cmpi eq, %get3A_438, %eq3A_443 : vector<16xi32>
      %and3A = arith.andi %ge3A_441, %eq3A_444 : vector<16xi1>
      %all_reduce_population_count3A_445 = tpu.all_reduce %and3A {dim = 0 : i64, kind = #tpu.reduction_kind<sum>} : vector<16xi1> -> vector<16xi32>
      %add3A_446 = arith.addi %add3A_436, %all_reduce_population_count3A_445 : vector<16xi32>
      %broadcast_in_dim3A_447 = arith.constant 0.000000e+00 : f32
      %broadcast_in_dim3A_448 = vector.broadcast %broadcast_in_dim3A_447 : f32 to vector<16xf32>
      %scan3A_449 = arith.constant 0 : i32
      %scan3A_450 = arith.constant 50 : i32
      %scan3A_451 = arith.addi %scan3A_449, %scan3A_450 : i32
      %scan3A_452 = arith.constant 1 : i32
      %scan3A_453:8 = scf.for %scan3A_2741 = %scan3A_449 to %scan3A_451 step %scan3A_452 iter_args(%scan3A_2742 = %broadcast_in_dim3A_448, %scan3A_2743 = %broadcast_in_dim3A_448, %scan3A_2744 = %broadcast_in_dim3A_448, %scan3A_2745 = %broadcast_in_dim3A_448, %scan3A_2746 = %broadcast_in_dim3A_448, %scan3A_2747 = %broadcast_in_dim3A_448, %scan3A_2748 = %broadcast_in_dim3A_448, %scan3A_2749 = %broadcast_in_dim3A_448) -> (vector<16xf32>, vector<16xf32>, vector<16xf32>, vector<16xf32>, vector<16xf32>, vector<16xf32>, vector<16xf32>, vector<16xf32>)  : i32 {
        %mul3A_2750 = arith.constant 4 : i32
        %mul3A_2751 = arith.muli %mul3A_2750, %scan3A_2741 : i32
        %add3A_2752 = arith.constant 0 : i32
        %add3A_2753 = arith.addi %add3A_2752, %mul3A_2751 : i32
        %add3A_2754 = arith.constant 0 : i32
        %add3A_2755 = arith.addi %add3A_2753, %add3A_2754 : i32
        %get3A_2756 = arith.index_cast %add3A_2755 : i32 to index
        %get3A_2757 = arith.constant 0 : index
        %get3A_2758 = tpu.vector_load %arg7[%get3A_2756, %get3A_2757] {strides = array<i32>} : memref<1600x32xf32, #tpu.memory_space<vmem>>, vector<16xf32>,
        %add3A_2759 = arith.addf %scan3A_2742, %get3A_2758 : vector<16xf32>
        %add3A_2760 = arith.constant 0 : i32
        %add3A_2761 = arith.addi %add3A_2753, %add3A_2760 : i32
        %get3A_2762 = arith.index_cast %add3A_2761 : i32 to index
        %get3A_2763 = arith.constant 16 : index
        %get3A_2764 = tpu.vector_load %arg7[%get3A_2762, %get3A_2763] {strides = array<i32>} : memref<1600x32xf32, #tpu.memory_space<vmem>>, vector<16xf32>,
        %add3A_2765 = arith.addf %scan3A_2743, %get3A_2764 : vector<16xf32>
        %add3A_2766 = arith.constant 1 : i32
        %add3A_2767 = arith.addi %add3A_2753, %add3A_2766 : i32
        %get3A_2768 = arith.index_cast %add3A_2767 : i32 to index
        %get3A_2769 = arith.constant 0 : index
        %get3A_2770 = tpu.vector_load %arg7[%get3A_2768, %get3A_2769] {strides = array<i32>} : memref<1600x32xf32, #tpu.memory_space<vmem>>, vector<16xf32>,
        %add3A_2771 = arith.addf %scan3A_2744, %get3A_2770 : vector<16xf32>
        %add3A_2772 = arith.constant 1 : i32
        %add3A_2773 = arith.addi %add3A_2753, %add3A_2772 : i32
        %get3A_2774 = arith.index_cast %add3A_2773 : i32 to index
        %get3A_2775 = arith.constant 16 : index
        %get3A_2776 = tpu.vector_load %arg7[%get3A_2774, %get3A_2775] {strides = array<i32>} : memref<1600x32xf32, #tpu.memory_space<vmem>>, vector<16xf32>,
        %add3A_2777 = arith.addf %scan3A_2745, %get3A_2776 : vector<16xf32>
        %add3A_2778 = arith.constant 2 : i32
        %add3A_2779 = arith.addi %add3A_2753, %add3A_2778 : i32
        %get3A_2780 = arith.index_cast %add3A_2779 : i32 to index
        %get3A_2781 = arith.constant 0 : index
        %get3A_2782 = tpu.vector_load %arg7[%get3A_2780, %get3A_2781] {strides = array<i32>} : memref<1600x32xf32, #tpu.memory_space<vmem>>, vector<16xf32>,
        %add3A_2783 = arith.addf %scan3A_2746, %get3A_2782 : vector<16xf32>
        %add3A_2784 = arith.constant 2 : i32
        %add3A_2785 = arith.addi %add3A_2753, %add3A_2784 : i32
        %get3A_2786 = arith.index_cast %add3A_2785 : i32 to index
        %get3A_2787 = arith.constant 16 : index
        %get3A_2788 = tpu.vector_load %arg7[%get3A_2786, %get3A_2787] {strides = array<i32>} : memref<1600x32xf32, #tpu.memory_space<vmem>>, vector<16xf32>,
        %add3A_2789 = arith.addf %scan3A_2747, %get3A_2788 : vector<16xf32>
        %add3A_2790 = arith.constant 3 : i32
        %add3A_2791 = arith.addi %add3A_2753, %add3A_2790 : i32
        %get3A_2792 = arith.index_cast %add3A_2791 : i32 to index
        %get3A_2793 = arith.constant 0 : index
        %get3A_2794 = tpu.vector_load %arg7[%get3A_2792, %get3A_2793] {strides = array<i32>} : memref<1600x32xf32, #tpu.memory_space<vmem>>, vector<16xf32>,
        %add3A_2795 = arith.addf %scan3A_2748, %get3A_2794 : vector<16xf32>
        %add3A_2796 = arith.constant 3 : i32
        %add3A_2797 = arith.addi %add3A_2753, %add3A_2796 : i32
        %get3A_2798 = arith.index_cast %add3A_2797 : i32 to index
        %get3A_2799 = arith.constant 16 : index
        %get3A_2800 = tpu.vector_load %arg7[%get3A_2798, %get3A_2799] {strides = array<i32>} : memref<1600x32xf32, #tpu.memory_space<vmem>>, vector<16xf32>,
        %add3A_2801 = arith.addf %scan3A_2749, %get3A_2800 : vector<16xf32>
        scf.yield %add3A_2759, %add3A_2765, %add3A_2771, %add3A_2777, %add3A_2783, %add3A_2789, %add3A_2795, %add3A_2801 : vector<16xf32>, vector<16xf32>, vector<16xf32>, vector<16xf32>, vector<16xf32>, vector<16xf32>, vector<16xf32>, vector<16xf32>
      }
      %scan3A_454 = arith.constant 50 : i32
      %add3A_455 = arith.addf %scan3A_453#0, %scan3A_453#2 : vector<16xf32>
      %add3A_456 = arith.addf %scan3A_453#4, %scan3A_453#6 : vector<16xf32>
      %add3A_457 = arith.addf %add3A_455, %add3A_456 : vector<16xf32>
      %add3A_458 = arith.addf %scan3A_453#1, %scan3A_453#3 : vector<16xf32>
      %add3A_459 = arith.addf %scan3A_453#5, %scan3A_453#7 : vector<16xf32>
      %add3A_460 = arith.addf %add3A_458, %add3A_459 : vector<16xf32>
      %convert_element_type3A_461 = arith.sitofp %add3A_446 : vector<16xi32> to vector<16xf32>
      %sub3A = arith.constant 2.000000e+02 : f32
      %sub3A_462 = vector.broadcast %sub3A : f32 to vector<16xf32>
      %sub3A_463 = arith.subf %sub3A_462, %convert_element_type3A_461 : vector<16xf32>
      %max3A = arith.constant 1.000000e+00 : f32
      %max3A_464 = vector.broadcast %max3A : f32 to vector<16xf32>
      %max3A_465 = arith.maximumf %sub3A_463, %max3A_464 : vector<16xf32>
      %get3A_466 = arith.constant 0 : i32
      %get3A_467 = arith.index_cast %get3A_466 : i32 to index
      %get3A_468 = arith.constant 0 : index
      %get3A_469 = tpu.vector_load %arg11[%get3A_467, %get3A_468] {strides = array<i32>} : memref<1x32xf32, #tpu.memory_space<vmem>>, vector<16xf32>,
      %get3A_470 = arith.constant 0 : i32
      %get3A_471 = arith.index_cast %get3A_470 : i32 to index
      %get3A_472 = arith.constant 16 : index
      %get3A_473 = tpu.vector_load %arg11[%get3A_471, %get3A_472] {strides = array<i32>} : memref<1x32xf32, #tpu.memory_space<vmem>>, vector<16xf32>,
      %mul3A_474 = arith.mulf %convert_element_type3A_461, %get3A_469 : vector<16xf32>
      %sub3A_475 = arith.subf %add3A_457, %mul3A_474 : vector<16xf32>
      %div3A = arith.divf %sub3A_475, %max3A_465 : vector<16xf32>
      %swap3A = arith.constant 0 : i32
      %swap3A_476 = arith.index_cast %swap3A : i32 to index
      %swap3A_477 = arith.constant 0 : index
      %swap3A_478 = tpu.vector_load %arg9[%swap3A_476, %swap3A_477] {strides = array<i32>} : memref<8x32xf32, #tpu.memory_space<vmem>>, vector<16xf32>,
      tpu.vector_store %arg9[%swap3A_476, %swap3A_477], %div3A {strides = array<i32>} : memref<8x32xf32, #tpu.memory_space<vmem>>, vector<16xf32>,
      %mul3A_479 = arith.mulf %convert_element_type3A_461, %get3A_473 : vector<16xf32>
      %sub3A_480 = arith.subf %add3A_460, %mul3A_479 : vector<16xf32>
      %div3A_481 = arith.divf %sub3A_480, %max3A_465 : vector<16xf32>
      %swap3A_482 = arith.constant 0 : i32
      %swap3A_483 = arith.index_cast %swap3A_482 : i32 to index
      %swap3A_484 = arith.constant 16 : index
      %swap3A_485 = tpu.vector_load %arg9[%swap3A_483, %swap3A_484] {strides = array<i32>} : memref<8x32xf32, #tpu.memory_space<vmem>>, vector<16xf32>,
      tpu.vector_store %arg9[%swap3A_483, %swap3A_484], %div3A_481 {strides = array<i32>} : memref<8x32xf32, #tpu.memory_space<vmem>>, vector<16xf32>,
      %broadcast_in_dim3A_486 = arith.constant 0 : i32
      %broadcast_in_dim3A_487 = vector.broadcast %broadcast_in_dim3A_486 : i32 to vector<16xi32>
      %get3A_488 = arith.constant 200 : index
      %get3A_489 = tpu.vector_load %arg5[%get3A_488] {strides = array<i32>} : memref<1600xi32, #tpu.memory_space<vmem>>, vector<16xi32>,
      %eq3A_490 = arith.constant 0 : i32
      %eq3A_491 = vector.broadcast %eq3A_490 : i32 to vector<16xi32>
      %eq3A_492 = arith.cmpi eq, %get3A_489, %eq3A_491 : vector<16xi32>
      %all_reduce_population_count3A_493 = tpu.all_reduce %eq3A_492 {dim = 0 : i64, kind = #tpu.reduction_kind<sum>} : vector<16xi1> -> vector<16xi32>
      %add3A_494 = arith.addi %broadcast_in_dim3A_487, %all_reduce_population_count3A_493 : vector<16xi32>
      %get3A_495 = arith.constant 216 : index
      %get3A_496 = tpu.vector_load %arg5[%get3A_495] {strides = array<i32>} : memref<1600xi32, #tpu.memory_space<vmem>>, vector<16xi32>,
      %eq3A_497 = arith.constant 0 : i32
      %eq3A_498 = vector.broadcast %eq3A_497 : i32 to vector<16xi32>
      %eq3A_499 = arith.cmpi eq, %get3A_496, %eq3A_498 : vector<16xi32>
      %all_reduce_population_count3A_500 = tpu.all_reduce %eq3A_499 {dim = 0 : i64, kind = #tpu.reduction_kind<sum>} : vector<16xi1> -> vector<16xi32>
      %add3A_501 = arith.addi %add3A_494, %all_reduce_population_count3A_500 : vector<16xi32>
      %get3A_502 = arith.constant 232 : index
      %get3A_503 = tpu.vector_load %arg5[%get3A_502] {strides = array<i32>} : memref<1600xi32, #tpu.memory_space<vmem>>, vector<16xi32>,
      %eq3A_504 = arith.constant 0 : i32
      %eq3A_505 = vector.broadcast %eq3A_504 : i32 to vector<16xi32>
      %eq3A_506 = arith.cmpi eq, %get3A_503, %eq3A_505 : vector<16xi32>
      %all_reduce_population_count3A_507 = tpu.all_reduce %eq3A_506 {dim = 0 : i64, kind = #tpu.reduction_kind<sum>} : vector<16xi1> -> vector<16xi32>
      %add3A_508 = arith.addi %add3A_501, %all_reduce_population_count3A_507 : vector<16xi32>
      %get3A_509 = arith.constant 248 : index
      %get3A_510 = tpu.vector_load %arg5[%get3A_509] {strides = array<i32>} : memref<1600xi32, #tpu.memory_space<vmem>>, vector<16xi32>,
      %eq3A_511 = arith.constant 0 : i32
      %eq3A_512 = vector.broadcast %eq3A_511 : i32 to vector<16xi32>
      %eq3A_513 = arith.cmpi eq, %get3A_510, %eq3A_512 : vector<16xi32>
      %all_reduce_population_count3A_514 = tpu.all_reduce %eq3A_513 {dim = 0 : i64, kind = #tpu.reduction_kind<sum>} : vector<16xi1> -> vector<16xi32>
      %add3A_515 = arith.addi %add3A_508, %all_reduce_population_count3A_514 : vector<16xi32>
      %get3A_516 = arith.constant 264 : index
      %get3A_517 = tpu.vector_load %arg5[%get3A_516] {strides = array<i32>} : memref<1600xi32, #tpu.memory_space<vmem>>, vector<16xi32>,
      %eq3A_518 = arith.constant 0 : i32
      %eq3A_519 = vector.broadcast %eq3A_518 : i32 to vector<16xi32>
      %eq3A_520 = arith.cmpi eq, %get3A_517, %eq3A_519 : vector<16xi32>
      %all_reduce_population_count3A_521 = tpu.all_reduce %eq3A_520 {dim = 0 : i64, kind = #tpu.reduction_kind<sum>} : vector<16xi1> -> vector<16xi32>
      %add3A_522 = arith.addi %add3A_515, %all_reduce_population_count3A_521 : vector<16xi32>
      %get3A_523 = arith.constant 280 : index
      %get3A_524 = tpu.vector_load %arg5[%get3A_523] {strides = array<i32>} : memref<1600xi32, #tpu.memory_space<vmem>>, vector<16xi32>,
      %eq3A_525 = arith.constant 0 : i32
      %eq3A_526 = vector.broadcast %eq3A_525 : i32 to vector<16xi32>
      %eq3A_527 = arith.cmpi eq, %get3A_524, %eq3A_526 : vector<16xi32>
      %all_reduce_population_count3A_528 = tpu.all_reduce %eq3A_527 {dim = 0 : i64, kind = #tpu.reduction_kind<sum>} : vector<16xi1> -> vector<16xi32>
      %add3A_529 = arith.addi %add3A_522, %all_reduce_population_count3A_528 : vector<16xi32>
      %get3A_530 = arith.constant 296 : index
      %get3A_531 = tpu.vector_load %arg5[%get3A_530] {strides = array<i32>} : memref<1600xi32, #tpu.memory_space<vmem>>, vector<16xi32>,
      %eq3A_532 = arith.constant 0 : i32
      %eq3A_533 = vector.broadcast %eq3A_532 : i32 to vector<16xi32>
      %eq3A_534 = arith.cmpi eq, %get3A_531, %eq3A_533 : vector<16xi32>
      %all_reduce_population_count3A_535 = tpu.all_reduce %eq3A_534 {dim = 0 : i64, kind = #tpu.reduction_kind<sum>} : vector<16xi1> -> vector<16xi32>
      %add3A_536 = arith.addi %add3A_529, %all_reduce_population_count3A_535 : vector<16xi32>
      %get3A_537 = arith.constant 312 : index
      %get3A_538 = tpu.vector_load %arg5[%get3A_537] {strides = array<i32>} : memref<1600xi32, #tpu.memory_space<vmem>>, vector<16xi32>,
      %eq3A_539 = arith.constant 0 : i32
      %eq3A_540 = vector.broadcast %eq3A_539 : i32 to vector<16xi32>
      %eq3A_541 = arith.cmpi eq, %get3A_538, %eq3A_540 : vector<16xi32>
      %all_reduce_population_count3A_542 = tpu.all_reduce %eq3A_541 {dim = 0 : i64, kind = #tpu.reduction_kind<sum>} : vector<16xi1> -> vector<16xi32>
      %add3A_543 = arith.addi %add3A_536, %all_reduce_population_count3A_542 : vector<16xi32>
      %get3A_544 = arith.constant 328 : index
      %get3A_545 = tpu.vector_load %arg5[%get3A_544] {strides = array<i32>} : memref<1600xi32, #tpu.memory_space<vmem>>, vector<16xi32>,
      %eq3A_546 = arith.constant 0 : i32
      %eq3A_547 = vector.broadcast %eq3A_546 : i32 to vector<16xi32>
      %eq3A_548 = arith.cmpi eq, %get3A_545, %eq3A_547 : vector<16xi32>
      %all_reduce_population_count3A_549 = tpu.all_reduce %eq3A_548 {dim = 0 : i64, kind = #tpu.reduction_kind<sum>} : vector<16xi1> -> vector<16xi32>
      %add3A_550 = arith.addi %add3A_543, %all_reduce_population_count3A_549 : vector<16xi32>
      %get3A_551 = arith.constant 344 : index
      %get3A_552 = tpu.vector_load %arg5[%get3A_551] {strides = array<i32>} : memref<1600xi32, #tpu.memory_space<vmem>>, vector<16xi32>,
      %eq3A_553 = arith.constant 0 : i32
      %eq3A_554 = vector.broadcast %eq3A_553 : i32 to vector<16xi32>
      %eq3A_555 = arith.cmpi eq, %get3A_552, %eq3A_554 : vector<16xi32>
      %all_reduce_population_count3A_556 = tpu.all_reduce %eq3A_555 {dim = 0 : i64, kind = #tpu.reduction_kind<sum>} : vector<16xi1> -> vector<16xi32>
      %add3A_557 = arith.addi %add3A_550, %all_reduce_population_count3A_556 : vector<16xi32>
      %get3A_558 = arith.constant 360 : index
      %get3A_559 = tpu.vector_load %arg5[%get3A_558] {strides = array<i32>} : memref<1600xi32, #tpu.memory_space<vmem>>, vector<16xi32>,
      %eq3A_560 = arith.constant 0 : i32
      %eq3A_561 = vector.broadcast %eq3A_560 : i32 to vector<16xi32>
      %eq3A_562 = arith.cmpi eq, %get3A_559, %eq3A_561 : vector<16xi32>
      %all_reduce_population_count3A_563 = tpu.all_reduce %eq3A_562 {dim = 0 : i64, kind = #tpu.reduction_kind<sum>} : vector<16xi1> -> vector<16xi32>
      %add3A_564 = arith.addi %add3A_557, %all_reduce_population_count3A_563 : vector<16xi32>
      %get3A_565 = arith.constant 376 : index
      %get3A_566 = tpu.vector_load %arg5[%get3A_565] {strides = array<i32>} : memref<1600xi32, #tpu.memory_space<vmem>>, vector<16xi32>,
      %eq3A_567 = arith.constant 0 : i32
      %eq3A_568 = vector.broadcast %eq3A_567 : i32 to vector<16xi32>
      %eq3A_569 = arith.cmpi eq, %get3A_566, %eq3A_568 : vector<16xi32>
      %all_reduce_population_count3A_570 = tpu.all_reduce %eq3A_569 {dim = 0 : i64, kind = #tpu.reduction_kind<sum>} : vector<16xi1> -> vector<16xi32>
      %add3A_571 = arith.addi %add3A_564, %all_reduce_population_count3A_570 : vector<16xi32>
      %get3A_572 = arith.constant 384 : index
      %get3A_573 = tpu.vector_load %arg5[%get3A_572] {strides = array<i32>} : memref<1600xi32, #tpu.memory_space<vmem>>, vector<16xi32>,
      %iota3A_574 = tpu.iota {dimensions = array<i32: 0>} : vector<16xi32>
      %ge3A_575 = arith.constant 8 : i32
      %ge3A_576 = vector.broadcast %ge3A_575 : i32 to vector<16xi32>
      %ge3A_577 = arith.cmpi sge, %iota3A_574, %ge3A_576 : vector<16xi32>
      %eq3A_578 = arith.constant 0 : i32
      %eq3A_579 = vector.broadcast %eq3A_578 : i32 to vector<16xi32>
      %eq3A_580 = arith.cmpi eq, %get3A_573, %eq3A_579 : vector<16xi32>
      %and3A_581 = arith.andi %ge3A_577, %eq3A_580 : vector<16xi1>
      %all_reduce_population_count3A_582 = tpu.all_reduce %and3A_581 {dim = 0 : i64, kind = #tpu.reduction_kind<sum>} : vector<16xi1> -> vector<16xi32>
      %add3A_583 = arith.addi %add3A_571, %all_reduce_population_count3A_582 : vector<16xi32>
      %broadcast_in_dim3A_584 = arith.constant 0.000000e+00 : f32
      %broadcast_in_dim3A_585 = vector.broadcast %broadcast_in_dim3A_584 : f32 to vector<16xf32>
      %scan3A_586 = arith.constant 0 : i32
      %scan3A_587 = arith.constant 50 : i32
      %scan3A_588 = arith.addi %scan3A_586, %scan3A_587 : i32
      %scan3A_589 = arith.constant 1 : i32
      %scan3A_590:8 = scf.for %scan3A_2741 = %scan3A_586 to %scan3A_588 step %scan3A_589 iter_args(%scan3A_2742 = %broadcast_in_dim3A_585, %scan3A_2743 = %broadcast_in_dim3A_585, %scan3A_2744 = %broadcast_in_dim3A_585, %scan3A_2745 = %broadcast_in_dim3A_585, %scan3A_2746 = %broadcast_in_dim3A_585, %scan3A_2747 = %broadcast_in_dim3A_585, %scan3A_2748 = %broadcast_in_dim3A_585, %scan3A_2749 = %broadcast_in_dim3A_585) -> (vector<16xf32>, vector<16xf32>, vector<16xf32>, vector<16xf32>, vector<16xf32>, vector<16xf32>, vector<16xf32>, vector<16xf32>)  : i32 {
        %mul3A_2750 = arith.constant 4 : i32
        %mul3A_2751 = arith.muli %mul3A_2750, %scan3A_2741 : i32
        %add3A_2752 = arith.constant 200 : i32
        %add3A_2753 = arith.addi %add3A_2752, %mul3A_2751 : i32
        %add3A_2754 = arith.constant 0 : i32
        %add3A_2755 = arith.addi %add3A_2753, %add3A_2754 : i32
        %get3A_2756 = arith.index_cast %add3A_2755 : i32 to index
        %get3A_2757 = arith.constant 0 : index
        %get3A_2758 = tpu.vector_load %arg7[%get3A_2756, %get3A_2757] {strides = array<i32>} : memref<1600x32xf32, #tpu.memory_space<vmem>>, vector<16xf32>,
        %add3A_2759 = arith.addf %scan3A_2742, %get3A_2758 : vector<16xf32>
        %add3A_2760 = arith.constant 0 : i32
        %add3A_2761 = arith.addi %add3A_2753, %add3A_2760 : i32
        %get3A_2762 = arith.index_cast %add3A_2761 : i32 to index
        %get3A_2763 = arith.constant 16 : index
        %get3A_2764 = tpu.vector_load %arg7[%get3A_2762, %get3A_2763] {strides = array<i32>} : memref<1600x32xf32, #tpu.memory_space<vmem>>, vector<16xf32>,
        %add3A_2765 = arith.addf %scan3A_2743, %get3A_2764 : vector<16xf32>
        %add3A_2766 = arith.constant 1 : i32
        %add3A_2767 = arith.addi %add3A_2753, %add3A_2766 : i32
        %get3A_2768 = arith.index_cast %add3A_2767 : i32 to index
        %get3A_2769 = arith.constant 0 : index
        %get3A_2770 = tpu.vector_load %arg7[%get3A_2768, %get3A_2769] {strides = array<i32>} : memref<1600x32xf32, #tpu.memory_space<vmem>>, vector<16xf32>,
        %add3A_2771 = arith.addf %scan3A_2744, %get3A_2770 : vector<16xf32>
        %add3A_2772 = arith.constant 1 : i32
        %add3A_2773 = arith.addi %add3A_2753, %add3A_2772 : i32
        %get3A_2774 = arith.index_cast %add3A_2773 : i32 to index
        %get3A_2775 = arith.constant 16 : index
        %get3A_2776 = tpu.vector_load %arg7[%get3A_2774, %get3A_2775] {strides = array<i32>} : memref<1600x32xf32, #tpu.memory_space<vmem>>, vector<16xf32>,
        %add3A_2777 = arith.addf %scan3A_2745, %get3A_2776 : vector<16xf32>
        %add3A_2778 = arith.constant 2 : i32
        %add3A_2779 = arith.addi %add3A_2753, %add3A_2778 : i32
        %get3A_2780 = arith.index_cast %add3A_2779 : i32 to index
        %get3A_2781 = arith.constant 0 : index
        %get3A_2782 = tpu.vector_load %arg7[%get3A_2780, %get3A_2781] {strides = array<i32>} : memref<1600x32xf32, #tpu.memory_space<vmem>>, vector<16xf32>,
        %add3A_2783 = arith.addf %scan3A_2746, %get3A_2782 : vector<16xf32>
        %add3A_2784 = arith.constant 2 : i32
        %add3A_2785 = arith.addi %add3A_2753, %add3A_2784 : i32
        %get3A_2786 = arith.index_cast %add3A_2785 : i32 to index
        %get3A_2787 = arith.constant 16 : index
        %get3A_2788 = tpu.vector_load %arg7[%get3A_2786, %get3A_2787] {strides = array<i32>} : memref<1600x32xf32, #tpu.memory_space<vmem>>, vector<16xf32>,
        %add3A_2789 = arith.addf %scan3A_2747, %get3A_2788 : vector<16xf32>
        %add3A_2790 = arith.constant 3 : i32
        %add3A_2791 = arith.addi %add3A_2753, %add3A_2790 : i32
        %get3A_2792 = arith.index_cast %add3A_2791 : i32 to index
        %get3A_2793 = arith.constant 0 : index
        %get3A_2794 = tpu.vector_load %arg7[%get3A_2792, %get3A_2793] {strides = array<i32>} : memref<1600x32xf32, #tpu.memory_space<vmem>>, vector<16xf32>,
        %add3A_2795 = arith.addf %scan3A_2748, %get3A_2794 : vector<16xf32>
        %add3A_2796 = arith.constant 3 : i32
        %add3A_2797 = arith.addi %add3A_2753, %add3A_2796 : i32
        %get3A_2798 = arith.index_cast %add3A_2797 : i32 to index
        %get3A_2799 = arith.constant 16 : index
        %get3A_2800 = tpu.vector_load %arg7[%get3A_2798, %get3A_2799] {strides = array<i32>} : memref<1600x32xf32, #tpu.memory_space<vmem>>, vector<16xf32>,
        %add3A_2801 = arith.addf %scan3A_2749, %get3A_2800 : vector<16xf32>
        scf.yield %add3A_2759, %add3A_2765, %add3A_2771, %add3A_2777, %add3A_2783, %add3A_2789, %add3A_2795, %add3A_2801 : vector<16xf32>, vector<16xf32>, vector<16xf32>, vector<16xf32>, vector<16xf32>, vector<16xf32>, vector<16xf32>, vector<16xf32>
      }
      %scan3A_591 = arith.constant 50 : i32
      %add3A_592 = arith.addf %scan3A_590#0, %scan3A_590#2 : vector<16xf32>
      %add3A_593 = arith.addf %scan3A_590#4, %scan3A_590#6 : vector<16xf32>
      %add3A_594 = arith.addf %add3A_592, %add3A_593 : vector<16xf32>
      %add3A_595 = arith.addf %scan3A_590#1, %scan3A_590#3 : vector<16xf32>
      %add3A_596 = arith.addf %scan3A_590#5, %scan3A_590#7 : vector<16xf32>
      %add3A_597 = arith.addf %add3A_595, %add3A_596 : vector<16xf32>
      %convert_element_type3A_598 = arith.sitofp %add3A_583 : vector<16xi32> to vector<16xf32>
      %sub3A_599 = arith.constant 2.000000e+02 : f32
      %sub3A_600 = vector.broadcast %sub3A_599 : f32 to vector<16xf32>
      %sub3A_601 = arith.subf %sub3A_600, %convert_element_type3A_598 : vector<16xf32>
      %max3A_602 = arith.constant 1.000000e+00 : f32
      %max3A_603 = vector.broadcast %max3A_602 : f32 to vector<16xf32>
      %max3A_604 = arith.maximumf %sub3A_601, %max3A_603 : vector<16xf32>
      %get3A_605 = arith.constant 0 : i32
      %get3A_606 = arith.index_cast %get3A_605 : i32 to index
      %get3A_607 = arith.constant 0 : index
      %get3A_608 = tpu.vector_load %arg11[%get3A_606, %get3A_607] {strides = array<i32>} : memref<1x32xf32, #tpu.memory_space<vmem>>, vector<16xf32>,
      %get3A_609 = arith.constant 0 : i32
      %get3A_610 = arith.index_cast %get3A_609 : i32 to index
      %get3A_611 = arith.constant 16 : index
      %get3A_612 = tpu.vector_load %arg11[%get3A_610, %get3A_611] {strides = array<i32>} : memref<1x32xf32, #tpu.memory_space<vmem>>, vector<16xf32>,
      %mul3A_613 = arith.mulf %convert_element_type3A_598, %get3A_608 : vector<16xf32>
      %sub3A_614 = arith.subf %add3A_594, %mul3A_613 : vector<16xf32>
      %div3A_615 = arith.divf %sub3A_614, %max3A_604 : vector<16xf32>
      %swap3A_616 = arith.constant 1 : i32
      %swap3A_617 = arith.index_cast %swap3A_616 : i32 to index
      %swap3A_618 = arith.constant 0 : index
      %swap3A_619 = tpu.vector_load %arg9[%swap3A_617, %swap3A_618] {strides = array<i32>} : memref<8x32xf32, #tpu.memory_space<vmem>>, vector<16xf32>,
      tpu.vector_store %arg9[%swap3A_617, %swap3A_618], %div3A_615 {strides = array<i32>} : memref<8x32xf32, #tpu.memory_space<vmem>>, vector<16xf32>,
      %mul3A_620 = arith.mulf %convert_element_type3A_598, %get3A_612 : vector<16xf32>
      %sub3A_621 = arith.subf %add3A_597, %mul3A_620 : vector<16xf32>
      %div3A_622 = arith.divf %sub3A_621, %max3A_604 : vector<16xf32>
      %swap3A_623 = arith.constant 1 : i32
      %swap3A_624 = arith.index_cast %swap3A_623 : i32 to index
      %swap3A_625 = arith.constant 16 : index
      %swap3A_626 = tpu.vector_load %arg9[%swap3A_624, %swap3A_625] {strides = array<i32>} : memref<8x32xf32, #tpu.memory_space<vmem>>, vector<16xf32>,
      tpu.vector_store %arg9[%swap3A_624, %swap3A_625], %div3A_622 {strides = array<i32>} : memref<8x32xf32, #tpu.memory_space<vmem>>, vector<16xf32>,
      %broadcast_in_dim3A_627 = arith.constant 0 : i32
      %broadcast_in_dim3A_628 = vector.broadcast %broadcast_in_dim3A_627 : i32 to vector<16xi32>
      %get3A_629 = arith.constant 400 : index
      %get3A_630 = tpu.vector_load %arg5[%get3A_629] {strides = array<i32>} : memref<1600xi32, #tpu.memory_space<vmem>>, vector<16xi32>,
      %eq3A_631 = arith.constant 0 : i32
      %eq3A_632 = vector.broadcast %eq3A_631 : i32 to vector<16xi32>
      %eq3A_633 = arith.cmpi eq, %get3A_630, %eq3A_632 : vector<16xi32>
      %all_reduce_population_count3A_634 = tpu.all_reduce %eq3A_633 {dim = 0 : i64, kind = #tpu.reduction_kind<sum>} : vector<16xi1> -> vector<16xi32>
      %add3A_635 = arith.addi %broadcast_in_dim3A_628, %all_reduce_population_count3A_634 : vector<16xi32>
      %get3A_636 = arith.constant 416 : index
      %get3A_637 = tpu.vector_load %arg5[%get3A_636] {strides = array<i32>} : memref<1600xi32, #tpu.memory_space<vmem>>, vector<16xi32>,
      %eq3A_638 = arith.constant 0 : i32
      %eq3A_639 = vector.broadcast %eq3A_638 : i32 to vector<16xi32>
      %eq3A_640 = arith.cmpi eq, %get3A_637, %eq3A_639 : vector<16xi32>
      %all_reduce_population_count3A_641 = tpu.all_reduce %eq3A_640 {dim = 0 : i64, kind = #tpu.reduction_kind<sum>} : vector<16xi1> -> vector<16xi32>
      %add3A_642 = arith.addi %add3A_635, %all_reduce_population_count3A_641 : vector<16xi32>
      %get3A_643 = arith.constant 432 : index
      %get3A_644 = tpu.vector_load %arg5[%get3A_643] {strides = array<i32>} : memref<1600xi32, #tpu.memory_space<vmem>>, vector<16xi32>,
      %eq3A_645 = arith.constant 0 : i32
      %eq3A_646 = vector.broadcast %eq3A_645 : i32 to vector<16xi32>
      %eq3A_647 = arith.cmpi eq, %get3A_644, %eq3A_646 : vector<16xi32>
      %all_reduce_population_count3A_648 = tpu.all_reduce %eq3A_647 {dim = 0 : i64, kind = #tpu.reduction_kind<sum>} : vector<16xi1> -> vector<16xi32>
      %add3A_649 = arith.addi %add3A_642, %all_reduce_population_count3A_648 : vector<16xi32>
      %get3A_650 = arith.constant 448 : index
      %get3A_651 = tpu.vector_load %arg5[%get3A_650] {strides = array<i32>} : memref<1600xi32, #tpu.memory_space<vmem>>, vector<16xi32>,
      %eq3A_652 = arith.constant 0 : i32
      %eq3A_653 = vector.broadcast %eq3A_652 : i32 to vector<16xi32>
      %eq3A_654 = arith.cmpi eq, %get3A_651, %eq3A_653 : vector<16xi32>
      %all_reduce_population_count3A_655 = tpu.all_reduce %eq3A_654 {dim = 0 : i64, kind = #tpu.reduction_kind<sum>} : vector<16xi1> -> vector<16xi32>
      %add3A_656 = arith.addi %add3A_649, %all_reduce_population_count3A_655 : vector<16xi32>
      %get3A_657 = arith.constant 464 : index
      %get3A_658 = tpu.vector_load %arg5[%get3A_657] {strides = array<i32>} : memref<1600xi32, #tpu.memory_space<vmem>>, vector<16xi32>,
      %eq3A_659 = arith.constant 0 : i32
      %eq3A_660 = vector.broadcast %eq3A_659 : i32 to vector<16xi32>
      %eq3A_661 = arith.cmpi eq, %get3A_658, %eq3A_660 : vector<16xi32>
      %all_reduce_population_count3A_662 = tpu.all_reduce %eq3A_661 {dim = 0 : i64, kind = #tpu.reduction_kind<sum>} : vector<16xi1> -> vector<16xi32>
      %add3A_663 = arith.addi %add3A_656, %all_reduce_population_count3A_662 : vector<16xi32>
      %get3A_664 = arith.constant 480 : index
      %get3A_665 = tpu.vector_load %arg5[%get3A_664] {strides = array<i32>} : memref<1600xi32, #tpu.memory_space<vmem>>, vector<16xi32>,
      %eq3A_666 = arith.constant 0 : i32
      %eq3A_667 = vector.broadcast %eq3A_666 : i32 to vector<16xi32>
      %eq3A_668 = arith.cmpi eq, %get3A_665, %eq3A_667 : vector<16xi32>
      %all_reduce_population_count3A_669 = tpu.all_reduce %eq3A_668 {dim = 0 : i64, kind = #tpu.reduction_kind<sum>} : vector<16xi1> -> vector<16xi32>
      %add3A_670 = arith.addi %add3A_663, %all_reduce_population_count3A_669 : vector<16xi32>
      %get3A_671 = arith.constant 496 : index
      %get3A_672 = tpu.vector_load %arg5[%get3A_671] {strides = array<i32>} : memref<1600xi32, #tpu.memory_space<vmem>>, vector<16xi32>,
      %eq3A_673 = arith.constant 0 : i32
      %eq3A_674 = vector.broadcast %eq3A_673 : i32 to vector<16xi32>
      %eq3A_675 = arith.cmpi eq, %get3A_672, %eq3A_674 : vector<16xi32>
      %all_reduce_population_count3A_676 = tpu.all_reduce %eq3A_675 {dim = 0 : i64, kind = #tpu.reduction_kind<sum>} : vector<16xi1> -> vector<16xi32>
      %add3A_677 = arith.addi %add3A_670, %all_reduce_population_count3A_676 : vector<16xi32>
      %get3A_678 = arith.constant 512 : index
      %get3A_679 = tpu.vector_load %arg5[%get3A_678] {strides = array<i32>} : memref<1600xi32, #tpu.memory_space<vmem>>, vector<16xi32>,
      %eq3A_680 = arith.constant 0 : i32
      %eq3A_681 = vector.broadcast %eq3A_680 : i32 to vector<16xi32>
      %eq3A_682 = arith.cmpi eq, %get3A_679, %eq3A_681 : vector<16xi32>
      %all_reduce_population_count3A_683 = tpu.all_reduce %eq3A_682 {dim = 0 : i64, kind = #tpu.reduction_kind<sum>} : vector<16xi1> -> vector<16xi32>
      %add3A_684 = arith.addi %add3A_677, %all_reduce_population_count3A_683 : vector<16xi32>
      %get3A_685 = arith.constant 528 : index
      %get3A_686 = tpu.vector_load %arg5[%get3A_685] {strides = array<i32>} : memref<1600xi32, #tpu.memory_space<vmem>>, vector<16xi32>,
      %eq3A_687 = arith.constant 0 : i32
      %eq3A_688 = vector.broadcast %eq3A_687 : i32 to vector<16xi32>
      %eq3A_689 = arith.cmpi eq, %get3A_686, %eq3A_688 : vector<16xi32>
      %all_reduce_population_count3A_690 = tpu.all_reduce %eq3A_689 {dim = 0 : i64, kind = #tpu.reduction_kind<sum>} : vector<16xi1> -> vector<16xi32>
      %add3A_691 = arith.addi %add3A_684, %all_reduce_population_count3A_690 : vector<16xi32>
      %get3A_692 = arith.constant 544 : index
      %get3A_693 = tpu.vector_load %arg5[%get3A_692] {strides = array<i32>} : memref<1600xi32, #tpu.memory_space<vmem>>, vector<16xi32>,
      %eq3A_694 = arith.constant 0 : i32
      %eq3A_695 = vector.broadcast %eq3A_694 : i32 to vector<16xi32>
      %eq3A_696 = arith.cmpi eq, %get3A_693, %eq3A_695 : vector<16xi32>
      %all_reduce_population_count3A_697 = tpu.all_reduce %eq3A_696 {dim = 0 : i64, kind = #tpu.reduction_kind<sum>} : vector<16xi1> -> vector<16xi32>
      %add3A_698 = arith.addi %add3A_691, %all_reduce_population_count3A_697 : vector<16xi32>
      %get3A_699 = arith.constant 560 : index
      %get3A_700 = tpu.vector_load %arg5[%get3A_699] {strides = array<i32>} : memref<1600xi32, #tpu.memory_space<vmem>>, vector<16xi32>,
      %eq3A_701 = arith.constant 0 : i32
      %eq3A_702 = vector.broadcast %eq3A_701 : i32 to vector<16xi32>
      %eq3A_703 = arith.cmpi eq, %get3A_700, %eq3A_702 : vector<16xi32>
      %all_reduce_population_count3A_704 = tpu.all_reduce %eq3A_703 {dim = 0 : i64, kind = #tpu.reduction_kind<sum>} : vector<16xi1> -> vector<16xi32>
      %add3A_705 = arith.addi %add3A_698, %all_reduce_population_count3A_704 : vector<16xi32>
      %get3A_706 = arith.constant 576 : index
      %get3A_707 = tpu.vector_load %arg5[%get3A_706] {strides = array<i32>} : memref<1600xi32, #tpu.memory_space<vmem>>, vector<16xi32>,
      %eq3A_708 = arith.constant 0 : i32
      %eq3A_709 = vector.broadcast %eq3A_708 : i32 to vector<16xi32>
      %eq3A_710 = arith.cmpi eq, %get3A_707, %eq3A_709 : vector<16xi32>
      %all_reduce_population_count3A_711 = tpu.all_reduce %eq3A_710 {dim = 0 : i64, kind = #tpu.reduction_kind<sum>} : vector<16xi1> -> vector<16xi32>
      %add3A_712 = arith.addi %add3A_705, %all_reduce_population_count3A_711 : vector<16xi32>
      %get3A_713 = arith.constant 584 : index
      %get3A_714 = tpu.vector_load %arg5[%get3A_713] {strides = array<i32>} : memref<1600xi32, #tpu.memory_space<vmem>>, vector<16xi32>,
      %iota3A_715 = tpu.iota {dimensions = array<i32: 0>} : vector<16xi32>
      %ge3A_716 = arith.constant 8 : i32
      %ge3A_717 = vector.broadcast %ge3A_716 : i32 to vector<16xi32>
      %ge3A_718 = arith.cmpi sge, %iota3A_715, %ge3A_717 : vector<16xi32>
      %eq3A_719 = arith.constant 0 : i32
      %eq3A_720 = vector.broadcast %eq3A_719 : i32 to vector<16xi32>
      %eq3A_721 = arith.cmpi eq, %get3A_714, %eq3A_720 : vector<16xi32>
      %and3A_722 = arith.andi %ge3A_718, %eq3A_721 : vector<16xi1>
      %all_reduce_population_count3A_723 = tpu.all_reduce %and3A_722 {dim = 0 : i64, kind = #tpu.reduction_kind<sum>} : vector<16xi1> -> vector<16xi32>
      %add3A_724 = arith.addi %add3A_712, %all_reduce_population_count3A_723 : vector<16xi32>
      %broadcast_in_dim3A_725 = arith.constant 0.000000e+00 : f32
      %broadcast_in_dim3A_726 = vector.broadcast %broadcast_in_dim3A_725 : f32 to vector<16xf32>
      %scan3A_727 = arith.constant 0 : i32
      %scan3A_728 = arith.constant 50 : i32
      %scan3A_729 = arith.addi %scan3A_727, %scan3A_728 : i32
      %scan3A_730 = arith.constant 1 : i32
      %scan3A_731:8 = scf.for %scan3A_2741 = %scan3A_727 to %scan3A_729 step %scan3A_730 iter_args(%scan3A_2742 = %broadcast_in_dim3A_726, %scan3A_2743 = %broadcast_in_dim3A_726, %scan3A_2744 = %broadcast_in_dim3A_726, %scan3A_2745 = %broadcast_in_dim3A_726, %scan3A_2746 = %broadcast_in_dim3A_726, %scan3A_2747 = %broadcast_in_dim3A_726, %scan3A_2748 = %broadcast_in_dim3A_726, %scan3A_2749 = %broadcast_in_dim3A_726) -> (vector<16xf32>, vector<16xf32>, vector<16xf32>, vector<16xf32>, vector<16xf32>, vector<16xf32>, vector<16xf32>, vector<16xf32>)  : i32 {
        %mul3A_2750 = arith.constant 4 : i32
        %mul3A_2751 = arith.muli %mul3A_2750, %scan3A_2741 : i32
        %add3A_2752 = arith.constant 400 : i32
        %add3A_2753 = arith.addi %add3A_2752, %mul3A_2751 : i32
        %add3A_2754 = arith.constant 0 : i32
        %add3A_2755 = arith.addi %add3A_2753, %add3A_2754 : i32
        %get3A_2756 = arith.index_cast %add3A_2755 : i32 to index
        %get3A_2757 = arith.constant 0 : index
        %get3A_2758 = tpu.vector_load %arg7[%get3A_2756, %get3A_2757] {strides = array<i32>} : memref<1600x32xf32, #tpu.memory_space<vmem>>, vector<16xf32>,
        %add3A_2759 = arith.addf %scan3A_2742, %get3A_2758 : vector<16xf32>
        %add3A_2760 = arith.constant 0 : i32
        %add3A_2761 = arith.addi %add3A_2753, %add3A_2760 : i32
        %get3A_2762 = arith.index_cast %add3A_2761 : i32 to index
        %get3A_2763 = arith.constant 16 : index
        %get3A_2764 = tpu.vector_load %arg7[%get3A_2762, %get3A_2763] {strides = array<i32>} : memref<1600x32xf32, #tpu.memory_space<vmem>>, vector<16xf32>,
        %add3A_2765 = arith.addf %scan3A_2743, %get3A_2764 : vector<16xf32>
        %add3A_2766 = arith.constant 1 : i32
        %add3A_2767 = arith.addi %add3A_2753, %add3A_2766 : i32
        %get3A_2768 = arith.index_cast %add3A_2767 : i32 to index
        %get3A_2769 = arith.constant 0 : index
        %get3A_2770 = tpu.vector_load %arg7[%get3A_2768, %get3A_2769] {strides = array<i32>} : memref<1600x32xf32, #tpu.memory_space<vmem>>, vector<16xf32>,
        %add3A_2771 = arith.addf %scan3A_2744, %get3A_2770 : vector<16xf32>
        %add3A_2772 = arith.constant 1 : i32
        %add3A_2773 = arith.addi %add3A_2753, %add3A_2772 : i32
        %get3A_2774 = arith.index_cast %add3A_2773 : i32 to index
        %get3A_2775 = arith.constant 16 : index
        %get3A_2776 = tpu.vector_load %arg7[%get3A_2774, %get3A_2775] {strides = array<i32>} : memref<1600x32xf32, #tpu.memory_space<vmem>>, vector<16xf32>,
        %add3A_2777 = arith.addf %scan3A_2745, %get3A_2776 : vector<16xf32>
        %add3A_2778 = arith.constant 2 : i32
        %add3A_2779 = arith.addi %add3A_2753, %add3A_2778 : i32
        %get3A_2780 = arith.index_cast %add3A_2779 : i32 to index
        %get3A_2781 = arith.constant 0 : index
        %get3A_2782 = tpu.vector_load %arg7[%get3A_2780, %get3A_2781] {strides = array<i32>} : memref<1600x32xf32, #tpu.memory_space<vmem>>, vector<16xf32>,
        %add3A_2783 = arith.addf %scan3A_2746, %get3A_2782 : vector<16xf32>
        %add3A_2784 = arith.constant 2 : i32
        %add3A_2785 = arith.addi %add3A_2753, %add3A_2784 : i32
        %get3A_2786 = arith.index_cast %add3A_2785 : i32 to index
        %get3A_2787 = arith.constant 16 : index
        %get3A_2788 = tpu.vector_load %arg7[%get3A_2786, %get3A_2787] {strides = array<i32>} : memref<1600x32xf32, #tpu.memory_space<vmem>>, vector<16xf32>,
        %add3A_2789 = arith.addf %scan3A_2747, %get3A_2788 : vector<16xf32>
        %add3A_2790 = arith.constant 3 : i32
        %add3A_2791 = arith.addi %add3A_2753, %add3A_2790 : i32
        %get3A_2792 = arith.index_cast %add3A_2791 : i32 to index
        %get3A_2793 = arith.constant 0 : index
        %get3A_2794 = tpu.vector_load %arg7[%get3A_2792, %get3A_2793] {strides = array<i32>} : memref<1600x32xf32, #tpu.memory_space<vmem>>, vector<16xf32>,
        %add3A_2795 = arith.addf %scan3A_2748, %get3A_2794 : vector<16xf32>
        %add3A_2796 = arith.constant 3 : i32
        %add3A_2797 = arith.addi %add3A_2753, %add3A_2796 : i32
        %get3A_2798 = arith.index_cast %add3A_2797 : i32 to index
        %get3A_2799 = arith.constant 16 : index
        %get3A_2800 = tpu.vector_load %arg7[%get3A_2798, %get3A_2799] {strides = array<i32>} : memref<1600x32xf32, #tpu.memory_space<vmem>>, vector<16xf32>,
        %add3A_2801 = arith.addf %scan3A_2749, %get3A_2800 : vector<16xf32>
        scf.yield %add3A_2759, %add3A_2765, %add3A_2771, %add3A_2777, %add3A_2783, %add3A_2789, %add3A_2795, %add3A_2801 : vector<16xf32>, vector<16xf32>, vector<16xf32>, vector<16xf32>, vector<16xf32>, vector<16xf32>, vector<16xf32>, vector<16xf32>
      }
      %scan3A_732 = arith.constant 50 : i32
      %add3A_733 = arith.addf %scan3A_731#0, %scan3A_731#2 : vector<16xf32>
      %add3A_734 = arith.addf %scan3A_731#4, %scan3A_731#6 : vector<16xf32>
      %add3A_735 = arith.addf %add3A_733, %add3A_734 : vector<16xf32>
      %add3A_736 = arith.addf %scan3A_731#1, %scan3A_731#3 : vector<16xf32>
      %add3A_737 = arith.addf %scan3A_731#5, %scan3A_731#7 : vector<16xf32>
      %add3A_738 = arith.addf %add3A_736, %add3A_737 : vector<16xf32>
      %convert_element_type3A_739 = arith.sitofp %add3A_724 : vector<16xi32> to vector<16xf32>
      %sub3A_740 = arith.constant 2.000000e+02 : f32
      %sub3A_741 = vector.broadcast %sub3A_740 : f32 to vector<16xf32>
      %sub3A_742 = arith.subf %sub3A_741, %convert_element_type3A_739 : vector<16xf32>
      %max3A_743 = arith.constant 1.000000e+00 : f32
      %max3A_744 = vector.broadcast %max3A_743 : f32 to vector<16xf32>
      %max3A_745 = arith.maximumf %sub3A_742, %max3A_744 : vector<16xf32>
      %get3A_746 = arith.constant 0 : i32
      %get3A_747 = arith.index_cast %get3A_746 : i32 to index
      %get3A_748 = arith.constant 0 : index
      %get3A_749 = tpu.vector_load %arg11[%get3A_747, %get3A_748] {strides = array<i32>} : memref<1x32xf32, #tpu.memory_space<vmem>>, vector<16xf32>,
      %get3A_750 = arith.constant 0 : i32
      %get3A_751 = arith.index_cast %get3A_750 : i32 to index
      %get3A_752 = arith.constant 16 : index
      %get3A_753 = tpu.vector_load %arg11[%get3A_751, %get3A_752] {strides = array<i32>} : memref<1x32xf32, #tpu.memory_space<vmem>>, vector<16xf32>,
      %mul3A_754 = arith.mulf %convert_element_type3A_739, %get3A_749 : vector<16xf32>
      %sub3A_755 = arith.subf %add3A_735, %mul3A_754 : vector<16xf32>
      %div3A_756 = arith.divf %sub3A_755, %max3A_745 : vector<16xf32>
      %swap3A_757 = arith.constant 2 : i32
      %swap3A_758 = arith.index_cast %swap3A_757 : i32 to index
      %swap3A_759 = arith.constant 0 : index
      %swap3A_760 = tpu.vector_load %arg9[%swap3A_758, %swap3A_759] {strides = array<i32>} : memref<8x32xf32, #tpu.memory_space<vmem>>, vector<16xf32>,
      tpu.vector_store %arg9[%swap3A_758, %swap3A_759], %div3A_756 {strides = array<i32>} : memref<8x32xf32, #tpu.memory_space<vmem>>, vector<16xf32>,
      %mul3A_761 = arith.mulf %convert_element_type3A_739, %get3A_753 : vector<16xf32>
      %sub3A_762 = arith.subf %add3A_738, %mul3A_761 : vector<16xf32>
      %div3A_763 = arith.divf %sub3A_762, %max3A_745 : vector<16xf32>
      %swap3A_764 = arith.constant 2 : i32
      %swap3A_765 = arith.index_cast %swap3A_764 : i32 to index
      %swap3A_766 = arith.constant 16 : index
      %swap3A_767 = tpu.vector_load %arg9[%swap3A_765, %swap3A_766] {strides = array<i32>} : memref<8x32xf32, #tpu.memory_space<vmem>>, vector<16xf32>,
      tpu.vector_store %arg9[%swap3A_765, %swap3A_766], %div3A_763 {strides = array<i32>} : memref<8x32xf32, #tpu.memory_space<vmem>>, vector<16xf32>,
      %broadcast_in_dim3A_768 = arith.constant 0 : i32
      %broadcast_in_dim3A_769 = vector.broadcast %broadcast_in_dim3A_768 : i32 to vector<16xi32>
      %get3A_770 = arith.constant 600 : index
      %get3A_771 = tpu.vector_load %arg5[%get3A_770] {strides = array<i32>} : memref<1600xi32, #tpu.memory_space<vmem>>, vector<16xi32>,
      %eq3A_772 = arith.constant 0 : i32
      %eq3A_773 = vector.broadcast %eq3A_772 : i32 to vector<16xi32>
      %eq3A_774 = arith.cmpi eq, %get3A_771, %eq3A_773 : vector<16xi32>
      %all_reduce_population_count3A_775 = tpu.all_reduce %eq3A_774 {dim = 0 : i64, kind = #tpu.reduction_kind<sum>} : vector<16xi1> -> vector<16xi32>
      %add3A_776 = arith.addi %broadcast_in_dim3A_769, %all_reduce_population_count3A_775 : vector<16xi32>
      %get3A_777 = arith.constant 616 : index
      %get3A_778 = tpu.vector_load %arg5[%get3A_777] {strides = array<i32>} : memref<1600xi32, #tpu.memory_space<vmem>>, vector<16xi32>,
      %eq3A_779 = arith.constant 0 : i32
      %eq3A_780 = vector.broadcast %eq3A_779 : i32 to vector<16xi32>
      %eq3A_781 = arith.cmpi eq, %get3A_778, %eq3A_780 : vector<16xi32>
      %all_reduce_population_count3A_782 = tpu.all_reduce %eq3A_781 {dim = 0 : i64, kind = #tpu.reduction_kind<sum>} : vector<16xi1> -> vector<16xi32>
      %add3A_783 = arith.addi %add3A_776, %all_reduce_population_count3A_782 : vector<16xi32>
      %get3A_784 = arith.constant 632 : index
      %get3A_785 = tpu.vector_load %arg5[%get3A_784] {strides = array<i32>} : memref<1600xi32, #tpu.memory_space<vmem>>, vector<16xi32>,
      %eq3A_786 = arith.constant 0 : i32
      %eq3A_787 = vector.broadcast %eq3A_786 : i32 to vector<16xi32>
      %eq3A_788 = arith.cmpi eq, %get3A_785, %eq3A_787 : vector<16xi32>
      %all_reduce_population_count3A_789 = tpu.all_reduce %eq3A_788 {dim = 0 : i64, kind = #tpu.reduction_kind<sum>} : vector<16xi1> -> vector<16xi32>
      %add3A_790 = arith.addi %add3A_783, %all_reduce_population_count3A_789 : vector<16xi32>
      %get3A_791 = arith.constant 648 : index
      %get3A_792 = tpu.vector_load %arg5[%get3A_791] {strides = array<i32>} : memref<1600xi32, #tpu.memory_space<vmem>>, vector<16xi32>,
      %eq3A_793 = arith.constant 0 : i32
      %eq3A_794 = vector.broadcast %eq3A_793 : i32 to vector<16xi32>
      %eq3A_795 = arith.cmpi eq, %get3A_792, %eq3A_794 : vector<16xi32>
      %all_reduce_population_count3A_796 = tpu.all_reduce %eq3A_795 {dim = 0 : i64, kind = #tpu.reduction_kind<sum>} : vector<16xi1> -> vector<16xi32>
      %add3A_797 = arith.addi %add3A_790, %all_reduce_population_count3A_796 : vector<16xi32>
      %get3A_798 = arith.constant 664 : index
      %get3A_799 = tpu.vector_load %arg5[%get3A_798] {strides = array<i32>} : memref<1600xi32, #tpu.memory_space<vmem>>, vector<16xi32>,
      %eq3A_800 = arith.constant 0 : i32
      %eq3A_801 = vector.broadcast %eq3A_800 : i32 to vector<16xi32>
      %eq3A_802 = arith.cmpi eq, %get3A_799, %eq3A_801 : vector<16xi32>
      %all_reduce_population_count3A_803 = tpu.all_reduce %eq3A_802 {dim = 0 : i64, kind = #tpu.reduction_kind<sum>} : vector<16xi1> -> vector<16xi32>
      %add3A_804 = arith.addi %add3A_797, %all_reduce_population_count3A_803 : vector<16xi32>
      %get3A_805 = arith.constant 680 : index
      %get3A_806 = tpu.vector_load %arg5[%get3A_805] {strides = array<i32>} : memref<1600xi32, #tpu.memory_space<vmem>>, vector<16xi32>,
      %eq3A_807 = arith.constant 0 : i32
      %eq3A_808 = vector.broadcast %eq3A_807 : i32 to vector<16xi32>
      %eq3A_809 = arith.cmpi eq, %get3A_806, %eq3A_808 : vector<16xi32>
      %all_reduce_population_count3A_810 = tpu.all_reduce %eq3A_809 {dim = 0 : i64, kind = #tpu.reduction_kind<sum>} : vector<16xi1> -> vector<16xi32>
      %add3A_811 = arith.addi %add3A_804, %all_reduce_population_count3A_810 : vector<16xi32>
      %get3A_812 = arith.constant 696 : index
      %get3A_813 = tpu.vector_load %arg5[%get3A_812] {strides = array<i32>} : memref<1600xi32, #tpu.memory_space<vmem>>, vector<16xi32>,
      %eq3A_814 = arith.constant 0 : i32
      %eq3A_815 = vector.broadcast %eq3A_814 : i32 to vector<16xi32>
      %eq3A_816 = arith.cmpi eq, %get3A_813, %eq3A_815 : vector<16xi32>
      %all_reduce_population_count3A_817 = tpu.all_reduce %eq3A_816 {dim = 0 : i64, kind = #tpu.reduction_kind<sum>} : vector<16xi1> -> vector<16xi32>
      %add3A_818 = arith.addi %add3A_811, %all_reduce_population_count3A_817 : vector<16xi32>
      %get3A_819 = arith.constant 712 : index
      %get3A_820 = tpu.vector_load %arg5[%get3A_819] {strides = array<i32>} : memref<1600xi32, #tpu.memory_space<vmem>>, vector<16xi32>,
      %eq3A_821 = arith.constant 0 : i32
      %eq3A_822 = vector.broadcast %eq3A_821 : i32 to vector<16xi32>
      %eq3A_823 = arith.cmpi eq, %get3A_820, %eq3A_822 : vector<16xi32>
      %all_reduce_population_count3A_824 = tpu.all_reduce %eq3A_823 {dim = 0 : i64, kind = #tpu.reduction_kind<sum>} : vector<16xi1> -> vector<16xi32>
      %add3A_825 = arith.addi %add3A_818, %all_reduce_population_count3A_824 : vector<16xi32>
      %get3A_826 = arith.constant 728 : index
      %get3A_827 = tpu.vector_load %arg5[%get3A_826] {strides = array<i32>} : memref<1600xi32, #tpu.memory_space<vmem>>, vector<16xi32>,
      %eq3A_828 = arith.constant 0 : i32
      %eq3A_829 = vector.broadcast %eq3A_828 : i32 to vector<16xi32>
      %eq3A_830 = arith.cmpi eq, %get3A_827, %eq3A_829 : vector<16xi32>
      %all_reduce_population_count3A_831 = tpu.all_reduce %eq3A_830 {dim = 0 : i64, kind = #tpu.reduction_kind<sum>} : vector<16xi1> -> vector<16xi32>
      %add3A_832 = arith.addi %add3A_825, %all_reduce_population_count3A_831 : vector<16xi32>
      %get3A_833 = arith.constant 744 : index
      %get3A_834 = tpu.vector_load %arg5[%get3A_833] {strides = array<i32>} : memref<1600xi32, #tpu.memory_space<vmem>>, vector<16xi32>,
      %eq3A_835 = arith.constant 0 : i32
      %eq3A_836 = vector.broadcast %eq3A_835 : i32 to vector<16xi32>
      %eq3A_837 = arith.cmpi eq, %get3A_834, %eq3A_836 : vector<16xi32>
      %all_reduce_population_count3A_838 = tpu.all_reduce %eq3A_837 {dim = 0 : i64, kind = #tpu.reduction_kind<sum>} : vector<16xi1> -> vector<16xi32>
      %add3A_839 = arith.addi %add3A_832, %all_reduce_population_count3A_838 : vector<16xi32>
      %get3A_840 = arith.constant 760 : index
      %get3A_841 = tpu.vector_load %arg5[%get3A_840] {strides = array<i32>} : memref<1600xi32, #tpu.memory_space<vmem>>, vector<16xi32>,
      %eq3A_842 = arith.constant 0 : i32
      %eq3A_843 = vector.broadcast %eq3A_842 : i32 to vector<16xi32>
      %eq3A_844 = arith.cmpi eq, %get3A_841, %eq3A_843 : vector<16xi32>
      %all_reduce_population_count3A_845 = tpu.all_reduce %eq3A_844 {dim = 0 : i64, kind = #tpu.reduction_kind<sum>} : vector<16xi1> -> vector<16xi32>
      %add3A_846 = arith.addi %add3A_839, %all_reduce_population_count3A_845 : vector<16xi32>
      %get3A_847 = arith.constant 776 : index
      %get3A_848 = tpu.vector_load %arg5[%get3A_847] {strides = array<i32>} : memref<1600xi32, #tpu.memory_space<vmem>>, vector<16xi32>,
      %eq3A_849 = arith.constant 0 : i32
      %eq3A_850 = vector.broadcast %eq3A_849 : i32 to vector<16xi32>
      %eq3A_851 = arith.cmpi eq, %get3A_848, %eq3A_850 : vector<16xi32>
      %all_reduce_population_count3A_852 = tpu.all_reduce %eq3A_851 {dim = 0 : i64, kind = #tpu.reduction_kind<sum>} : vector<16xi1> -> vector<16xi32>
      %add3A_853 = arith.addi %add3A_846, %all_reduce_population_count3A_852 : vector<16xi32>
      %get3A_854 = arith.constant 784 : index
      %get3A_855 = tpu.vector_load %arg5[%get3A_854] {strides = array<i32>} : memref<1600xi32, #tpu.memory_space<vmem>>, vector<16xi32>,
      %iota3A_856 = tpu.iota {dimensions = array<i32: 0>} : vector<16xi32>
      %ge3A_857 = arith.constant 8 : i32
      %ge3A_858 = vector.broadcast %ge3A_857 : i32 to vector<16xi32>
      %ge3A_859 = arith.cmpi sge, %iota3A_856, %ge3A_858 : vector<16xi32>
      %eq3A_860 = arith.constant 0 : i32
      %eq3A_861 = vector.broadcast %eq3A_860 : i32 to vector<16xi32>
      %eq3A_862 = arith.cmpi eq, %get3A_855, %eq3A_861 : vector<16xi32>
      %and3A_863 = arith.andi %ge3A_859, %eq3A_862 : vector<16xi1>
      %all_reduce_population_count3A_864 = tpu.all_reduce %and3A_863 {dim = 0 : i64, kind = #tpu.reduction_kind<sum>} : vector<16xi1> -> vector<16xi32>
      %add3A_865 = arith.addi %add3A_853, %all_reduce_population_count3A_864 : vector<16xi32>
      %broadcast_in_dim3A_866 = arith.constant 0.000000e+00 : f32
      %broadcast_in_dim3A_867 = vector.broadcast %broadcast_in_dim3A_866 : f32 to vector<16xf32>
      %scan3A_868 = arith.constant 0 : i32
      %scan3A_869 = arith.constant 50 : i32
      %scan3A_870 = arith.addi %scan3A_868, %scan3A_869 : i32
      %scan3A_871 = arith.constant 1 : i32
      %scan3A_872:8 = scf.for %scan3A_2741 = %scan3A_868 to %scan3A_870 step %scan3A_871 iter_args(%scan3A_2742 = %broadcast_in_dim3A_867, %scan3A_2743 = %broadcast_in_dim3A_867, %scan3A_2744 = %broadcast_in_dim3A_867, %scan3A_2745 = %broadcast_in_dim3A_867, %scan3A_2746 = %broadcast_in_dim3A_867, %scan3A_2747 = %broadcast_in_dim3A_867, %scan3A_2748 = %broadcast_in_dim3A_867, %scan3A_2749 = %broadcast_in_dim3A_867) -> (vector<16xf32>, vector<16xf32>, vector<16xf32>, vector<16xf32>, vector<16xf32>, vector<16xf32>, vector<16xf32>, vector<16xf32>)  : i32 {
        %mul3A_2750 = arith.constant 4 : i32
        %mul3A_2751 = arith.muli %mul3A_2750, %scan3A_2741 : i32
        %add3A_2752 = arith.constant 600 : i32
        %add3A_2753 = arith.addi %add3A_2752, %mul3A_2751 : i32
        %add3A_2754 = arith.constant 0 : i32
        %add3A_2755 = arith.addi %add3A_2753, %add3A_2754 : i32
        %get3A_2756 = arith.index_cast %add3A_2755 : i32 to index
        %get3A_2757 = arith.constant 0 : index
        %get3A_2758 = tpu.vector_load %arg7[%get3A_2756, %get3A_2757] {strides = array<i32>} : memref<1600x32xf32, #tpu.memory_space<vmem>>, vector<16xf32>,
        %add3A_2759 = arith.addf %scan3A_2742, %get3A_2758 : vector<16xf32>
        %add3A_2760 = arith.constant 0 : i32
        %add3A_2761 = arith.addi %add3A_2753, %add3A_2760 : i32
        %get3A_2762 = arith.index_cast %add3A_2761 : i32 to index
        %get3A_2763 = arith.constant 16 : index
        %get3A_2764 = tpu.vector_load %arg7[%get3A_2762, %get3A_2763] {strides = array<i32>} : memref<1600x32xf32, #tpu.memory_space<vmem>>, vector<16xf32>,
        %add3A_2765 = arith.addf %scan3A_2743, %get3A_2764 : vector<16xf32>
        %add3A_2766 = arith.constant 1 : i32
        %add3A_2767 = arith.addi %add3A_2753, %add3A_2766 : i32
        %get3A_2768 = arith.index_cast %add3A_2767 : i32 to index
        %get3A_2769 = arith.constant 0 : index
        %get3A_2770 = tpu.vector_load %arg7[%get3A_2768, %get3A_2769] {strides = array<i32>} : memref<1600x32xf32, #tpu.memory_space<vmem>>, vector<16xf32>,
        %add3A_2771 = arith.addf %scan3A_2744, %get3A_2770 : vector<16xf32>
        %add3A_2772 = arith.constant 1 : i32
        %add3A_2773 = arith.addi %add3A_2753, %add3A_2772 : i32
        %get3A_2774 = arith.index_cast %add3A_2773 : i32 to index
        %get3A_2775 = arith.constant 16 : index
        %get3A_2776 = tpu.vector_load %arg7[%get3A_2774, %get3A_2775] {strides = array<i32>} : memref<1600x32xf32, #tpu.memory_space<vmem>>, vector<16xf32>,
        %add3A_2777 = arith.addf %scan3A_2745, %get3A_2776 : vector<16xf32>
        %add3A_2778 = arith.constant 2 : i32
        %add3A_2779 = arith.addi %add3A_2753, %add3A_2778 : i32
        %get3A_2780 = arith.index_cast %add3A_2779 : i32 to index
        %get3A_2781 = arith.constant 0 : index
        %get3A_2782 = tpu.vector_load %arg7[%get3A_2780, %get3A_2781] {strides = array<i32>} : memref<1600x32xf32, #tpu.memory_space<vmem>>, vector<16xf32>,
        %add3A_2783 = arith.addf %scan3A_2746, %get3A_2782 : vector<16xf32>
        %add3A_2784 = arith.constant 2 : i32
        %add3A_2785 = arith.addi %add3A_2753, %add3A_2784 : i32
        %get3A_2786 = arith.index_cast %add3A_2785 : i32 to index
        %get3A_2787 = arith.constant 16 : index
        %get3A_2788 = tpu.vector_load %arg7[%get3A_2786, %get3A_2787] {strides = array<i32>} : memref<1600x32xf32, #tpu.memory_space<vmem>>, vector<16xf32>,
        %add3A_2789 = arith.addf %scan3A_2747, %get3A_2788 : vector<16xf32>
        %add3A_2790 = arith.constant 3 : i32
        %add3A_2791 = arith.addi %add3A_2753, %add3A_2790 : i32
        %get3A_2792 = arith.index_cast %add3A_2791 : i32 to index
        %get3A_2793 = arith.constant 0 : index
        %get3A_2794 = tpu.vector_load %arg7[%get3A_2792, %get3A_2793] {strides = array<i32>} : memref<1600x32xf32, #tpu.memory_space<vmem>>, vector<16xf32>,
        %add3A_2795 = arith.addf %scan3A_2748, %get3A_2794 : vector<16xf32>
        %add3A_2796 = arith.constant 3 : i32
        %add3A_2797 = arith.addi %add3A_2753, %add3A_2796 : i32
        %get3A_2798 = arith.index_cast %add3A_2797 : i32 to index
        %get3A_2799 = arith.constant 16 : index
        %get3A_2800 = tpu.vector_load %arg7[%get3A_2798, %get3A_2799] {strides = array<i32>} : memref<1600x32xf32, #tpu.memory_space<vmem>>, vector<16xf32>,
        %add3A_2801 = arith.addf %scan3A_2749, %get3A_2800 : vector<16xf32>
        scf.yield %add3A_2759, %add3A_2765, %add3A_2771, %add3A_2777, %add3A_2783, %add3A_2789, %add3A_2795, %add3A_2801 : vector<16xf32>, vector<16xf32>, vector<16xf32>, vector<16xf32>, vector<16xf32>, vector<16xf32>, vector<16xf32>, vector<16xf32>
      }
      %scan3A_873 = arith.constant 50 : i32
      %add3A_874 = arith.addf %scan3A_872#0, %scan3A_872#2 : vector<16xf32>
      %add3A_875 = arith.addf %scan3A_872#4, %scan3A_872#6 : vector<16xf32>
      %add3A_876 = arith.addf %add3A_874, %add3A_875 : vector<16xf32>
      %add3A_877 = arith.addf %scan3A_872#1, %scan3A_872#3 : vector<16xf32>
      %add3A_878 = arith.addf %scan3A_872#5, %scan3A_872#7 : vector<16xf32>
      %add3A_879 = arith.addf %add3A_877, %add3A_878 : vector<16xf32>
      %convert_element_type3A_880 = arith.sitofp %add3A_865 : vector<16xi32> to vector<16xf32>
      %sub3A_881 = arith.constant 2.000000e+02 : f32
      %sub3A_882 = vector.broadcast %sub3A_881 : f32 to vector<16xf32>
      %sub3A_883 = arith.subf %sub3A_882, %convert_element_type3A_880 : vector<16xf32>
      %max3A_884 = arith.constant 1.000000e+00 : f32
      %max3A_885 = vector.broadcast %max3A_884 : f32 to vector<16xf32>
      %max3A_886 = arith.maximumf %sub3A_883, %max3A_885 : vector<16xf32>
      %get3A_887 = arith.constant 0 : i32
      %get3A_888 = arith.index_cast %get3A_887 : i32 to index
      %get3A_889 = arith.constant 0 : index
      %get3A_890 = tpu.vector_load %arg11[%get3A_888, %get3A_889] {strides = array<i32>} : memref<1x32xf32, #tpu.memory_space<vmem>>, vector<16xf32>,
      %get3A_891 = arith.constant 0 : i32
      %get3A_892 = arith.index_cast %get3A_891 : i32 to index
      %get3A_893 = arith.constant 16 : index
      %get3A_894 = tpu.vector_load %arg11[%get3A_892, %get3A_893] {strides = array<i32>} : memref<1x32xf32, #tpu.memory_space<vmem>>, vector<16xf32>,
      %mul3A_895 = arith.mulf %convert_element_type3A_880, %get3A_890 : vector<16xf32>
      %sub3A_896 = arith.subf %add3A_876, %mul3A_895 : vector<16xf32>
      %div3A_897 = arith.divf %sub3A_896, %max3A_886 : vector<16xf32>
      %swap3A_898 = arith.constant 3 : i32
      %swap3A_899 = arith.index_cast %swap3A_898 : i32 to index
      %swap3A_900 = arith.constant 0 : index
      %swap3A_901 = tpu.vector_load %arg9[%swap3A_899, %swap3A_900] {strides = array<i32>} : memref<8x32xf32, #tpu.memory_space<vmem>>, vector<16xf32>,
      tpu.vector_store %arg9[%swap3A_899, %swap3A_900], %div3A_897 {strides = array<i32>} : memref<8x32xf32, #tpu.memory_space<vmem>>, vector<16xf32>,
      %mul3A_902 = arith.mulf %convert_element_type3A_880, %get3A_894 : vector<16xf32>
      %sub3A_903 = arith.subf %add3A_879, %mul3A_902 : vector<16xf32>
      %div3A_904 = arith.divf %sub3A_903, %max3A_886 : vector<16xf32>
      %swap3A_905 = arith.constant 3 : i32
      %swap3A_906 = arith.index_cast %swap3A_905 : i32 to index
      %swap3A_907 = arith.constant 16 : index
      %swap3A_908 = tpu.vector_load %arg9[%swap3A_906, %swap3A_907] {strides = array<i32>} : memref<8x32xf32, #tpu.memory_space<vmem>>, vector<16xf32>,
      tpu.vector_store %arg9[%swap3A_906, %swap3A_907], %div3A_904 {strides = array<i32>} : memref<8x32xf32, #tpu.memory_space<vmem>>, vector<16xf32>,
      %broadcast_in_dim3A_909 = arith.constant 0 : i32
      %broadcast_in_dim3A_910 = vector.broadcast %broadcast_in_dim3A_909 : i32 to vector<16xi32>
      %get3A_911 = arith.constant 800 : index
      %get3A_912 = tpu.vector_load %arg5[%get3A_911] {strides = array<i32>} : memref<1600xi32, #tpu.memory_space<vmem>>, vector<16xi32>,
      %eq3A_913 = arith.constant 0 : i32
      %eq3A_914 = vector.broadcast %eq3A_913 : i32 to vector<16xi32>
      %eq3A_915 = arith.cmpi eq, %get3A_912, %eq3A_914 : vector<16xi32>
      %all_reduce_population_count3A_916 = tpu.all_reduce %eq3A_915 {dim = 0 : i64, kind = #tpu.reduction_kind<sum>} : vector<16xi1> -> vector<16xi32>
      %add3A_917 = arith.addi %broadcast_in_dim3A_910, %all_reduce_population_count3A_916 : vector<16xi32>
      %get3A_918 = arith.constant 816 : index
      %get3A_919 = tpu.vector_load %arg5[%get3A_918] {strides = array<i32>} : memref<1600xi32, #tpu.memory_space<vmem>>, vector<16xi32>,
      %eq3A_920 = arith.constant 0 : i32
      %eq3A_921 = vector.broadcast %eq3A_920 : i32 to vector<16xi32>
      %eq3A_922 = arith.cmpi eq, %get3A_919, %eq3A_921 : vector<16xi32>
      %all_reduce_population_count3A_923 = tpu.all_reduce %eq3A_922 {dim = 0 : i64, kind = #tpu.reduction_kind<sum>} : vector<16xi1> -> vector<16xi32>
      %add3A_924 = arith.addi %add3A_917, %all_reduce_population_count3A_923 : vector<16xi32>
      %get3A_925 = arith.constant 832 : index
      %get3A_926 = tpu.vector_load %arg5[%get3A_925] {strides = array<i32>} : memref<1600xi32, #tpu.memory_space<vmem>>, vector<16xi32>,
      %eq3A_927 = arith.constant 0 : i32
      %eq3A_928 = vector.broadcast %eq3A_927 : i32 to vector<16xi32>
      %eq3A_929 = arith.cmpi eq, %get3A_926, %eq3A_928 : vector<16xi32>
      %all_reduce_population_count3A_930 = tpu.all_reduce %eq3A_929 {dim = 0 : i64, kind = #tpu.reduction_kind<sum>} : vector<16xi1> -> vector<16xi32>
      %add3A_931 = arith.addi %add3A_924, %all_reduce_population_count3A_930 : vector<16xi32>
      %get3A_932 = arith.constant 848 : index
      %get3A_933 = tpu.vector_load %arg5[%get3A_932] {strides = array<i32>} : memref<1600xi32, #tpu.memory_space<vmem>>, vector<16xi32>,
      %eq3A_934 = arith.constant 0 : i32
      %eq3A_935 = vector.broadcast %eq3A_934 : i32 to vector<16xi32>
      %eq3A_936 = arith.cmpi eq, %get3A_933, %eq3A_935 : vector<16xi32>
      %all_reduce_population_count3A_937 = tpu.all_reduce %eq3A_936 {dim = 0 : i64, kind = #tpu.reduction_kind<sum>} : vector<16xi1> -> vector<16xi32>
      %add3A_938 = arith.addi %add3A_931, %all_reduce_population_count3A_937 : vector<16xi32>
      %get3A_939 = arith.constant 864 : index
      %get3A_940 = tpu.vector_load %arg5[%get3A_939] {strides = array<i32>} : memref<1600xi32, #tpu.memory_space<vmem>>, vector<16xi32>,
      %eq3A_941 = arith.constant 0 : i32
      %eq3A_942 = vector.broadcast %eq3A_941 : i32 to vector<16xi32>
      %eq3A_943 = arith.cmpi eq, %get3A_940, %eq3A_942 : vector<16xi32>
      %all_reduce_population_count3A_944 = tpu.all_reduce %eq3A_943 {dim = 0 : i64, kind = #tpu.reduction_kind<sum>} : vector<16xi1> -> vector<16xi32>
      %add3A_945 = arith.addi %add3A_938, %all_reduce_population_count3A_944 : vector<16xi32>
      %get3A_946 = arith.constant 880 : index
      %get3A_947 = tpu.vector_load %arg5[%get3A_946] {strides = array<i32>} : memref<1600xi32, #tpu.memory_space<vmem>>, vector<16xi32>,
      %eq3A_948 = arith.constant 0 : i32
      %eq3A_949 = vector.broadcast %eq3A_948 : i32 to vector<16xi32>
      %eq3A_950 = arith.cmpi eq, %get3A_947, %eq3A_949 : vector<16xi32>
      %all_reduce_population_count3A_951 = tpu.all_reduce %eq3A_950 {dim = 0 : i64, kind = #tpu.reduction_kind<sum>} : vector<16xi1> -> vector<16xi32>
      %add3A_952 = arith.addi %add3A_945, %all_reduce_population_count3A_951 : vector<16xi32>
      %get3A_953 = arith.constant 896 : index
      %get3A_954 = tpu.vector_load %arg5[%get3A_953] {strides = array<i32>} : memref<1600xi32, #tpu.memory_space<vmem>>, vector<16xi32>,
      %eq3A_955 = arith.constant 0 : i32
      %eq3A_956 = vector.broadcast %eq3A_955 : i32 to vector<16xi32>
      %eq3A_957 = arith.cmpi eq, %get3A_954, %eq3A_956 : vector<16xi32>
      %all_reduce_population_count3A_958 = tpu.all_reduce %eq3A_957 {dim = 0 : i64, kind = #tpu.reduction_kind<sum>} : vector<16xi1> -> vector<16xi32>
      %add3A_959 = arith.addi %add3A_952, %all_reduce_population_count3A_958 : vector<16xi32>
      %get3A_960 = arith.constant 912 : index
      %get3A_961 = tpu.vector_load %arg5[%get3A_960] {strides = array<i32>} : memref<1600xi32, #tpu.memory_space<vmem>>, vector<16xi32>,
      %eq3A_962 = arith.constant 0 : i32
      %eq3A_963 = vector.broadcast %eq3A_962 : i32 to vector<16xi32>
      %eq3A_964 = arith.cmpi eq, %get3A_961, %eq3A_963 : vector<16xi32>
      %all_reduce_population_count3A_965 = tpu.all_reduce %eq3A_964 {dim = 0 : i64, kind = #tpu.reduction_kind<sum>} : vector<16xi1> -> vector<16xi32>
      %add3A_966 = arith.addi %add3A_959, %all_reduce_population_count3A_965 : vector<16xi32>
      %get3A_967 = arith.constant 928 : index
      %get3A_968 = tpu.vector_load %arg5[%get3A_967] {strides = array<i32>} : memref<1600xi32, #tpu.memory_space<vmem>>, vector<16xi32>,
      %eq3A_969 = arith.constant 0 : i32
      %eq3A_970 = vector.broadcast %eq3A_969 : i32 to vector<16xi32>
      %eq3A_971 = arith.cmpi eq, %get3A_968, %eq3A_970 : vector<16xi32>
      %all_reduce_population_count3A_972 = tpu.all_reduce %eq3A_971 {dim = 0 : i64, kind = #tpu.reduction_kind<sum>} : vector<16xi1> -> vector<16xi32>
      %add3A_973 = arith.addi %add3A_966, %all_reduce_population_count3A_972 : vector<16xi32>
      %get3A_974 = arith.constant 944 : index
      %get3A_975 = tpu.vector_load %arg5[%get3A_974] {strides = array<i32>} : memref<1600xi32, #tpu.memory_space<vmem>>, vector<16xi32>,
      %eq3A_976 = arith.constant 0 : i32
      %eq3A_977 = vector.broadcast %eq3A_976 : i32 to vector<16xi32>
      %eq3A_978 = arith.cmpi eq, %get3A_975, %eq3A_977 : vector<16xi32>
      %all_reduce_population_count3A_979 = tpu.all_reduce %eq3A_978 {dim = 0 : i64, kind = #tpu.reduction_kind<sum>} : vector<16xi1> -> vector<16xi32>
      %add3A_980 = arith.addi %add3A_973, %all_reduce_population_count3A_979 : vector<16xi32>
      %get3A_981 = arith.constant 960 : index
      %get3A_982 = tpu.vector_load %arg5[%get3A_981] {strides = array<i32>} : memref<1600xi32, #tpu.memory_space<vmem>>, vector<16xi32>,
      %eq3A_983 = arith.constant 0 : i32
      %eq3A_984 = vector.broadcast %eq3A_983 : i32 to vector<16xi32>
      %eq3A_985 = arith.cmpi eq, %get3A_982, %eq3A_984 : vector<16xi32>
      %all_reduce_population_count3A_986 = tpu.all_reduce %eq3A_985 {dim = 0 : i64, kind = #tpu.reduction_kind<sum>} : vector<16xi1> -> vector<16xi32>
      %add3A_987 = arith.addi %add3A_980, %all_reduce_population_count3A_986 : vector<16xi32>
      %get3A_988 = arith.constant 976 : index
      %get3A_989 = tpu.vector_load %arg5[%get3A_988] {strides = array<i32>} : memref<1600xi32, #tpu.memory_space<vmem>>, vector<16xi32>,
      %eq3A_990 = arith.constant 0 : i32
      %eq3A_991 = vector.broadcast %eq3A_990 : i32 to vector<16xi32>
      %eq3A_992 = arith.cmpi eq, %get3A_989, %eq3A_991 : vector<16xi32>
      %all_reduce_population_count3A_993 = tpu.all_reduce %eq3A_992 {dim = 0 : i64, kind = #tpu.reduction_kind<sum>} : vector<16xi1> -> vector<16xi32>
      %add3A_994 = arith.addi %add3A_987, %all_reduce_population_count3A_993 : vector<16xi32>
      %get3A_995 = arith.constant 984 : index
      %get3A_996 = tpu.vector_load %arg5[%get3A_995] {strides = array<i32>} : memref<1600xi32, #tpu.memory_space<vmem>>, vector<16xi32>,
      %iota3A_997 = tpu.iota {dimensions = array<i32: 0>} : vector<16xi32>
      %ge3A_998 = arith.constant 8 : i32
      %ge3A_999 = vector.broadcast %ge3A_998 : i32 to vector<16xi32>
      %ge3A_1000 = arith.cmpi sge, %iota3A_997, %ge3A_999 : vector<16xi32>
      %eq3A_1001 = arith.constant 0 : i32
      %eq3A_1002 = vector.broadcast %eq3A_1001 : i32 to vector<16xi32>
      %eq3A_1003 = arith.cmpi eq, %get3A_996, %eq3A_1002 : vector<16xi32>
      %and3A_1004 = arith.andi %ge3A_1000, %eq3A_1003 : vector<16xi1>
      %all_reduce_population_count3A_1005 = tpu.all_reduce %and3A_1004 {dim = 0 : i64, kind = #tpu.reduction_kind<sum>} : vector<16xi1> -> vector<16xi32>
      %add3A_1006 = arith.addi %add3A_994, %all_reduce_population_count3A_1005 : vector<16xi32>
      %broadcast_in_dim3A_1007 = arith.constant 0.000000e+00 : f32
      %broadcast_in_dim3A_1008 = vector.broadcast %broadcast_in_dim3A_1007 : f32 to vector<16xf32>
      %scan3A_1009 = arith.constant 0 : i32
      %scan3A_1010 = arith.constant 50 : i32
      %scan3A_1011 = arith.addi %scan3A_1009, %scan3A_1010 : i32
      %scan3A_1012 = arith.constant 1 : i32
      %scan3A_1013:8 = scf.for %scan3A_2741 = %scan3A_1009 to %scan3A_1011 step %scan3A_1012 iter_args(%scan3A_2742 = %broadcast_in_dim3A_1008, %scan3A_2743 = %broadcast_in_dim3A_1008, %scan3A_2744 = %broadcast_in_dim3A_1008, %scan3A_2745 = %broadcast_in_dim3A_1008, %scan3A_2746 = %broadcast_in_dim3A_1008, %scan3A_2747 = %broadcast_in_dim3A_1008, %scan3A_2748 = %broadcast_in_dim3A_1008, %scan3A_2749 = %broadcast_in_dim3A_1008) -> (vector<16xf32>, vector<16xf32>, vector<16xf32>, vector<16xf32>, vector<16xf32>, vector<16xf32>, vector<16xf32>, vector<16xf32>)  : i32 {
        %mul3A_2750 = arith.constant 4 : i32
        %mul3A_2751 = arith.muli %mul3A_2750, %scan3A_2741 : i32
        %add3A_2752 = arith.constant 800 : i32
        %add3A_2753 = arith.addi %add3A_2752, %mul3A_2751 : i32
        %add3A_2754 = arith.constant 0 : i32
        %add3A_2755 = arith.addi %add3A_2753, %add3A_2754 : i32
        %get3A_2756 = arith.index_cast %add3A_2755 : i32 to index
        %get3A_2757 = arith.constant 0 : index
        %get3A_2758 = tpu.vector_load %arg7[%get3A_2756, %get3A_2757] {strides = array<i32>} : memref<1600x32xf32, #tpu.memory_space<vmem>>, vector<16xf32>,
        %add3A_2759 = arith.addf %scan3A_2742, %get3A_2758 : vector<16xf32>
        %add3A_2760 = arith.constant 0 : i32
        %add3A_2761 = arith.addi %add3A_2753, %add3A_2760 : i32
        %get3A_2762 = arith.index_cast %add3A_2761 : i32 to index
        %get3A_2763 = arith.constant 16 : index
        %get3A_2764 = tpu.vector_load %arg7[%get3A_2762, %get3A_2763] {strides = array<i32>} : memref<1600x32xf32, #tpu.memory_space<vmem>>, vector<16xf32>,
        %add3A_2765 = arith.addf %scan3A_2743, %get3A_2764 : vector<16xf32>
        %add3A_2766 = arith.constant 1 : i32
        %add3A_2767 = arith.addi %add3A_2753, %add3A_2766 : i32
        %get3A_2768 = arith.index_cast %add3A_2767 : i32 to index
        %get3A_2769 = arith.constant 0 : index
        %get3A_2770 = tpu.vector_load %arg7[%get3A_2768, %get3A_2769] {strides = array<i32>} : memref<1600x32xf32, #tpu.memory_space<vmem>>, vector<16xf32>,
        %add3A_2771 = arith.addf %scan3A_2744, %get3A_2770 : vector<16xf32>
        %add3A_2772 = arith.constant 1 : i32
        %add3A_2773 = arith.addi %add3A_2753, %add3A_2772 : i32
        %get3A_2774 = arith.index_cast %add3A_2773 : i32 to index
        %get3A_2775 = arith.constant 16 : index
        %get3A_2776 = tpu.vector_load %arg7[%get3A_2774, %get3A_2775] {strides = array<i32>} : memref<1600x32xf32, #tpu.memory_space<vmem>>, vector<16xf32>,
        %add3A_2777 = arith.addf %scan3A_2745, %get3A_2776 : vector<16xf32>
        %add3A_2778 = arith.constant 2 : i32
        %add3A_2779 = arith.addi %add3A_2753, %add3A_2778 : i32
        %get3A_2780 = arith.index_cast %add3A_2779 : i32 to index
        %get3A_2781 = arith.constant 0 : index
        %get3A_2782 = tpu.vector_load %arg7[%get3A_2780, %get3A_2781] {strides = array<i32>} : memref<1600x32xf32, #tpu.memory_space<vmem>>, vector<16xf32>,
        %add3A_2783 = arith.addf %scan3A_2746, %get3A_2782 : vector<16xf32>
        %add3A_2784 = arith.constant 2 : i32
        %add3A_2785 = arith.addi %add3A_2753, %add3A_2784 : i32
        %get3A_2786 = arith.index_cast %add3A_2785 : i32 to index
        %get3A_2787 = arith.constant 16 : index
        %get3A_2788 = tpu.vector_load %arg7[%get3A_2786, %get3A_2787] {strides = array<i32>} : memref<1600x32xf32, #tpu.memory_space<vmem>>, vector<16xf32>,
        %add3A_2789 = arith.addf %scan3A_2747, %get3A_2788 : vector<16xf32>
        %add3A_2790 = arith.constant 3 : i32
        %add3A_2791 = arith.addi %add3A_2753, %add3A_2790 : i32
        %get3A_2792 = arith.index_cast %add3A_2791 : i32 to index
        %get3A_2793 = arith.constant 0 : index
        %get3A_2794 = tpu.vector_load %arg7[%get3A_2792, %get3A_2793] {strides = array<i32>} : memref<1600x32xf32, #tpu.memory_space<vmem>>, vector<16xf32>,
        %add3A_2795 = arith.addf %scan3A_2748, %get3A_2794 : vector<16xf32>
        %add3A_2796 = arith.constant 3 : i32
        %add3A_2797 = arith.addi %add3A_2753, %add3A_2796 : i32
        %get3A_2798 = arith.index_cast %add3A_2797 : i32 to index
        %get3A_2799 = arith.constant 16 : index
        %get3A_2800 = tpu.vector_load %arg7[%get3A_2798, %get3A_2799] {strides = array<i32>} : memref<1600x32xf32, #tpu.memory_space<vmem>>, vector<16xf32>,
        %add3A_2801 = arith.addf %scan3A_2749, %get3A_2800 : vector<16xf32>
        scf.yield %add3A_2759, %add3A_2765, %add3A_2771, %add3A_2777, %add3A_2783, %add3A_2789, %add3A_2795, %add3A_2801 : vector<16xf32>, vector<16xf32>, vector<16xf32>, vector<16xf32>, vector<16xf32>, vector<16xf32>, vector<16xf32>, vector<16xf32>
      }
      %scan3A_1014 = arith.constant 50 : i32
      %add3A_1015 = arith.addf %scan3A_1013#0, %scan3A_1013#2 : vector<16xf32>
      %add3A_1016 = arith.addf %scan3A_1013#4, %scan3A_1013#6 : vector<16xf32>
      %add3A_1017 = arith.addf %add3A_1015, %add3A_1016 : vector<16xf32>
      %add3A_1018 = arith.addf %scan3A_1013#1, %scan3A_1013#3 : vector<16xf32>
      %add3A_1019 = arith.addf %scan3A_1013#5, %scan3A_1013#7 : vector<16xf32>
      %add3A_1020 = arith.addf %add3A_1018, %add3A_1019 : vector<16xf32>
      %convert_element_type3A_1021 = arith.sitofp %add3A_1006 : vector<16xi32> to vector<16xf32>
      %sub3A_1022 = arith.constant 2.000000e+02 : f32
      %sub3A_1023 = vector.broadcast %sub3A_1022 : f32 to vector<16xf32>
      %sub3A_1024 = arith.subf %sub3A_1023, %convert_element_type3A_1021 : vector<16xf32>
      %max3A_1025 = arith.constant 1.000000e+00 : f32
      %max3A_1026 = vector.broadcast %max3A_1025 : f32 to vector<16xf32>
      %max3A_1027 = arith.maximumf %sub3A_1024, %max3A_1026 : vector<16xf32>
      %get3A_1028 = arith.constant 0 : i32
      %get3A_1029 = arith.index_cast %get3A_1028 : i32 to index
      %get3A_1030 = arith.constant 0 : index
      %get3A_1031 = tpu.vector_load %arg11[%get3A_1029, %get3A_1030] {strides = array<i32>} : memref<1x32xf32, #tpu.memory_space<vmem>>, vector<16xf32>,
      %get3A_1032 = arith.constant 0 : i32
      %get3A_1033 = arith.index_cast %get3A_1032 : i32 to index
      %get3A_1034 = arith.constant 16 : index
      %get3A_1035 = tpu.vector_load %arg11[%get3A_1033, %get3A_1034] {strides = array<i32>} : memref<1x32xf32, #tpu.memory_space<vmem>>, vector<16xf32>,
      %mul3A_1036 = arith.mulf %convert_element_type3A_1021, %get3A_1031 : vector<16xf32>
      %sub3A_1037 = arith.subf %add3A_1017, %mul3A_1036 : vector<16xf32>
      %div3A_1038 = arith.divf %sub3A_1037, %max3A_1027 : vector<16xf32>
      %swap3A_1039 = arith.constant 4 : i32
      %swap3A_1040 = arith.index_cast %swap3A_1039 : i32 to index
      %swap3A_1041 = arith.constant 0 : index
      %swap3A_1042 = tpu.vector_load %arg9[%swap3A_1040, %swap3A_1041] {strides = array<i32>} : memref<8x32xf32, #tpu.memory_space<vmem>>, vector<16xf32>,
      tpu.vector_store %arg9[%swap3A_1040, %swap3A_1041], %div3A_1038 {strides = array<i32>} : memref<8x32xf32, #tpu.memory_space<vmem>>, vector<16xf32>,
      %mul3A_1043 = arith.mulf %convert_element_type3A_1021, %get3A_1035 : vector<16xf32>
      %sub3A_1044 = arith.subf %add3A_1020, %mul3A_1043 : vector<16xf32>
      %div3A_1045 = arith.divf %sub3A_1044, %max3A_1027 : vector<16xf32>
      %swap3A_1046 = arith.constant 4 : i32
      %swap3A_1047 = arith.index_cast %swap3A_1046 : i32 to index
      %swap3A_1048 = arith.constant 16 : index
      %swap3A_1049 = tpu.vector_load %arg9[%swap3A_1047, %swap3A_1048] {strides = array<i32>} : memref<8x32xf32, #tpu.memory_space<vmem>>, vector<16xf32>,
      tpu.vector_store %arg9[%swap3A_1047, %swap3A_1048], %div3A_1045 {strides = array<i32>} : memref<8x32xf32, #tpu.memory_space<vmem>>, vector<16xf32>,
      %broadcast_in_dim3A_1050 = arith.constant 0 : i32
      %broadcast_in_dim3A_1051 = vector.broadcast %broadcast_in_dim3A_1050 : i32 to vector<16xi32>
      %get3A_1052 = arith.constant 1000 : index
      %get3A_1053 = tpu.vector_load %arg5[%get3A_1052] {strides = array<i32>} : memref<1600xi32, #tpu.memory_space<vmem>>, vector<16xi32>,
      %eq3A_1054 = arith.constant 0 : i32
      %eq3A_1055 = vector.broadcast %eq3A_1054 : i32 to vector<16xi32>
      %eq3A_1056 = arith.cmpi eq, %get3A_1053, %eq3A_1055 : vector<16xi32>
      %all_reduce_population_count3A_1057 = tpu.all_reduce %eq3A_1056 {dim = 0 : i64, kind = #tpu.reduction_kind<sum>} : vector<16xi1> -> vector<16xi32>
      %add3A_1058 = arith.addi %broadcast_in_dim3A_1051, %all_reduce_population_count3A_1057 : vector<16xi32>
      %get3A_1059 = arith.constant 1016 : index
      %get3A_1060 = tpu.vector_load %arg5[%get3A_1059] {strides = array<i32>} : memref<1600xi32, #tpu.memory_space<vmem>>, vector<16xi32>,
      %eq3A_1061 = arith.constant 0 : i32
      %eq3A_1062 = vector.broadcast %eq3A_1061 : i32 to vector<16xi32>
      %eq3A_1063 = arith.cmpi eq, %get3A_1060, %eq3A_1062 : vector<16xi32>
      %all_reduce_population_count3A_1064 = tpu.all_reduce %eq3A_1063 {dim = 0 : i64, kind = #tpu.reduction_kind<sum>} : vector<16xi1> -> vector<16xi32>
      %add3A_1065 = arith.addi %add3A_1058, %all_reduce_population_count3A_1064 : vector<16xi32>
      %get3A_1066 = arith.constant 1032 : index
      %get3A_1067 = tpu.vector_load %arg5[%get3A_1066] {strides = array<i32>} : memref<1600xi32, #tpu.memory_space<vmem>>, vector<16xi32>,
      %eq3A_1068 = arith.constant 0 : i32
      %eq3A_1069 = vector.broadcast %eq3A_1068 : i32 to vector<16xi32>
      %eq3A_1070 = arith.cmpi eq, %get3A_1067, %eq3A_1069 : vector<16xi32>
      %all_reduce_population_count3A_1071 = tpu.all_reduce %eq3A_1070 {dim = 0 : i64, kind = #tpu.reduction_kind<sum>} : vector<16xi1> -> vector<16xi32>
      %add3A_1072 = arith.addi %add3A_1065, %all_reduce_population_count3A_1071 : vector<16xi32>
      %get3A_1073 = arith.constant 1048 : index
      %get3A_1074 = tpu.vector_load %arg5[%get3A_1073] {strides = array<i32>} : memref<1600xi32, #tpu.memory_space<vmem>>, vector<16xi32>,
      %eq3A_1075 = arith.constant 0 : i32
      %eq3A_1076 = vector.broadcast %eq3A_1075 : i32 to vector<16xi32>
      %eq3A_1077 = arith.cmpi eq, %get3A_1074, %eq3A_1076 : vector<16xi32>
      %all_reduce_population_count3A_1078 = tpu.all_reduce %eq3A_1077 {dim = 0 : i64, kind = #tpu.reduction_kind<sum>} : vector<16xi1> -> vector<16xi32>
      %add3A_1079 = arith.addi %add3A_1072, %all_reduce_population_count3A_1078 : vector<16xi32>
      %get3A_1080 = arith.constant 1064 : index
      %get3A_1081 = tpu.vector_load %arg5[%get3A_1080] {strides = array<i32>} : memref<1600xi32, #tpu.memory_space<vmem>>, vector<16xi32>,
      %eq3A_1082 = arith.constant 0 : i32
      %eq3A_1083 = vector.broadcast %eq3A_1082 : i32 to vector<16xi32>
      %eq3A_1084 = arith.cmpi eq, %get3A_1081, %eq3A_1083 : vector<16xi32>
      %all_reduce_population_count3A_1085 = tpu.all_reduce %eq3A_1084 {dim = 0 : i64, kind = #tpu.reduction_kind<sum>} : vector<16xi1> -> vector<16xi32>
      %add3A_1086 = arith.addi %add3A_1079, %all_reduce_population_count3A_1085 : vector<16xi32>
      %get3A_1087 = arith.constant 1080 : index
      %get3A_1088 = tpu.vector_load %arg5[%get3A_1087] {strides = array<i32>} : memref<1600xi32, #tpu.memory_space<vmem>>, vector<16xi32>,
      %eq3A_1089 = arith.constant 0 : i32
      %eq3A_1090 = vector.broadcast %eq3A_1089 : i32 to vector<16xi32>
      %eq3A_1091 = arith.cmpi eq, %get3A_1088, %eq3A_1090 : vector<16xi32>
      %all_reduce_population_count3A_1092 = tpu.all_reduce %eq3A_1091 {dim = 0 : i64, kind = #tpu.reduction_kind<sum>} : vector<16xi1> -> vector<16xi32>
      %add3A_1093 = arith.addi %add3A_1086, %all_reduce_population_count3A_1092 : vector<16xi32>
      %get3A_1094 = arith.constant 1096 : index
      %get3A_1095 = tpu.vector_load %arg5[%get3A_1094] {strides = array<i32>} : memref<1600xi32, #tpu.memory_space<vmem>>, vector<16xi32>,
      %eq3A_1096 = arith.constant 0 : i32
      %eq3A_1097 = vector.broadcast %eq3A_1096 : i32 to vector<16xi32>
      %eq3A_1098 = arith.cmpi eq, %get3A_1095, %eq3A_1097 : vector<16xi32>
      %all_reduce_population_count3A_1099 = tpu.all_reduce %eq3A_1098 {dim = 0 : i64, kind = #tpu.reduction_kind<sum>} : vector<16xi1> -> vector<16xi32>
      %add3A_1100 = arith.addi %add3A_1093, %all_reduce_population_count3A_1099 : vector<16xi32>
      %get3A_1101 = arith.constant 1112 : index
      %get3A_1102 = tpu.vector_load %arg5[%get3A_1101] {strides = array<i32>} : memref<1600xi32, #tpu.memory_space<vmem>>, vector<16xi32>,
      %eq3A_1103 = arith.constant 0 : i32
      %eq3A_1104 = vector.broadcast %eq3A_1103 : i32 to vector<16xi32>
      %eq3A_1105 = arith.cmpi eq, %get3A_1102, %eq3A_1104 : vector<16xi32>
      %all_reduce_population_count3A_1106 = tpu.all_reduce %eq3A_1105 {dim = 0 : i64, kind = #tpu.reduction_kind<sum>} : vector<16xi1> -> vector<16xi32>
      %add3A_1107 = arith.addi %add3A_1100, %all_reduce_population_count3A_1106 : vector<16xi32>
      %get3A_1108 = arith.constant 1128 : index
      %get3A_1109 = tpu.vector_load %arg5[%get3A_1108] {strides = array<i32>} : memref<1600xi32, #tpu.memory_space<vmem>>, vector<16xi32>,
      %eq3A_1110 = arith.constant 0 : i32
      %eq3A_1111 = vector.broadcast %eq3A_1110 : i32 to vector<16xi32>
      %eq3A_1112 = arith.cmpi eq, %get3A_1109, %eq3A_1111 : vector<16xi32>
      %all_reduce_population_count3A_1113 = tpu.all_reduce %eq3A_1112 {dim = 0 : i64, kind = #tpu.reduction_kind<sum>} : vector<16xi1> -> vector<16xi32>
      %add3A_1114 = arith.addi %add3A_1107, %all_reduce_population_count3A_1113 : vector<16xi32>
      %get3A_1115 = arith.constant 1144 : index
      %get3A_1116 = tpu.vector_load %arg5[%get3A_1115] {strides = array<i32>} : memref<1600xi32, #tpu.memory_space<vmem>>, vector<16xi32>,
      %eq3A_1117 = arith.constant 0 : i32
      %eq3A_1118 = vector.broadcast %eq3A_1117 : i32 to vector<16xi32>
      %eq3A_1119 = arith.cmpi eq, %get3A_1116, %eq3A_1118 : vector<16xi32>
      %all_reduce_population_count3A_1120 = tpu.all_reduce %eq3A_1119 {dim = 0 : i64, kind = #tpu.reduction_kind<sum>} : vector<16xi1> -> vector<16xi32>
      %add3A_1121 = arith.addi %add3A_1114, %all_reduce_population_count3A_1120 : vector<16xi32>
      %get3A_1122 = arith.constant 1160 : index
      %get3A_1123 = tpu.vector_load %arg5[%get3A_1122] {strides = array<i32>} : memref<1600xi32, #tpu.memory_space<vmem>>, vector<16xi32>,
      %eq3A_1124 = arith.constant 0 : i32
      %eq3A_1125 = vector.broadcast %eq3A_1124 : i32 to vector<16xi32>
      %eq3A_1126 = arith.cmpi eq, %get3A_1123, %eq3A_1125 : vector<16xi32>
      %all_reduce_population_count3A_1127 = tpu.all_reduce %eq3A_1126 {dim = 0 : i64, kind = #tpu.reduction_kind<sum>} : vector<16xi1> -> vector<16xi32>
      %add3A_1128 = arith.addi %add3A_1121, %all_reduce_population_count3A_1127 : vector<16xi32>
      %get3A_1129 = arith.constant 1176 : index
      %get3A_1130 = tpu.vector_load %arg5[%get3A_1129] {strides = array<i32>} : memref<1600xi32, #tpu.memory_space<vmem>>, vector<16xi32>,
      %eq3A_1131 = arith.constant 0 : i32
      %eq3A_1132 = vector.broadcast %eq3A_1131 : i32 to vector<16xi32>
      %eq3A_1133 = arith.cmpi eq, %get3A_1130, %eq3A_1132 : vector<16xi32>
      %all_reduce_population_count3A_1134 = tpu.all_reduce %eq3A_1133 {dim = 0 : i64, kind = #tpu.reduction_kind<sum>} : vector<16xi1> -> vector<16xi32>
      %add3A_1135 = arith.addi %add3A_1128, %all_reduce_population_count3A_1134 : vector<16xi32>
      %get3A_1136 = arith.constant 1184 : index
      %get3A_1137 = tpu.vector_load %arg5[%get3A_1136] {strides = array<i32>} : memref<1600xi32, #tpu.memory_space<vmem>>, vector<16xi32>,
      %iota3A_1138 = tpu.iota {dimensions = array<i32: 0>} : vector<16xi32>
      %ge3A_1139 = arith.constant 8 : i32
      %ge3A_1140 = vector.broadcast %ge3A_1139 : i32 to vector<16xi32>
      %ge3A_1141 = arith.cmpi sge, %iota3A_1138, %ge3A_1140 : vector<16xi32>
      %eq3A_1142 = arith.constant 0 : i32
      %eq3A_1143 = vector.broadcast %eq3A_1142 : i32 to vector<16xi32>
      %eq3A_1144 = arith.cmpi eq, %get3A_1137, %eq3A_1143 : vector<16xi32>
      %and3A_1145 = arith.andi %ge3A_1141, %eq3A_1144 : vector<16xi1>
      %all_reduce_population_count3A_1146 = tpu.all_reduce %and3A_1145 {dim = 0 : i64, kind = #tpu.reduction_kind<sum>} : vector<16xi1> -> vector<16xi32>
      %add3A_1147 = arith.addi %add3A_1135, %all_reduce_population_count3A_1146 : vector<16xi32>
      %broadcast_in_dim3A_1148 = arith.constant 0.000000e+00 : f32
      %broadcast_in_dim3A_1149 = vector.broadcast %broadcast_in_dim3A_1148 : f32 to vector<16xf32>
      %scan3A_1150 = arith.constant 0 : i32
      %scan3A_1151 = arith.constant 50 : i32
      %scan3A_1152 = arith.addi %scan3A_1150, %scan3A_1151 : i32
      %scan3A_1153 = arith.constant 1 : i32
      %scan3A_1154:8 = scf.for %scan3A_2741 = %scan3A_1150 to %scan3A_1152 step %scan3A_1153 iter_args(%scan3A_2742 = %broadcast_in_dim3A_1149, %scan3A_2743 = %broadcast_in_dim3A_1149, %scan3A_2744 = %broadcast_in_dim3A_1149, %scan3A_2745 = %broadcast_in_dim3A_1149, %scan3A_2746 = %broadcast_in_dim3A_1149, %scan3A_2747 = %broadcast_in_dim3A_1149, %scan3A_2748 = %broadcast_in_dim3A_1149, %scan3A_2749 = %broadcast_in_dim3A_1149) -> (vector<16xf32>, vector<16xf32>, vector<16xf32>, vector<16xf32>, vector<16xf32>, vector<16xf32>, vector<16xf32>, vector<16xf32>)  : i32 {
        %mul3A_2750 = arith.constant 4 : i32
        %mul3A_2751 = arith.muli %mul3A_2750, %scan3A_2741 : i32
        %add3A_2752 = arith.constant 1000 : i32
        %add3A_2753 = arith.addi %add3A_2752, %mul3A_2751 : i32
        %add3A_2754 = arith.constant 0 : i32
        %add3A_2755 = arith.addi %add3A_2753, %add3A_2754 : i32
        %get3A_2756 = arith.index_cast %add3A_2755 : i32 to index
        %get3A_2757 = arith.constant 0 : index
        %get3A_2758 = tpu.vector_load %arg7[%get3A_2756, %get3A_2757] {strides = array<i32>} : memref<1600x32xf32, #tpu.memory_space<vmem>>, vector<16xf32>,
        %add3A_2759 = arith.addf %scan3A_2742, %get3A_2758 : vector<16xf32>
        %add3A_2760 = arith.constant 0 : i32
        %add3A_2761 = arith.addi %add3A_2753, %add3A_2760 : i32
        %get3A_2762 = arith.index_cast %add3A_2761 : i32 to index
        %get3A_2763 = arith.constant 16 : index
        %get3A_2764 = tpu.vector_load %arg7[%get3A_2762, %get3A_2763] {strides = array<i32>} : memref<1600x32xf32, #tpu.memory_space<vmem>>, vector<16xf32>,
        %add3A_2765 = arith.addf %scan3A_2743, %get3A_2764 : vector<16xf32>
        %add3A_2766 = arith.constant 1 : i32
        %add3A_2767 = arith.addi %add3A_2753, %add3A_2766 : i32
        %get3A_2768 = arith.index_cast %add3A_2767 : i32 to index
        %get3A_2769 = arith.constant 0 : index
        %get3A_2770 = tpu.vector_load %arg7[%get3A_2768, %get3A_2769] {strides = array<i32>} : memref<1600x32xf32, #tpu.memory_space<vmem>>, vector<16xf32>,
        %add3A_2771 = arith.addf %scan3A_2744, %get3A_2770 : vector<16xf32>
        %add3A_2772 = arith.constant 1 : i32
        %add3A_2773 = arith.addi %add3A_2753, %add3A_2772 : i32
        %get3A_2774 = arith.index_cast %add3A_2773 : i32 to index
        %get3A_2775 = arith.constant 16 : index
        %get3A_2776 = tpu.vector_load %arg7[%get3A_2774, %get3A_2775] {strides = array<i32>} : memref<1600x32xf32, #tpu.memory_space<vmem>>, vector<16xf32>,
        %add3A_2777 = arith.addf %scan3A_2745, %get3A_2776 : vector<16xf32>
        %add3A_2778 = arith.constant 2 : i32
        %add3A_2779 = arith.addi %add3A_2753, %add3A_2778 : i32
        %get3A_2780 = arith.index_cast %add3A_2779 : i32 to index
        %get3A_2781 = arith.constant 0 : index
        %get3A_2782 = tpu.vector_load %arg7[%get3A_2780, %get3A_2781] {strides = array<i32>} : memref<1600x32xf32, #tpu.memory_space<vmem>>, vector<16xf32>,
        %add3A_2783 = arith.addf %scan3A_2746, %get3A_2782 : vector<16xf32>
        %add3A_2784 = arith.constant 2 : i32
        %add3A_2785 = arith.addi %add3A_2753, %add3A_2784 : i32
        %get3A_2786 = arith.index_cast %add3A_2785 : i32 to index
        %get3A_2787 = arith.constant 16 : index
        %get3A_2788 = tpu.vector_load %arg7[%get3A_2786, %get3A_2787] {strides = array<i32>} : memref<1600x32xf32, #tpu.memory_space<vmem>>, vector<16xf32>,
        %add3A_2789 = arith.addf %scan3A_2747, %get3A_2788 : vector<16xf32>
        %add3A_2790 = arith.constant 3 : i32
        %add3A_2791 = arith.addi %add3A_2753, %add3A_2790 : i32
        %get3A_2792 = arith.index_cast %add3A_2791 : i32 to index
        %get3A_2793 = arith.constant 0 : index
        %get3A_2794 = tpu.vector_load %arg7[%get3A_2792, %get3A_2793] {strides = array<i32>} : memref<1600x32xf32, #tpu.memory_space<vmem>>, vector<16xf32>,
        %add3A_2795 = arith.addf %scan3A_2748, %get3A_2794 : vector<16xf32>
        %add3A_2796 = arith.constant 3 : i32
        %add3A_2797 = arith.addi %add3A_2753, %add3A_2796 : i32
        %get3A_2798 = arith.index_cast %add3A_2797 : i32 to index
        %get3A_2799 = arith.constant 16 : index
        %get3A_2800 = tpu.vector_load %arg7[%get3A_2798, %get3A_2799] {strides = array<i32>} : memref<1600x32xf32, #tpu.memory_space<vmem>>, vector<16xf32>,
        %add3A_2801 = arith.addf %scan3A_2749, %get3A_2800 : vector<16xf32>
        scf.yield %add3A_2759, %add3A_2765, %add3A_2771, %add3A_2777, %add3A_2783, %add3A_2789, %add3A_2795, %add3A_2801 : vector<16xf32>, vector<16xf32>, vector<16xf32>, vector<16xf32>, vector<16xf32>, vector<16xf32>, vector<16xf32>, vector<16xf32>
      }
      %scan3A_1155 = arith.constant 50 : i32
      %add3A_1156 = arith.addf %scan3A_1154#0, %scan3A_1154#2 : vector<16xf32>
      %add3A_1157 = arith.addf %scan3A_1154#4, %scan3A_1154#6 : vector<16xf32>
      %add3A_1158 = arith.addf %add3A_1156, %add3A_1157 : vector<16xf32>
      %add3A_1159 = arith.addf %scan3A_1154#1, %scan3A_1154#3 : vector<16xf32>
      %add3A_1160 = arith.addf %scan3A_1154#5, %scan3A_1154#7 : vector<16xf32>
      %add3A_1161 = arith.addf %add3A_1159, %add3A_1160 : vector<16xf32>
      %convert_element_type3A_1162 = arith.sitofp %add3A_1147 : vector<16xi32> to vector<16xf32>
      %sub3A_1163 = arith.constant 2.000000e+02 : f32
      %sub3A_1164 = vector.broadcast %sub3A_1163 : f32 to vector<16xf32>
      %sub3A_1165 = arith.subf %sub3A_1164, %convert_element_type3A_1162 : vector<16xf32>
      %max3A_1166 = arith.constant 1.000000e+00 : f32
      %max3A_1167 = vector.broadcast %max3A_1166 : f32 to vector<16xf32>
      %max3A_1168 = arith.maximumf %sub3A_1165, %max3A_1167 : vector<16xf32>
      %get3A_1169 = arith.constant 0 : i32
      %get3A_1170 = arith.index_cast %get3A_1169 : i32 to index
      %get3A_1171 = arith.constant 0 : index
      %get3A_1172 = tpu.vector_load %arg11[%get3A_1170, %get3A_1171] {strides = array<i32>} : memref<1x32xf32, #tpu.memory_space<vmem>>, vector<16xf32>,
      %get3A_1173 = arith.constant 0 : i32
      %get3A_1174 = arith.index_cast %get3A_1173 : i32 to index
      %get3A_1175 = arith.constant 16 : index
      %get3A_1176 = tpu.vector_load %arg11[%get3A_1174, %get3A_1175] {strides = array<i32>} : memref<1x32xf32, #tpu.memory_space<vmem>>, vector<16xf32>,
      %mul3A_1177 = arith.mulf %convert_element_type3A_1162, %get3A_1172 : vector<16xf32>
      %sub3A_1178 = arith.subf %add3A_1158, %mul3A_1177 : vector<16xf32>
      %div3A_1179 = arith.divf %sub3A_1178, %max3A_1168 : vector<16xf32>
      %swap3A_1180 = arith.constant 5 : i32
      %swap3A_1181 = arith.index_cast %swap3A_1180 : i32 to index
      %swap3A_1182 = arith.constant 0 : index
      %swap3A_1183 = tpu.vector_load %arg9[%swap3A_1181, %swap3A_1182] {strides = array<i32>} : memref<8x32xf32, #tpu.memory_space<vmem>>, vector<16xf32>,
      tpu.vector_store %arg9[%swap3A_1181, %swap3A_1182], %div3A_1179 {strides = array<i32>} : memref<8x32xf32, #tpu.memory_space<vmem>>, vector<16xf32>,
      %mul3A_1184 = arith.mulf %convert_element_type3A_1162, %get3A_1176 : vector<16xf32>
      %sub3A_1185 = arith.subf %add3A_1161, %mul3A_1184 : vector<16xf32>
      %div3A_1186 = arith.divf %sub3A_1185, %max3A_1168 : vector<16xf32>
      %swap3A_1187 = arith.constant 5 : i32
      %swap3A_1188 = arith.index_cast %swap3A_1187 : i32 to index
      %swap3A_1189 = arith.constant 16 : index
      %swap3A_1190 = tpu.vector_load %arg9[%swap3A_1188, %swap3A_1189] {strides = array<i32>} : memref<8x32xf32, #tpu.memory_space<vmem>>, vector<16xf32>,
      tpu.vector_store %arg9[%swap3A_1188, %swap3A_1189], %div3A_1186 {strides = array<i32>} : memref<8x32xf32, #tpu.memory_space<vmem>>, vector<16xf32>,
      %broadcast_in_dim3A_1191 = arith.constant 0 : i32
      %broadcast_in_dim3A_1192 = vector.broadcast %broadcast_in_dim3A_1191 : i32 to vector<16xi32>
      %get3A_1193 = arith.constant 1200 : index
      %get3A_1194 = tpu.vector_load %arg5[%get3A_1193] {strides = array<i32>} : memref<1600xi32, #tpu.memory_space<vmem>>, vector<16xi32>,
      %eq3A_1195 = arith.constant 0 : i32
      %eq3A_1196 = vector.broadcast %eq3A_1195 : i32 to vector<16xi32>
      %eq3A_1197 = arith.cmpi eq, %get3A_1194, %eq3A_1196 : vector<16xi32>
      %all_reduce_population_count3A_1198 = tpu.all_reduce %eq3A_1197 {dim = 0 : i64, kind = #tpu.reduction_kind<sum>} : vector<16xi1> -> vector<16xi32>
      %add3A_1199 = arith.addi %broadcast_in_dim3A_1192, %all_reduce_population_count3A_1198 : vector<16xi32>
      %get3A_1200 = arith.constant 1216 : index
      %get3A_1201 = tpu.vector_load %arg5[%get3A_1200] {strides = array<i32>} : memref<1600xi32, #tpu.memory_space<vmem>>, vector<16xi32>,
      %eq3A_1202 = arith.constant 0 : i32
      %eq3A_1203 = vector.broadcast %eq3A_1202 : i32 to vector<16xi32>
      %eq3A_1204 = arith.cmpi eq, %get3A_1201, %eq3A_1203 : vector<16xi32>
      %all_reduce_population_count3A_1205 = tpu.all_reduce %eq3A_1204 {dim = 0 : i64, kind = #tpu.reduction_kind<sum>} : vector<16xi1> -> vector<16xi32>
      %add3A_1206 = arith.addi %add3A_1199, %all_reduce_population_count3A_1205 : vector<16xi32>
      %get3A_1207 = arith.constant 1232 : index
      %get3A_1208 = tpu.vector_load %arg5[%get3A_1207] {strides = array<i32>} : memref<1600xi32, #tpu.memory_space<vmem>>, vector<16xi32>,
      %eq3A_1209 = arith.constant 0 : i32
      %eq3A_1210 = vector.broadcast %eq3A_1209 : i32 to vector<16xi32>
      %eq3A_1211 = arith.cmpi eq, %get3A_1208, %eq3A_1210 : vector<16xi32>
      %all_reduce_population_count3A_1212 = tpu.all_reduce %eq3A_1211 {dim = 0 : i64, kind = #tpu.reduction_kind<sum>} : vector<16xi1> -> vector<16xi32>
      %add3A_1213 = arith.addi %add3A_1206, %all_reduce_population_count3A_1212 : vector<16xi32>
      %get3A_1214 = arith.constant 1248 : index
      %get3A_1215 = tpu.vector_load %arg5[%get3A_1214] {strides = array<i32>} : memref<1600xi32, #tpu.memory_space<vmem>>, vector<16xi32>,
      %eq3A_1216 = arith.constant 0 : i32
      %eq3A_1217 = vector.broadcast %eq3A_1216 : i32 to vector<16xi32>
      %eq3A_1218 = arith.cmpi eq, %get3A_1215, %eq3A_1217 : vector<16xi32>
      %all_reduce_population_count3A_1219 = tpu.all_reduce %eq3A_1218 {dim = 0 : i64, kind = #tpu.reduction_kind<sum>} : vector<16xi1> -> vector<16xi32>
      %add3A_1220 = arith.addi %add3A_1213, %all_reduce_population_count3A_1219 : vector<16xi32>
      %get3A_1221 = arith.constant 1264 : index
      %get3A_1222 = tpu.vector_load %arg5[%get3A_1221] {strides = array<i32>} : memref<1600xi32, #tpu.memory_space<vmem>>, vector<16xi32>,
      %eq3A_1223 = arith.constant 0 : i32
      %eq3A_1224 = vector.broadcast %eq3A_1223 : i32 to vector<16xi32>
      %eq3A_1225 = arith.cmpi eq, %get3A_1222, %eq3A_1224 : vector<16xi32>
      %all_reduce_population_count3A_1226 = tpu.all_reduce %eq3A_1225 {dim = 0 : i64, kind = #tpu.reduction_kind<sum>} : vector<16xi1> -> vector<16xi32>
      %add3A_1227 = arith.addi %add3A_1220, %all_reduce_population_count3A_1226 : vector<16xi32>
      %get3A_1228 = arith.constant 1280 : index
      %get3A_1229 = tpu.vector_load %arg5[%get3A_1228] {strides = array<i32>} : memref<1600xi32, #tpu.memory_space<vmem>>, vector<16xi32>,
      %eq3A_1230 = arith.constant 0 : i32
      %eq3A_1231 = vector.broadcast %eq3A_1230 : i32 to vector<16xi32>
      %eq3A_1232 = arith.cmpi eq, %get3A_1229, %eq3A_1231 : vector<16xi32>
      %all_reduce_population_count3A_1233 = tpu.all_reduce %eq3A_1232 {dim = 0 : i64, kind = #tpu.reduction_kind<sum>} : vector<16xi1> -> vector<16xi32>
      %add3A_1234 = arith.addi %add3A_1227, %all_reduce_population_count3A_1233 : vector<16xi32>
      %get3A_1235 = arith.constant 1296 : index
      %get3A_1236 = tpu.vector_load %arg5[%get3A_1235] {strides = array<i32>} : memref<1600xi32, #tpu.memory_space<vmem>>, vector<16xi32>,
      %eq3A_1237 = arith.constant 0 : i32
      %eq3A_1238 = vector.broadcast %eq3A_1237 : i32 to vector<16xi32>
      %eq3A_1239 = arith.cmpi eq, %get3A_1236, %eq3A_1238 : vector<16xi32>
      %all_reduce_population_count3A_1240 = tpu.all_reduce %eq3A_1239 {dim = 0 : i64, kind = #tpu.reduction_kind<sum>} : vector<16xi1> -> vector<16xi32>
      %add3A_1241 = arith.addi %add3A_1234, %all_reduce_population_count3A_1240 : vector<16xi32>
      %get3A_1242 = arith.constant 1312 : index
      %get3A_1243 = tpu.vector_load %arg5[%get3A_1242] {strides = array<i32>} : memref<1600xi32, #tpu.memory_space<vmem>>, vector<16xi32>,
      %eq3A_1244 = arith.constant 0 : i32
      %eq3A_1245 = vector.broadcast %eq3A_1244 : i32 to vector<16xi32>
      %eq3A_1246 = arith.cmpi eq, %get3A_1243, %eq3A_1245 : vector<16xi32>
      %all_reduce_population_count3A_1247 = tpu.all_reduce %eq3A_1246 {dim = 0 : i64, kind = #tpu.reduction_kind<sum>} : vector<16xi1> -> vector<16xi32>
      %add3A_1248 = arith.addi %add3A_1241, %all_reduce_population_count3A_1247 : vector<16xi32>
      %get3A_1249 = arith.constant 1328 : index
      %get3A_1250 = tpu.vector_load %arg5[%get3A_1249] {strides = array<i32>} : memref<1600xi32, #tpu.memory_space<vmem>>, vector<16xi32>,
      %eq3A_1251 = arith.constant 0 : i32
      %eq3A_1252 = vector.broadcast %eq3A_1251 : i32 to vector<16xi32>
      %eq3A_1253 = arith.cmpi eq, %get3A_1250, %eq3A_1252 : vector<16xi32>
      %all_reduce_population_count3A_1254 = tpu.all_reduce %eq3A_1253 {dim = 0 : i64, kind = #tpu.reduction_kind<sum>} : vector<16xi1> -> vector<16xi32>
      %add3A_1255 = arith.addi %add3A_1248, %all_reduce_population_count3A_1254 : vector<16xi32>
      %get3A_1256 = arith.constant 1344 : index
      %get3A_1257 = tpu.vector_load %arg5[%get3A_1256] {strides = array<i32>} : memref<1600xi32, #tpu.memory_space<vmem>>, vector<16xi32>,
      %eq3A_1258 = arith.constant 0 : i32
      %eq3A_1259 = vector.broadcast %eq3A_1258 : i32 to vector<16xi32>
      %eq3A_1260 = arith.cmpi eq, %get3A_1257, %eq3A_1259 : vector<16xi32>
      %all_reduce_population_count3A_1261 = tpu.all_reduce %eq3A_1260 {dim = 0 : i64, kind = #tpu.reduction_kind<sum>} : vector<16xi1> -> vector<16xi32>
      %add3A_1262 = arith.addi %add3A_1255, %all_reduce_population_count3A_1261 : vector<16xi32>
      %get3A_1263 = arith.constant 1360 : index
      %get3A_1264 = tpu.vector_load %arg5[%get3A_1263] {strides = array<i32>} : memref<1600xi32, #tpu.memory_space<vmem>>, vector<16xi32>,
      %eq3A_1265 = arith.constant 0 : i32
      %eq3A_1266 = vector.broadcast %eq3A_1265 : i32 to vector<16xi32>
      %eq3A_1267 = arith.cmpi eq, %get3A_1264, %eq3A_1266 : vector<16xi32>
      %all_reduce_population_count3A_1268 = tpu.all_reduce %eq3A_1267 {dim = 0 : i64, kind = #tpu.reduction_kind<sum>} : vector<16xi1> -> vector<16xi32>
      %add3A_1269 = arith.addi %add3A_1262, %all_reduce_population_count3A_1268 : vector<16xi32>
      %get3A_1270 = arith.constant 1376 : index
      %get3A_1271 = tpu.vector_load %arg5[%get3A_1270] {strides = array<i32>} : memref<1600xi32, #tpu.memory_space<vmem>>, vector<16xi32>,
      %eq3A_1272 = arith.constant 0 : i32
      %eq3A_1273 = vector.broadcast %eq3A_1272 : i32 to vector<16xi32>
      %eq3A_1274 = arith.cmpi eq, %get3A_1271, %eq3A_1273 : vector<16xi32>
      %all_reduce_population_count3A_1275 = tpu.all_reduce %eq3A_1274 {dim = 0 : i64, kind = #tpu.reduction_kind<sum>} : vector<16xi1> -> vector<16xi32>
      %add3A_1276 = arith.addi %add3A_1269, %all_reduce_population_count3A_1275 : vector<16xi32>
      %get3A_1277 = arith.constant 1384 : index
      %get3A_1278 = tpu.vector_load %arg5[%get3A_1277] {strides = array<i32>} : memref<1600xi32, #tpu.memory_space<vmem>>, vector<16xi32>,
      %iota3A_1279 = tpu.iota {dimensions = array<i32: 0>} : vector<16xi32>
      %ge3A_1280 = arith.constant 8 : i32
      %ge3A_1281 = vector.broadcast %ge3A_1280 : i32 to vector<16xi32>
      %ge3A_1282 = arith.cmpi sge, %iota3A_1279, %ge3A_1281 : vector<16xi32>
      %eq3A_1283 = arith.constant 0 : i32
      %eq3A_1284 = vector.broadcast %eq3A_1283 : i32 to vector<16xi32>
      %eq3A_1285 = arith.cmpi eq, %get3A_1278, %eq3A_1284 : vector<16xi32>
      %and3A_1286 = arith.andi %ge3A_1282, %eq3A_1285 : vector<16xi1>
      %all_reduce_population_count3A_1287 = tpu.all_reduce %and3A_1286 {dim = 0 : i64, kind = #tpu.reduction_kind<sum>} : vector<16xi1> -> vector<16xi32>
      %add3A_1288 = arith.addi %add3A_1276, %all_reduce_population_count3A_1287 : vector<16xi32>
      %broadcast_in_dim3A_1289 = arith.constant 0.000000e+00 : f32
      %broadcast_in_dim3A_1290 = vector.broadcast %broadcast_in_dim3A_1289 : f32 to vector<16xf32>
      %scan3A_1291 = arith.constant 0 : i32
      %scan3A_1292 = arith.constant 50 : i32
      %scan3A_1293 = arith.addi %scan3A_1291, %scan3A_1292 : i32
      %scan3A_1294 = arith.constant 1 : i32
      %scan3A_1295:8 = scf.for %scan3A_2741 = %scan3A_1291 to %scan3A_1293 step %scan3A_1294 iter_args(%scan3A_2742 = %broadcast_in_dim3A_1290, %scan3A_2743 = %broadcast_in_dim3A_1290, %scan3A_2744 = %broadcast_in_dim3A_1290, %scan3A_2745 = %broadcast_in_dim3A_1290, %scan3A_2746 = %broadcast_in_dim3A_1290, %scan3A_2747 = %broadcast_in_dim3A_1290, %scan3A_2748 = %broadcast_in_dim3A_1290, %scan3A_2749 = %broadcast_in_dim3A_1290) -> (vector<16xf32>, vector<16xf32>, vector<16xf32>, vector<16xf32>, vector<16xf32>, vector<16xf32>, vector<16xf32>, vector<16xf32>)  : i32 {
        %mul3A_2750 = arith.constant 4 : i32
        %mul3A_2751 = arith.muli %mul3A_2750, %scan3A_2741 : i32
        %add3A_2752 = arith.constant 1200 : i32
        %add3A_2753 = arith.addi %add3A_2752, %mul3A_2751 : i32
        %add3A_2754 = arith.constant 0 : i32
        %add3A_2755 = arith.addi %add3A_2753, %add3A_2754 : i32
        %get3A_2756 = arith.index_cast %add3A_2755 : i32 to index
        %get3A_2757 = arith.constant 0 : index
        %get3A_2758 = tpu.vector_load %arg7[%get3A_2756, %get3A_2757] {strides = array<i32>} : memref<1600x32xf32, #tpu.memory_space<vmem>>, vector<16xf32>,
        %add3A_2759 = arith.addf %scan3A_2742, %get3A_2758 : vector<16xf32>
        %add3A_2760 = arith.constant 0 : i32
        %add3A_2761 = arith.addi %add3A_2753, %add3A_2760 : i32
        %get3A_2762 = arith.index_cast %add3A_2761 : i32 to index
        %get3A_2763 = arith.constant 16 : index
        %get3A_2764 = tpu.vector_load %arg7[%get3A_2762, %get3A_2763] {strides = array<i32>} : memref<1600x32xf32, #tpu.memory_space<vmem>>, vector<16xf32>,
        %add3A_2765 = arith.addf %scan3A_2743, %get3A_2764 : vector<16xf32>
        %add3A_2766 = arith.constant 1 : i32
        %add3A_2767 = arith.addi %add3A_2753, %add3A_2766 : i32
        %get3A_2768 = arith.index_cast %add3A_2767 : i32 to index
        %get3A_2769 = arith.constant 0 : index
        %get3A_2770 = tpu.vector_load %arg7[%get3A_2768, %get3A_2769] {strides = array<i32>} : memref<1600x32xf32, #tpu.memory_space<vmem>>, vector<16xf32>,
        %add3A_2771 = arith.addf %scan3A_2744, %get3A_2770 : vector<16xf32>
        %add3A_2772 = arith.constant 1 : i32
        %add3A_2773 = arith.addi %add3A_2753, %add3A_2772 : i32
        %get3A_2774 = arith.index_cast %add3A_2773 : i32 to index
        %get3A_2775 = arith.constant 16 : index
        %get3A_2776 = tpu.vector_load %arg7[%get3A_2774, %get3A_2775] {strides = array<i32>} : memref<1600x32xf32, #tpu.memory_space<vmem>>, vector<16xf32>,
        %add3A_2777 = arith.addf %scan3A_2745, %get3A_2776 : vector<16xf32>
        %add3A_2778 = arith.constant 2 : i32
        %add3A_2779 = arith.addi %add3A_2753, %add3A_2778 : i32
        %get3A_2780 = arith.index_cast %add3A_2779 : i32 to index
        %get3A_2781 = arith.constant 0 : index
        %get3A_2782 = tpu.vector_load %arg7[%get3A_2780, %get3A_2781] {strides = array<i32>} : memref<1600x32xf32, #tpu.memory_space<vmem>>, vector<16xf32>,
        %add3A_2783 = arith.addf %scan3A_2746, %get3A_2782 : vector<16xf32>
        %add3A_2784 = arith.constant 2 : i32
        %add3A_2785 = arith.addi %add3A_2753, %add3A_2784 : i32
        %get3A_2786 = arith.index_cast %add3A_2785 : i32 to index
        %get3A_2787 = arith.constant 16 : index
        %get3A_2788 = tpu.vector_load %arg7[%get3A_2786, %get3A_2787] {strides = array<i32>} : memref<1600x32xf32, #tpu.memory_space<vmem>>, vector<16xf32>,
        %add3A_2789 = arith.addf %scan3A_2747, %get3A_2788 : vector<16xf32>
        %add3A_2790 = arith.constant 3 : i32
        %add3A_2791 = arith.addi %add3A_2753, %add3A_2790 : i32
        %get3A_2792 = arith.index_cast %add3A_2791 : i32 to index
        %get3A_2793 = arith.constant 0 : index
        %get3A_2794 = tpu.vector_load %arg7[%get3A_2792, %get3A_2793] {strides = array<i32>} : memref<1600x32xf32, #tpu.memory_space<vmem>>, vector<16xf32>,
        %add3A_2795 = arith.addf %scan3A_2748, %get3A_2794 : vector<16xf32>
        %add3A_2796 = arith.constant 3 : i32
        %add3A_2797 = arith.addi %add3A_2753, %add3A_2796 : i32
        %get3A_2798 = arith.index_cast %add3A_2797 : i32 to index
        %get3A_2799 = arith.constant 16 : index
        %get3A_2800 = tpu.vector_load %arg7[%get3A_2798, %get3A_2799] {strides = array<i32>} : memref<1600x32xf32, #tpu.memory_space<vmem>>, vector<16xf32>,
        %add3A_2801 = arith.addf %scan3A_2749, %get3A_2800 : vector<16xf32>
        scf.yield %add3A_2759, %add3A_2765, %add3A_2771, %add3A_2777, %add3A_2783, %add3A_2789, %add3A_2795, %add3A_2801 : vector<16xf32>, vector<16xf32>, vector<16xf32>, vector<16xf32>, vector<16xf32>, vector<16xf32>, vector<16xf32>, vector<16xf32>
      }
      %scan3A_1296 = arith.constant 50 : i32
      %add3A_1297 = arith.addf %scan3A_1295#0, %scan3A_1295#2 : vector<16xf32>
      %add3A_1298 = arith.addf %scan3A_1295#4, %scan3A_1295#6 : vector<16xf32>
      %add3A_1299 = arith.addf %add3A_1297, %add3A_1298 : vector<16xf32>
      %add3A_1300 = arith.addf %scan3A_1295#1, %scan3A_1295#3 : vector<16xf32>
      %add3A_1301 = arith.addf %scan3A_1295#5, %scan3A_1295#7 : vector<16xf32>
      %add3A_1302 = arith.addf %add3A_1300, %add3A_1301 : vector<16xf32>
      %convert_element_type3A_1303 = arith.sitofp %add3A_1288 : vector<16xi32> to vector<16xf32>
      %sub3A_1304 = arith.constant 2.000000e+02 : f32
      %sub3A_1305 = vector.broadcast %sub3A_1304 : f32 to vector<16xf32>
      %sub3A_1306 = arith.subf %sub3A_1305, %convert_element_type3A_1303 : vector<16xf32>
      %max3A_1307 = arith.constant 1.000000e+00 : f32
      %max3A_1308 = vector.broadcast %max3A_1307 : f32 to vector<16xf32>
      %max3A_1309 = arith.maximumf %sub3A_1306, %max3A_1308 : vector<16xf32>
      %get3A_1310 = arith.constant 0 : i32
      %get3A_1311 = arith.index_cast %get3A_1310 : i32 to index
      %get3A_1312 = arith.constant 0 : index
      %get3A_1313 = tpu.vector_load %arg11[%get3A_1311, %get3A_1312] {strides = array<i32>} : memref<1x32xf32, #tpu.memory_space<vmem>>, vector<16xf32>,
      %get3A_1314 = arith.constant 0 : i32
      %get3A_1315 = arith.index_cast %get3A_1314 : i32 to index
      %get3A_1316 = arith.constant 16 : index
      %get3A_1317 = tpu.vector_load %arg11[%get3A_1315, %get3A_1316] {strides = array<i32>} : memref<1x32xf32, #tpu.memory_space<vmem>>, vector<16xf32>,
      %mul3A_1318 = arith.mulf %convert_element_type3A_1303, %get3A_1313 : vector<16xf32>
      %sub3A_1319 = arith.subf %add3A_1299, %mul3A_1318 : vector<16xf32>
      %div3A_1320 = arith.divf %sub3A_1319, %max3A_1309 : vector<16xf32>
      %swap3A_1321 = arith.constant 6 : i32
      %swap3A_1322 = arith.index_cast %swap3A_1321 : i32 to index
      %swap3A_1323 = arith.constant 0 : index
      %swap3A_1324 = tpu.vector_load %arg9[%swap3A_1322, %swap3A_1323] {strides = array<i32>} : memref<8x32xf32, #tpu.memory_space<vmem>>, vector<16xf32>,
      tpu.vector_store %arg9[%swap3A_1322, %swap3A_1323], %div3A_1320 {strides = array<i32>} : memref<8x32xf32, #tpu.memory_space<vmem>>, vector<16xf32>,
      %mul3A_1325 = arith.mulf %convert_element_type3A_1303, %get3A_1317 : vector<16xf32>
      %sub3A_1326 = arith.subf %add3A_1302, %mul3A_1325 : vector<16xf32>
      %div3A_1327 = arith.divf %sub3A_1326, %max3A_1309 : vector<16xf32>
      %swap3A_1328 = arith.constant 6 : i32
      %swap3A_1329 = arith.index_cast %swap3A_1328 : i32 to index
      %swap3A_1330 = arith.constant 16 : index
      %swap3A_1331 = tpu.vector_load %arg9[%swap3A_1329, %swap3A_1330] {strides = array<i32>} : memref<8x32xf32, #tpu.memory_space<vmem>>, vector<16xf32>,
      tpu.vector_store %arg9[%swap3A_1329, %swap3A_1330], %div3A_1327 {strides = array<i32>} : memref<8x32xf32, #tpu.memory_space<vmem>>, vector<16xf32>,
      %broadcast_in_dim3A_1332 = arith.constant 0 : i32
      %broadcast_in_dim3A_1333 = vector.broadcast %broadcast_in_dim3A_1332 : i32 to vector<16xi32>
      %get3A_1334 = arith.constant 1400 : index
      %get3A_1335 = tpu.vector_load %arg5[%get3A_1334] {strides = array<i32>} : memref<1600xi32, #tpu.memory_space<vmem>>, vector<16xi32>,
      %eq3A_1336 = arith.constant 0 : i32
      %eq3A_1337 = vector.broadcast %eq3A_1336 : i32 to vector<16xi32>
      %eq3A_1338 = arith.cmpi eq, %get3A_1335, %eq3A_1337 : vector<16xi32>
      %all_reduce_population_count3A_1339 = tpu.all_reduce %eq3A_1338 {dim = 0 : i64, kind = #tpu.reduction_kind<sum>} : vector<16xi1> -> vector<16xi32>
      %add3A_1340 = arith.addi %broadcast_in_dim3A_1333, %all_reduce_population_count3A_1339 : vector<16xi32>
      %get3A_1341 = arith.constant 1416 : index
      %get3A_1342 = tpu.vector_load %arg5[%get3A_1341] {strides = array<i32>} : memref<1600xi32, #tpu.memory_space<vmem>>, vector<16xi32>,
      %eq3A_1343 = arith.constant 0 : i32
      %eq3A_1344 = vector.broadcast %eq3A_1343 : i32 to vector<16xi32>
      %eq3A_1345 = arith.cmpi eq, %get3A_1342, %eq3A_1344 : vector<16xi32>
      %all_reduce_population_count3A_1346 = tpu.all_reduce %eq3A_1345 {dim = 0 : i64, kind = #tpu.reduction_kind<sum>} : vector<16xi1> -> vector<16xi32>
      %add3A_1347 = arith.addi %add3A_1340, %all_reduce_population_count3A_1346 : vector<16xi32>
      %get3A_1348 = arith.constant 1432 : index
      %get3A_1349 = tpu.vector_load %arg5[%get3A_1348] {strides = array<i32>} : memref<1600xi32, #tpu.memory_space<vmem>>, vector<16xi32>,
      %eq3A_1350 = arith.constant 0 : i32
      %eq3A_1351 = vector.broadcast %eq3A_1350 : i32 to vector<16xi32>
      %eq3A_1352 = arith.cmpi eq, %get3A_1349, %eq3A_1351 : vector<16xi32>
      %all_reduce_population_count3A_1353 = tpu.all_reduce %eq3A_1352 {dim = 0 : i64, kind = #tpu.reduction_kind<sum>} : vector<16xi1> -> vector<16xi32>
      %add3A_1354 = arith.addi %add3A_1347, %all_reduce_population_count3A_1353 : vector<16xi32>
      %get3A_1355 = arith.constant 1448 : index
      %get3A_1356 = tpu.vector_load %arg5[%get3A_1355] {strides = array<i32>} : memref<1600xi32, #tpu.memory_space<vmem>>, vector<16xi32>,
      %eq3A_1357 = arith.constant 0 : i32
      %eq3A_1358 = vector.broadcast %eq3A_1357 : i32 to vector<16xi32>
      %eq3A_1359 = arith.cmpi eq, %get3A_1356, %eq3A_1358 : vector<16xi32>
      %all_reduce_population_count3A_1360 = tpu.all_reduce %eq3A_1359 {dim = 0 : i64, kind = #tpu.reduction_kind<sum>} : vector<16xi1> -> vector<16xi32>
      %add3A_1361 = arith.addi %add3A_1354, %all_reduce_population_count3A_1360 : vector<16xi32>
      %get3A_1362 = arith.constant 1464 : index
      %get3A_1363 = tpu.vector_load %arg5[%get3A_1362] {strides = array<i32>} : memref<1600xi32, #tpu.memory_space<vmem>>, vector<16xi32>,
      %eq3A_1364 = arith.constant 0 : i32
      %eq3A_1365 = vector.broadcast %eq3A_1364 : i32 to vector<16xi32>
      %eq3A_1366 = arith.cmpi eq, %get3A_1363, %eq3A_1365 : vector<16xi32>
      %all_reduce_population_count3A_1367 = tpu.all_reduce %eq3A_1366 {dim = 0 : i64, kind = #tpu.reduction_kind<sum>} : vector<16xi1> -> vector<16xi32>
      %add3A_1368 = arith.addi %add3A_1361, %all_reduce_population_count3A_1367 : vector<16xi32>
      %get3A_1369 = arith.constant 1480 : index
      %get3A_1370 = tpu.vector_load %arg5[%get3A_1369] {strides = array<i32>} : memref<1600xi32, #tpu.memory_space<vmem>>, vector<16xi32>,
      %eq3A_1371 = arith.constant 0 : i32
      %eq3A_1372 = vector.broadcast %eq3A_1371 : i32 to vector<16xi32>
      %eq3A_1373 = arith.cmpi eq, %get3A_1370, %eq3A_1372 : vector<16xi32>
      %all_reduce_population_count3A_1374 = tpu.all_reduce %eq3A_1373 {dim = 0 : i64, kind = #tpu.reduction_kind<sum>} : vector<16xi1> -> vector<16xi32>
      %add3A_1375 = arith.addi %add3A_1368, %all_reduce_population_count3A_1374 : vector<16xi32>
      %get3A_1376 = arith.constant 1496 : index
      %get3A_1377 = tpu.vector_load %arg5[%get3A_1376] {strides = array<i32>} : memref<1600xi32, #tpu.memory_space<vmem>>, vector<16xi32>,
      %eq3A_1378 = arith.constant 0 : i32
      %eq3A_1379 = vector.broadcast %eq3A_1378 : i32 to vector<16xi32>
      %eq3A_1380 = arith.cmpi eq, %get3A_1377, %eq3A_1379 : vector<16xi32>
      %all_reduce_population_count3A_1381 = tpu.all_reduce %eq3A_1380 {dim = 0 : i64, kind = #tpu.reduction_kind<sum>} : vector<16xi1> -> vector<16xi32>
      %add3A_1382 = arith.addi %add3A_1375, %all_reduce_population_count3A_1381 : vector<16xi32>
      %get3A_1383 = arith.constant 1512 : index
      %get3A_1384 = tpu.vector_load %arg5[%get3A_1383] {strides = array<i32>} : memref<1600xi32, #tpu.memory_space<vmem>>, vector<16xi32>,
      %eq3A_1385 = arith.constant 0 : i32
      %eq3A_1386 = vector.broadcast %eq3A_1385 : i32 to vector<16xi32>
      %eq3A_1387 = arith.cmpi eq, %get3A_1384, %eq3A_1386 : vector<16xi32>
      %all_reduce_population_count3A_1388 = tpu.all_reduce %eq3A_1387 {dim = 0 : i64, kind = #tpu.reduction_kind<sum>} : vector<16xi1> -> vector<16xi32>
      %add3A_1389 = arith.addi %add3A_1382, %all_reduce_population_count3A_1388 : vector<16xi32>
      %get3A_1390 = arith.constant 1528 : index
      %get3A_1391 = tpu.vector_load %arg5[%get3A_1390] {strides = array<i32>} : memref<1600xi32, #tpu.memory_space<vmem>>, vector<16xi32>,
      %eq3A_1392 = arith.constant 0 : i32
      %eq3A_1393 = vector.broadcast %eq3A_1392 : i32 to vector<16xi32>
      %eq3A_1394 = arith.cmpi eq, %get3A_1391, %eq3A_1393 : vector<16xi32>
      %all_reduce_population_count3A_1395 = tpu.all_reduce %eq3A_1394 {dim = 0 : i64, kind = #tpu.reduction_kind<sum>} : vector<16xi1> -> vector<16xi32>
      %add3A_1396 = arith.addi %add3A_1389, %all_reduce_population_count3A_1395 : vector<16xi32>
      %get3A_1397 = arith.constant 1544 : index
      %get3A_1398 = tpu.vector_load %arg5[%get3A_1397] {strides = array<i32>} : memref<1600xi32, #tpu.memory_space<vmem>>, vector<16xi32>,
      %eq3A_1399 = arith.constant 0 : i32
      %eq3A_1400 = vector.broadcast %eq3A_1399 : i32 to vector<16xi32>
      %eq3A_1401 = arith.cmpi eq, %get3A_1398, %eq3A_1400 : vector<16xi32>
      %all_reduce_population_count3A_1402 = tpu.all_reduce %eq3A_1401 {dim = 0 : i64, kind = #tpu.reduction_kind<sum>} : vector<16xi1> -> vector<16xi32>
      %add3A_1403 = arith.addi %add3A_1396, %all_reduce_population_count3A_1402 : vector<16xi32>
      %get3A_1404 = arith.constant 1560 : index
      %get3A_1405 = tpu.vector_load %arg5[%get3A_1404] {strides = array<i32>} : memref<1600xi32, #tpu.memory_space<vmem>>, vector<16xi32>,
      %eq3A_1406 = arith.constant 0 : i32
      %eq3A_1407 = vector.broadcast %eq3A_1406 : i32 to vector<16xi32>
      %eq3A_1408 = arith.cmpi eq, %get3A_1405, %eq3A_1407 : vector<16xi32>
      %all_reduce_population_count3A_1409 = tpu.all_reduce %eq3A_1408 {dim = 0 : i64, kind = #tpu.reduction_kind<sum>} : vector<16xi1> -> vector<16xi32>
      %add3A_1410 = arith.addi %add3A_1403, %all_reduce_population_count3A_1409 : vector<16xi32>
      %get3A_1411 = arith.constant 1576 : index
      %get3A_1412 = tpu.vector_load %arg5[%get3A_1411] {strides = array<i32>} : memref<1600xi32, #tpu.memory_space<vmem>>, vector<16xi32>,
      %eq3A_1413 = arith.constant 0 : i32
      %eq3A_1414 = vector.broadcast %eq3A_1413 : i32 to vector<16xi32>
      %eq3A_1415 = arith.cmpi eq, %get3A_1412, %eq3A_1414 : vector<16xi32>
      %all_reduce_population_count3A_1416 = tpu.all_reduce %eq3A_1415 {dim = 0 : i64, kind = #tpu.reduction_kind<sum>} : vector<16xi1> -> vector<16xi32>
      %add3A_1417 = arith.addi %add3A_1410, %all_reduce_population_count3A_1416 : vector<16xi32>
      %get3A_1418 = arith.constant 1584 : index
      %get3A_1419 = tpu.vector_load %arg5[%get3A_1418] {strides = array<i32>} : memref<1600xi32, #tpu.memory_space<vmem>>, vector<16xi32>,
      %iota3A_1420 = tpu.iota {dimensions = array<i32: 0>} : vector<16xi32>
      %ge3A_1421 = arith.constant 8 : i32
      %ge3A_1422 = vector.broadcast %ge3A_1421 : i32 to vector<16xi32>
      %ge3A_1423 = arith.cmpi sge, %iota3A_1420, %ge3A_1422 : vector<16xi32>
      %eq3A_1424 = arith.constant 0 : i32
      %eq3A_1425 = vector.broadcast %eq3A_1424 : i32 to vector<16xi32>
      %eq3A_1426 = arith.cmpi eq, %get3A_1419, %eq3A_1425 : vector<16xi32>
      %and3A_1427 = arith.andi %ge3A_1423, %eq3A_1426 : vector<16xi1>
      %all_reduce_population_count3A_1428 = tpu.all_reduce %and3A_1427 {dim = 0 : i64, kind = #tpu.reduction_kind<sum>} : vector<16xi1> -> vector<16xi32>
      %add3A_1429 = arith.addi %add3A_1417, %all_reduce_population_count3A_1428 : vector<16xi32>
      %broadcast_in_dim3A_1430 = arith.constant 0.000000e+00 : f32
      %broadcast_in_dim3A_1431 = vector.broadcast %broadcast_in_dim3A_1430 : f32 to vector<16xf32>
      %scan3A_1432 = arith.constant 0 : i32
      %scan3A_1433 = arith.constant 50 : i32
      %scan3A_1434 = arith.addi %scan3A_1432, %scan3A_1433 : i32
      %scan3A_1435 = arith.constant 1 : i32
      %scan3A_1436:8 = scf.for %scan3A_2741 = %scan3A_1432 to %scan3A_1434 step %scan3A_1435 iter_args(%scan3A_2742 = %broadcast_in_dim3A_1431, %scan3A_2743 = %broadcast_in_dim3A_1431, %scan3A_2744 = %broadcast_in_dim3A_1431, %scan3A_2745 = %broadcast_in_dim3A_1431, %scan3A_2746 = %broadcast_in_dim3A_1431, %scan3A_2747 = %broadcast_in_dim3A_1431, %scan3A_2748 = %broadcast_in_dim3A_1431, %scan3A_2749 = %broadcast_in_dim3A_1431) -> (vector<16xf32>, vector<16xf32>, vector<16xf32>, vector<16xf32>, vector<16xf32>, vector<16xf32>, vector<16xf32>, vector<16xf32>)  : i32 {
        %mul3A_2750 = arith.constant 4 : i32
        %mul3A_2751 = arith.muli %mul3A_2750, %scan3A_2741 : i32
        %add3A_2752 = arith.constant 1400 : i32
        %add3A_2753 = arith.addi %add3A_2752, %mul3A_2751 : i32
        %add3A_2754 = arith.constant 0 : i32
        %add3A_2755 = arith.addi %add3A_2753, %add3A_2754 : i32
        %get3A_2756 = arith.index_cast %add3A_2755 : i32 to index
        %get3A_2757 = arith.constant 0 : index
        %get3A_2758 = tpu.vector_load %arg7[%get3A_2756, %get3A_2757] {strides = array<i32>} : memref<1600x32xf32, #tpu.memory_space<vmem>>, vector<16xf32>,
        %add3A_2759 = arith.addf %scan3A_2742, %get3A_2758 : vector<16xf32>
        %add3A_2760 = arith.constant 0 : i32
        %add3A_2761 = arith.addi %add3A_2753, %add3A_2760 : i32
        %get3A_2762 = arith.index_cast %add3A_2761 : i32 to index
        %get3A_2763 = arith.constant 16 : index
        %get3A_2764 = tpu.vector_load %arg7[%get3A_2762, %get3A_2763] {strides = array<i32>} : memref<1600x32xf32, #tpu.memory_space<vmem>>, vector<16xf32>,
        %add3A_2765 = arith.addf %scan3A_2743, %get3A_2764 : vector<16xf32>
        %add3A_2766 = arith.constant 1 : i32
        %add3A_2767 = arith.addi %add3A_2753, %add3A_2766 : i32
        %get3A_2768 = arith.index_cast %add3A_2767 : i32 to index
        %get3A_2769 = arith.constant 0 : index
        %get3A_2770 = tpu.vector_load %arg7[%get3A_2768, %get3A_2769] {strides = array<i32>} : memref<1600x32xf32, #tpu.memory_space<vmem>>, vector<16xf32>,
        %add3A_2771 = arith.addf %scan3A_2744, %get3A_2770 : vector<16xf32>
        %add3A_2772 = arith.constant 1 : i32
        %add3A_2773 = arith.addi %add3A_2753, %add3A_2772 : i32
        %get3A_2774 = arith.index_cast %add3A_2773 : i32 to index
        %get3A_2775 = arith.constant 16 : index
        %get3A_2776 = tpu.vector_load %arg7[%get3A_2774, %get3A_2775] {strides = array<i32>} : memref<1600x32xf32, #tpu.memory_space<vmem>>, vector<16xf32>,
        %add3A_2777 = arith.addf %scan3A_2745, %get3A_2776 : vector<16xf32>
        %add3A_2778 = arith.constant 2 : i32
        %add3A_2779 = arith.addi %add3A_2753, %add3A_2778 : i32
        %get3A_2780 = arith.index_cast %add3A_2779 : i32 to index
        %get3A_2781 = arith.constant 0 : index
        %get3A_2782 = tpu.vector_load %arg7[%get3A_2780, %get3A_2781] {strides = array<i32>} : memref<1600x32xf32, #tpu.memory_space<vmem>>, vector<16xf32>,
        %add3A_2783 = arith.addf %scan3A_2746, %get3A_2782 : vector<16xf32>
        %add3A_2784 = arith.constant 2 : i32
        %add3A_2785 = arith.addi %add3A_2753, %add3A_2784 : i32
        %get3A_2786 = arith.index_cast %add3A_2785 : i32 to index
        %get3A_2787 = arith.constant 16 : index
        %get3A_2788 = tpu.vector_load %arg7[%get3A_2786, %get3A_2787] {strides = array<i32>} : memref<1600x32xf32, #tpu.memory_space<vmem>>, vector<16xf32>,
        %add3A_2789 = arith.addf %scan3A_2747, %get3A_2788 : vector<16xf32>
        %add3A_2790 = arith.constant 3 : i32
        %add3A_2791 = arith.addi %add3A_2753, %add3A_2790 : i32
        %get3A_2792 = arith.index_cast %add3A_2791 : i32 to index
        %get3A_2793 = arith.constant 0 : index
        %get3A_2794 = tpu.vector_load %arg7[%get3A_2792, %get3A_2793] {strides = array<i32>} : memref<1600x32xf32, #tpu.memory_space<vmem>>, vector<16xf32>,
        %add3A_2795 = arith.addf %scan3A_2748, %get3A_2794 : vector<16xf32>
        %add3A_2796 = arith.constant 3 : i32
        %add3A_2797 = arith.addi %add3A_2753, %add3A_2796 : i32
        %get3A_2798 = arith.index_cast %add3A_2797 : i32 to index
        %get3A_2799 = arith.constant 16 : index
        %get3A_2800 = tpu.vector_load %arg7[%get3A_2798, %get3A_2799] {strides = array<i32>} : memref<1600x32xf32, #tpu.memory_space<vmem>>, vector<16xf32>,
        %add3A_2801 = arith.addf %scan3A_2749, %get3A_2800 : vector<16xf32>
        scf.yield %add3A_2759, %add3A_2765, %add3A_2771, %add3A_2777, %add3A_2783, %add3A_2789, %add3A_2795, %add3A_2801 : vector<16xf32>, vector<16xf32>, vector<16xf32>, vector<16xf32>, vector<16xf32>, vector<16xf32>, vector<16xf32>, vector<16xf32>
      }
      %scan3A_1437 = arith.constant 50 : i32
      %add3A_1438 = arith.addf %scan3A_1436#0, %scan3A_1436#2 : vector<16xf32>
      %add3A_1439 = arith.addf %scan3A_1436#4, %scan3A_1436#6 : vector<16xf32>
      %add3A_1440 = arith.addf %add3A_1438, %add3A_1439 : vector<16xf32>
      %add3A_1441 = arith.addf %scan3A_1436#1, %scan3A_1436#3 : vector<16xf32>
      %add3A_1442 = arith.addf %scan3A_1436#5, %scan3A_1436#7 : vector<16xf32>
      %add3A_1443 = arith.addf %add3A_1441, %add3A_1442 : vector<16xf32>
      %convert_element_type3A_1444 = arith.sitofp %add3A_1429 : vector<16xi32> to vector<16xf32>
      %sub3A_1445 = arith.constant 2.000000e+02 : f32
      %sub3A_1446 = vector.broadcast %sub3A_1445 : f32 to vector<16xf32>
      %sub3A_1447 = arith.subf %sub3A_1446, %convert_element_type3A_1444 : vector<16xf32>
      %max3A_1448 = arith.constant 1.000000e+00 : f32
      %max3A_1449 = vector.broadcast %max3A_1448 : f32 to vector<16xf32>
      %max3A_1450 = arith.maximumf %sub3A_1447, %max3A_1449 : vector<16xf32>
      %get3A_1451 = arith.constant 0 : i32
      %get3A_1452 = arith.index_cast %get3A_1451 : i32 to index
      %get3A_1453 = arith.constant 0 : index
      %get3A_1454 = tpu.vector_load %arg11[%get3A_1452, %get3A_1453] {strides = array<i32>} : memref<1x32xf32, #tpu.memory_space<vmem>>, vector<16xf32>,
      %get3A_1455 = arith.constant 0 : i32
      %get3A_1456 = arith.index_cast %get3A_1455 : i32 to index
      %get3A_1457 = arith.constant 16 : index
      %get3A_1458 = tpu.vector_load %arg11[%get3A_1456, %get3A_1457] {strides = array<i32>} : memref<1x32xf32, #tpu.memory_space<vmem>>, vector<16xf32>,
      %mul3A_1459 = arith.mulf %convert_element_type3A_1444, %get3A_1454 : vector<16xf32>
      %sub3A_1460 = arith.subf %add3A_1440, %mul3A_1459 : vector<16xf32>
      %div3A_1461 = arith.divf %sub3A_1460, %max3A_1450 : vector<16xf32>
      %swap3A_1462 = arith.constant 7 : i32
      %swap3A_1463 = arith.index_cast %swap3A_1462 : i32 to index
      %swap3A_1464 = arith.constant 0 : index
      %swap3A_1465 = tpu.vector_load %arg9[%swap3A_1463, %swap3A_1464] {strides = array<i32>} : memref<8x32xf32, #tpu.memory_space<vmem>>, vector<16xf32>,
      tpu.vector_store %arg9[%swap3A_1463, %swap3A_1464], %div3A_1461 {strides = array<i32>} : memref<8x32xf32, #tpu.memory_space<vmem>>, vector<16xf32>,
      %mul3A_1466 = arith.mulf %convert_element_type3A_1444, %get3A_1458 : vector<16xf32>
      %sub3A_1467 = arith.subf %add3A_1443, %mul3A_1466 : vector<16xf32>
      %div3A_1468 = arith.divf %sub3A_1467, %max3A_1450 : vector<16xf32>
      %swap3A_1469 = arith.constant 7 : i32
      %swap3A_1470 = arith.index_cast %swap3A_1469 : i32 to index
      %swap3A_1471 = arith.constant 16 : index
      %swap3A_1472 = tpu.vector_load %arg9[%swap3A_1470, %swap3A_1471] {strides = array<i32>} : memref<8x32xf32, #tpu.memory_space<vmem>>, vector<16xf32>,
      tpu.vector_store %arg9[%swap3A_1470, %swap3A_1471], %div3A_1468 {strides = array<i32>} : memref<8x32xf32, #tpu.memory_space<vmem>>, vector<16xf32>,
      %mul3A_1473 = arith.constant 8 : i32
      %mul3A_1474 = arith.muli %add3A_248, %mul3A_1473 : i32
      %add3A_1475 = arith.addi %mul3A_2, %mul3A_1474 : i32
      %dma_start3A_1476 = arith.constant 0 : i32
      %dma_start3A_1477 = tpu.memref_slice %arg4[%add3A_1475, %dma_start3A_1476] : memref<16384x32xf32, #tpu.memory_space<hbm>> -> memref<8x32xf32, #tpu.memory_space<hbm>>
      %dma_start3A_1478 = arith.constant 0 : i32
      %dma_start3A_1479 = tpu.memref_slice %arg4[%add3A_1475, %dma_start3A_1478] : memref<16384x32xf32, #tpu.memory_space<hbm>> -> memref<8x32xf32, #tpu.memory_space<hbm>>
      tpu.enqueue_dma source(%arg9 : memref<8x32xf32, #tpu.memory_space<vmem>>) target(%dma_start3A_1479 : memref<8x32xf32, #tpu.memory_space<hbm>>) target_semaphore(%arg16 : memref<!tpu.dma_semaphore, #tpu.memory_space<semaphore_mem>>)
      %add3A_1480 = arith.constant 2 : i32
      %add3A_1481 = arith.addi %add3A_248, %add3A_1480 : i32
      %lt3A = arith.constant 64 : i32
      %lt3A_1482 = arith.cmpi slt, %add3A_1481, %lt3A : i32
      %convert_element_type3A_1483 = arith.extui %lt3A_1482 : i1 to i32
      %cond3A_1484 = arith.constant 0 : i32
      %cond3A_1485 = arith.cmpi ne, %convert_element_type3A_1483, %cond3A_1484 : i32
      scf.if %cond3A_1485 {
        %add3A_2741 = arith.constant 2 : i32
        %add3A_2742 = arith.addi %add3A_248, %add3A_2741 : i32
        %mul3A_2743 = arith.constant 1600 : i32
        %mul3A_2744 = arith.muli %add3A_2742, %mul3A_2743 : i32
        %add3A_2745 = arith.addi %mul3A_4, %mul3A_2744 : i32
        %dma_start3A_2746 = tpu.memref_slice %arg2[%add3A_2745] : memref<3276800xi32, #tpu.memory_space<hbm>> -> memref<1600xi32, #tpu.memory_space<hbm>>
        %dma_start3A_2747 = tpu.memref_slice %arg2[%add3A_2745] : memref<3276800xi32, #tpu.memory_space<hbm>> -> memref<1600xi32, #tpu.memory_space<hbm>>
        tpu.enqueue_dma source(%dma_start3A_2747 : memref<1600xi32, #tpu.memory_space<hbm>>) target(%arg5 : memref<1600xi32, #tpu.memory_space<vmem>>) target_semaphore(%arg12 : memref<!tpu.dma_semaphore, #tpu.memory_space<semaphore_mem>>)
        %add3A_2748 = arith.constant 2 : i32
        %add3A_2749 = arith.addi %add3A_248, %add3A_2748 : i32
        %mul3A_2750 = arith.constant 1600 : i32
        %mul3A_2751 = arith.muli %add3A_2749, %mul3A_2750 : i32
        %add3A_2752 = arith.addi %mul3A_4, %mul3A_2751 : i32
        %dma_wait3A_2753 = tpu.memref_slice %arg2[%add3A_2752] : memref<3276800xi32, #tpu.memory_space<hbm>> -> memref<1600xi32, #tpu.memory_space<hbm>>
        %dma_wait3A_2754 = tpu.memref_slice %arg2[%add3A_2752] : memref<3276800xi32, #tpu.memory_space<hbm>> -> memref<1600xi32, #tpu.memory_space<hbm>>
        tpu.wait_dma2 semaphore(%arg12 : memref<!tpu.dma_semaphore, #tpu.memory_space<semaphore_mem>>) src(%dma_wait3A_2754 : memref<1600xi32, #tpu.memory_space<hbm>>) dst(%arg5 : memref<1600xi32, #tpu.memory_space<vmem>>)
        %dma_start3A_2755 = arith.constant 0 : i32
        %dma_start3A_2756 = arith.constant 0 : i32
        %dma_start3A_2757 = tpu.memref_slice %arg7[%dma_start3A_2755, %dma_start3A_2756] : memref<1600x32xf32, #tpu.memory_space<vmem>> -> memref<128x32xf32, #tpu.memory_space<vmem>>
        %dma_start3A_2758 = arith.constant 0 : i32
        %dma_start3A_2759 = tpu.memref_slice %arg5[%dma_start3A_2758] : memref<1600xi32, #tpu.memory_space<vmem>> -> memref<128xi32, #tpu.memory_space<vmem>>
        %dma_start3A_2760 = arith.constant 0 : i32
        %dma_start3A_2761 = arith.constant 0 : i32
        %dma_start3A_2762 = tpu.memref_slice %arg3[%dma_start3A_2760, %dma_start3A_2761] : memref<1000000x32xf32, #tpu.memory_space<hbm>> -> memref<1000000x32xf32, #tpu.memory_space<hbm>>
        tpu.enqueue_indirect_dma source(%dma_start3A_2762 : memref<1000000x32xf32, #tpu.memory_space<hbm>>) target(%dma_start3A_2757 : memref<128x32xf32, #tpu.memory_space<vmem>>) offsets(%dma_start3A_2759 : memref<128xi32, #tpu.memory_space<vmem>>) semaphore(%arg14 : memref<!tpu.dma_semaphore, #tpu.memory_space<semaphore_mem>>)
        %dma_start3A_2763 = arith.constant 128 : i32
        %dma_start3A_2764 = arith.constant 0 : i32
        %dma_start3A_2765 = tpu.memref_slice %arg7[%dma_start3A_2763, %dma_start3A_2764] : memref<1600x32xf32, #tpu.memory_space<vmem>> -> memref<128x32xf32, #tpu.memory_space<vmem>>
        %dma_start3A_2766 = arith.constant 128 : i32
        %dma_start3A_2767 = tpu.memref_slice %arg5[%dma_start3A_2766] : memref<1600xi32, #tpu.memory_space<vmem>> -> memref<128xi32, #tpu.memory_space<vmem>>
        %dma_start3A_2768 = arith.constant 0 : i32
        %dma_start3A_2769 = arith.constant 0 : i32
        %dma_start3A_2770 = tpu.memref_slice %arg3[%dma_start3A_2768, %dma_start3A_2769] : memref<1000000x32xf32, #tpu.memory_space<hbm>> -> memref<1000000x32xf32, #tpu.memory_space<hbm>>
        tpu.enqueue_indirect_dma source(%dma_start3A_2770 : memref<1000000x32xf32, #tpu.memory_space<hbm>>) target(%dma_start3A_2765 : memref<128x32xf32, #tpu.memory_space<vmem>>) offsets(%dma_start3A_2767 : memref<128xi32, #tpu.memory_space<vmem>>) semaphore(%arg14 : memref<!tpu.dma_semaphore, #tpu.memory_space<semaphore_mem>>)
        %dma_start3A_2771 = arith.constant 256 : i32
        %dma_start3A_2772 = arith.constant 0 : i32
        %dma_start3A_2773 = tpu.memref_slice %arg7[%dma_start3A_2771, %dma_start3A_2772] : memref<1600x32xf32, #tpu.memory_space<vmem>> -> memref<128x32xf32, #tpu.memory_space<vmem>>
        %dma_start3A_2774 = arith.constant 256 : i32
        %dma_start3A_2775 = tpu.memref_slice %arg5[%dma_start3A_2774] : memref<1600xi32, #tpu.memory_space<vmem>> -> memref<128xi32, #tpu.memory_space<vmem>>
        %dma_start3A_2776 = arith.constant 0 : i32
        %dma_start3A_2777 = arith.constant 0 : i32
        %dma_start3A_2778 = tpu.memref_slice %arg3[%dma_start3A_2776, %dma_start3A_2777] : memref<1000000x32xf32, #tpu.memory_space<hbm>> -> memref<1000000x32xf32, #tpu.memory_space<hbm>>
        tpu.enqueue_indirect_dma source(%dma_start3A_2778 : memref<1000000x32xf32, #tpu.memory_space<hbm>>) target(%dma_start3A_2773 : memref<128x32xf32, #tpu.memory_space<vmem>>) offsets(%dma_start3A_2775 : memref<128xi32, #tpu.memory_space<vmem>>) semaphore(%arg14 : memref<!tpu.dma_semaphore, #tpu.memory_space<semaphore_mem>>)
        %dma_start3A_2779 = arith.constant 384 : i32
        %dma_start3A_2780 = arith.constant 0 : i32
        %dma_start3A_2781 = tpu.memref_slice %arg7[%dma_start3A_2779, %dma_start3A_2780] : memref<1600x32xf32, #tpu.memory_space<vmem>> -> memref<128x32xf32, #tpu.memory_space<vmem>>
        %dma_start3A_2782 = arith.constant 384 : i32
        %dma_start3A_2783 = tpu.memref_slice %arg5[%dma_start3A_2782] : memref<1600xi32, #tpu.memory_space<vmem>> -> memref<128xi32, #tpu.memory_space<vmem>>
        %dma_start3A_2784 = arith.constant 0 : i32
        %dma_start3A_2785 = arith.constant 0 : i32
        %dma_start3A_2786 = tpu.memref_slice %arg3[%dma_start3A_2784, %dma_start3A_2785] : memref<1000000x32xf32, #tpu.memory_space<hbm>> -> memref<1000000x32xf32, #tpu.memory_space<hbm>>
        tpu.enqueue_indirect_dma source(%dma_start3A_2786 : memref<1000000x32xf32, #tpu.memory_space<hbm>>) target(%dma_start3A_2781 : memref<128x32xf32, #tpu.memory_space<vmem>>) offsets(%dma_start3A_2783 : memref<128xi32, #tpu.memory_space<vmem>>) semaphore(%arg14 : memref<!tpu.dma_semaphore, #tpu.memory_space<semaphore_mem>>)
        %dma_start3A_2787 = arith.constant 512 : i32
        %dma_start3A_2788 = arith.constant 0 : i32
        %dma_start3A_2789 = tpu.memref_slice %arg7[%dma_start3A_2787, %dma_start3A_2788] : memref<1600x32xf32, #tpu.memory_space<vmem>> -> memref<128x32xf32, #tpu.memory_space<vmem>>
        %dma_start3A_2790 = arith.constant 512 : i32
        %dma_start3A_2791 = tpu.memref_slice %arg5[%dma_start3A_2790] : memref<1600xi32, #tpu.memory_space<vmem>> -> memref<128xi32, #tpu.memory_space<vmem>>
        %dma_start3A_2792 = arith.constant 0 : i32
        %dma_start3A_2793 = arith.constant 0 : i32
        %dma_start3A_2794 = tpu.memref_slice %arg3[%dma_start3A_2792, %dma_start3A_2793] : memref<1000000x32xf32, #tpu.memory_space<hbm>> -> memref<1000000x32xf32, #tpu.memory_space<hbm>>
        tpu.enqueue_indirect_dma source(%dma_start3A_2794 : memref<1000000x32xf32, #tpu.memory_space<hbm>>) target(%dma_start3A_2789 : memref<128x32xf32, #tpu.memory_space<vmem>>) offsets(%dma_start3A_2791 : memref<128xi32, #tpu.memory_space<vmem>>) semaphore(%arg14 : memref<!tpu.dma_semaphore, #tpu.memory_space<semaphore_mem>>)
        %dma_start3A_2795 = arith.constant 640 : i32
        %dma_start3A_2796 = arith.constant 0 : i32
        %dma_start3A_2797 = tpu.memref_slice %arg7[%dma_start3A_2795, %dma_start3A_2796] : memref<1600x32xf32, #tpu.memory_space<vmem>> -> memref<128x32xf32, #tpu.memory_space<vmem>>
        %dma_start3A_2798 = arith.constant 640 : i32
        %dma_start3A_2799 = tpu.memref_slice %arg5[%dma_start3A_2798] : memref<1600xi32, #tpu.memory_space<vmem>> -> memref<128xi32, #tpu.memory_space<vmem>>
        %dma_start3A_2800 = arith.constant 0 : i32
        %dma_start3A_2801 = arith.constant 0 : i32
        %dma_start3A_2802 = tpu.memref_slice %arg3[%dma_start3A_2800, %dma_start3A_2801] : memref<1000000x32xf32, #tpu.memory_space<hbm>> -> memref<1000000x32xf32, #tpu.memory_space<hbm>>
        tpu.enqueue_indirect_dma source(%dma_start3A_2802 : memref<1000000x32xf32, #tpu.memory_space<hbm>>) target(%dma_start3A_2797 : memref<128x32xf32, #tpu.memory_space<vmem>>) offsets(%dma_start3A_2799 : memref<128xi32, #tpu.memory_space<vmem>>) semaphore(%arg14 : memref<!tpu.dma_semaphore, #tpu.memory_space<semaphore_mem>>)
        %dma_start3A_2803 = arith.constant 768 : i32
        %dma_start3A_2804 = arith.constant 0 : i32
        %dma_start3A_2805 = tpu.memref_slice %arg7[%dma_start3A_2803, %dma_start3A_2804] : memref<1600x32xf32, #tpu.memory_space<vmem>> -> memref<128x32xf32, #tpu.memory_space<vmem>>
        %dma_start3A_2806 = arith.constant 768 : i32
        %dma_start3A_2807 = tpu.memref_slice %arg5[%dma_start3A_2806] : memref<1600xi32, #tpu.memory_space<vmem>> -> memref<128xi32, #tpu.memory_space<vmem>>
        %dma_start3A_2808 = arith.constant 0 : i32
        %dma_start3A_2809 = arith.constant 0 : i32
        %dma_start3A_2810 = tpu.memref_slice %arg3[%dma_start3A_2808, %dma_start3A_2809] : memref<1000000x32xf32, #tpu.memory_space<hbm>> -> memref<1000000x32xf32, #tpu.memory_space<hbm>>
        tpu.enqueue_indirect_dma source(%dma_start3A_2810 : memref<1000000x32xf32, #tpu.memory_space<hbm>>) target(%dma_start3A_2805 : memref<128x32xf32, #tpu.memory_space<vmem>>) offsets(%dma_start3A_2807 : memref<128xi32, #tpu.memory_space<vmem>>) semaphore(%arg14 : memref<!tpu.dma_semaphore, #tpu.memory_space<semaphore_mem>>)
        %dma_start3A_2811 = arith.constant 896 : i32
        %dma_start3A_2812 = arith.constant 0 : i32
        %dma_start3A_2813 = tpu.memref_slice %arg7[%dma_start3A_2811, %dma_start3A_2812] : memref<1600x32xf32, #tpu.memory_space<vmem>> -> memref<128x32xf32, #tpu.memory_space<vmem>>
        %dma_start3A_2814 = arith.constant 896 : i32
        %dma_start3A_2815 = tpu.memref_slice %arg5[%dma_start3A_2814] : memref<1600xi32, #tpu.memory_space<vmem>> -> memref<128xi32, #tpu.memory_space<vmem>>
        %dma_start3A_2816 = arith.constant 0 : i32
        %dma_start3A_2817 = arith.constant 0 : i32
        %dma_start3A_2818 = tpu.memref_slice %arg3[%dma_start3A_2816, %dma_start3A_2817] : memref<1000000x32xf32, #tpu.memory_space<hbm>> -> memref<1000000x32xf32, #tpu.memory_space<hbm>>
        tpu.enqueue_indirect_dma source(%dma_start3A_2818 : memref<1000000x32xf32, #tpu.memory_space<hbm>>) target(%dma_start3A_2813 : memref<128x32xf32, #tpu.memory_space<vmem>>) offsets(%dma_start3A_2815 : memref<128xi32, #tpu.memory_space<vmem>>) semaphore(%arg14 : memref<!tpu.dma_semaphore, #tpu.memory_space<semaphore_mem>>)
        %dma_start3A_2819 = arith.constant 1024 : i32
        %dma_start3A_2820 = arith.constant 0 : i32
        %dma_start3A_2821 = tpu.memref_slice %arg7[%dma_start3A_2819, %dma_start3A_2820] : memref<1600x32xf32, #tpu.memory_space<vmem>> -> memref<128x32xf32, #tpu.memory_space<vmem>>
        %dma_start3A_2822 = arith.constant 1024 : i32
        %dma_start3A_2823 = tpu.memref_slice %arg5[%dma_start3A_2822] : memref<1600xi32, #tpu.memory_space<vmem>> -> memref<128xi32, #tpu.memory_space<vmem>>
        %dma_start3A_2824 = arith.constant 0 : i32
        %dma_start3A_2825 = arith.constant 0 : i32
        %dma_start3A_2826 = tpu.memref_slice %arg3[%dma_start3A_2824, %dma_start3A_2825] : memref<1000000x32xf32, #tpu.memory_space<hbm>> -> memref<1000000x32xf32, #tpu.memory_space<hbm>>
        tpu.enqueue_indirect_dma source(%dma_start3A_2826 : memref<1000000x32xf32, #tpu.memory_space<hbm>>) target(%dma_start3A_2821 : memref<128x32xf32, #tpu.memory_space<vmem>>) offsets(%dma_start3A_2823 : memref<128xi32, #tpu.memory_space<vmem>>) semaphore(%arg14 : memref<!tpu.dma_semaphore, #tpu.memory_space<semaphore_mem>>)
        %dma_start3A_2827 = arith.constant 1152 : i32
        %dma_start3A_2828 = arith.constant 0 : i32
        %dma_start3A_2829 = tpu.memref_slice %arg7[%dma_start3A_2827, %dma_start3A_2828] : memref<1600x32xf32, #tpu.memory_space<vmem>> -> memref<128x32xf32, #tpu.memory_space<vmem>>
        %dma_start3A_2830 = arith.constant 1152 : i32
        %dma_start3A_2831 = tpu.memref_slice %arg5[%dma_start3A_2830] : memref<1600xi32, #tpu.memory_space<vmem>> -> memref<128xi32, #tpu.memory_space<vmem>>
        %dma_start3A_2832 = arith.constant 0 : i32
        %dma_start3A_2833 = arith.constant 0 : i32
        %dma_start3A_2834 = tpu.memref_slice %arg3[%dma_start3A_2832, %dma_start3A_2833] : memref<1000000x32xf32, #tpu.memory_space<hbm>> -> memref<1000000x32xf32, #tpu.memory_space<hbm>>
        tpu.enqueue_indirect_dma source(%dma_start3A_2834 : memref<1000000x32xf32, #tpu.memory_space<hbm>>) target(%dma_start3A_2829 : memref<128x32xf32, #tpu.memory_space<vmem>>) offsets(%dma_start3A_2831 : memref<128xi32, #tpu.memory_space<vmem>>) semaphore(%arg14 : memref<!tpu.dma_semaphore, #tpu.memory_space<semaphore_mem>>)
        %dma_start3A_2835 = arith.constant 1280 : i32
        %dma_start3A_2836 = arith.constant 0 : i32
        %dma_start3A_2837 = tpu.memref_slice %arg7[%dma_start3A_2835, %dma_start3A_2836] : memref<1600x32xf32, #tpu.memory_space<vmem>> -> memref<128x32xf32, #tpu.memory_space<vmem>>
        %dma_start3A_2838 = arith.constant 1280 : i32
        %dma_start3A_2839 = tpu.memref_slice %arg5[%dma_start3A_2838] : memref<1600xi32, #tpu.memory_space<vmem>> -> memref<128xi32, #tpu.memory_space<vmem>>
        %dma_start3A_2840 = arith.constant 0 : i32
        %dma_start3A_2841 = arith.constant 0 : i32
        %dma_start3A_2842 = tpu.memref_slice %arg3[%dma_start3A_2840, %dma_start3A_2841] : memref<1000000x32xf32, #tpu.memory_space<hbm>> -> memref<1000000x32xf32, #tpu.memory_space<hbm>>
        tpu.enqueue_indirect_dma source(%dma_start3A_2842 : memref<1000000x32xf32, #tpu.memory_space<hbm>>) target(%dma_start3A_2837 : memref<128x32xf32, #tpu.memory_space<vmem>>) offsets(%dma_start3A_2839 : memref<128xi32, #tpu.memory_space<vmem>>) semaphore(%arg14 : memref<!tpu.dma_semaphore, #tpu.memory_space<semaphore_mem>>)
        %dma_start3A_2843 = arith.constant 1408 : i32
        %dma_start3A_2844 = arith.constant 0 : i32
        %dma_start3A_2845 = tpu.memref_slice %arg7[%dma_start3A_2843, %dma_start3A_2844] : memref<1600x32xf32, #tpu.memory_space<vmem>> -> memref<128x32xf32, #tpu.memory_space<vmem>>
        %dma_start3A_2846 = arith.constant 1408 : i32
        %dma_start3A_2847 = tpu.memref_slice %arg5[%dma_start3A_2846] : memref<1600xi32, #tpu.memory_space<vmem>> -> memref<128xi32, #tpu.memory_space<vmem>>
        %dma_start3A_2848 = arith.constant 0 : i32
        %dma_start3A_2849 = arith.constant 0 : i32
        %dma_start3A_2850 = tpu.memref_slice %arg3[%dma_start3A_2848, %dma_start3A_2849] : memref<1000000x32xf32, #tpu.memory_space<hbm>> -> memref<1000000x32xf32, #tpu.memory_space<hbm>>
        tpu.enqueue_indirect_dma source(%dma_start3A_2850 : memref<1000000x32xf32, #tpu.memory_space<hbm>>) target(%dma_start3A_2845 : memref<128x32xf32, #tpu.memory_space<vmem>>) offsets(%dma_start3A_2847 : memref<128xi32, #tpu.memory_space<vmem>>) semaphore(%arg14 : memref<!tpu.dma_semaphore, #tpu.memory_space<semaphore_mem>>)
        %dma_start3A_2851 = arith.constant 1536 : i32
        %dma_start3A_2852 = arith.constant 0 : i32
        %dma_start3A_2853 = tpu.memref_slice %arg7[%dma_start3A_2851, %dma_start3A_2852] : memref<1600x32xf32, #tpu.memory_space<vmem>> -> memref<64x32xf32, #tpu.memory_space<vmem>>
        %dma_start3A_2854 = arith.constant 1536 : i32
        %dma_start3A_2855 = tpu.memref_slice %arg5[%dma_start3A_2854] : memref<1600xi32, #tpu.memory_space<vmem>> -> memref<64xi32, #tpu.memory_space<vmem>>
        %dma_start3A_2856 = arith.constant 0 : i32
        %dma_start3A_2857 = arith.constant 0 : i32
        %dma_start3A_2858 = tpu.memref_slice %arg3[%dma_start3A_2856, %dma_start3A_2857] : memref<1000000x32xf32, #tpu.memory_space<hbm>> -> memref<1000000x32xf32, #tpu.memory_space<hbm>>
        tpu.enqueue_indirect_dma source(%dma_start3A_2858 : memref<1000000x32xf32, #tpu.memory_space<hbm>>) target(%dma_start3A_2853 : memref<64x32xf32, #tpu.memory_space<vmem>>) offsets(%dma_start3A_2855 : memref<64xi32, #tpu.memory_space<vmem>>) semaphore(%arg14 : memref<!tpu.dma_semaphore, #tpu.memory_space<semaphore_mem>>)
      } else {
      }
      %mul3A_1486 = arith.constant 2 : i32
      %mul3A_1487 = arith.muli %scan3A_244, %mul3A_1486 : i32
      %add3A_1488 = arith.constant 1 : i32
      %add3A_1489 = arith.addi %mul3A_1487, %add3A_1488 : i32
      %dma_wait3A_1490 = arith.constant 0 : i32
      %dma_wait3A_1491 = arith.constant 0 : i32
      %dma_wait3A_1492 = tpu.memref_slice %arg8[%dma_wait3A_1490, %dma_wait3A_1491] : memref<1600x32xf32, #tpu.memory_space<vmem>> -> memref<128x32xf32, #tpu.memory_space<vmem>>
      %dma_wait3A_1493 = arith.constant 0 : i32
      %dma_wait3A_1494 = tpu.memref_slice %arg6[%dma_wait3A_1493] : memref<1600xi32, #tpu.memory_space<vmem>> -> memref<128xi32, #tpu.memory_space<vmem>>
      %dma_wait3A_1495 = arith.constant 0 : i32
      %dma_wait3A_1496 = arith.constant 0 : i32
      %dma_wait3A_1497 = tpu.memref_slice %arg3[%dma_wait3A_1495, %dma_wait3A_1496] : memref<1000000x32xf32, #tpu.memory_space<hbm>> -> memref<1000000x32xf32, #tpu.memory_space<hbm>>
      tpu.wait_indirect_dma semaphore(%arg15 : memref<!tpu.dma_semaphore, #tpu.memory_space<semaphore_mem>>) src(%dma_wait3A_1497 : memref<1000000x32xf32, #tpu.memory_space<hbm>>) dst(%dma_wait3A_1492 : memref<128x32xf32, #tpu.memory_space<vmem>>)
      %dma_wait3A_1498 = arith.constant 128 : i32
      %dma_wait3A_1499 = arith.constant 0 : i32
      %dma_wait3A_1500 = tpu.memref_slice %arg8[%dma_wait3A_1498, %dma_wait3A_1499] : memref<1600x32xf32, #tpu.memory_space<vmem>> -> memref<128x32xf32, #tpu.memory_space<vmem>>
      %dma_wait3A_1501 = arith.constant 128 : i32
      %dma_wait3A_1502 = tpu.memref_slice %arg6[%dma_wait3A_1501] : memref<1600xi32, #tpu.memory_space<vmem>> -> memref<128xi32, #tpu.memory_space<vmem>>
      %dma_wait3A_1503 = arith.constant 0 : i32
      %dma_wait3A_1504 = arith.constant 0 : i32
      %dma_wait3A_1505 = tpu.memref_slice %arg3[%dma_wait3A_1503, %dma_wait3A_1504] : memref<1000000x32xf32, #tpu.memory_space<hbm>> -> memref<1000000x32xf32, #tpu.memory_space<hbm>>
      tpu.wait_indirect_dma semaphore(%arg15 : memref<!tpu.dma_semaphore, #tpu.memory_space<semaphore_mem>>) src(%dma_wait3A_1505 : memref<1000000x32xf32, #tpu.memory_space<hbm>>) dst(%dma_wait3A_1500 : memref<128x32xf32, #tpu.memory_space<vmem>>)
      %dma_wait3A_1506 = arith.constant 256 : i32
      %dma_wait3A_1507 = arith.constant 0 : i32
      %dma_wait3A_1508 = tpu.memref_slice %arg8[%dma_wait3A_1506, %dma_wait3A_1507] : memref<1600x32xf32, #tpu.memory_space<vmem>> -> memref<128x32xf32, #tpu.memory_space<vmem>>
      %dma_wait3A_1509 = arith.constant 256 : i32
      %dma_wait3A_1510 = tpu.memref_slice %arg6[%dma_wait3A_1509] : memref<1600xi32, #tpu.memory_space<vmem>> -> memref<128xi32, #tpu.memory_space<vmem>>
      %dma_wait3A_1511 = arith.constant 0 : i32
      %dma_wait3A_1512 = arith.constant 0 : i32
      %dma_wait3A_1513 = tpu.memref_slice %arg3[%dma_wait3A_1511, %dma_wait3A_1512] : memref<1000000x32xf32, #tpu.memory_space<hbm>> -> memref<1000000x32xf32, #tpu.memory_space<hbm>>
      tpu.wait_indirect_dma semaphore(%arg15 : memref<!tpu.dma_semaphore, #tpu.memory_space<semaphore_mem>>) src(%dma_wait3A_1513 : memref<1000000x32xf32, #tpu.memory_space<hbm>>) dst(%dma_wait3A_1508 : memref<128x32xf32, #tpu.memory_space<vmem>>)
      %dma_wait3A_1514 = arith.constant 384 : i32
      %dma_wait3A_1515 = arith.constant 0 : i32
      %dma_wait3A_1516 = tpu.memref_slice %arg8[%dma_wait3A_1514, %dma_wait3A_1515] : memref<1600x32xf32, #tpu.memory_space<vmem>> -> memref<128x32xf32, #tpu.memory_space<vmem>>
      %dma_wait3A_1517 = arith.constant 384 : i32
      %dma_wait3A_1518 = tpu.memref_slice %arg6[%dma_wait3A_1517] : memref<1600xi32, #tpu.memory_space<vmem>> -> memref<128xi32, #tpu.memory_space<vmem>>
      %dma_wait3A_1519 = arith.constant 0 : i32
      %dma_wait3A_1520 = arith.constant 0 : i32
      %dma_wait3A_1521 = tpu.memref_slice %arg3[%dma_wait3A_1519, %dma_wait3A_1520] : memref<1000000x32xf32, #tpu.memory_space<hbm>> -> memref<1000000x32xf32, #tpu.memory_space<hbm>>
      tpu.wait_indirect_dma semaphore(%arg15 : memref<!tpu.dma_semaphore, #tpu.memory_space<semaphore_mem>>) src(%dma_wait3A_1521 : memref<1000000x32xf32, #tpu.memory_space<hbm>>) dst(%dma_wait3A_1516 : memref<128x32xf32, #tpu.memory_space<vmem>>)
      %dma_wait3A_1522 = arith.constant 512 : i32
      %dma_wait3A_1523 = arith.constant 0 : i32
      %dma_wait3A_1524 = tpu.memref_slice %arg8[%dma_wait3A_1522, %dma_wait3A_1523] : memref<1600x32xf32, #tpu.memory_space<vmem>> -> memref<128x32xf32, #tpu.memory_space<vmem>>
      %dma_wait3A_1525 = arith.constant 512 : i32
      %dma_wait3A_1526 = tpu.memref_slice %arg6[%dma_wait3A_1525] : memref<1600xi32, #tpu.memory_space<vmem>> -> memref<128xi32, #tpu.memory_space<vmem>>
      %dma_wait3A_1527 = arith.constant 0 : i32
      %dma_wait3A_1528 = arith.constant 0 : i32
      %dma_wait3A_1529 = tpu.memref_slice %arg3[%dma_wait3A_1527, %dma_wait3A_1528] : memref<1000000x32xf32, #tpu.memory_space<hbm>> -> memref<1000000x32xf32, #tpu.memory_space<hbm>>
      tpu.wait_indirect_dma semaphore(%arg15 : memref<!tpu.dma_semaphore, #tpu.memory_space<semaphore_mem>>) src(%dma_wait3A_1529 : memref<1000000x32xf32, #tpu.memory_space<hbm>>) dst(%dma_wait3A_1524 : memref<128x32xf32, #tpu.memory_space<vmem>>)
      %dma_wait3A_1530 = arith.constant 640 : i32
      %dma_wait3A_1531 = arith.constant 0 : i32
      %dma_wait3A_1532 = tpu.memref_slice %arg8[%dma_wait3A_1530, %dma_wait3A_1531] : memref<1600x32xf32, #tpu.memory_space<vmem>> -> memref<128x32xf32, #tpu.memory_space<vmem>>
      %dma_wait3A_1533 = arith.constant 640 : i32
      %dma_wait3A_1534 = tpu.memref_slice %arg6[%dma_wait3A_1533] : memref<1600xi32, #tpu.memory_space<vmem>> -> memref<128xi32, #tpu.memory_space<vmem>>
      %dma_wait3A_1535 = arith.constant 0 : i32
      %dma_wait3A_1536 = arith.constant 0 : i32
      %dma_wait3A_1537 = tpu.memref_slice %arg3[%dma_wait3A_1535, %dma_wait3A_1536] : memref<1000000x32xf32, #tpu.memory_space<hbm>> -> memref<1000000x32xf32, #tpu.memory_space<hbm>>
      tpu.wait_indirect_dma semaphore(%arg15 : memref<!tpu.dma_semaphore, #tpu.memory_space<semaphore_mem>>) src(%dma_wait3A_1537 : memref<1000000x32xf32, #tpu.memory_space<hbm>>) dst(%dma_wait3A_1532 : memref<128x32xf32, #tpu.memory_space<vmem>>)
      %dma_wait3A_1538 = arith.constant 768 : i32
      %dma_wait3A_1539 = arith.constant 0 : i32
      %dma_wait3A_1540 = tpu.memref_slice %arg8[%dma_wait3A_1538, %dma_wait3A_1539] : memref<1600x32xf32, #tpu.memory_space<vmem>> -> memref<128x32xf32, #tpu.memory_space<vmem>>
      %dma_wait3A_1541 = arith.constant 768 : i32
      %dma_wait3A_1542 = tpu.memref_slice %arg6[%dma_wait3A_1541] : memref<1600xi32, #tpu.memory_space<vmem>> -> memref<128xi32, #tpu.memory_space<vmem>>
      %dma_wait3A_1543 = arith.constant 0 : i32
      %dma_wait3A_1544 = arith.constant 0 : i32
      %dma_wait3A_1545 = tpu.memref_slice %arg3[%dma_wait3A_1543, %dma_wait3A_1544] : memref<1000000x32xf32, #tpu.memory_space<hbm>> -> memref<1000000x32xf32, #tpu.memory_space<hbm>>
      tpu.wait_indirect_dma semaphore(%arg15 : memref<!tpu.dma_semaphore, #tpu.memory_space<semaphore_mem>>) src(%dma_wait3A_1545 : memref<1000000x32xf32, #tpu.memory_space<hbm>>) dst(%dma_wait3A_1540 : memref<128x32xf32, #tpu.memory_space<vmem>>)
      %dma_wait3A_1546 = arith.constant 896 : i32
      %dma_wait3A_1547 = arith.constant 0 : i32
      %dma_wait3A_1548 = tpu.memref_slice %arg8[%dma_wait3A_1546, %dma_wait3A_1547] : memref<1600x32xf32, #tpu.memory_space<vmem>> -> memref<128x32xf32, #tpu.memory_space<vmem>>
      %dma_wait3A_1549 = arith.constant 896 : i32
      %dma_wait3A_1550 = tpu.memref_slice %arg6[%dma_wait3A_1549] : memref<1600xi32, #tpu.memory_space<vmem>> -> memref<128xi32, #tpu.memory_space<vmem>>
      %dma_wait3A_1551 = arith.constant 0 : i32
      %dma_wait3A_1552 = arith.constant 0 : i32
      %dma_wait3A_1553 = tpu.memref_slice %arg3[%dma_wait3A_1551, %dma_wait3A_1552] : memref<1000000x32xf32, #tpu.memory_space<hbm>> -> memref<1000000x32xf32, #tpu.memory_space<hbm>>
      tpu.wait_indirect_dma semaphore(%arg15 : memref<!tpu.dma_semaphore, #tpu.memory_space<semaphore_mem>>) src(%dma_wait3A_1553 : memref<1000000x32xf32, #tpu.memory_space<hbm>>) dst(%dma_wait3A_1548 : memref<128x32xf32, #tpu.memory_space<vmem>>)
      %dma_wait3A_1554 = arith.constant 1024 : i32
      %dma_wait3A_1555 = arith.constant 0 : i32
      %dma_wait3A_1556 = tpu.memref_slice %arg8[%dma_wait3A_1554, %dma_wait3A_1555] : memref<1600x32xf32, #tpu.memory_space<vmem>> -> memref<128x32xf32, #tpu.memory_space<vmem>>
      %dma_wait3A_1557 = arith.constant 1024 : i32
      %dma_wait3A_1558 = tpu.memref_slice %arg6[%dma_wait3A_1557] : memref<1600xi32, #tpu.memory_space<vmem>> -> memref<128xi32, #tpu.memory_space<vmem>>
      %dma_wait3A_1559 = arith.constant 0 : i32
      %dma_wait3A_1560 = arith.constant 0 : i32
      %dma_wait3A_1561 = tpu.memref_slice %arg3[%dma_wait3A_1559, %dma_wait3A_1560] : memref<1000000x32xf32, #tpu.memory_space<hbm>> -> memref<1000000x32xf32, #tpu.memory_space<hbm>>
      tpu.wait_indirect_dma semaphore(%arg15 : memref<!tpu.dma_semaphore, #tpu.memory_space<semaphore_mem>>) src(%dma_wait3A_1561 : memref<1000000x32xf32, #tpu.memory_space<hbm>>) dst(%dma_wait3A_1556 : memref<128x32xf32, #tpu.memory_space<vmem>>)
      %dma_wait3A_1562 = arith.constant 1152 : i32
      %dma_wait3A_1563 = arith.constant 0 : i32
      %dma_wait3A_1564 = tpu.memref_slice %arg8[%dma_wait3A_1562, %dma_wait3A_1563] : memref<1600x32xf32, #tpu.memory_space<vmem>> -> memref<128x32xf32, #tpu.memory_space<vmem>>
      %dma_wait3A_1565 = arith.constant 1152 : i32
      %dma_wait3A_1566 = tpu.memref_slice %arg6[%dma_wait3A_1565] : memref<1600xi32, #tpu.memory_space<vmem>> -> memref<128xi32, #tpu.memory_space<vmem>>
      %dma_wait3A_1567 = arith.constant 0 : i32
      %dma_wait3A_1568 = arith.constant 0 : i32
      %dma_wait3A_1569 = tpu.memref_slice %arg3[%dma_wait3A_1567, %dma_wait3A_1568] : memref<1000000x32xf32, #tpu.memory_space<hbm>> -> memref<1000000x32xf32, #tpu.memory_space<hbm>>
      tpu.wait_indirect_dma semaphore(%arg15 : memref<!tpu.dma_semaphore, #tpu.memory_space<semaphore_mem>>) src(%dma_wait3A_1569 : memref<1000000x32xf32, #tpu.memory_space<hbm>>) dst(%dma_wait3A_1564 : memref<128x32xf32, #tpu.memory_space<vmem>>)
      %dma_wait3A_1570 = arith.constant 1280 : i32
      %dma_wait3A_1571 = arith.constant 0 : i32
      %dma_wait3A_1572 = tpu.memref_slice %arg8[%dma_wait3A_1570, %dma_wait3A_1571] : memref<1600x32xf32, #tpu.memory_space<vmem>> -> memref<128x32xf32, #tpu.memory_space<vmem>>
      %dma_wait3A_1573 = arith.constant 1280 : i32
      %dma_wait3A_1574 = tpu.memref_slice %arg6[%dma_wait3A_1573] : memref<1600xi32, #tpu.memory_space<vmem>> -> memref<128xi32, #tpu.memory_space<vmem>>
      %dma_wait3A_1575 = arith.constant 0 : i32
      %dma_wait3A_1576 = arith.constant 0 : i32
      %dma_wait3A_1577 = tpu.memref_slice %arg3[%dma_wait3A_1575, %dma_wait3A_1576] : memref<1000000x32xf32, #tpu.memory_space<hbm>> -> memref<1000000x32xf32, #tpu.memory_space<hbm>>
      tpu.wait_indirect_dma semaphore(%arg15 : memref<!tpu.dma_semaphore, #tpu.memory_space<semaphore_mem>>) src(%dma_wait3A_1577 : memref<1000000x32xf32, #tpu.memory_space<hbm>>) dst(%dma_wait3A_1572 : memref<128x32xf32, #tpu.memory_space<vmem>>)
      %dma_wait3A_1578 = arith.constant 1408 : i32
      %dma_wait3A_1579 = arith.constant 0 : i32
      %dma_wait3A_1580 = tpu.memref_slice %arg8[%dma_wait3A_1578, %dma_wait3A_1579] : memref<1600x32xf32, #tpu.memory_space<vmem>> -> memref<128x32xf32, #tpu.memory_space<vmem>>
      %dma_wait3A_1581 = arith.constant 1408 : i32
      %dma_wait3A_1582 = tpu.memref_slice %arg6[%dma_wait3A_1581] : memref<1600xi32, #tpu.memory_space<vmem>> -> memref<128xi32, #tpu.memory_space<vmem>>
      %dma_wait3A_1583 = arith.constant 0 : i32
      %dma_wait3A_1584 = arith.constant 0 : i32
      %dma_wait3A_1585 = tpu.memref_slice %arg3[%dma_wait3A_1583, %dma_wait3A_1584] : memref<1000000x32xf32, #tpu.memory_space<hbm>> -> memref<1000000x32xf32, #tpu.memory_space<hbm>>
      tpu.wait_indirect_dma semaphore(%arg15 : memref<!tpu.dma_semaphore, #tpu.memory_space<semaphore_mem>>) src(%dma_wait3A_1585 : memref<1000000x32xf32, #tpu.memory_space<hbm>>) dst(%dma_wait3A_1580 : memref<128x32xf32, #tpu.memory_space<vmem>>)
      %dma_wait3A_1586 = arith.constant 1536 : i32
      %dma_wait3A_1587 = arith.constant 0 : i32
      %dma_wait3A_1588 = tpu.memref_slice %arg8[%dma_wait3A_1586, %dma_wait3A_1587] : memref<1600x32xf32, #tpu.memory_space<vmem>> -> memref<64x32xf32, #tpu.memory_space<vmem>>
      %dma_wait3A_1589 = arith.constant 1536 : i32
      %dma_wait3A_1590 = tpu.memref_slice %arg6[%dma_wait3A_1589] : memref<1600xi32, #tpu.memory_space<vmem>> -> memref<64xi32, #tpu.memory_space<vmem>>
      %dma_wait3A_1591 = arith.constant 0 : i32
      %dma_wait3A_1592 = arith.constant 0 : i32
      %dma_wait3A_1593 = tpu.memref_slice %arg3[%dma_wait3A_1591, %dma_wait3A_1592] : memref<1000000x32xf32, #tpu.memory_space<hbm>> -> memref<1000000x32xf32, #tpu.memory_space<hbm>>
      tpu.wait_indirect_dma semaphore(%arg15 : memref<!tpu.dma_semaphore, #tpu.memory_space<semaphore_mem>>) src(%dma_wait3A_1593 : memref<1000000x32xf32, #tpu.memory_space<hbm>>) dst(%dma_wait3A_1588 : memref<64x32xf32, #tpu.memory_space<vmem>>)
      %ge3A_1594 = arith.constant 1 : i32
      %ge3A_1595 = arith.cmpi sge, %scan3A_244, %ge3A_1594 : i32
      %convert_element_type3A_1596 = arith.extui %ge3A_1595 : i1 to i32
      %cond3A_1597 = arith.constant 0 : i32
      %cond3A_1598 = arith.cmpi ne, %convert_element_type3A_1596, %cond3A_1597 : i32
      scf.if %cond3A_1598 {
        %sub3A_2741 = arith.constant 2 : i32
        %sub3A_2742 = arith.subi %add3A_1489, %sub3A_2741 : i32
        %mul3A_2743 = arith.constant 8 : i32
        %mul3A_2744 = arith.muli %sub3A_2742, %mul3A_2743 : i32
        %add3A_2745 = arith.addi %mul3A_2, %mul3A_2744 : i32
        %dma_wait3A_2746 = arith.constant 0 : i32
        %dma_wait3A_2747 = tpu.memref_slice %arg4[%add3A_2745, %dma_wait3A_2746] : memref<16384x32xf32, #tpu.memory_space<hbm>> -> memref<8x32xf32, #tpu.memory_space<hbm>>
        %dma_wait3A_2748 = arith.constant 0 : i32
        %dma_wait3A_2749 = tpu.memref_slice %arg4[%add3A_2745, %dma_wait3A_2748] : memref<16384x32xf32, #tpu.memory_space<hbm>> -> memref<8x32xf32, #tpu.memory_space<hbm>>
        tpu.wait_dma2 semaphore(%arg17 : memref<!tpu.dma_semaphore, #tpu.memory_space<semaphore_mem>>) src(%arg10 : memref<8x32xf32, #tpu.memory_space<vmem>>) dst(%dma_wait3A_2749 : memref<8x32xf32, #tpu.memory_space<hbm>>)
      } else {
      }
      %broadcast_in_dim3A_1599 = arith.constant 0 : i32
      %broadcast_in_dim3A_1600 = vector.broadcast %broadcast_in_dim3A_1599 : i32 to vector<16xi32>
      %get3A_1601 = arith.constant 0 : index
      %get3A_1602 = tpu.vector_load %arg6[%get3A_1601] {strides = array<i32>} : memref<1600xi32, #tpu.memory_space<vmem>>, vector<16xi32>,
      %eq3A_1603 = arith.constant 0 : i32
      %eq3A_1604 = vector.broadcast %eq3A_1603 : i32 to vector<16xi32>
      %eq3A_1605 = arith.cmpi eq, %get3A_1602, %eq3A_1604 : vector<16xi32>
      %all_reduce_population_count3A_1606 = tpu.all_reduce %eq3A_1605 {dim = 0 : i64, kind = #tpu.reduction_kind<sum>} : vector<16xi1> -> vector<16xi32>
      %add3A_1607 = arith.addi %broadcast_in_dim3A_1600, %all_reduce_population_count3A_1606 : vector<16xi32>
      %get3A_1608 = arith.constant 16 : index
      %get3A_1609 = tpu.vector_load %arg6[%get3A_1608] {strides = array<i32>} : memref<1600xi32, #tpu.memory_space<vmem>>, vector<16xi32>,
      %eq3A_1610 = arith.constant 0 : i32
      %eq3A_1611 = vector.broadcast %eq3A_1610 : i32 to vector<16xi32>
      %eq3A_1612 = arith.cmpi eq, %get3A_1609, %eq3A_1611 : vector<16xi32>
      %all_reduce_population_count3A_1613 = tpu.all_reduce %eq3A_1612 {dim = 0 : i64, kind = #tpu.reduction_kind<sum>} : vector<16xi1> -> vector<16xi32>
      %add3A_1614 = arith.addi %add3A_1607, %all_reduce_population_count3A_1613 : vector<16xi32>
      %get3A_1615 = arith.constant 32 : index
      %get3A_1616 = tpu.vector_load %arg6[%get3A_1615] {strides = array<i32>} : memref<1600xi32, #tpu.memory_space<vmem>>, vector<16xi32>,
      %eq3A_1617 = arith.constant 0 : i32
      %eq3A_1618 = vector.broadcast %eq3A_1617 : i32 to vector<16xi32>
      %eq3A_1619 = arith.cmpi eq, %get3A_1616, %eq3A_1618 : vector<16xi32>
      %all_reduce_population_count3A_1620 = tpu.all_reduce %eq3A_1619 {dim = 0 : i64, kind = #tpu.reduction_kind<sum>} : vector<16xi1> -> vector<16xi32>
      %add3A_1621 = arith.addi %add3A_1614, %all_reduce_population_count3A_1620 : vector<16xi32>
      %get3A_1622 = arith.constant 48 : index
      %get3A_1623 = tpu.vector_load %arg6[%get3A_1622] {strides = array<i32>} : memref<1600xi32, #tpu.memory_space<vmem>>, vector<16xi32>,
      %eq3A_1624 = arith.constant 0 : i32
      %eq3A_1625 = vector.broadcast %eq3A_1624 : i32 to vector<16xi32>
      %eq3A_1626 = arith.cmpi eq, %get3A_1623, %eq3A_1625 : vector<16xi32>
      %all_reduce_population_count3A_1627 = tpu.all_reduce %eq3A_1626 {dim = 0 : i64, kind = #tpu.reduction_kind<sum>} : vector<16xi1> -> vector<16xi32>
      %add3A_1628 = arith.addi %add3A_1621, %all_reduce_population_count3A_1627 : vector<16xi32>
      %get3A_1629 = arith.constant 64 : index
      %get3A_1630 = tpu.vector_load %arg6[%get3A_1629] {strides = array<i32>} : memref<1600xi32, #tpu.memory_space<vmem>>, vector<16xi32>,
      %eq3A_1631 = arith.constant 0 : i32
      %eq3A_1632 = vector.broadcast %eq3A_1631 : i32 to vector<16xi32>
      %eq3A_1633 = arith.cmpi eq, %get3A_1630, %eq3A_1632 : vector<16xi32>
      %all_reduce_population_count3A_1634 = tpu.all_reduce %eq3A_1633 {dim = 0 : i64, kind = #tpu.reduction_kind<sum>} : vector<16xi1> -> vector<16xi32>
      %add3A_1635 = arith.addi %add3A_1628, %all_reduce_population_count3A_1634 : vector<16xi32>
      %get3A_1636 = arith.constant 80 : index
      %get3A_1637 = tpu.vector_load %arg6[%get3A_1636] {strides = array<i32>} : memref<1600xi32, #tpu.memory_space<vmem>>, vector<16xi32>,
      %eq3A_1638 = arith.constant 0 : i32
      %eq3A_1639 = vector.broadcast %eq3A_1638 : i32 to vector<16xi32>
      %eq3A_1640 = arith.cmpi eq, %get3A_1637, %eq3A_1639 : vector<16xi32>
      %all_reduce_population_count3A_1641 = tpu.all_reduce %eq3A_1640 {dim = 0 : i64, kind = #tpu.reduction_kind<sum>} : vector<16xi1> -> vector<16xi32>
      %add3A_1642 = arith.addi %add3A_1635, %all_reduce_population_count3A_1641 : vector<16xi32>
      %get3A_1643 = arith.constant 96 : index
      %get3A_1644 = tpu.vector_load %arg6[%get3A_1643] {strides = array<i32>} : memref<1600xi32, #tpu.memory_space<vmem>>, vector<16xi32>,
      %eq3A_1645 = arith.constant 0 : i32
      %eq3A_1646 = vector.broadcast %eq3A_1645 : i32 to vector<16xi32>
      %eq3A_1647 = arith.cmpi eq, %get3A_1644, %eq3A_1646 : vector<16xi32>
      %all_reduce_population_count3A_1648 = tpu.all_reduce %eq3A_1647 {dim = 0 : i64, kind = #tpu.reduction_kind<sum>} : vector<16xi1> -> vector<16xi32>
      %add3A_1649 = arith.addi %add3A_1642, %all_reduce_population_count3A_1648 : vector<16xi32>
      %get3A_1650 = arith.constant 112 : index
      %get3A_1651 = tpu.vector_load %arg6[%get3A_1650] {strides = array<i32>} : memref<1600xi32, #tpu.memory_space<vmem>>, vector<16xi32>,
      %eq3A_1652 = arith.constant 0 : i32
      %eq3A_1653 = vector.broadcast %eq3A_1652 : i32 to vector<16xi32>
      %eq3A_1654 = arith.cmpi eq, %get3A_1651, %eq3A_1653 : vector<16xi32>
      %all_reduce_population_count3A_1655 = tpu.all_reduce %eq3A_1654 {dim = 0 : i64, kind = #tpu.reduction_kind<sum>} : vector<16xi1> -> vector<16xi32>
      %add3A_1656 = arith.addi %add3A_1649, %all_reduce_population_count3A_1655 : vector<16xi32>
      %get3A_1657 = arith.constant 128 : index
      %get3A_1658 = tpu.vector_load %arg6[%get3A_1657] {strides = array<i32>} : memref<1600xi32, #tpu.memory_space<vmem>>, vector<16xi32>,
      %eq3A_1659 = arith.constant 0 : i32
      %eq3A_1660 = vector.broadcast %eq3A_1659 : i32 to vector<16xi32>
      %eq3A_1661 = arith.cmpi eq, %get3A_1658, %eq3A_1660 : vector<16xi32>
      %all_reduce_population_count3A_1662 = tpu.all_reduce %eq3A_1661 {dim = 0 : i64, kind = #tpu.reduction_kind<sum>} : vector<16xi1> -> vector<16xi32>
      %add3A_1663 = arith.addi %add3A_1656, %all_reduce_population_count3A_1662 : vector<16xi32>
      %get3A_1664 = arith.constant 144 : index
      %get3A_1665 = tpu.vector_load %arg6[%get3A_1664] {strides = array<i32>} : memref<1600xi32, #tpu.memory_space<vmem>>, vector<16xi32>,
      %eq3A_1666 = arith.constant 0 : i32
      %eq3A_1667 = vector.broadcast %eq3A_1666 : i32 to vector<16xi32>
      %eq3A_1668 = arith.cmpi eq, %get3A_1665, %eq3A_1667 : vector<16xi32>
      %all_reduce_population_count3A_1669 = tpu.all_reduce %eq3A_1668 {dim = 0 : i64, kind = #tpu.reduction_kind<sum>} : vector<16xi1> -> vector<16xi32>
      %add3A_1670 = arith.addi %add3A_1663, %all_reduce_population_count3A_1669 : vector<16xi32>
      %get3A_1671 = arith.constant 160 : index
      %get3A_1672 = tpu.vector_load %arg6[%get3A_1671] {strides = array<i32>} : memref<1600xi32, #tpu.memory_space<vmem>>, vector<16xi32>,
      %eq3A_1673 = arith.constant 0 : i32
      %eq3A_1674 = vector.broadcast %eq3A_1673 : i32 to vector<16xi32>
      %eq3A_1675 = arith.cmpi eq, %get3A_1672, %eq3A_1674 : vector<16xi32>
      %all_reduce_population_count3A_1676 = tpu.all_reduce %eq3A_1675 {dim = 0 : i64, kind = #tpu.reduction_kind<sum>} : vector<16xi1> -> vector<16xi32>
      %add3A_1677 = arith.addi %add3A_1670, %all_reduce_population_count3A_1676 : vector<16xi32>
      %get3A_1678 = arith.constant 176 : index
      %get3A_1679 = tpu.vector_load %arg6[%get3A_1678] {strides = array<i32>} : memref<1600xi32, #tpu.memory_space<vmem>>, vector<16xi32>,
      %eq3A_1680 = arith.constant 0 : i32
      %eq3A_1681 = vector.broadcast %eq3A_1680 : i32 to vector<16xi32>
      %eq3A_1682 = arith.cmpi eq, %get3A_1679, %eq3A_1681 : vector<16xi32>
      %all_reduce_population_count3A_1683 = tpu.all_reduce %eq3A_1682 {dim = 0 : i64, kind = #tpu.reduction_kind<sum>} : vector<16xi1> -> vector<16xi32>
      %add3A_1684 = arith.addi %add3A_1677, %all_reduce_population_count3A_1683 : vector<16xi32>
      %get3A_1685 = arith.constant 184 : index
      %get3A_1686 = tpu.vector_load %arg6[%get3A_1685] {strides = array<i32>} : memref<1600xi32, #tpu.memory_space<vmem>>, vector<16xi32>,
      %iota3A_1687 = tpu.iota {dimensions = array<i32: 0>} : vector<16xi32>
      %ge3A_1688 = arith.constant 8 : i32
      %ge3A_1689 = vector.broadcast %ge3A_1688 : i32 to vector<16xi32>
      %ge3A_1690 = arith.cmpi sge, %iota3A_1687, %ge3A_1689 : vector<16xi32>
      %eq3A_1691 = arith.constant 0 : i32
      %eq3A_1692 = vector.broadcast %eq3A_1691 : i32 to vector<16xi32>
      %eq3A_1693 = arith.cmpi eq, %get3A_1686, %eq3A_1692 : vector<16xi32>
      %and3A_1694 = arith.andi %ge3A_1690, %eq3A_1693 : vector<16xi1>
      %all_reduce_population_count3A_1695 = tpu.all_reduce %and3A_1694 {dim = 0 : i64, kind = #tpu.reduction_kind<sum>} : vector<16xi1> -> vector<16xi32>
      %add3A_1696 = arith.addi %add3A_1684, %all_reduce_population_count3A_1695 : vector<16xi32>
      %broadcast_in_dim3A_1697 = arith.constant 0.000000e+00 : f32
      %broadcast_in_dim3A_1698 = vector.broadcast %broadcast_in_dim3A_1697 : f32 to vector<16xf32>
      %scan3A_1699 = arith.constant 0 : i32
      %scan3A_1700 = arith.constant 50 : i32
      %scan3A_1701 = arith.addi %scan3A_1699, %scan3A_1700 : i32
      %scan3A_1702 = arith.constant 1 : i32
      %scan3A_1703:8 = scf.for %scan3A_2741 = %scan3A_1699 to %scan3A_1701 step %scan3A_1702 iter_args(%scan3A_2742 = %broadcast_in_dim3A_1698, %scan3A_2743 = %broadcast_in_dim3A_1698, %scan3A_2744 = %broadcast_in_dim3A_1698, %scan3A_2745 = %broadcast_in_dim3A_1698, %scan3A_2746 = %broadcast_in_dim3A_1698, %scan3A_2747 = %broadcast_in_dim3A_1698, %scan3A_2748 = %broadcast_in_dim3A_1698, %scan3A_2749 = %broadcast_in_dim3A_1698) -> (vector<16xf32>, vector<16xf32>, vector<16xf32>, vector<16xf32>, vector<16xf32>, vector<16xf32>, vector<16xf32>, vector<16xf32>)  : i32 {
        %mul3A_2750 = arith.constant 4 : i32
        %mul3A_2751 = arith.muli %mul3A_2750, %scan3A_2741 : i32
        %add3A_2752 = arith.constant 0 : i32
        %add3A_2753 = arith.addi %add3A_2752, %mul3A_2751 : i32
        %add3A_2754 = arith.constant 0 : i32
        %add3A_2755 = arith.addi %add3A_2753, %add3A_2754 : i32
        %get3A_2756 = arith.index_cast %add3A_2755 : i32 to index
        %get3A_2757 = arith.constant 0 : index
        %get3A_2758 = tpu.vector_load %arg8[%get3A_2756, %get3A_2757] {strides = array<i32>} : memref<1600x32xf32, #tpu.memory_space<vmem>>, vector<16xf32>,
        %add3A_2759 = arith.addf %scan3A_2742, %get3A_2758 : vector<16xf32>
        %add3A_2760 = arith.constant 0 : i32
        %add3A_2761 = arith.addi %add3A_2753, %add3A_2760 : i32
        %get3A_2762 = arith.index_cast %add3A_2761 : i32 to index
        %get3A_2763 = arith.constant 16 : index
        %get3A_2764 = tpu.vector_load %arg8[%get3A_2762, %get3A_2763] {strides = array<i32>} : memref<1600x32xf32, #tpu.memory_space<vmem>>, vector<16xf32>,
        %add3A_2765 = arith.addf %scan3A_2743, %get3A_2764 : vector<16xf32>
        %add3A_2766 = arith.constant 1 : i32
        %add3A_2767 = arith.addi %add3A_2753, %add3A_2766 : i32
        %get3A_2768 = arith.index_cast %add3A_2767 : i32 to index
        %get3A_2769 = arith.constant 0 : index
        %get3A_2770 = tpu.vector_load %arg8[%get3A_2768, %get3A_2769] {strides = array<i32>} : memref<1600x32xf32, #tpu.memory_space<vmem>>, vector<16xf32>,
        %add3A_2771 = arith.addf %scan3A_2744, %get3A_2770 : vector<16xf32>
        %add3A_2772 = arith.constant 1 : i32
        %add3A_2773 = arith.addi %add3A_2753, %add3A_2772 : i32
        %get3A_2774 = arith.index_cast %add3A_2773 : i32 to index
        %get3A_2775 = arith.constant 16 : index
        %get3A_2776 = tpu.vector_load %arg8[%get3A_2774, %get3A_2775] {strides = array<i32>} : memref<1600x32xf32, #tpu.memory_space<vmem>>, vector<16xf32>,
        %add3A_2777 = arith.addf %scan3A_2745, %get3A_2776 : vector<16xf32>
        %add3A_2778 = arith.constant 2 : i32
        %add3A_2779 = arith.addi %add3A_2753, %add3A_2778 : i32
        %get3A_2780 = arith.index_cast %add3A_2779 : i32 to index
        %get3A_2781 = arith.constant 0 : index
        %get3A_2782 = tpu.vector_load %arg8[%get3A_2780, %get3A_2781] {strides = array<i32>} : memref<1600x32xf32, #tpu.memory_space<vmem>>, vector<16xf32>,
        %add3A_2783 = arith.addf %scan3A_2746, %get3A_2782 : vector<16xf32>
        %add3A_2784 = arith.constant 2 : i32
        %add3A_2785 = arith.addi %add3A_2753, %add3A_2784 : i32
        %get3A_2786 = arith.index_cast %add3A_2785 : i32 to index
        %get3A_2787 = arith.constant 16 : index
        %get3A_2788 = tpu.vector_load %arg8[%get3A_2786, %get3A_2787] {strides = array<i32>} : memref<1600x32xf32, #tpu.memory_space<vmem>>, vector<16xf32>,
        %add3A_2789 = arith.addf %scan3A_2747, %get3A_2788 : vector<16xf32>
        %add3A_2790 = arith.constant 3 : i32
        %add3A_2791 = arith.addi %add3A_2753, %add3A_2790 : i32
        %get3A_2792 = arith.index_cast %add3A_2791 : i32 to index
        %get3A_2793 = arith.constant 0 : index
        %get3A_2794 = tpu.vector_load %arg8[%get3A_2792, %get3A_2793] {strides = array<i32>} : memref<1600x32xf32, #tpu.memory_space<vmem>>, vector<16xf32>,
        %add3A_2795 = arith.addf %scan3A_2748, %get3A_2794 : vector<16xf32>
        %add3A_2796 = arith.constant 3 : i32
        %add3A_2797 = arith.addi %add3A_2753, %add3A_2796 : i32
        %get3A_2798 = arith.index_cast %add3A_2797 : i32 to index
        %get3A_2799 = arith.constant 16 : index
        %get3A_2800 = tpu.vector_load %arg8[%get3A_2798, %get3A_2799] {strides = array<i32>} : memref<1600x32xf32, #tpu.memory_space<vmem>>, vector<16xf32>,
        %add3A_2801 = arith.addf %scan3A_2749, %get3A_2800 : vector<16xf32>
        scf.yield %add3A_2759, %add3A_2765, %add3A_2771, %add3A_2777, %add3A_2783, %add3A_2789, %add3A_2795, %add3A_2801 : vector<16xf32>, vector<16xf32>, vector<16xf32>, vector<16xf32>, vector<16xf32>, vector<16xf32>, vector<16xf32>, vector<16xf32>
      }
      %scan3A_1704 = arith.constant 50 : i32
      %add3A_1705 = arith.addf %scan3A_1703#0, %scan3A_1703#2 : vector<16xf32>
      %add3A_1706 = arith.addf %scan3A_1703#4, %scan3A_1703#6 : vector<16xf32>
      %add3A_1707 = arith.addf %add3A_1705, %add3A_1706 : vector<16xf32>
      %add3A_1708 = arith.addf %scan3A_1703#1, %scan3A_1703#3 : vector<16xf32>
      %add3A_1709 = arith.addf %scan3A_1703#5, %scan3A_1703#7 : vector<16xf32>
      %add3A_1710 = arith.addf %add3A_1708, %add3A_1709 : vector<16xf32>
      %convert_element_type3A_1711 = arith.sitofp %add3A_1696 : vector<16xi32> to vector<16xf32>
      %sub3A_1712 = arith.constant 2.000000e+02 : f32
      %sub3A_1713 = vector.broadcast %sub3A_1712 : f32 to vector<16xf32>
      %sub3A_1714 = arith.subf %sub3A_1713, %convert_element_type3A_1711 : vector<16xf32>
      %max3A_1715 = arith.constant 1.000000e+00 : f32
      %max3A_1716 = vector.broadcast %max3A_1715 : f32 to vector<16xf32>
      %max3A_1717 = arith.maximumf %sub3A_1714, %max3A_1716 : vector<16xf32>
      %get3A_1718 = arith.constant 0 : i32
      %get3A_1719 = arith.index_cast %get3A_1718 : i32 to index
      %get3A_1720 = arith.constant 0 : index
      %get3A_1721 = tpu.vector_load %arg11[%get3A_1719, %get3A_1720] {strides = array<i32>} : memref<1x32xf32, #tpu.memory_space<vmem>>, vector<16xf32>,
      %get3A_1722 = arith.constant 0 : i32
      %get3A_1723 = arith.index_cast %get3A_1722 : i32 to index
      %get3A_1724 = arith.constant 16 : index
      %get3A_1725 = tpu.vector_load %arg11[%get3A_1723, %get3A_1724] {strides = array<i32>} : memref<1x32xf32, #tpu.memory_space<vmem>>, vector<16xf32>,
      %mul3A_1726 = arith.mulf %convert_element_type3A_1711, %get3A_1721 : vector<16xf32>
      %sub3A_1727 = arith.subf %add3A_1707, %mul3A_1726 : vector<16xf32>
      %div3A_1728 = arith.divf %sub3A_1727, %max3A_1717 : vector<16xf32>
      %swap3A_1729 = arith.constant 0 : i32
      %swap3A_1730 = arith.index_cast %swap3A_1729 : i32 to index
      %swap3A_1731 = arith.constant 0 : index
      %swap3A_1732 = tpu.vector_load %arg10[%swap3A_1730, %swap3A_1731] {strides = array<i32>} : memref<8x32xf32, #tpu.memory_space<vmem>>, vector<16xf32>,
      tpu.vector_store %arg10[%swap3A_1730, %swap3A_1731], %div3A_1728 {strides = array<i32>} : memref<8x32xf32, #tpu.memory_space<vmem>>, vector<16xf32>,
      %mul3A_1733 = arith.mulf %convert_element_type3A_1711, %get3A_1725 : vector<16xf32>
      %sub3A_1734 = arith.subf %add3A_1710, %mul3A_1733 : vector<16xf32>
      %div3A_1735 = arith.divf %sub3A_1734, %max3A_1717 : vector<16xf32>
      %swap3A_1736 = arith.constant 0 : i32
      %swap3A_1737 = arith.index_cast %swap3A_1736 : i32 to index
      %swap3A_1738 = arith.constant 16 : index
      %swap3A_1739 = tpu.vector_load %arg10[%swap3A_1737, %swap3A_1738] {strides = array<i32>} : memref<8x32xf32, #tpu.memory_space<vmem>>, vector<16xf32>,
      tpu.vector_store %arg10[%swap3A_1737, %swap3A_1738], %div3A_1735 {strides = array<i32>} : memref<8x32xf32, #tpu.memory_space<vmem>>, vector<16xf32>,
      %broadcast_in_dim3A_1740 = arith.constant 0 : i32
      %broadcast_in_dim3A_1741 = vector.broadcast %broadcast_in_dim3A_1740 : i32 to vector<16xi32>
      %get3A_1742 = arith.constant 200 : index
      %get3A_1743 = tpu.vector_load %arg6[%get3A_1742] {strides = array<i32>} : memref<1600xi32, #tpu.memory_space<vmem>>, vector<16xi32>,
      %eq3A_1744 = arith.constant 0 : i32
      %eq3A_1745 = vector.broadcast %eq3A_1744 : i32 to vector<16xi32>
      %eq3A_1746 = arith.cmpi eq, %get3A_1743, %eq3A_1745 : vector<16xi32>
      %all_reduce_population_count3A_1747 = tpu.all_reduce %eq3A_1746 {dim = 0 : i64, kind = #tpu.reduction_kind<sum>} : vector<16xi1> -> vector<16xi32>
      %add3A_1748 = arith.addi %broadcast_in_dim3A_1741, %all_reduce_population_count3A_1747 : vector<16xi32>
      %get3A_1749 = arith.constant 216 : index
      %get3A_1750 = tpu.vector_load %arg6[%get3A_1749] {strides = array<i32>} : memref<1600xi32, #tpu.memory_space<vmem>>, vector<16xi32>,
      %eq3A_1751 = arith.constant 0 : i32
      %eq3A_1752 = vector.broadcast %eq3A_1751 : i32 to vector<16xi32>
      %eq3A_1753 = arith.cmpi eq, %get3A_1750, %eq3A_1752 : vector<16xi32>
      %all_reduce_population_count3A_1754 = tpu.all_reduce %eq3A_1753 {dim = 0 : i64, kind = #tpu.reduction_kind<sum>} : vector<16xi1> -> vector<16xi32>
      %add3A_1755 = arith.addi %add3A_1748, %all_reduce_population_count3A_1754 : vector<16xi32>
      %get3A_1756 = arith.constant 232 : index
      %get3A_1757 = tpu.vector_load %arg6[%get3A_1756] {strides = array<i32>} : memref<1600xi32, #tpu.memory_space<vmem>>, vector<16xi32>,
      %eq3A_1758 = arith.constant 0 : i32
      %eq3A_1759 = vector.broadcast %eq3A_1758 : i32 to vector<16xi32>
      %eq3A_1760 = arith.cmpi eq, %get3A_1757, %eq3A_1759 : vector<16xi32>
      %all_reduce_population_count3A_1761 = tpu.all_reduce %eq3A_1760 {dim = 0 : i64, kind = #tpu.reduction_kind<sum>} : vector<16xi1> -> vector<16xi32>
      %add3A_1762 = arith.addi %add3A_1755, %all_reduce_population_count3A_1761 : vector<16xi32>
      %get3A_1763 = arith.constant 248 : index
      %get3A_1764 = tpu.vector_load %arg6[%get3A_1763] {strides = array<i32>} : memref<1600xi32, #tpu.memory_space<vmem>>, vector<16xi32>,
      %eq3A_1765 = arith.constant 0 : i32
      %eq3A_1766 = vector.broadcast %eq3A_1765 : i32 to vector<16xi32>
      %eq3A_1767 = arith.cmpi eq, %get3A_1764, %eq3A_1766 : vector<16xi32>
      %all_reduce_population_count3A_1768 = tpu.all_reduce %eq3A_1767 {dim = 0 : i64, kind = #tpu.reduction_kind<sum>} : vector<16xi1> -> vector<16xi32>
      %add3A_1769 = arith.addi %add3A_1762, %all_reduce_population_count3A_1768 : vector<16xi32>
      %get3A_1770 = arith.constant 264 : index
      %get3A_1771 = tpu.vector_load %arg6[%get3A_1770] {strides = array<i32>} : memref<1600xi32, #tpu.memory_space<vmem>>, vector<16xi32>,
      %eq3A_1772 = arith.constant 0 : i32
      %eq3A_1773 = vector.broadcast %eq3A_1772 : i32 to vector<16xi32>
      %eq3A_1774 = arith.cmpi eq, %get3A_1771, %eq3A_1773 : vector<16xi32>
      %all_reduce_population_count3A_1775 = tpu.all_reduce %eq3A_1774 {dim = 0 : i64, kind = #tpu.reduction_kind<sum>} : vector<16xi1> -> vector<16xi32>
      %add3A_1776 = arith.addi %add3A_1769, %all_reduce_population_count3A_1775 : vector<16xi32>
      %get3A_1777 = arith.constant 280 : index
      %get3A_1778 = tpu.vector_load %arg6[%get3A_1777] {strides = array<i32>} : memref<1600xi32, #tpu.memory_space<vmem>>, vector<16xi32>,
      %eq3A_1779 = arith.constant 0 : i32
      %eq3A_1780 = vector.broadcast %eq3A_1779 : i32 to vector<16xi32>
      %eq3A_1781 = arith.cmpi eq, %get3A_1778, %eq3A_1780 : vector<16xi32>
      %all_reduce_population_count3A_1782 = tpu.all_reduce %eq3A_1781 {dim = 0 : i64, kind = #tpu.reduction_kind<sum>} : vector<16xi1> -> vector<16xi32>
      %add3A_1783 = arith.addi %add3A_1776, %all_reduce_population_count3A_1782 : vector<16xi32>
      %get3A_1784 = arith.constant 296 : index
      %get3A_1785 = tpu.vector_load %arg6[%get3A_1784] {strides = array<i32>} : memref<1600xi32, #tpu.memory_space<vmem>>, vector<16xi32>,
      %eq3A_1786 = arith.constant 0 : i32
      %eq3A_1787 = vector.broadcast %eq3A_1786 : i32 to vector<16xi32>
      %eq3A_1788 = arith.cmpi eq, %get3A_1785, %eq3A_1787 : vector<16xi32>
      %all_reduce_population_count3A_1789 = tpu.all_reduce %eq3A_1788 {dim = 0 : i64, kind = #tpu.reduction_kind<sum>} : vector<16xi1> -> vector<16xi32>
      %add3A_1790 = arith.addi %add3A_1783, %all_reduce_population_count3A_1789 : vector<16xi32>
      %get3A_1791 = arith.constant 312 : index
      %get3A_1792 = tpu.vector_load %arg6[%get3A_1791] {strides = array<i32>} : memref<1600xi32, #tpu.memory_space<vmem>>, vector<16xi32>,
      %eq3A_1793 = arith.constant 0 : i32
      %eq3A_1794 = vector.broadcast %eq3A_1793 : i32 to vector<16xi32>
      %eq3A_1795 = arith.cmpi eq, %get3A_1792, %eq3A_1794 : vector<16xi32>
      %all_reduce_population_count3A_1796 = tpu.all_reduce %eq3A_1795 {dim = 0 : i64, kind = #tpu.reduction_kind<sum>} : vector<16xi1> -> vector<16xi32>
      %add3A_1797 = arith.addi %add3A_1790, %all_reduce_population_count3A_1796 : vector<16xi32>
      %get3A_1798 = arith.constant 328 : index
      %get3A_1799 = tpu.vector_load %arg6[%get3A_1798] {strides = array<i32>} : memref<1600xi32, #tpu.memory_space<vmem>>, vector<16xi32>,
      %eq3A_1800 = arith.constant 0 : i32
      %eq3A_1801 = vector.broadcast %eq3A_1800 : i32 to vector<16xi32>
      %eq3A_1802 = arith.cmpi eq, %get3A_1799, %eq3A_1801 : vector<16xi32>
      %all_reduce_population_count3A_1803 = tpu.all_reduce %eq3A_1802 {dim = 0 : i64, kind = #tpu.reduction_kind<sum>} : vector<16xi1> -> vector<16xi32>
      %add3A_1804 = arith.addi %add3A_1797, %all_reduce_population_count3A_1803 : vector<16xi32>
      %get3A_1805 = arith.constant 344 : index
      %get3A_1806 = tpu.vector_load %arg6[%get3A_1805] {strides = array<i32>} : memref<1600xi32, #tpu.memory_space<vmem>>, vector<16xi32>,
      %eq3A_1807 = arith.constant 0 : i32
      %eq3A_1808 = vector.broadcast %eq3A_1807 : i32 to vector<16xi32>
      %eq3A_1809 = arith.cmpi eq, %get3A_1806, %eq3A_1808 : vector<16xi32>
      %all_reduce_population_count3A_1810 = tpu.all_reduce %eq3A_1809 {dim = 0 : i64, kind = #tpu.reduction_kind<sum>} : vector<16xi1> -> vector<16xi32>
      %add3A_1811 = arith.addi %add3A_1804, %all_reduce_population_count3A_1810 : vector<16xi32>
      %get3A_1812 = arith.constant 360 : index
      %get3A_1813 = tpu.vector_load %arg6[%get3A_1812] {strides = array<i32>} : memref<1600xi32, #tpu.memory_space<vmem>>, vector<16xi32>,
      %eq3A_1814 = arith.constant 0 : i32
      %eq3A_1815 = vector.broadcast %eq3A_1814 : i32 to vector<16xi32>
      %eq3A_1816 = arith.cmpi eq, %get3A_1813, %eq3A_1815 : vector<16xi32>
      %all_reduce_population_count3A_1817 = tpu.all_reduce %eq3A_1816 {dim = 0 : i64, kind = #tpu.reduction_kind<sum>} : vector<16xi1> -> vector<16xi32>
      %add3A_1818 = arith.addi %add3A_1811, %all_reduce_population_count3A_1817 : vector<16xi32>
      %get3A_1819 = arith.constant 376 : index
      %get3A_1820 = tpu.vector_load %arg6[%get3A_1819] {strides = array<i32>} : memref<1600xi32, #tpu.memory_space<vmem>>, vector<16xi32>,
      %eq3A_1821 = arith.constant 0 : i32
      %eq3A_1822 = vector.broadcast %eq3A_1821 : i32 to vector<16xi32>
      %eq3A_1823 = arith.cmpi eq, %get3A_1820, %eq3A_1822 : vector<16xi32>
      %all_reduce_population_count3A_1824 = tpu.all_reduce %eq3A_1823 {dim = 0 : i64, kind = #tpu.reduction_kind<sum>} : vector<16xi1> -> vector<16xi32>
      %add3A_1825 = arith.addi %add3A_1818, %all_reduce_population_count3A_1824 : vector<16xi32>
      %get3A_1826 = arith.constant 384 : index
      %get3A_1827 = tpu.vector_load %arg6[%get3A_1826] {strides = array<i32>} : memref<1600xi32, #tpu.memory_space<vmem>>, vector<16xi32>,
      %iota3A_1828 = tpu.iota {dimensions = array<i32: 0>} : vector<16xi32>
      %ge3A_1829 = arith.constant 8 : i32
      %ge3A_1830 = vector.broadcast %ge3A_1829 : i32 to vector<16xi32>
      %ge3A_1831 = arith.cmpi sge, %iota3A_1828, %ge3A_1830 : vector<16xi32>
      %eq3A_1832 = arith.constant 0 : i32
      %eq3A_1833 = vector.broadcast %eq3A_1832 : i32 to vector<16xi32>
      %eq3A_1834 = arith.cmpi eq, %get3A_1827, %eq3A_1833 : vector<16xi32>
      %and3A_1835 = arith.andi %ge3A_1831, %eq3A_1834 : vector<16xi1>
      %all_reduce_population_count3A_1836 = tpu.all_reduce %and3A_1835 {dim = 0 : i64, kind = #tpu.reduction_kind<sum>} : vector<16xi1> -> vector<16xi32>
      %add3A_1837 = arith.addi %add3A_1825, %all_reduce_population_count3A_1836 : vector<16xi32>
      %broadcast_in_dim3A_1838 = arith.constant 0.000000e+00 : f32
      %broadcast_in_dim3A_1839 = vector.broadcast %broadcast_in_dim3A_1838 : f32 to vector<16xf32>
      %scan3A_1840 = arith.constant 0 : i32
      %scan3A_1841 = arith.constant 50 : i32
      %scan3A_1842 = arith.addi %scan3A_1840, %scan3A_1841 : i32
      %scan3A_1843 = arith.constant 1 : i32
      %scan3A_1844:8 = scf.for %scan3A_2741 = %scan3A_1840 to %scan3A_1842 step %scan3A_1843 iter_args(%scan3A_2742 = %broadcast_in_dim3A_1839, %scan3A_2743 = %broadcast_in_dim3A_1839, %scan3A_2744 = %broadcast_in_dim3A_1839, %scan3A_2745 = %broadcast_in_dim3A_1839, %scan3A_2746 = %broadcast_in_dim3A_1839, %scan3A_2747 = %broadcast_in_dim3A_1839, %scan3A_2748 = %broadcast_in_dim3A_1839, %scan3A_2749 = %broadcast_in_dim3A_1839) -> (vector<16xf32>, vector<16xf32>, vector<16xf32>, vector<16xf32>, vector<16xf32>, vector<16xf32>, vector<16xf32>, vector<16xf32>)  : i32 {
        %mul3A_2750 = arith.constant 4 : i32
        %mul3A_2751 = arith.muli %mul3A_2750, %scan3A_2741 : i32
        %add3A_2752 = arith.constant 200 : i32
        %add3A_2753 = arith.addi %add3A_2752, %mul3A_2751 : i32
        %add3A_2754 = arith.constant 0 : i32
        %add3A_2755 = arith.addi %add3A_2753, %add3A_2754 : i32
        %get3A_2756 = arith.index_cast %add3A_2755 : i32 to index
        %get3A_2757 = arith.constant 0 : index
        %get3A_2758 = tpu.vector_load %arg8[%get3A_2756, %get3A_2757] {strides = array<i32>} : memref<1600x32xf32, #tpu.memory_space<vmem>>, vector<16xf32>,
        %add3A_2759 = arith.addf %scan3A_2742, %get3A_2758 : vector<16xf32>
        %add3A_2760 = arith.constant 0 : i32
        %add3A_2761 = arith.addi %add3A_2753, %add3A_2760 : i32
        %get3A_2762 = arith.index_cast %add3A_2761 : i32 to index
        %get3A_2763 = arith.constant 16 : index
        %get3A_2764 = tpu.vector_load %arg8[%get3A_2762, %get3A_2763] {strides = array<i32>} : memref<1600x32xf32, #tpu.memory_space<vmem>>, vector<16xf32>,
        %add3A_2765 = arith.addf %scan3A_2743, %get3A_2764 : vector<16xf32>
        %add3A_2766 = arith.constant 1 : i32
        %add3A_2767 = arith.addi %add3A_2753, %add3A_2766 : i32
        %get3A_2768 = arith.index_cast %add3A_2767 : i32 to index
        %get3A_2769 = arith.constant 0 : index
        %get3A_2770 = tpu.vector_load %arg8[%get3A_2768, %get3A_2769] {strides = array<i32>} : memref<1600x32xf32, #tpu.memory_space<vmem>>, vector<16xf32>,
        %add3A_2771 = arith.addf %scan3A_2744, %get3A_2770 : vector<16xf32>
        %add3A_2772 = arith.constant 1 : i32
        %add3A_2773 = arith.addi %add3A_2753, %add3A_2772 : i32
        %get3A_2774 = arith.index_cast %add3A_2773 : i32 to index
        %get3A_2775 = arith.constant 16 : index
        %get3A_2776 = tpu.vector_load %arg8[%get3A_2774, %get3A_2775] {strides = array<i32>} : memref<1600x32xf32, #tpu.memory_space<vmem>>, vector<16xf32>,
        %add3A_2777 = arith.addf %scan3A_2745, %get3A_2776 : vector<16xf32>
        %add3A_2778 = arith.constant 2 : i32
        %add3A_2779 = arith.addi %add3A_2753, %add3A_2778 : i32
        %get3A_2780 = arith.index_cast %add3A_2779 : i32 to index
        %get3A_2781 = arith.constant 0 : index
        %get3A_2782 = tpu.vector_load %arg8[%get3A_2780, %get3A_2781] {strides = array<i32>} : memref<1600x32xf32, #tpu.memory_space<vmem>>, vector<16xf32>,
        %add3A_2783 = arith.addf %scan3A_2746, %get3A_2782 : vector<16xf32>
        %add3A_2784 = arith.constant 2 : i32
        %add3A_2785 = arith.addi %add3A_2753, %add3A_2784 : i32
        %get3A_2786 = arith.index_cast %add3A_2785 : i32 to index
        %get3A_2787 = arith.constant 16 : index
        %get3A_2788 = tpu.vector_load %arg8[%get3A_2786, %get3A_2787] {strides = array<i32>} : memref<1600x32xf32, #tpu.memory_space<vmem>>, vector<16xf32>,
        %add3A_2789 = arith.addf %scan3A_2747, %get3A_2788 : vector<16xf32>
        %add3A_2790 = arith.constant 3 : i32
        %add3A_2791 = arith.addi %add3A_2753, %add3A_2790 : i32
        %get3A_2792 = arith.index_cast %add3A_2791 : i32 to index
        %get3A_2793 = arith.constant 0 : index
        %get3A_2794 = tpu.vector_load %arg8[%get3A_2792, %get3A_2793] {strides = array<i32>} : memref<1600x32xf32, #tpu.memory_space<vmem>>, vector<16xf32>,
        %add3A_2795 = arith.addf %scan3A_2748, %get3A_2794 : vector<16xf32>
        %add3A_2796 = arith.constant 3 : i32
        %add3A_2797 = arith.addi %add3A_2753, %add3A_2796 : i32
        %get3A_2798 = arith.index_cast %add3A_2797 : i32 to index
        %get3A_2799 = arith.constant 16 : index
        %get3A_2800 = tpu.vector_load %arg8[%get3A_2798, %get3A_2799] {strides = array<i32>} : memref<1600x32xf32, #tpu.memory_space<vmem>>, vector<16xf32>,
        %add3A_2801 = arith.addf %scan3A_2749, %get3A_2800 : vector<16xf32>
        scf.yield %add3A_2759, %add3A_2765, %add3A_2771, %add3A_2777, %add3A_2783, %add3A_2789, %add3A_2795, %add3A_2801 : vector<16xf32>, vector<16xf32>, vector<16xf32>, vector<16xf32>, vector<16xf32>, vector<16xf32>, vector<16xf32>, vector<16xf32>
      }
      %scan3A_1845 = arith.constant 50 : i32
      %add3A_1846 = arith.addf %scan3A_1844#0, %scan3A_1844#2 : vector<16xf32>
      %add3A_1847 = arith.addf %scan3A_1844#4, %scan3A_1844#6 : vector<16xf32>
      %add3A_1848 = arith.addf %add3A_1846, %add3A_1847 : vector<16xf32>
      %add3A_1849 = arith.addf %scan3A_1844#1, %scan3A_1844#3 : vector<16xf32>
      %add3A_1850 = arith.addf %scan3A_1844#5, %scan3A_1844#7 : vector<16xf32>
      %add3A_1851 = arith.addf %add3A_1849, %add3A_1850 : vector<16xf32>
      %convert_element_type3A_1852 = arith.sitofp %add3A_1837 : vector<16xi32> to vector<16xf32>
      %sub3A_1853 = arith.constant 2.000000e+02 : f32
      %sub3A_1854 = vector.broadcast %sub3A_1853 : f32 to vector<16xf32>
      %sub3A_1855 = arith.subf %sub3A_1854, %convert_element_type3A_1852 : vector<16xf32>
      %max3A_1856 = arith.constant 1.000000e+00 : f32
      %max3A_1857 = vector.broadcast %max3A_1856 : f32 to vector<16xf32>
      %max3A_1858 = arith.maximumf %sub3A_1855, %max3A_1857 : vector<16xf32>
      %get3A_1859 = arith.constant 0 : i32
      %get3A_1860 = arith.index_cast %get3A_1859 : i32 to index
      %get3A_1861 = arith.constant 0 : index
      %get3A_1862 = tpu.vector_load %arg11[%get3A_1860, %get3A_1861] {strides = array<i32>} : memref<1x32xf32, #tpu.memory_space<vmem>>, vector<16xf32>,
      %get3A_1863 = arith.constant 0 : i32
      %get3A_1864 = arith.index_cast %get3A_1863 : i32 to index
      %get3A_1865 = arith.constant 16 : index
      %get3A_1866 = tpu.vector_load %arg11[%get3A_1864, %get3A_1865] {strides = array<i32>} : memref<1x32xf32, #tpu.memory_space<vmem>>, vector<16xf32>,
      %mul3A_1867 = arith.mulf %convert_element_type3A_1852, %get3A_1862 : vector<16xf32>
      %sub3A_1868 = arith.subf %add3A_1848, %mul3A_1867 : vector<16xf32>
      %div3A_1869 = arith.divf %sub3A_1868, %max3A_1858 : vector<16xf32>
      %swap3A_1870 = arith.constant 1 : i32
      %swap3A_1871 = arith.index_cast %swap3A_1870 : i32 to index
      %swap3A_1872 = arith.constant 0 : index
      %swap3A_1873 = tpu.vector_load %arg10[%swap3A_1871, %swap3A_1872] {strides = array<i32>} : memref<8x32xf32, #tpu.memory_space<vmem>>, vector<16xf32>,
      tpu.vector_store %arg10[%swap3A_1871, %swap3A_1872], %div3A_1869 {strides = array<i32>} : memref<8x32xf32, #tpu.memory_space<vmem>>, vector<16xf32>,
      %mul3A_1874 = arith.mulf %convert_element_type3A_1852, %get3A_1866 : vector<16xf32>
      %sub3A_1875 = arith.subf %add3A_1851, %mul3A_1874 : vector<16xf32>
      %div3A_1876 = arith.divf %sub3A_1875, %max3A_1858 : vector<16xf32>
      %swap3A_1877 = arith.constant 1 : i32
      %swap3A_1878 = arith.index_cast %swap3A_1877 : i32 to index
      %swap3A_1879 = arith.constant 16 : index
      %swap3A_1880 = tpu.vector_load %arg10[%swap3A_1878, %swap3A_1879] {strides = array<i32>} : memref<8x32xf32, #tpu.memory_space<vmem>>, vector<16xf32>,
      tpu.vector_store %arg10[%swap3A_1878, %swap3A_1879], %div3A_1876 {strides = array<i32>} : memref<8x32xf32, #tpu.memory_space<vmem>>, vector<16xf32>,
      %broadcast_in_dim3A_1881 = arith.constant 0 : i32
      %broadcast_in_dim3A_1882 = vector.broadcast %broadcast_in_dim3A_1881 : i32 to vector<16xi32>
      %get3A_1883 = arith.constant 400 : index
      %get3A_1884 = tpu.vector_load %arg6[%get3A_1883] {strides = array<i32>} : memref<1600xi32, #tpu.memory_space<vmem>>, vector<16xi32>,
      %eq3A_1885 = arith.constant 0 : i32
      %eq3A_1886 = vector.broadcast %eq3A_1885 : i32 to vector<16xi32>
      %eq3A_1887 = arith.cmpi eq, %get3A_1884, %eq3A_1886 : vector<16xi32>
      %all_reduce_population_count3A_1888 = tpu.all_reduce %eq3A_1887 {dim = 0 : i64, kind = #tpu.reduction_kind<sum>} : vector<16xi1> -> vector<16xi32>
      %add3A_1889 = arith.addi %broadcast_in_dim3A_1882, %all_reduce_population_count3A_1888 : vector<16xi32>
      %get3A_1890 = arith.constant 416 : index
      %get3A_1891 = tpu.vector_load %arg6[%get3A_1890] {strides = array<i32>} : memref<1600xi32, #tpu.memory_space<vmem>>, vector<16xi32>,
      %eq3A_1892 = arith.constant 0 : i32
      %eq3A_1893 = vector.broadcast %eq3A_1892 : i32 to vector<16xi32>
      %eq3A_1894 = arith.cmpi eq, %get3A_1891, %eq3A_1893 : vector<16xi32>
      %all_reduce_population_count3A_1895 = tpu.all_reduce %eq3A_1894 {dim = 0 : i64, kind = #tpu.reduction_kind<sum>} : vector<16xi1> -> vector<16xi32>
      %add3A_1896 = arith.addi %add3A_1889, %all_reduce_population_count3A_1895 : vector<16xi32>
      %get3A_1897 = arith.constant 432 : index
      %get3A_1898 = tpu.vector_load %arg6[%get3A_1897] {strides = array<i32>} : memref<1600xi32, #tpu.memory_space<vmem>>, vector<16xi32>,
      %eq3A_1899 = arith.constant 0 : i32
      %eq3A_1900 = vector.broadcast %eq3A_1899 : i32 to vector<16xi32>
      %eq3A_1901 = arith.cmpi eq, %get3A_1898, %eq3A_1900 : vector<16xi32>
      %all_reduce_population_count3A_1902 = tpu.all_reduce %eq3A_1901 {dim = 0 : i64, kind = #tpu.reduction_kind<sum>} : vector<16xi1> -> vector<16xi32>
      %add3A_1903 = arith.addi %add3A_1896, %all_reduce_population_count3A_1902 : vector<16xi32>
      %get3A_1904 = arith.constant 448 : index
      %get3A_1905 = tpu.vector_load %arg6[%get3A_1904] {strides = array<i32>} : memref<1600xi32, #tpu.memory_space<vmem>>, vector<16xi32>,
      %eq3A_1906 = arith.constant 0 : i32
      %eq3A_1907 = vector.broadcast %eq3A_1906 : i32 to vector<16xi32>
      %eq3A_1908 = arith.cmpi eq, %get3A_1905, %eq3A_1907 : vector<16xi32>
      %all_reduce_population_count3A_1909 = tpu.all_reduce %eq3A_1908 {dim = 0 : i64, kind = #tpu.reduction_kind<sum>} : vector<16xi1> -> vector<16xi32>
      %add3A_1910 = arith.addi %add3A_1903, %all_reduce_population_count3A_1909 : vector<16xi32>
      %get3A_1911 = arith.constant 464 : index
      %get3A_1912 = tpu.vector_load %arg6[%get3A_1911] {strides = array<i32>} : memref<1600xi32, #tpu.memory_space<vmem>>, vector<16xi32>,
      %eq3A_1913 = arith.constant 0 : i32
      %eq3A_1914 = vector.broadcast %eq3A_1913 : i32 to vector<16xi32>
      %eq3A_1915 = arith.cmpi eq, %get3A_1912, %eq3A_1914 : vector<16xi32>
      %all_reduce_population_count3A_1916 = tpu.all_reduce %eq3A_1915 {dim = 0 : i64, kind = #tpu.reduction_kind<sum>} : vector<16xi1> -> vector<16xi32>
      %add3A_1917 = arith.addi %add3A_1910, %all_reduce_population_count3A_1916 : vector<16xi32>
      %get3A_1918 = arith.constant 480 : index
      %get3A_1919 = tpu.vector_load %arg6[%get3A_1918] {strides = array<i32>} : memref<1600xi32, #tpu.memory_space<vmem>>, vector<16xi32>,
      %eq3A_1920 = arith.constant 0 : i32
      %eq3A_1921 = vector.broadcast %eq3A_1920 : i32 to vector<16xi32>
      %eq3A_1922 = arith.cmpi eq, %get3A_1919, %eq3A_1921 : vector<16xi32>
      %all_reduce_population_count3A_1923 = tpu.all_reduce %eq3A_1922 {dim = 0 : i64, kind = #tpu.reduction_kind<sum>} : vector<16xi1> -> vector<16xi32>
      %add3A_1924 = arith.addi %add3A_1917, %all_reduce_population_count3A_1923 : vector<16xi32>
      %get3A_1925 = arith.constant 496 : index
      %get3A_1926 = tpu.vector_load %arg6[%get3A_1925] {strides = array<i32>} : memref<1600xi32, #tpu.memory_space<vmem>>, vector<16xi32>,
      %eq3A_1927 = arith.constant 0 : i32
      %eq3A_1928 = vector.broadcast %eq3A_1927 : i32 to vector<16xi32>
      %eq3A_1929 = arith.cmpi eq, %get3A_1926, %eq3A_1928 : vector<16xi32>
      %all_reduce_population_count3A_1930 = tpu.all_reduce %eq3A_1929 {dim = 0 : i64, kind = #tpu.reduction_kind<sum>} : vector<16xi1> -> vector<16xi32>
      %add3A_1931 = arith.addi %add3A_1924, %all_reduce_population_count3A_1930 : vector<16xi32>
      %get3A_1932 = arith.constant 512 : index
      %get3A_1933 = tpu.vector_load %arg6[%get3A_1932] {strides = array<i32>} : memref<1600xi32, #tpu.memory_space<vmem>>, vector<16xi32>,
      %eq3A_1934 = arith.constant 0 : i32
      %eq3A_1935 = vector.broadcast %eq3A_1934 : i32 to vector<16xi32>
      %eq3A_1936 = arith.cmpi eq, %get3A_1933, %eq3A_1935 : vector<16xi32>
      %all_reduce_population_count3A_1937 = tpu.all_reduce %eq3A_1936 {dim = 0 : i64, kind = #tpu.reduction_kind<sum>} : vector<16xi1> -> vector<16xi32>
      %add3A_1938 = arith.addi %add3A_1931, %all_reduce_population_count3A_1937 : vector<16xi32>
      %get3A_1939 = arith.constant 528 : index
      %get3A_1940 = tpu.vector_load %arg6[%get3A_1939] {strides = array<i32>} : memref<1600xi32, #tpu.memory_space<vmem>>, vector<16xi32>,
      %eq3A_1941 = arith.constant 0 : i32
      %eq3A_1942 = vector.broadcast %eq3A_1941 : i32 to vector<16xi32>
      %eq3A_1943 = arith.cmpi eq, %get3A_1940, %eq3A_1942 : vector<16xi32>
      %all_reduce_population_count3A_1944 = tpu.all_reduce %eq3A_1943 {dim = 0 : i64, kind = #tpu.reduction_kind<sum>} : vector<16xi1> -> vector<16xi32>
      %add3A_1945 = arith.addi %add3A_1938, %all_reduce_population_count3A_1944 : vector<16xi32>
      %get3A_1946 = arith.constant 544 : index
      %get3A_1947 = tpu.vector_load %arg6[%get3A_1946] {strides = array<i32>} : memref<1600xi32, #tpu.memory_space<vmem>>, vector<16xi32>,
      %eq3A_1948 = arith.constant 0 : i32
      %eq3A_1949 = vector.broadcast %eq3A_1948 : i32 to vector<16xi32>
      %eq3A_1950 = arith.cmpi eq, %get3A_1947, %eq3A_1949 : vector<16xi32>
      %all_reduce_population_count3A_1951 = tpu.all_reduce %eq3A_1950 {dim = 0 : i64, kind = #tpu.reduction_kind<sum>} : vector<16xi1> -> vector<16xi32>
      %add3A_1952 = arith.addi %add3A_1945, %all_reduce_population_count3A_1951 : vector<16xi32>
      %get3A_1953 = arith.constant 560 : index
      %get3A_1954 = tpu.vector_load %arg6[%get3A_1953] {strides = array<i32>} : memref<1600xi32, #tpu.memory_space<vmem>>, vector<16xi32>,
      %eq3A_1955 = arith.constant 0 : i32
      %eq3A_1956 = vector.broadcast %eq3A_1955 : i32 to vector<16xi32>
      %eq3A_1957 = arith.cmpi eq, %get3A_1954, %eq3A_1956 : vector<16xi32>
      %all_reduce_population_count3A_1958 = tpu.all_reduce %eq3A_1957 {dim = 0 : i64, kind = #tpu.reduction_kind<sum>} : vector<16xi1> -> vector<16xi32>
      %add3A_1959 = arith.addi %add3A_1952, %all_reduce_population_count3A_1958 : vector<16xi32>
      %get3A_1960 = arith.constant 576 : index
      %get3A_1961 = tpu.vector_load %arg6[%get3A_1960] {strides = array<i32>} : memref<1600xi32, #tpu.memory_space<vmem>>, vector<16xi32>,
      %eq3A_1962 = arith.constant 0 : i32
      %eq3A_1963 = vector.broadcast %eq3A_1962 : i32 to vector<16xi32>
      %eq3A_1964 = arith.cmpi eq, %get3A_1961, %eq3A_1963 : vector<16xi32>
      %all_reduce_population_count3A_1965 = tpu.all_reduce %eq3A_1964 {dim = 0 : i64, kind = #tpu.reduction_kind<sum>} : vector<16xi1> -> vector<16xi32>
      %add3A_1966 = arith.addi %add3A_1959, %all_reduce_population_count3A_1965 : vector<16xi32>
      %get3A_1967 = arith.constant 584 : index
      %get3A_1968 = tpu.vector_load %arg6[%get3A_1967] {strides = array<i32>} : memref<1600xi32, #tpu.memory_space<vmem>>, vector<16xi32>,
      %iota3A_1969 = tpu.iota {dimensions = array<i32: 0>} : vector<16xi32>
      %ge3A_1970 = arith.constant 8 : i32
      %ge3A_1971 = vector.broadcast %ge3A_1970 : i32 to vector<16xi32>
      %ge3A_1972 = arith.cmpi sge, %iota3A_1969, %ge3A_1971 : vector<16xi32>
      %eq3A_1973 = arith.constant 0 : i32
      %eq3A_1974 = vector.broadcast %eq3A_1973 : i32 to vector<16xi32>
      %eq3A_1975 = arith.cmpi eq, %get3A_1968, %eq3A_1974 : vector<16xi32>
      %and3A_1976 = arith.andi %ge3A_1972, %eq3A_1975 : vector<16xi1>
      %all_reduce_population_count3A_1977 = tpu.all_reduce %and3A_1976 {dim = 0 : i64, kind = #tpu.reduction_kind<sum>} : vector<16xi1> -> vector<16xi32>
      %add3A_1978 = arith.addi %add3A_1966, %all_reduce_population_count3A_1977 : vector<16xi32>
      %broadcast_in_dim3A_1979 = arith.constant 0.000000e+00 : f32
      %broadcast_in_dim3A_1980 = vector.broadcast %broadcast_in_dim3A_1979 : f32 to vector<16xf32>
      %scan3A_1981 = arith.constant 0 : i32
      %scan3A_1982 = arith.constant 50 : i32
      %scan3A_1983 = arith.addi %scan3A_1981, %scan3A_1982 : i32
      %scan3A_1984 = arith.constant 1 : i32
      %scan3A_1985:8 = scf.for %scan3A_2741 = %scan3A_1981 to %scan3A_1983 step %scan3A_1984 iter_args(%scan3A_2742 = %broadcast_in_dim3A_1980, %scan3A_2743 = %broadcast_in_dim3A_1980, %scan3A_2744 = %broadcast_in_dim3A_1980, %scan3A_2745 = %broadcast_in_dim3A_1980, %scan3A_2746 = %broadcast_in_dim3A_1980, %scan3A_2747 = %broadcast_in_dim3A_1980, %scan3A_2748 = %broadcast_in_dim3A_1980, %scan3A_2749 = %broadcast_in_dim3A_1980) -> (vector<16xf32>, vector<16xf32>, vector<16xf32>, vector<16xf32>, vector<16xf32>, vector<16xf32>, vector<16xf32>, vector<16xf32>)  : i32 {
        %mul3A_2750 = arith.constant 4 : i32
        %mul3A_2751 = arith.muli %mul3A_2750, %scan3A_2741 : i32
        %add3A_2752 = arith.constant 400 : i32
        %add3A_2753 = arith.addi %add3A_2752, %mul3A_2751 : i32
        %add3A_2754 = arith.constant 0 : i32
        %add3A_2755 = arith.addi %add3A_2753, %add3A_2754 : i32
        %get3A_2756 = arith.index_cast %add3A_2755 : i32 to index
        %get3A_2757 = arith.constant 0 : index
        %get3A_2758 = tpu.vector_load %arg8[%get3A_2756, %get3A_2757] {strides = array<i32>} : memref<1600x32xf32, #tpu.memory_space<vmem>>, vector<16xf32>,
        %add3A_2759 = arith.addf %scan3A_2742, %get3A_2758 : vector<16xf32>
        %add3A_2760 = arith.constant 0 : i32
        %add3A_2761 = arith.addi %add3A_2753, %add3A_2760 : i32
        %get3A_2762 = arith.index_cast %add3A_2761 : i32 to index
        %get3A_2763 = arith.constant 16 : index
        %get3A_2764 = tpu.vector_load %arg8[%get3A_2762, %get3A_2763] {strides = array<i32>} : memref<1600x32xf32, #tpu.memory_space<vmem>>, vector<16xf32>,
        %add3A_2765 = arith.addf %scan3A_2743, %get3A_2764 : vector<16xf32>
        %add3A_2766 = arith.constant 1 : i32
        %add3A_2767 = arith.addi %add3A_2753, %add3A_2766 : i32
        %get3A_2768 = arith.index_cast %add3A_2767 : i32 to index
        %get3A_2769 = arith.constant 0 : index
        %get3A_2770 = tpu.vector_load %arg8[%get3A_2768, %get3A_2769] {strides = array<i32>} : memref<1600x32xf32, #tpu.memory_space<vmem>>, vector<16xf32>,
        %add3A_2771 = arith.addf %scan3A_2744, %get3A_2770 : vector<16xf32>
        %add3A_2772 = arith.constant 1 : i32
        %add3A_2773 = arith.addi %add3A_2753, %add3A_2772 : i32
        %get3A_2774 = arith.index_cast %add3A_2773 : i32 to index
        %get3A_2775 = arith.constant 16 : index
        %get3A_2776 = tpu.vector_load %arg8[%get3A_2774, %get3A_2775] {strides = array<i32>} : memref<1600x32xf32, #tpu.memory_space<vmem>>, vector<16xf32>,
        %add3A_2777 = arith.addf %scan3A_2745, %get3A_2776 : vector<16xf32>
        %add3A_2778 = arith.constant 2 : i32
        %add3A_2779 = arith.addi %add3A_2753, %add3A_2778 : i32
        %get3A_2780 = arith.index_cast %add3A_2779 : i32 to index
        %get3A_2781 = arith.constant 0 : index
        %get3A_2782 = tpu.vector_load %arg8[%get3A_2780, %get3A_2781] {strides = array<i32>} : memref<1600x32xf32, #tpu.memory_space<vmem>>, vector<16xf32>,
        %add3A_2783 = arith.addf %scan3A_2746, %get3A_2782 : vector<16xf32>
        %add3A_2784 = arith.constant 2 : i32
        %add3A_2785 = arith.addi %add3A_2753, %add3A_2784 : i32
        %get3A_2786 = arith.index_cast %add3A_2785 : i32 to index
        %get3A_2787 = arith.constant 16 : index
        %get3A_2788 = tpu.vector_load %arg8[%get3A_2786, %get3A_2787] {strides = array<i32>} : memref<1600x32xf32, #tpu.memory_space<vmem>>, vector<16xf32>,
        %add3A_2789 = arith.addf %scan3A_2747, %get3A_2788 : vector<16xf32>
        %add3A_2790 = arith.constant 3 : i32
        %add3A_2791 = arith.addi %add3A_2753, %add3A_2790 : i32
        %get3A_2792 = arith.index_cast %add3A_2791 : i32 to index
        %get3A_2793 = arith.constant 0 : index
        %get3A_2794 = tpu.vector_load %arg8[%get3A_2792, %get3A_2793] {strides = array<i32>} : memref<1600x32xf32, #tpu.memory_space<vmem>>, vector<16xf32>,
        %add3A_2795 = arith.addf %scan3A_2748, %get3A_2794 : vector<16xf32>
        %add3A_2796 = arith.constant 3 : i32
        %add3A_2797 = arith.addi %add3A_2753, %add3A_2796 : i32
        %get3A_2798 = arith.index_cast %add3A_2797 : i32 to index
        %get3A_2799 = arith.constant 16 : index
        %get3A_2800 = tpu.vector_load %arg8[%get3A_2798, %get3A_2799] {strides = array<i32>} : memref<1600x32xf32, #tpu.memory_space<vmem>>, vector<16xf32>,
        %add3A_2801 = arith.addf %scan3A_2749, %get3A_2800 : vector<16xf32>
        scf.yield %add3A_2759, %add3A_2765, %add3A_2771, %add3A_2777, %add3A_2783, %add3A_2789, %add3A_2795, %add3A_2801 : vector<16xf32>, vector<16xf32>, vector<16xf32>, vector<16xf32>, vector<16xf32>, vector<16xf32>, vector<16xf32>, vector<16xf32>
      }
      %scan3A_1986 = arith.constant 50 : i32
      %add3A_1987 = arith.addf %scan3A_1985#0, %scan3A_1985#2 : vector<16xf32>
      %add3A_1988 = arith.addf %scan3A_1985#4, %scan3A_1985#6 : vector<16xf32>
      %add3A_1989 = arith.addf %add3A_1987, %add3A_1988 : vector<16xf32>
      %add3A_1990 = arith.addf %scan3A_1985#1, %scan3A_1985#3 : vector<16xf32>
      %add3A_1991 = arith.addf %scan3A_1985#5, %scan3A_1985#7 : vector<16xf32>
      %add3A_1992 = arith.addf %add3A_1990, %add3A_1991 : vector<16xf32>
      %convert_element_type3A_1993 = arith.sitofp %add3A_1978 : vector<16xi32> to vector<16xf32>
      %sub3A_1994 = arith.constant 2.000000e+02 : f32
      %sub3A_1995 = vector.broadcast %sub3A_1994 : f32 to vector<16xf32>
      %sub3A_1996 = arith.subf %sub3A_1995, %convert_element_type3A_1993 : vector<16xf32>
      %max3A_1997 = arith.constant 1.000000e+00 : f32
      %max3A_1998 = vector.broadcast %max3A_1997 : f32 to vector<16xf32>
      %max3A_1999 = arith.maximumf %sub3A_1996, %max3A_1998 : vector<16xf32>
      %get3A_2000 = arith.constant 0 : i32
      %get3A_2001 = arith.index_cast %get3A_2000 : i32 to index
      %get3A_2002 = arith.constant 0 : index
      %get3A_2003 = tpu.vector_load %arg11[%get3A_2001, %get3A_2002] {strides = array<i32>} : memref<1x32xf32, #tpu.memory_space<vmem>>, vector<16xf32>,
      %get3A_2004 = arith.constant 0 : i32
      %get3A_2005 = arith.index_cast %get3A_2004 : i32 to index
      %get3A_2006 = arith.constant 16 : index
      %get3A_2007 = tpu.vector_load %arg11[%get3A_2005, %get3A_2006] {strides = array<i32>} : memref<1x32xf32, #tpu.memory_space<vmem>>, vector<16xf32>,
      %mul3A_2008 = arith.mulf %convert_element_type3A_1993, %get3A_2003 : vector<16xf32>
      %sub3A_2009 = arith.subf %add3A_1989, %mul3A_2008 : vector<16xf32>
      %div3A_2010 = arith.divf %sub3A_2009, %max3A_1999 : vector<16xf32>
      %swap3A_2011 = arith.constant 2 : i32
      %swap3A_2012 = arith.index_cast %swap3A_2011 : i32 to index
      %swap3A_2013 = arith.constant 0 : index
      %swap3A_2014 = tpu.vector_load %arg10[%swap3A_2012, %swap3A_2013] {strides = array<i32>} : memref<8x32xf32, #tpu.memory_space<vmem>>, vector<16xf32>,
      tpu.vector_store %arg10[%swap3A_2012, %swap3A_2013], %div3A_2010 {strides = array<i32>} : memref<8x32xf32, #tpu.memory_space<vmem>>, vector<16xf32>,
      %mul3A_2015 = arith.mulf %convert_element_type3A_1993, %get3A_2007 : vector<16xf32>
      %sub3A_2016 = arith.subf %add3A_1992, %mul3A_2015 : vector<16xf32>
      %div3A_2017 = arith.divf %sub3A_2016, %max3A_1999 : vector<16xf32>
      %swap3A_2018 = arith.constant 2 : i32
      %swap3A_2019 = arith.index_cast %swap3A_2018 : i32 to index
      %swap3A_2020 = arith.constant 16 : index
      %swap3A_2021 = tpu.vector_load %arg10[%swap3A_2019, %swap3A_2020] {strides = array<i32>} : memref<8x32xf32, #tpu.memory_space<vmem>>, vector<16xf32>,
      tpu.vector_store %arg10[%swap3A_2019, %swap3A_2020], %div3A_2017 {strides = array<i32>} : memref<8x32xf32, #tpu.memory_space<vmem>>, vector<16xf32>,
      %broadcast_in_dim3A_2022 = arith.constant 0 : i32
      %broadcast_in_dim3A_2023 = vector.broadcast %broadcast_in_dim3A_2022 : i32 to vector<16xi32>
      %get3A_2024 = arith.constant 600 : index
      %get3A_2025 = tpu.vector_load %arg6[%get3A_2024] {strides = array<i32>} : memref<1600xi32, #tpu.memory_space<vmem>>, vector<16xi32>,
      %eq3A_2026 = arith.constant 0 : i32
      %eq3A_2027 = vector.broadcast %eq3A_2026 : i32 to vector<16xi32>
      %eq3A_2028 = arith.cmpi eq, %get3A_2025, %eq3A_2027 : vector<16xi32>
      %all_reduce_population_count3A_2029 = tpu.all_reduce %eq3A_2028 {dim = 0 : i64, kind = #tpu.reduction_kind<sum>} : vector<16xi1> -> vector<16xi32>
      %add3A_2030 = arith.addi %broadcast_in_dim3A_2023, %all_reduce_population_count3A_2029 : vector<16xi32>
      %get3A_2031 = arith.constant 616 : index
      %get3A_2032 = tpu.vector_load %arg6[%get3A_2031] {strides = array<i32>} : memref<1600xi32, #tpu.memory_space<vmem>>, vector<16xi32>,
      %eq3A_2033 = arith.constant 0 : i32
      %eq3A_2034 = vector.broadcast %eq3A_2033 : i32 to vector<16xi32>
      %eq3A_2035 = arith.cmpi eq, %get3A_2032, %eq3A_2034 : vector<16xi32>
      %all_reduce_population_count3A_2036 = tpu.all_reduce %eq3A_2035 {dim = 0 : i64, kind = #tpu.reduction_kind<sum>} : vector<16xi1> -> vector<16xi32>
      %add3A_2037 = arith.addi %add3A_2030, %all_reduce_population_count3A_2036 : vector<16xi32>
      %get3A_2038 = arith.constant 632 : index
      %get3A_2039 = tpu.vector_load %arg6[%get3A_2038] {strides = array<i32>} : memref<1600xi32, #tpu.memory_space<vmem>>, vector<16xi32>,
      %eq3A_2040 = arith.constant 0 : i32
      %eq3A_2041 = vector.broadcast %eq3A_2040 : i32 to vector<16xi32>
      %eq3A_2042 = arith.cmpi eq, %get3A_2039, %eq3A_2041 : vector<16xi32>
      %all_reduce_population_count3A_2043 = tpu.all_reduce %eq3A_2042 {dim = 0 : i64, kind = #tpu.reduction_kind<sum>} : vector<16xi1> -> vector<16xi32>
      %add3A_2044 = arith.addi %add3A_2037, %all_reduce_population_count3A_2043 : vector<16xi32>
      %get3A_2045 = arith.constant 648 : index
      %get3A_2046 = tpu.vector_load %arg6[%get3A_2045] {strides = array<i32>} : memref<1600xi32, #tpu.memory_space<vmem>>, vector<16xi32>,
      %eq3A_2047 = arith.constant 0 : i32
      %eq3A_2048 = vector.broadcast %eq3A_2047 : i32 to vector<16xi32>
      %eq3A_2049 = arith.cmpi eq, %get3A_2046, %eq3A_2048 : vector<16xi32>
      %all_reduce_population_count3A_2050 = tpu.all_reduce %eq3A_2049 {dim = 0 : i64, kind = #tpu.reduction_kind<sum>} : vector<16xi1> -> vector<16xi32>
      %add3A_2051 = arith.addi %add3A_2044, %all_reduce_population_count3A_2050 : vector<16xi32>
      %get3A_2052 = arith.constant 664 : index
      %get3A_2053 = tpu.vector_load %arg6[%get3A_2052] {strides = array<i32>} : memref<1600xi32, #tpu.memory_space<vmem>>, vector<16xi32>,
      %eq3A_2054 = arith.constant 0 : i32
      %eq3A_2055 = vector.broadcast %eq3A_2054 : i32 to vector<16xi32>
      %eq3A_2056 = arith.cmpi eq, %get3A_2053, %eq3A_2055 : vector<16xi32>
      %all_reduce_population_count3A_2057 = tpu.all_reduce %eq3A_2056 {dim = 0 : i64, kind = #tpu.reduction_kind<sum>} : vector<16xi1> -> vector<16xi32>
      %add3A_2058 = arith.addi %add3A_2051, %all_reduce_population_count3A_2057 : vector<16xi32>
      %get3A_2059 = arith.constant 680 : index
      %get3A_2060 = tpu.vector_load %arg6[%get3A_2059] {strides = array<i32>} : memref<1600xi32, #tpu.memory_space<vmem>>, vector<16xi32>,
      %eq3A_2061 = arith.constant 0 : i32
      %eq3A_2062 = vector.broadcast %eq3A_2061 : i32 to vector<16xi32>
      %eq3A_2063 = arith.cmpi eq, %get3A_2060, %eq3A_2062 : vector<16xi32>
      %all_reduce_population_count3A_2064 = tpu.all_reduce %eq3A_2063 {dim = 0 : i64, kind = #tpu.reduction_kind<sum>} : vector<16xi1> -> vector<16xi32>
      %add3A_2065 = arith.addi %add3A_2058, %all_reduce_population_count3A_2064 : vector<16xi32>
      %get3A_2066 = arith.constant 696 : index
      %get3A_2067 = tpu.vector_load %arg6[%get3A_2066] {strides = array<i32>} : memref<1600xi32, #tpu.memory_space<vmem>>, vector<16xi32>,
      %eq3A_2068 = arith.constant 0 : i32
      %eq3A_2069 = vector.broadcast %eq3A_2068 : i32 to vector<16xi32>
      %eq3A_2070 = arith.cmpi eq, %get3A_2067, %eq3A_2069 : vector<16xi32>
      %all_reduce_population_count3A_2071 = tpu.all_reduce %eq3A_2070 {dim = 0 : i64, kind = #tpu.reduction_kind<sum>} : vector<16xi1> -> vector<16xi32>
      %add3A_2072 = arith.addi %add3A_2065, %all_reduce_population_count3A_2071 : vector<16xi32>
      %get3A_2073 = arith.constant 712 : index
      %get3A_2074 = tpu.vector_load %arg6[%get3A_2073] {strides = array<i32>} : memref<1600xi32, #tpu.memory_space<vmem>>, vector<16xi32>,
      %eq3A_2075 = arith.constant 0 : i32
      %eq3A_2076 = vector.broadcast %eq3A_2075 : i32 to vector<16xi32>
      %eq3A_2077 = arith.cmpi eq, %get3A_2074, %eq3A_2076 : vector<16xi32>
      %all_reduce_population_count3A_2078 = tpu.all_reduce %eq3A_2077 {dim = 0 : i64, kind = #tpu.reduction_kind<sum>} : vector<16xi1> -> vector<16xi32>
      %add3A_2079 = arith.addi %add3A_2072, %all_reduce_population_count3A_2078 : vector<16xi32>
      %get3A_2080 = arith.constant 728 : index
      %get3A_2081 = tpu.vector_load %arg6[%get3A_2080] {strides = array<i32>} : memref<1600xi32, #tpu.memory_space<vmem>>, vector<16xi32>,
      %eq3A_2082 = arith.constant 0 : i32
      %eq3A_2083 = vector.broadcast %eq3A_2082 : i32 to vector<16xi32>
      %eq3A_2084 = arith.cmpi eq, %get3A_2081, %eq3A_2083 : vector<16xi32>
      %all_reduce_population_count3A_2085 = tpu.all_reduce %eq3A_2084 {dim = 0 : i64, kind = #tpu.reduction_kind<sum>} : vector<16xi1> -> vector<16xi32>
      %add3A_2086 = arith.addi %add3A_2079, %all_reduce_population_count3A_2085 : vector<16xi32>
      %get3A_2087 = arith.constant 744 : index
      %get3A_2088 = tpu.vector_load %arg6[%get3A_2087] {strides = array<i32>} : memref<1600xi32, #tpu.memory_space<vmem>>, vector<16xi32>,
      %eq3A_2089 = arith.constant 0 : i32
      %eq3A_2090 = vector.broadcast %eq3A_2089 : i32 to vector<16xi32>
      %eq3A_2091 = arith.cmpi eq, %get3A_2088, %eq3A_2090 : vector<16xi32>
      %all_reduce_population_count3A_2092 = tpu.all_reduce %eq3A_2091 {dim = 0 : i64, kind = #tpu.reduction_kind<sum>} : vector<16xi1> -> vector<16xi32>
      %add3A_2093 = arith.addi %add3A_2086, %all_reduce_population_count3A_2092 : vector<16xi32>
      %get3A_2094 = arith.constant 760 : index
      %get3A_2095 = tpu.vector_load %arg6[%get3A_2094] {strides = array<i32>} : memref<1600xi32, #tpu.memory_space<vmem>>, vector<16xi32>,
      %eq3A_2096 = arith.constant 0 : i32
      %eq3A_2097 = vector.broadcast %eq3A_2096 : i32 to vector<16xi32>
      %eq3A_2098 = arith.cmpi eq, %get3A_2095, %eq3A_2097 : vector<16xi32>
      %all_reduce_population_count3A_2099 = tpu.all_reduce %eq3A_2098 {dim = 0 : i64, kind = #tpu.reduction_kind<sum>} : vector<16xi1> -> vector<16xi32>
      %add3A_2100 = arith.addi %add3A_2093, %all_reduce_population_count3A_2099 : vector<16xi32>
      %get3A_2101 = arith.constant 776 : index
      %get3A_2102 = tpu.vector_load %arg6[%get3A_2101] {strides = array<i32>} : memref<1600xi32, #tpu.memory_space<vmem>>, vector<16xi32>,
      %eq3A_2103 = arith.constant 0 : i32
      %eq3A_2104 = vector.broadcast %eq3A_2103 : i32 to vector<16xi32>
      %eq3A_2105 = arith.cmpi eq, %get3A_2102, %eq3A_2104 : vector<16xi32>
      %all_reduce_population_count3A_2106 = tpu.all_reduce %eq3A_2105 {dim = 0 : i64, kind = #tpu.reduction_kind<sum>} : vector<16xi1> -> vector<16xi32>
      %add3A_2107 = arith.addi %add3A_2100, %all_reduce_population_count3A_2106 : vector<16xi32>
      %get3A_2108 = arith.constant 784 : index
      %get3A_2109 = tpu.vector_load %arg6[%get3A_2108] {strides = array<i32>} : memref<1600xi32, #tpu.memory_space<vmem>>, vector<16xi32>,
      %iota3A_2110 = tpu.iota {dimensions = array<i32: 0>} : vector<16xi32>
      %ge3A_2111 = arith.constant 8 : i32
      %ge3A_2112 = vector.broadcast %ge3A_2111 : i32 to vector<16xi32>
      %ge3A_2113 = arith.cmpi sge, %iota3A_2110, %ge3A_2112 : vector<16xi32>
      %eq3A_2114 = arith.constant 0 : i32
      %eq3A_2115 = vector.broadcast %eq3A_2114 : i32 to vector<16xi32>
      %eq3A_2116 = arith.cmpi eq, %get3A_2109, %eq3A_2115 : vector<16xi32>
      %and3A_2117 = arith.andi %ge3A_2113, %eq3A_2116 : vector<16xi1>
      %all_reduce_population_count3A_2118 = tpu.all_reduce %and3A_2117 {dim = 0 : i64, kind = #tpu.reduction_kind<sum>} : vector<16xi1> -> vector<16xi32>
      %add3A_2119 = arith.addi %add3A_2107, %all_reduce_population_count3A_2118 : vector<16xi32>
      %broadcast_in_dim3A_2120 = arith.constant 0.000000e+00 : f32
      %broadcast_in_dim3A_2121 = vector.broadcast %broadcast_in_dim3A_2120 : f32 to vector<16xf32>
      %scan3A_2122 = arith.constant 0 : i32
      %scan3A_2123 = arith.constant 50 : i32
      %scan3A_2124 = arith.addi %scan3A_2122, %scan3A_2123 : i32
      %scan3A_2125 = arith.constant 1 : i32
      %scan3A_2126:8 = scf.for %scan3A_2741 = %scan3A_2122 to %scan3A_2124 step %scan3A_2125 iter_args(%scan3A_2742 = %broadcast_in_dim3A_2121, %scan3A_2743 = %broadcast_in_dim3A_2121, %scan3A_2744 = %broadcast_in_dim3A_2121, %scan3A_2745 = %broadcast_in_dim3A_2121, %scan3A_2746 = %broadcast_in_dim3A_2121, %scan3A_2747 = %broadcast_in_dim3A_2121, %scan3A_2748 = %broadcast_in_dim3A_2121, %scan3A_2749 = %broadcast_in_dim3A_2121) -> (vector<16xf32>, vector<16xf32>, vector<16xf32>, vector<16xf32>, vector<16xf32>, vector<16xf32>, vector<16xf32>, vector<16xf32>)  : i32 {
        %mul3A_2750 = arith.constant 4 : i32
        %mul3A_2751 = arith.muli %mul3A_2750, %scan3A_2741 : i32
        %add3A_2752 = arith.constant 600 : i32
        %add3A_2753 = arith.addi %add3A_2752, %mul3A_2751 : i32
        %add3A_2754 = arith.constant 0 : i32
        %add3A_2755 = arith.addi %add3A_2753, %add3A_2754 : i32
        %get3A_2756 = arith.index_cast %add3A_2755 : i32 to index
        %get3A_2757 = arith.constant 0 : index
        %get3A_2758 = tpu.vector_load %arg8[%get3A_2756, %get3A_2757] {strides = array<i32>} : memref<1600x32xf32, #tpu.memory_space<vmem>>, vector<16xf32>,
        %add3A_2759 = arith.addf %scan3A_2742, %get3A_2758 : vector<16xf32>
        %add3A_2760 = arith.constant 0 : i32
        %add3A_2761 = arith.addi %add3A_2753, %add3A_2760 : i32
        %get3A_2762 = arith.index_cast %add3A_2761 : i32 to index
        %get3A_2763 = arith.constant 16 : index
        %get3A_2764 = tpu.vector_load %arg8[%get3A_2762, %get3A_2763] {strides = array<i32>} : memref<1600x32xf32, #tpu.memory_space<vmem>>, vector<16xf32>,
        %add3A_2765 = arith.addf %scan3A_2743, %get3A_2764 : vector<16xf32>
        %add3A_2766 = arith.constant 1 : i32
        %add3A_2767 = arith.addi %add3A_2753, %add3A_2766 : i32
        %get3A_2768 = arith.index_cast %add3A_2767 : i32 to index
        %get3A_2769 = arith.constant 0 : index
        %get3A_2770 = tpu.vector_load %arg8[%get3A_2768, %get3A_2769] {strides = array<i32>} : memref<1600x32xf32, #tpu.memory_space<vmem>>, vector<16xf32>,
        %add3A_2771 = arith.addf %scan3A_2744, %get3A_2770 : vector<16xf32>
        %add3A_2772 = arith.constant 1 : i32
        %add3A_2773 = arith.addi %add3A_2753, %add3A_2772 : i32
        %get3A_2774 = arith.index_cast %add3A_2773 : i32 to index
        %get3A_2775 = arith.constant 16 : index
        %get3A_2776 = tpu.vector_load %arg8[%get3A_2774, %get3A_2775] {strides = array<i32>} : memref<1600x32xf32, #tpu.memory_space<vmem>>, vector<16xf32>,
        %add3A_2777 = arith.addf %scan3A_2745, %get3A_2776 : vector<16xf32>
        %add3A_2778 = arith.constant 2 : i32
        %add3A_2779 = arith.addi %add3A_2753, %add3A_2778 : i32
        %get3A_2780 = arith.index_cast %add3A_2779 : i32 to index
        %get3A_2781 = arith.constant 0 : index
        %get3A_2782 = tpu.vector_load %arg8[%get3A_2780, %get3A_2781] {strides = array<i32>} : memref<1600x32xf32, #tpu.memory_space<vmem>>, vector<16xf32>,
        %add3A_2783 = arith.addf %scan3A_2746, %get3A_2782 : vector<16xf32>
        %add3A_2784 = arith.constant 2 : i32
        %add3A_2785 = arith.addi %add3A_2753, %add3A_2784 : i32
        %get3A_2786 = arith.index_cast %add3A_2785 : i32 to index
        %get3A_2787 = arith.constant 16 : index
        %get3A_2788 = tpu.vector_load %arg8[%get3A_2786, %get3A_2787] {strides = array<i32>} : memref<1600x32xf32, #tpu.memory_space<vmem>>, vector<16xf32>,
        %add3A_2789 = arith.addf %scan3A_2747, %get3A_2788 : vector<16xf32>
        %add3A_2790 = arith.constant 3 : i32
        %add3A_2791 = arith.addi %add3A_2753, %add3A_2790 : i32
        %get3A_2792 = arith.index_cast %add3A_2791 : i32 to index
        %get3A_2793 = arith.constant 0 : index
        %get3A_2794 = tpu.vector_load %arg8[%get3A_2792, %get3A_2793] {strides = array<i32>} : memref<1600x32xf32, #tpu.memory_space<vmem>>, vector<16xf32>,
        %add3A_2795 = arith.addf %scan3A_2748, %get3A_2794 : vector<16xf32>
        %add3A_2796 = arith.constant 3 : i32
        %add3A_2797 = arith.addi %add3A_2753, %add3A_2796 : i32
        %get3A_2798 = arith.index_cast %add3A_2797 : i32 to index
        %get3A_2799 = arith.constant 16 : index
        %get3A_2800 = tpu.vector_load %arg8[%get3A_2798, %get3A_2799] {strides = array<i32>} : memref<1600x32xf32, #tpu.memory_space<vmem>>, vector<16xf32>,
        %add3A_2801 = arith.addf %scan3A_2749, %get3A_2800 : vector<16xf32>
        scf.yield %add3A_2759, %add3A_2765, %add3A_2771, %add3A_2777, %add3A_2783, %add3A_2789, %add3A_2795, %add3A_2801 : vector<16xf32>, vector<16xf32>, vector<16xf32>, vector<16xf32>, vector<16xf32>, vector<16xf32>, vector<16xf32>, vector<16xf32>
      }
      %scan3A_2127 = arith.constant 50 : i32
      %add3A_2128 = arith.addf %scan3A_2126#0, %scan3A_2126#2 : vector<16xf32>
      %add3A_2129 = arith.addf %scan3A_2126#4, %scan3A_2126#6 : vector<16xf32>
      %add3A_2130 = arith.addf %add3A_2128, %add3A_2129 : vector<16xf32>
      %add3A_2131 = arith.addf %scan3A_2126#1, %scan3A_2126#3 : vector<16xf32>
      %add3A_2132 = arith.addf %scan3A_2126#5, %scan3A_2126#7 : vector<16xf32>
      %add3A_2133 = arith.addf %add3A_2131, %add3A_2132 : vector<16xf32>
      %convert_element_type3A_2134 = arith.sitofp %add3A_2119 : vector<16xi32> to vector<16xf32>
      %sub3A_2135 = arith.constant 2.000000e+02 : f32
      %sub3A_2136 = vector.broadcast %sub3A_2135 : f32 to vector<16xf32>
      %sub3A_2137 = arith.subf %sub3A_2136, %convert_element_type3A_2134 : vector<16xf32>
      %max3A_2138 = arith.constant 1.000000e+00 : f32
      %max3A_2139 = vector.broadcast %max3A_2138 : f32 to vector<16xf32>
      %max3A_2140 = arith.maximumf %sub3A_2137, %max3A_2139 : vector<16xf32>
      %get3A_2141 = arith.constant 0 : i32
      %get3A_2142 = arith.index_cast %get3A_2141 : i32 to index
      %get3A_2143 = arith.constant 0 : index
      %get3A_2144 = tpu.vector_load %arg11[%get3A_2142, %get3A_2143] {strides = array<i32>} : memref<1x32xf32, #tpu.memory_space<vmem>>, vector<16xf32>,
      %get3A_2145 = arith.constant 0 : i32
      %get3A_2146 = arith.index_cast %get3A_2145 : i32 to index
      %get3A_2147 = arith.constant 16 : index
      %get3A_2148 = tpu.vector_load %arg11[%get3A_2146, %get3A_2147] {strides = array<i32>} : memref<1x32xf32, #tpu.memory_space<vmem>>, vector<16xf32>,
      %mul3A_2149 = arith.mulf %convert_element_type3A_2134, %get3A_2144 : vector<16xf32>
      %sub3A_2150 = arith.subf %add3A_2130, %mul3A_2149 : vector<16xf32>
      %div3A_2151 = arith.divf %sub3A_2150, %max3A_2140 : vector<16xf32>
      %swap3A_2152 = arith.constant 3 : i32
      %swap3A_2153 = arith.index_cast %swap3A_2152 : i32 to index
      %swap3A_2154 = arith.constant 0 : index
      %swap3A_2155 = tpu.vector_load %arg10[%swap3A_2153, %swap3A_2154] {strides = array<i32>} : memref<8x32xf32, #tpu.memory_space<vmem>>, vector<16xf32>,
      tpu.vector_store %arg10[%swap3A_2153, %swap3A_2154], %div3A_2151 {strides = array<i32>} : memref<8x32xf32, #tpu.memory_space<vmem>>, vector<16xf32>,
      %mul3A_2156 = arith.mulf %convert_element_type3A_2134, %get3A_2148 : vector<16xf32>
      %sub3A_2157 = arith.subf %add3A_2133, %mul3A_2156 : vector<16xf32>
      %div3A_2158 = arith.divf %sub3A_2157, %max3A_2140 : vector<16xf32>
      %swap3A_2159 = arith.constant 3 : i32
      %swap3A_2160 = arith.index_cast %swap3A_2159 : i32 to index
      %swap3A_2161 = arith.constant 16 : index
      %swap3A_2162 = tpu.vector_load %arg10[%swap3A_2160, %swap3A_2161] {strides = array<i32>} : memref<8x32xf32, #tpu.memory_space<vmem>>, vector<16xf32>,
      tpu.vector_store %arg10[%swap3A_2160, %swap3A_2161], %div3A_2158 {strides = array<i32>} : memref<8x32xf32, #tpu.memory_space<vmem>>, vector<16xf32>,
      %broadcast_in_dim3A_2163 = arith.constant 0 : i32
      %broadcast_in_dim3A_2164 = vector.broadcast %broadcast_in_dim3A_2163 : i32 to vector<16xi32>
      %get3A_2165 = arith.constant 800 : index
      %get3A_2166 = tpu.vector_load %arg6[%get3A_2165] {strides = array<i32>} : memref<1600xi32, #tpu.memory_space<vmem>>, vector<16xi32>,
      %eq3A_2167 = arith.constant 0 : i32
      %eq3A_2168 = vector.broadcast %eq3A_2167 : i32 to vector<16xi32>
      %eq3A_2169 = arith.cmpi eq, %get3A_2166, %eq3A_2168 : vector<16xi32>
      %all_reduce_population_count3A_2170 = tpu.all_reduce %eq3A_2169 {dim = 0 : i64, kind = #tpu.reduction_kind<sum>} : vector<16xi1> -> vector<16xi32>
      %add3A_2171 = arith.addi %broadcast_in_dim3A_2164, %all_reduce_population_count3A_2170 : vector<16xi32>
      %get3A_2172 = arith.constant 816 : index
      %get3A_2173 = tpu.vector_load %arg6[%get3A_2172] {strides = array<i32>} : memref<1600xi32, #tpu.memory_space<vmem>>, vector<16xi32>,
      %eq3A_2174 = arith.constant 0 : i32
      %eq3A_2175 = vector.broadcast %eq3A_2174 : i32 to vector<16xi32>
      %eq3A_2176 = arith.cmpi eq, %get3A_2173, %eq3A_2175 : vector<16xi32>
      %all_reduce_population_count3A_2177 = tpu.all_reduce %eq3A_2176 {dim = 0 : i64, kind = #tpu.reduction_kind<sum>} : vector<16xi1> -> vector<16xi32>
      %add3A_2178 = arith.addi %add3A_2171, %all_reduce_population_count3A_2177 : vector<16xi32>
      %get3A_2179 = arith.constant 832 : index
      %get3A_2180 = tpu.vector_load %arg6[%get3A_2179] {strides = array<i32>} : memref<1600xi32, #tpu.memory_space<vmem>>, vector<16xi32>,
      %eq3A_2181 = arith.constant 0 : i32
      %eq3A_2182 = vector.broadcast %eq3A_2181 : i32 to vector<16xi32>
      %eq3A_2183 = arith.cmpi eq, %get3A_2180, %eq3A_2182 : vector<16xi32>
      %all_reduce_population_count3A_2184 = tpu.all_reduce %eq3A_2183 {dim = 0 : i64, kind = #tpu.reduction_kind<sum>} : vector<16xi1> -> vector<16xi32>
      %add3A_2185 = arith.addi %add3A_2178, %all_reduce_population_count3A_2184 : vector<16xi32>
      %get3A_2186 = arith.constant 848 : index
      %get3A_2187 = tpu.vector_load %arg6[%get3A_2186] {strides = array<i32>} : memref<1600xi32, #tpu.memory_space<vmem>>, vector<16xi32>,
      %eq3A_2188 = arith.constant 0 : i32
      %eq3A_2189 = vector.broadcast %eq3A_2188 : i32 to vector<16xi32>
      %eq3A_2190 = arith.cmpi eq, %get3A_2187, %eq3A_2189 : vector<16xi32>
      %all_reduce_population_count3A_2191 = tpu.all_reduce %eq3A_2190 {dim = 0 : i64, kind = #tpu.reduction_kind<sum>} : vector<16xi1> -> vector<16xi32>
      %add3A_2192 = arith.addi %add3A_2185, %all_reduce_population_count3A_2191 : vector<16xi32>
      %get3A_2193 = arith.constant 864 : index
      %get3A_2194 = tpu.vector_load %arg6[%get3A_2193] {strides = array<i32>} : memref<1600xi32, #tpu.memory_space<vmem>>, vector<16xi32>,
      %eq3A_2195 = arith.constant 0 : i32
      %eq3A_2196 = vector.broadcast %eq3A_2195 : i32 to vector<16xi32>
      %eq3A_2197 = arith.cmpi eq, %get3A_2194, %eq3A_2196 : vector<16xi32>
      %all_reduce_population_count3A_2198 = tpu.all_reduce %eq3A_2197 {dim = 0 : i64, kind = #tpu.reduction_kind<sum>} : vector<16xi1> -> vector<16xi32>
      %add3A_2199 = arith.addi %add3A_2192, %all_reduce_population_count3A_2198 : vector<16xi32>
      %get3A_2200 = arith.constant 880 : index
      %get3A_2201 = tpu.vector_load %arg6[%get3A_2200] {strides = array<i32>} : memref<1600xi32, #tpu.memory_space<vmem>>, vector<16xi32>,
      %eq3A_2202 = arith.constant 0 : i32
      %eq3A_2203 = vector.broadcast %eq3A_2202 : i32 to vector<16xi32>
      %eq3A_2204 = arith.cmpi eq, %get3A_2201, %eq3A_2203 : vector<16xi32>
      %all_reduce_population_count3A_2205 = tpu.all_reduce %eq3A_2204 {dim = 0 : i64, kind = #tpu.reduction_kind<sum>} : vector<16xi1> -> vector<16xi32>
      %add3A_2206 = arith.addi %add3A_2199, %all_reduce_population_count3A_2205 : vector<16xi32>
      %get3A_2207 = arith.constant 896 : index
      %get3A_2208 = tpu.vector_load %arg6[%get3A_2207] {strides = array<i32>} : memref<1600xi32, #tpu.memory_space<vmem>>, vector<16xi32>,
      %eq3A_2209 = arith.constant 0 : i32
      %eq3A_2210 = vector.broadcast %eq3A_2209 : i32 to vector<16xi32>
      %eq3A_2211 = arith.cmpi eq, %get3A_2208, %eq3A_2210 : vector<16xi32>
      %all_reduce_population_count3A_2212 = tpu.all_reduce %eq3A_2211 {dim = 0 : i64, kind = #tpu.reduction_kind<sum>} : vector<16xi1> -> vector<16xi32>
      %add3A_2213 = arith.addi %add3A_2206, %all_reduce_population_count3A_2212 : vector<16xi32>
      %get3A_2214 = arith.constant 912 : index
      %get3A_2215 = tpu.vector_load %arg6[%get3A_2214] {strides = array<i32>} : memref<1600xi32, #tpu.memory_space<vmem>>, vector<16xi32>,
      %eq3A_2216 = arith.constant 0 : i32
      %eq3A_2217 = vector.broadcast %eq3A_2216 : i32 to vector<16xi32>
      %eq3A_2218 = arith.cmpi eq, %get3A_2215, %eq3A_2217 : vector<16xi32>
      %all_reduce_population_count3A_2219 = tpu.all_reduce %eq3A_2218 {dim = 0 : i64, kind = #tpu.reduction_kind<sum>} : vector<16xi1> -> vector<16xi32>
      %add3A_2220 = arith.addi %add3A_2213, %all_reduce_population_count3A_2219 : vector<16xi32>
      %get3A_2221 = arith.constant 928 : index
      %get3A_2222 = tpu.vector_load %arg6[%get3A_2221] {strides = array<i32>} : memref<1600xi32, #tpu.memory_space<vmem>>, vector<16xi32>,
      %eq3A_2223 = arith.constant 0 : i32
      %eq3A_2224 = vector.broadcast %eq3A_2223 : i32 to vector<16xi32>
      %eq3A_2225 = arith.cmpi eq, %get3A_2222, %eq3A_2224 : vector<16xi32>
      %all_reduce_population_count3A_2226 = tpu.all_reduce %eq3A_2225 {dim = 0 : i64, kind = #tpu.reduction_kind<sum>} : vector<16xi1> -> vector<16xi32>
      %add3A_2227 = arith.addi %add3A_2220, %all_reduce_population_count3A_2226 : vector<16xi32>
      %get3A_2228 = arith.constant 944 : index
      %get3A_2229 = tpu.vector_load %arg6[%get3A_2228] {strides = array<i32>} : memref<1600xi32, #tpu.memory_space<vmem>>, vector<16xi32>,
      %eq3A_2230 = arith.constant 0 : i32
      %eq3A_2231 = vector.broadcast %eq3A_2230 : i32 to vector<16xi32>
      %eq3A_2232 = arith.cmpi eq, %get3A_2229, %eq3A_2231 : vector<16xi32>
      %all_reduce_population_count3A_2233 = tpu.all_reduce %eq3A_2232 {dim = 0 : i64, kind = #tpu.reduction_kind<sum>} : vector<16xi1> -> vector<16xi32>
      %add3A_2234 = arith.addi %add3A_2227, %all_reduce_population_count3A_2233 : vector<16xi32>
      %get3A_2235 = arith.constant 960 : index
      %get3A_2236 = tpu.vector_load %arg6[%get3A_2235] {strides = array<i32>} : memref<1600xi32, #tpu.memory_space<vmem>>, vector<16xi32>,
      %eq3A_2237 = arith.constant 0 : i32
      %eq3A_2238 = vector.broadcast %eq3A_2237 : i32 to vector<16xi32>
      %eq3A_2239 = arith.cmpi eq, %get3A_2236, %eq3A_2238 : vector<16xi32>
      %all_reduce_population_count3A_2240 = tpu.all_reduce %eq3A_2239 {dim = 0 : i64, kind = #tpu.reduction_kind<sum>} : vector<16xi1> -> vector<16xi32>
      %add3A_2241 = arith.addi %add3A_2234, %all_reduce_population_count3A_2240 : vector<16xi32>
      %get3A_2242 = arith.constant 976 : index
      %get3A_2243 = tpu.vector_load %arg6[%get3A_2242] {strides = array<i32>} : memref<1600xi32, #tpu.memory_space<vmem>>, vector<16xi32>,
      %eq3A_2244 = arith.constant 0 : i32
      %eq3A_2245 = vector.broadcast %eq3A_2244 : i32 to vector<16xi32>
      %eq3A_2246 = arith.cmpi eq, %get3A_2243, %eq3A_2245 : vector<16xi32>
      %all_reduce_population_count3A_2247 = tpu.all_reduce %eq3A_2246 {dim = 0 : i64, kind = #tpu.reduction_kind<sum>} : vector<16xi1> -> vector<16xi32>
      %add3A_2248 = arith.addi %add3A_2241, %all_reduce_population_count3A_2247 : vector<16xi32>
      %get3A_2249 = arith.constant 984 : index
      %get3A_2250 = tpu.vector_load %arg6[%get3A_2249] {strides = array<i32>} : memref<1600xi32, #tpu.memory_space<vmem>>, vector<16xi32>,
      %iota3A_2251 = tpu.iota {dimensions = array<i32: 0>} : vector<16xi32>
      %ge3A_2252 = arith.constant 8 : i32
      %ge3A_2253 = vector.broadcast %ge3A_2252 : i32 to vector<16xi32>
      %ge3A_2254 = arith.cmpi sge, %iota3A_2251, %ge3A_2253 : vector<16xi32>
      %eq3A_2255 = arith.constant 0 : i32
      %eq3A_2256 = vector.broadcast %eq3A_2255 : i32 to vector<16xi32>
      %eq3A_2257 = arith.cmpi eq, %get3A_2250, %eq3A_2256 : vector<16xi32>
      %and3A_2258 = arith.andi %ge3A_2254, %eq3A_2257 : vector<16xi1>
      %all_reduce_population_count3A_2259 = tpu.all_reduce %and3A_2258 {dim = 0 : i64, kind = #tpu.reduction_kind<sum>} : vector<16xi1> -> vector<16xi32>
      %add3A_2260 = arith.addi %add3A_2248, %all_reduce_population_count3A_2259 : vector<16xi32>
      %broadcast_in_dim3A_2261 = arith.constant 0.000000e+00 : f32
      %broadcast_in_dim3A_2262 = vector.broadcast %broadcast_in_dim3A_2261 : f32 to vector<16xf32>
      %scan3A_2263 = arith.constant 0 : i32
      %scan3A_2264 = arith.constant 50 : i32
      %scan3A_2265 = arith.addi %scan3A_2263, %scan3A_2264 : i32
      %scan3A_2266 = arith.constant 1 : i32
      %scan3A_2267:8 = scf.for %scan3A_2741 = %scan3A_2263 to %scan3A_2265 step %scan3A_2266 iter_args(%scan3A_2742 = %broadcast_in_dim3A_2262, %scan3A_2743 = %broadcast_in_dim3A_2262, %scan3A_2744 = %broadcast_in_dim3A_2262, %scan3A_2745 = %broadcast_in_dim3A_2262, %scan3A_2746 = %broadcast_in_dim3A_2262, %scan3A_2747 = %broadcast_in_dim3A_2262, %scan3A_2748 = %broadcast_in_dim3A_2262, %scan3A_2749 = %broadcast_in_dim3A_2262) -> (vector<16xf32>, vector<16xf32>, vector<16xf32>, vector<16xf32>, vector<16xf32>, vector<16xf32>, vector<16xf32>, vector<16xf32>)  : i32 {
        %mul3A_2750 = arith.constant 4 : i32
        %mul3A_2751 = arith.muli %mul3A_2750, %scan3A_2741 : i32
        %add3A_2752 = arith.constant 800 : i32
        %add3A_2753 = arith.addi %add3A_2752, %mul3A_2751 : i32
        %add3A_2754 = arith.constant 0 : i32
        %add3A_2755 = arith.addi %add3A_2753, %add3A_2754 : i32
        %get3A_2756 = arith.index_cast %add3A_2755 : i32 to index
        %get3A_2757 = arith.constant 0 : index
        %get3A_2758 = tpu.vector_load %arg8[%get3A_2756, %get3A_2757] {strides = array<i32>} : memref<1600x32xf32, #tpu.memory_space<vmem>>, vector<16xf32>,
        %add3A_2759 = arith.addf %scan3A_2742, %get3A_2758 : vector<16xf32>
        %add3A_2760 = arith.constant 0 : i32
        %add3A_2761 = arith.addi %add3A_2753, %add3A_2760 : i32
        %get3A_2762 = arith.index_cast %add3A_2761 : i32 to index
        %get3A_2763 = arith.constant 16 : index
        %get3A_2764 = tpu.vector_load %arg8[%get3A_2762, %get3A_2763] {strides = array<i32>} : memref<1600x32xf32, #tpu.memory_space<vmem>>, vector<16xf32>,
        %add3A_2765 = arith.addf %scan3A_2743, %get3A_2764 : vector<16xf32>
        %add3A_2766 = arith.constant 1 : i32
        %add3A_2767 = arith.addi %add3A_2753, %add3A_2766 : i32
        %get3A_2768 = arith.index_cast %add3A_2767 : i32 to index
        %get3A_2769 = arith.constant 0 : index
        %get3A_2770 = tpu.vector_load %arg8[%get3A_2768, %get3A_2769] {strides = array<i32>} : memref<1600x32xf32, #tpu.memory_space<vmem>>, vector<16xf32>,
        %add3A_2771 = arith.addf %scan3A_2744, %get3A_2770 : vector<16xf32>
        %add3A_2772 = arith.constant 1 : i32
        %add3A_2773 = arith.addi %add3A_2753, %add3A_2772 : i32
        %get3A_2774 = arith.index_cast %add3A_2773 : i32 to index
        %get3A_2775 = arith.constant 16 : index
        %get3A_2776 = tpu.vector_load %arg8[%get3A_2774, %get3A_2775] {strides = array<i32>} : memref<1600x32xf32, #tpu.memory_space<vmem>>, vector<16xf32>,
        %add3A_2777 = arith.addf %scan3A_2745, %get3A_2776 : vector<16xf32>
        %add3A_2778 = arith.constant 2 : i32
        %add3A_2779 = arith.addi %add3A_2753, %add3A_2778 : i32
        %get3A_2780 = arith.index_cast %add3A_2779 : i32 to index
        %get3A_2781 = arith.constant 0 : index
        %get3A_2782 = tpu.vector_load %arg8[%get3A_2780, %get3A_2781] {strides = array<i32>} : memref<1600x32xf32, #tpu.memory_space<vmem>>, vector<16xf32>,
        %add3A_2783 = arith.addf %scan3A_2746, %get3A_2782 : vector<16xf32>
        %add3A_2784 = arith.constant 2 : i32
        %add3A_2785 = arith.addi %add3A_2753, %add3A_2784 : i32
        %get3A_2786 = arith.index_cast %add3A_2785 : i32 to index
        %get3A_2787 = arith.constant 16 : index
        %get3A_2788 = tpu.vector_load %arg8[%get3A_2786, %get3A_2787] {strides = array<i32>} : memref<1600x32xf32, #tpu.memory_space<vmem>>, vector<16xf32>,
        %add3A_2789 = arith.addf %scan3A_2747, %get3A_2788 : vector<16xf32>
        %add3A_2790 = arith.constant 3 : i32
        %add3A_2791 = arith.addi %add3A_2753, %add3A_2790 : i32
        %get3A_2792 = arith.index_cast %add3A_2791 : i32 to index
        %get3A_2793 = arith.constant 0 : index
        %get3A_2794 = tpu.vector_load %arg8[%get3A_2792, %get3A_2793] {strides = array<i32>} : memref<1600x32xf32, #tpu.memory_space<vmem>>, vector<16xf32>,
        %add3A_2795 = arith.addf %scan3A_2748, %get3A_2794 : vector<16xf32>
        %add3A_2796 = arith.constant 3 : i32
        %add3A_2797 = arith.addi %add3A_2753, %add3A_2796 : i32
        %get3A_2798 = arith.index_cast %add3A_2797 : i32 to index
        %get3A_2799 = arith.constant 16 : index
        %get3A_2800 = tpu.vector_load %arg8[%get3A_2798, %get3A_2799] {strides = array<i32>} : memref<1600x32xf32, #tpu.memory_space<vmem>>, vector<16xf32>,
        %add3A_2801 = arith.addf %scan3A_2749, %get3A_2800 : vector<16xf32>
        scf.yield %add3A_2759, %add3A_2765, %add3A_2771, %add3A_2777, %add3A_2783, %add3A_2789, %add3A_2795, %add3A_2801 : vector<16xf32>, vector<16xf32>, vector<16xf32>, vector<16xf32>, vector<16xf32>, vector<16xf32>, vector<16xf32>, vector<16xf32>
      }
      %scan3A_2268 = arith.constant 50 : i32
      %add3A_2269 = arith.addf %scan3A_2267#0, %scan3A_2267#2 : vector<16xf32>
      %add3A_2270 = arith.addf %scan3A_2267#4, %scan3A_2267#6 : vector<16xf32>
      %add3A_2271 = arith.addf %add3A_2269, %add3A_2270 : vector<16xf32>
      %add3A_2272 = arith.addf %scan3A_2267#1, %scan3A_2267#3 : vector<16xf32>
      %add3A_2273 = arith.addf %scan3A_2267#5, %scan3A_2267#7 : vector<16xf32>
      %add3A_2274 = arith.addf %add3A_2272, %add3A_2273 : vector<16xf32>
      %convert_element_type3A_2275 = arith.sitofp %add3A_2260 : vector<16xi32> to vector<16xf32>
      %sub3A_2276 = arith.constant 2.000000e+02 : f32
      %sub3A_2277 = vector.broadcast %sub3A_2276 : f32 to vector<16xf32>
      %sub3A_2278 = arith.subf %sub3A_2277, %convert_element_type3A_2275 : vector<16xf32>
      %max3A_2279 = arith.constant 1.000000e+00 : f32
      %max3A_2280 = vector.broadcast %max3A_2279 : f32 to vector<16xf32>
      %max3A_2281 = arith.maximumf %sub3A_2278, %max3A_2280 : vector<16xf32>
      %get3A_2282 = arith.constant 0 : i32
      %get3A_2283 = arith.index_cast %get3A_2282 : i32 to index
      %get3A_2284 = arith.constant 0 : index
      %get3A_2285 = tpu.vector_load %arg11[%get3A_2283, %get3A_2284] {strides = array<i32>} : memref<1x32xf32, #tpu.memory_space<vmem>>, vector<16xf32>,
      %get3A_2286 = arith.constant 0 : i32
      %get3A_2287 = arith.index_cast %get3A_2286 : i32 to index
      %get3A_2288 = arith.constant 16 : index
      %get3A_2289 = tpu.vector_load %arg11[%get3A_2287, %get3A_2288] {strides = array<i32>} : memref<1x32xf32, #tpu.memory_space<vmem>>, vector<16xf32>,
      %mul3A_2290 = arith.mulf %convert_element_type3A_2275, %get3A_2285 : vector<16xf32>
      %sub3A_2291 = arith.subf %add3A_2271, %mul3A_2290 : vector<16xf32>
      %div3A_2292 = arith.divf %sub3A_2291, %max3A_2281 : vector<16xf32>
      %swap3A_2293 = arith.constant 4 : i32
      %swap3A_2294 = arith.index_cast %swap3A_2293 : i32 to index
      %swap3A_2295 = arith.constant 0 : index
      %swap3A_2296 = tpu.vector_load %arg10[%swap3A_2294, %swap3A_2295] {strides = array<i32>} : memref<8x32xf32, #tpu.memory_space<vmem>>, vector<16xf32>,
      tpu.vector_store %arg10[%swap3A_2294, %swap3A_2295], %div3A_2292 {strides = array<i32>} : memref<8x32xf32, #tpu.memory_space<vmem>>, vector<16xf32>,
      %mul3A_2297 = arith.mulf %convert_element_type3A_2275, %get3A_2289 : vector<16xf32>
      %sub3A_2298 = arith.subf %add3A_2274, %mul3A_2297 : vector<16xf32>
      %div3A_2299 = arith.divf %sub3A_2298, %max3A_2281 : vector<16xf32>
      %swap3A_2300 = arith.constant 4 : i32
      %swap3A_2301 = arith.index_cast %swap3A_2300 : i32 to index
      %swap3A_2302 = arith.constant 16 : index
      %swap3A_2303 = tpu.vector_load %arg10[%swap3A_2301, %swap3A_2302] {strides = array<i32>} : memref<8x32xf32, #tpu.memory_space<vmem>>, vector<16xf32>,
      tpu.vector_store %arg10[%swap3A_2301, %swap3A_2302], %div3A_2299 {strides = array<i32>} : memref<8x32xf32, #tpu.memory_space<vmem>>, vector<16xf32>,
      %broadcast_in_dim3A_2304 = arith.constant 0 : i32
      %broadcast_in_dim3A_2305 = vector.broadcast %broadcast_in_dim3A_2304 : i32 to vector<16xi32>
      %get3A_2306 = arith.constant 1000 : index
      %get3A_2307 = tpu.vector_load %arg6[%get3A_2306] {strides = array<i32>} : memref<1600xi32, #tpu.memory_space<vmem>>, vector<16xi32>,
      %eq3A_2308 = arith.constant 0 : i32
      %eq3A_2309 = vector.broadcast %eq3A_2308 : i32 to vector<16xi32>
      %eq3A_2310 = arith.cmpi eq, %get3A_2307, %eq3A_2309 : vector<16xi32>
      %all_reduce_population_count3A_2311 = tpu.all_reduce %eq3A_2310 {dim = 0 : i64, kind = #tpu.reduction_kind<sum>} : vector<16xi1> -> vector<16xi32>
      %add3A_2312 = arith.addi %broadcast_in_dim3A_2305, %all_reduce_population_count3A_2311 : vector<16xi32>
      %get3A_2313 = arith.constant 1016 : index
      %get3A_2314 = tpu.vector_load %arg6[%get3A_2313] {strides = array<i32>} : memref<1600xi32, #tpu.memory_space<vmem>>, vector<16xi32>,
      %eq3A_2315 = arith.constant 0 : i32
      %eq3A_2316 = vector.broadcast %eq3A_2315 : i32 to vector<16xi32>
      %eq3A_2317 = arith.cmpi eq, %get3A_2314, %eq3A_2316 : vector<16xi32>
      %all_reduce_population_count3A_2318 = tpu.all_reduce %eq3A_2317 {dim = 0 : i64, kind = #tpu.reduction_kind<sum>} : vector<16xi1> -> vector<16xi32>
      %add3A_2319 = arith.addi %add3A_2312, %all_reduce_population_count3A_2318 : vector<16xi32>
      %get3A_2320 = arith.constant 1032 : index
      %get3A_2321 = tpu.vector_load %arg6[%get3A_2320] {strides = array<i32>} : memref<1600xi32, #tpu.memory_space<vmem>>, vector<16xi32>,
      %eq3A_2322 = arith.constant 0 : i32
      %eq3A_2323 = vector.broadcast %eq3A_2322 : i32 to vector<16xi32>
      %eq3A_2324 = arith.cmpi eq, %get3A_2321, %eq3A_2323 : vector<16xi32>
      %all_reduce_population_count3A_2325 = tpu.all_reduce %eq3A_2324 {dim = 0 : i64, kind = #tpu.reduction_kind<sum>} : vector<16xi1> -> vector<16xi32>
      %add3A_2326 = arith.addi %add3A_2319, %all_reduce_population_count3A_2325 : vector<16xi32>
      %get3A_2327 = arith.constant 1048 : index
      %get3A_2328 = tpu.vector_load %arg6[%get3A_2327] {strides = array<i32>} : memref<1600xi32, #tpu.memory_space<vmem>>, vector<16xi32>,
      %eq3A_2329 = arith.constant 0 : i32
      %eq3A_2330 = vector.broadcast %eq3A_2329 : i32 to vector<16xi32>
      %eq3A_2331 = arith.cmpi eq, %get3A_2328, %eq3A_2330 : vector<16xi32>
      %all_reduce_population_count3A_2332 = tpu.all_reduce %eq3A_2331 {dim = 0 : i64, kind = #tpu.reduction_kind<sum>} : vector<16xi1> -> vector<16xi32>
      %add3A_2333 = arith.addi %add3A_2326, %all_reduce_population_count3A_2332 : vector<16xi32>
      %get3A_2334 = arith.constant 1064 : index
      %get3A_2335 = tpu.vector_load %arg6[%get3A_2334] {strides = array<i32>} : memref<1600xi32, #tpu.memory_space<vmem>>, vector<16xi32>,
      %eq3A_2336 = arith.constant 0 : i32
      %eq3A_2337 = vector.broadcast %eq3A_2336 : i32 to vector<16xi32>
      %eq3A_2338 = arith.cmpi eq, %get3A_2335, %eq3A_2337 : vector<16xi32>
      %all_reduce_population_count3A_2339 = tpu.all_reduce %eq3A_2338 {dim = 0 : i64, kind = #tpu.reduction_kind<sum>} : vector<16xi1> -> vector<16xi32>
      %add3A_2340 = arith.addi %add3A_2333, %all_reduce_population_count3A_2339 : vector<16xi32>
      %get3A_2341 = arith.constant 1080 : index
      %get3A_2342 = tpu.vector_load %arg6[%get3A_2341] {strides = array<i32>} : memref<1600xi32, #tpu.memory_space<vmem>>, vector<16xi32>,
      %eq3A_2343 = arith.constant 0 : i32
      %eq3A_2344 = vector.broadcast %eq3A_2343 : i32 to vector<16xi32>
      %eq3A_2345 = arith.cmpi eq, %get3A_2342, %eq3A_2344 : vector<16xi32>
      %all_reduce_population_count3A_2346 = tpu.all_reduce %eq3A_2345 {dim = 0 : i64, kind = #tpu.reduction_kind<sum>} : vector<16xi1> -> vector<16xi32>
      %add3A_2347 = arith.addi %add3A_2340, %all_reduce_population_count3A_2346 : vector<16xi32>
      %get3A_2348 = arith.constant 1096 : index
      %get3A_2349 = tpu.vector_load %arg6[%get3A_2348] {strides = array<i32>} : memref<1600xi32, #tpu.memory_space<vmem>>, vector<16xi32>,
      %eq3A_2350 = arith.constant 0 : i32
      %eq3A_2351 = vector.broadcast %eq3A_2350 : i32 to vector<16xi32>
      %eq3A_2352 = arith.cmpi eq, %get3A_2349, %eq3A_2351 : vector<16xi32>
      %all_reduce_population_count3A_2353 = tpu.all_reduce %eq3A_2352 {dim = 0 : i64, kind = #tpu.reduction_kind<sum>} : vector<16xi1> -> vector<16xi32>
      %add3A_2354 = arith.addi %add3A_2347, %all_reduce_population_count3A_2353 : vector<16xi32>
      %get3A_2355 = arith.constant 1112 : index
      %get3A_2356 = tpu.vector_load %arg6[%get3A_2355] {strides = array<i32>} : memref<1600xi32, #tpu.memory_space<vmem>>, vector<16xi32>,
      %eq3A_2357 = arith.constant 0 : i32
      %eq3A_2358 = vector.broadcast %eq3A_2357 : i32 to vector<16xi32>
      %eq3A_2359 = arith.cmpi eq, %get3A_2356, %eq3A_2358 : vector<16xi32>
      %all_reduce_population_count3A_2360 = tpu.all_reduce %eq3A_2359 {dim = 0 : i64, kind = #tpu.reduction_kind<sum>} : vector<16xi1> -> vector<16xi32>
      %add3A_2361 = arith.addi %add3A_2354, %all_reduce_population_count3A_2360 : vector<16xi32>
      %get3A_2362 = arith.constant 1128 : index
      %get3A_2363 = tpu.vector_load %arg6[%get3A_2362] {strides = array<i32>} : memref<1600xi32, #tpu.memory_space<vmem>>, vector<16xi32>,
      %eq3A_2364 = arith.constant 0 : i32
      %eq3A_2365 = vector.broadcast %eq3A_2364 : i32 to vector<16xi32>
      %eq3A_2366 = arith.cmpi eq, %get3A_2363, %eq3A_2365 : vector<16xi32>
      %all_reduce_population_count3A_2367 = tpu.all_reduce %eq3A_2366 {dim = 0 : i64, kind = #tpu.reduction_kind<sum>} : vector<16xi1> -> vector<16xi32>
      %add3A_2368 = arith.addi %add3A_2361, %all_reduce_population_count3A_2367 : vector<16xi32>
      %get3A_2369 = arith.constant 1144 : index
      %get3A_2370 = tpu.vector_load %arg6[%get3A_2369] {strides = array<i32>} : memref<1600xi32, #tpu.memory_space<vmem>>, vector<16xi32>,
      %eq3A_2371 = arith.constant 0 : i32
      %eq3A_2372 = vector.broadcast %eq3A_2371 : i32 to vector<16xi32>
      %eq3A_2373 = arith.cmpi eq, %get3A_2370, %eq3A_2372 : vector<16xi32>
      %all_reduce_population_count3A_2374 = tpu.all_reduce %eq3A_2373 {dim = 0 : i64, kind = #tpu.reduction_kind<sum>} : vector<16xi1> -> vector<16xi32>
      %add3A_2375 = arith.addi %add3A_2368, %all_reduce_population_count3A_2374 : vector<16xi32>
      %get3A_2376 = arith.constant 1160 : index
      %get3A_2377 = tpu.vector_load %arg6[%get3A_2376] {strides = array<i32>} : memref<1600xi32, #tpu.memory_space<vmem>>, vector<16xi32>,
      %eq3A_2378 = arith.constant 0 : i32
      %eq3A_2379 = vector.broadcast %eq3A_2378 : i32 to vector<16xi32>
      %eq3A_2380 = arith.cmpi eq, %get3A_2377, %eq3A_2379 : vector<16xi32>
      %all_reduce_population_count3A_2381 = tpu.all_reduce %eq3A_2380 {dim = 0 : i64, kind = #tpu.reduction_kind<sum>} : vector<16xi1> -> vector<16xi32>
      %add3A_2382 = arith.addi %add3A_2375, %all_reduce_population_count3A_2381 : vector<16xi32>
      %get3A_2383 = arith.constant 1176 : index
      %get3A_2384 = tpu.vector_load %arg6[%get3A_2383] {strides = array<i32>} : memref<1600xi32, #tpu.memory_space<vmem>>, vector<16xi32>,
      %eq3A_2385 = arith.constant 0 : i32
      %eq3A_2386 = vector.broadcast %eq3A_2385 : i32 to vector<16xi32>
      %eq3A_2387 = arith.cmpi eq, %get3A_2384, %eq3A_2386 : vector<16xi32>
      %all_reduce_population_count3A_2388 = tpu.all_reduce %eq3A_2387 {dim = 0 : i64, kind = #tpu.reduction_kind<sum>} : vector<16xi1> -> vector<16xi32>
      %add3A_2389 = arith.addi %add3A_2382, %all_reduce_population_count3A_2388 : vector<16xi32>
      %get3A_2390 = arith.constant 1184 : index
      %get3A_2391 = tpu.vector_load %arg6[%get3A_2390] {strides = array<i32>} : memref<1600xi32, #tpu.memory_space<vmem>>, vector<16xi32>,
      %iota3A_2392 = tpu.iota {dimensions = array<i32: 0>} : vector<16xi32>
      %ge3A_2393 = arith.constant 8 : i32
      %ge3A_2394 = vector.broadcast %ge3A_2393 : i32 to vector<16xi32>
      %ge3A_2395 = arith.cmpi sge, %iota3A_2392, %ge3A_2394 : vector<16xi32>
      %eq3A_2396 = arith.constant 0 : i32
      %eq3A_2397 = vector.broadcast %eq3A_2396 : i32 to vector<16xi32>
      %eq3A_2398 = arith.cmpi eq, %get3A_2391, %eq3A_2397 : vector<16xi32>
      %and3A_2399 = arith.andi %ge3A_2395, %eq3A_2398 : vector<16xi1>
      %all_reduce_population_count3A_2400 = tpu.all_reduce %and3A_2399 {dim = 0 : i64, kind = #tpu.reduction_kind<sum>} : vector<16xi1> -> vector<16xi32>
      %add3A_2401 = arith.addi %add3A_2389, %all_reduce_population_count3A_2400 : vector<16xi32>
      %broadcast_in_dim3A_2402 = arith.constant 0.000000e+00 : f32
      %broadcast_in_dim3A_2403 = vector.broadcast %broadcast_in_dim3A_2402 : f32 to vector<16xf32>
      %scan3A_2404 = arith.constant 0 : i32
      %scan3A_2405 = arith.constant 50 : i32
      %scan3A_2406 = arith.addi %scan3A_2404, %scan3A_2405 : i32
      %scan3A_2407 = arith.constant 1 : i32
      %scan3A_2408:8 = scf.for %scan3A_2741 = %scan3A_2404 to %scan3A_2406 step %scan3A_2407 iter_args(%scan3A_2742 = %broadcast_in_dim3A_2403, %scan3A_2743 = %broadcast_in_dim3A_2403, %scan3A_2744 = %broadcast_in_dim3A_2403, %scan3A_2745 = %broadcast_in_dim3A_2403, %scan3A_2746 = %broadcast_in_dim3A_2403, %scan3A_2747 = %broadcast_in_dim3A_2403, %scan3A_2748 = %broadcast_in_dim3A_2403, %scan3A_2749 = %broadcast_in_dim3A_2403) -> (vector<16xf32>, vector<16xf32>, vector<16xf32>, vector<16xf32>, vector<16xf32>, vector<16xf32>, vector<16xf32>, vector<16xf32>)  : i32 {
        %mul3A_2750 = arith.constant 4 : i32
        %mul3A_2751 = arith.muli %mul3A_2750, %scan3A_2741 : i32
        %add3A_2752 = arith.constant 1000 : i32
        %add3A_2753 = arith.addi %add3A_2752, %mul3A_2751 : i32
        %add3A_2754 = arith.constant 0 : i32
        %add3A_2755 = arith.addi %add3A_2753, %add3A_2754 : i32
        %get3A_2756 = arith.index_cast %add3A_2755 : i32 to index
        %get3A_2757 = arith.constant 0 : index
        %get3A_2758 = tpu.vector_load %arg8[%get3A_2756, %get3A_2757] {strides = array<i32>} : memref<1600x32xf32, #tpu.memory_space<vmem>>, vector<16xf32>,
        %add3A_2759 = arith.addf %scan3A_2742, %get3A_2758 : vector<16xf32>
        %add3A_2760 = arith.constant 0 : i32
        %add3A_2761 = arith.addi %add3A_2753, %add3A_2760 : i32
        %get3A_2762 = arith.index_cast %add3A_2761 : i32 to index
        %get3A_2763 = arith.constant 16 : index
        %get3A_2764 = tpu.vector_load %arg8[%get3A_2762, %get3A_2763] {strides = array<i32>} : memref<1600x32xf32, #tpu.memory_space<vmem>>, vector<16xf32>,
        %add3A_2765 = arith.addf %scan3A_2743, %get3A_2764 : vector<16xf32>
        %add3A_2766 = arith.constant 1 : i32
        %add3A_2767 = arith.addi %add3A_2753, %add3A_2766 : i32
        %get3A_2768 = arith.index_cast %add3A_2767 : i32 to index
        %get3A_2769 = arith.constant 0 : index
        %get3A_2770 = tpu.vector_load %arg8[%get3A_2768, %get3A_2769] {strides = array<i32>} : memref<1600x32xf32, #tpu.memory_space<vmem>>, vector<16xf32>,
        %add3A_2771 = arith.addf %scan3A_2744, %get3A_2770 : vector<16xf32>
        %add3A_2772 = arith.constant 1 : i32
        %add3A_2773 = arith.addi %add3A_2753, %add3A_2772 : i32
        %get3A_2774 = arith.index_cast %add3A_2773 : i32 to index
        %get3A_2775 = arith.constant 16 : index
        %get3A_2776 = tpu.vector_load %arg8[%get3A_2774, %get3A_2775] {strides = array<i32>} : memref<1600x32xf32, #tpu.memory_space<vmem>>, vector<16xf32>,
        %add3A_2777 = arith.addf %scan3A_2745, %get3A_2776 : vector<16xf32>
        %add3A_2778 = arith.constant 2 : i32
        %add3A_2779 = arith.addi %add3A_2753, %add3A_2778 : i32
        %get3A_2780 = arith.index_cast %add3A_2779 : i32 to index
        %get3A_2781 = arith.constant 0 : index
        %get3A_2782 = tpu.vector_load %arg8[%get3A_2780, %get3A_2781] {strides = array<i32>} : memref<1600x32xf32, #tpu.memory_space<vmem>>, vector<16xf32>,
        %add3A_2783 = arith.addf %scan3A_2746, %get3A_2782 : vector<16xf32>
        %add3A_2784 = arith.constant 2 : i32
        %add3A_2785 = arith.addi %add3A_2753, %add3A_2784 : i32
        %get3A_2786 = arith.index_cast %add3A_2785 : i32 to index
        %get3A_2787 = arith.constant 16 : index
        %get3A_2788 = tpu.vector_load %arg8[%get3A_2786, %get3A_2787] {strides = array<i32>} : memref<1600x32xf32, #tpu.memory_space<vmem>>, vector<16xf32>,
        %add3A_2789 = arith.addf %scan3A_2747, %get3A_2788 : vector<16xf32>
        %add3A_2790 = arith.constant 3 : i32
        %add3A_2791 = arith.addi %add3A_2753, %add3A_2790 : i32
        %get3A_2792 = arith.index_cast %add3A_2791 : i32 to index
        %get3A_2793 = arith.constant 0 : index
        %get3A_2794 = tpu.vector_load %arg8[%get3A_2792, %get3A_2793] {strides = array<i32>} : memref<1600x32xf32, #tpu.memory_space<vmem>>, vector<16xf32>,
        %add3A_2795 = arith.addf %scan3A_2748, %get3A_2794 : vector<16xf32>
        %add3A_2796 = arith.constant 3 : i32
        %add3A_2797 = arith.addi %add3A_2753, %add3A_2796 : i32
        %get3A_2798 = arith.index_cast %add3A_2797 : i32 to index
        %get3A_2799 = arith.constant 16 : index
        %get3A_2800 = tpu.vector_load %arg8[%get3A_2798, %get3A_2799] {strides = array<i32>} : memref<1600x32xf32, #tpu.memory_space<vmem>>, vector<16xf32>,
        %add3A_2801 = arith.addf %scan3A_2749, %get3A_2800 : vector<16xf32>
        scf.yield %add3A_2759, %add3A_2765, %add3A_2771, %add3A_2777, %add3A_2783, %add3A_2789, %add3A_2795, %add3A_2801 : vector<16xf32>, vector<16xf32>, vector<16xf32>, vector<16xf32>, vector<16xf32>, vector<16xf32>, vector<16xf32>, vector<16xf32>
      }
      %scan3A_2409 = arith.constant 50 : i32
      %add3A_2410 = arith.addf %scan3A_2408#0, %scan3A_2408#2 : vector<16xf32>
      %add3A_2411 = arith.addf %scan3A_2408#4, %scan3A_2408#6 : vector<16xf32>
      %add3A_2412 = arith.addf %add3A_2410, %add3A_2411 : vector<16xf32>
      %add3A_2413 = arith.addf %scan3A_2408#1, %scan3A_2408#3 : vector<16xf32>
      %add3A_2414 = arith.addf %scan3A_2408#5, %scan3A_2408#7 : vector<16xf32>
      %add3A_2415 = arith.addf %add3A_2413, %add3A_2414 : vector<16xf32>
      %convert_element_type3A_2416 = arith.sitofp %add3A_2401 : vector<16xi32> to vector<16xf32>
      %sub3A_2417 = arith.constant 2.000000e+02 : f32
      %sub3A_2418 = vector.broadcast %sub3A_2417 : f32 to vector<16xf32>
      %sub3A_2419 = arith.subf %sub3A_2418, %convert_element_type3A_2416 : vector<16xf32>
      %max3A_2420 = arith.constant 1.000000e+00 : f32
      %max3A_2421 = vector.broadcast %max3A_2420 : f32 to vector<16xf32>
      %max3A_2422 = arith.maximumf %sub3A_2419, %max3A_2421 : vector<16xf32>
      %get3A_2423 = arith.constant 0 : i32
      %get3A_2424 = arith.index_cast %get3A_2423 : i32 to index
      %get3A_2425 = arith.constant 0 : index
      %get3A_2426 = tpu.vector_load %arg11[%get3A_2424, %get3A_2425] {strides = array<i32>} : memref<1x32xf32, #tpu.memory_space<vmem>>, vector<16xf32>,
      %get3A_2427 = arith.constant 0 : i32
      %get3A_2428 = arith.index_cast %get3A_2427 : i32 to index
      %get3A_2429 = arith.constant 16 : index
      %get3A_2430 = tpu.vector_load %arg11[%get3A_2428, %get3A_2429] {strides = array<i32>} : memref<1x32xf32, #tpu.memory_space<vmem>>, vector<16xf32>,
      %mul3A_2431 = arith.mulf %convert_element_type3A_2416, %get3A_2426 : vector<16xf32>
      %sub3A_2432 = arith.subf %add3A_2412, %mul3A_2431 : vector<16xf32>
      %div3A_2433 = arith.divf %sub3A_2432, %max3A_2422 : vector<16xf32>
      %swap3A_2434 = arith.constant 5 : i32
      %swap3A_2435 = arith.index_cast %swap3A_2434 : i32 to index
      %swap3A_2436 = arith.constant 0 : index
      %swap3A_2437 = tpu.vector_load %arg10[%swap3A_2435, %swap3A_2436] {strides = array<i32>} : memref<8x32xf32, #tpu.memory_space<vmem>>, vector<16xf32>,
      tpu.vector_store %arg10[%swap3A_2435, %swap3A_2436], %div3A_2433 {strides = array<i32>} : memref<8x32xf32, #tpu.memory_space<vmem>>, vector<16xf32>,
      %mul3A_2438 = arith.mulf %convert_element_type3A_2416, %get3A_2430 : vector<16xf32>
      %sub3A_2439 = arith.subf %add3A_2415, %mul3A_2438 : vector<16xf32>
      %div3A_2440 = arith.divf %sub3A_2439, %max3A_2422 : vector<16xf32>
      %swap3A_2441 = arith.constant 5 : i32
      %swap3A_2442 = arith.index_cast %swap3A_2441 : i32 to index
      %swap3A_2443 = arith.constant 16 : index
      %swap3A_2444 = tpu.vector_load %arg10[%swap3A_2442, %swap3A_2443] {strides = array<i32>} : memref<8x32xf32, #tpu.memory_space<vmem>>, vector<16xf32>,
      tpu.vector_store %arg10[%swap3A_2442, %swap3A_2443], %div3A_2440 {strides = array<i32>} : memref<8x32xf32, #tpu.memory_space<vmem>>, vector<16xf32>,
      %broadcast_in_dim3A_2445 = arith.constant 0 : i32
      %broadcast_in_dim3A_2446 = vector.broadcast %broadcast_in_dim3A_2445 : i32 to vector<16xi32>
      %get3A_2447 = arith.constant 1200 : index
      %get3A_2448 = tpu.vector_load %arg6[%get3A_2447] {strides = array<i32>} : memref<1600xi32, #tpu.memory_space<vmem>>, vector<16xi32>,
      %eq3A_2449 = arith.constant 0 : i32
      %eq3A_2450 = vector.broadcast %eq3A_2449 : i32 to vector<16xi32>
      %eq3A_2451 = arith.cmpi eq, %get3A_2448, %eq3A_2450 : vector<16xi32>
      %all_reduce_population_count3A_2452 = tpu.all_reduce %eq3A_2451 {dim = 0 : i64, kind = #tpu.reduction_kind<sum>} : vector<16xi1> -> vector<16xi32>
      %add3A_2453 = arith.addi %broadcast_in_dim3A_2446, %all_reduce_population_count3A_2452 : vector<16xi32>
      %get3A_2454 = arith.constant 1216 : index
      %get3A_2455 = tpu.vector_load %arg6[%get3A_2454] {strides = array<i32>} : memref<1600xi32, #tpu.memory_space<vmem>>, vector<16xi32>,
      %eq3A_2456 = arith.constant 0 : i32
      %eq3A_2457 = vector.broadcast %eq3A_2456 : i32 to vector<16xi32>
      %eq3A_2458 = arith.cmpi eq, %get3A_2455, %eq3A_2457 : vector<16xi32>
      %all_reduce_population_count3A_2459 = tpu.all_reduce %eq3A_2458 {dim = 0 : i64, kind = #tpu.reduction_kind<sum>} : vector<16xi1> -> vector<16xi32>
      %add3A_2460 = arith.addi %add3A_2453, %all_reduce_population_count3A_2459 : vector<16xi32>
      %get3A_2461 = arith.constant 1232 : index
      %get3A_2462 = tpu.vector_load %arg6[%get3A_2461] {strides = array<i32>} : memref<1600xi32, #tpu.memory_space<vmem>>, vector<16xi32>,
      %eq3A_2463 = arith.constant 0 : i32
      %eq3A_2464 = vector.broadcast %eq3A_2463 : i32 to vector<16xi32>
      %eq3A_2465 = arith.cmpi eq, %get3A_2462, %eq3A_2464 : vector<16xi32>
      %all_reduce_population_count3A_2466 = tpu.all_reduce %eq3A_2465 {dim = 0 : i64, kind = #tpu.reduction_kind<sum>} : vector<16xi1> -> vector<16xi32>
      %add3A_2467 = arith.addi %add3A_2460, %all_reduce_population_count3A_2466 : vector<16xi32>
      %get3A_2468 = arith.constant 1248 : index
      %get3A_2469 = tpu.vector_load %arg6[%get3A_2468] {strides = array<i32>} : memref<1600xi32, #tpu.memory_space<vmem>>, vector<16xi32>,
      %eq3A_2470 = arith.constant 0 : i32
      %eq3A_2471 = vector.broadcast %eq3A_2470 : i32 to vector<16xi32>
      %eq3A_2472 = arith.cmpi eq, %get3A_2469, %eq3A_2471 : vector<16xi32>
      %all_reduce_population_count3A_2473 = tpu.all_reduce %eq3A_2472 {dim = 0 : i64, kind = #tpu.reduction_kind<sum>} : vector<16xi1> -> vector<16xi32>
      %add3A_2474 = arith.addi %add3A_2467, %all_reduce_population_count3A_2473 : vector<16xi32>
      %get3A_2475 = arith.constant 1264 : index
      %get3A_2476 = tpu.vector_load %arg6[%get3A_2475] {strides = array<i32>} : memref<1600xi32, #tpu.memory_space<vmem>>, vector<16xi32>,
      %eq3A_2477 = arith.constant 0 : i32
      %eq3A_2478 = vector.broadcast %eq3A_2477 : i32 to vector<16xi32>
      %eq3A_2479 = arith.cmpi eq, %get3A_2476, %eq3A_2478 : vector<16xi32>
      %all_reduce_population_count3A_2480 = tpu.all_reduce %eq3A_2479 {dim = 0 : i64, kind = #tpu.reduction_kind<sum>} : vector<16xi1> -> vector<16xi32>
      %add3A_2481 = arith.addi %add3A_2474, %all_reduce_population_count3A_2480 : vector<16xi32>
      %get3A_2482 = arith.constant 1280 : index
      %get3A_2483 = tpu.vector_load %arg6[%get3A_2482] {strides = array<i32>} : memref<1600xi32, #tpu.memory_space<vmem>>, vector<16xi32>,
      %eq3A_2484 = arith.constant 0 : i32
      %eq3A_2485 = vector.broadcast %eq3A_2484 : i32 to vector<16xi32>
      %eq3A_2486 = arith.cmpi eq, %get3A_2483, %eq3A_2485 : vector<16xi32>
      %all_reduce_population_count3A_2487 = tpu.all_reduce %eq3A_2486 {dim = 0 : i64, kind = #tpu.reduction_kind<sum>} : vector<16xi1> -> vector<16xi32>
      %add3A_2488 = arith.addi %add3A_2481, %all_reduce_population_count3A_2487 : vector<16xi32>
      %get3A_2489 = arith.constant 1296 : index
      %get3A_2490 = tpu.vector_load %arg6[%get3A_2489] {strides = array<i32>} : memref<1600xi32, #tpu.memory_space<vmem>>, vector<16xi32>,
      %eq3A_2491 = arith.constant 0 : i32
      %eq3A_2492 = vector.broadcast %eq3A_2491 : i32 to vector<16xi32>
      %eq3A_2493 = arith.cmpi eq, %get3A_2490, %eq3A_2492 : vector<16xi32>
      %all_reduce_population_count3A_2494 = tpu.all_reduce %eq3A_2493 {dim = 0 : i64, kind = #tpu.reduction_kind<sum>} : vector<16xi1> -> vector<16xi32>
      %add3A_2495 = arith.addi %add3A_2488, %all_reduce_population_count3A_2494 : vector<16xi32>
      %get3A_2496 = arith.constant 1312 : index
      %get3A_2497 = tpu.vector_load %arg6[%get3A_2496] {strides = array<i32>} : memref<1600xi32, #tpu.memory_space<vmem>>, vector<16xi32>,
      %eq3A_2498 = arith.constant 0 : i32
      %eq3A_2499 = vector.broadcast %eq3A_2498 : i32 to vector<16xi32>
      %eq3A_2500 = arith.cmpi eq, %get3A_2497, %eq3A_2499 : vector<16xi32>
      %all_reduce_population_count3A_2501 = tpu.all_reduce %eq3A_2500 {dim = 0 : i64, kind = #tpu.reduction_kind<sum>} : vector<16xi1> -> vector<16xi32>
      %add3A_2502 = arith.addi %add3A_2495, %all_reduce_population_count3A_2501 : vector<16xi32>
      %get3A_2503 = arith.constant 1328 : index
      %get3A_2504 = tpu.vector_load %arg6[%get3A_2503] {strides = array<i32>} : memref<1600xi32, #tpu.memory_space<vmem>>, vector<16xi32>,
      %eq3A_2505 = arith.constant 0 : i32
      %eq3A_2506 = vector.broadcast %eq3A_2505 : i32 to vector<16xi32>
      %eq3A_2507 = arith.cmpi eq, %get3A_2504, %eq3A_2506 : vector<16xi32>
      %all_reduce_population_count3A_2508 = tpu.all_reduce %eq3A_2507 {dim = 0 : i64, kind = #tpu.reduction_kind<sum>} : vector<16xi1> -> vector<16xi32>
      %add3A_2509 = arith.addi %add3A_2502, %all_reduce_population_count3A_2508 : vector<16xi32>
      %get3A_2510 = arith.constant 1344 : index
      %get3A_2511 = tpu.vector_load %arg6[%get3A_2510] {strides = array<i32>} : memref<1600xi32, #tpu.memory_space<vmem>>, vector<16xi32>,
      %eq3A_2512 = arith.constant 0 : i32
      %eq3A_2513 = vector.broadcast %eq3A_2512 : i32 to vector<16xi32>
      %eq3A_2514 = arith.cmpi eq, %get3A_2511, %eq3A_2513 : vector<16xi32>
      %all_reduce_population_count3A_2515 = tpu.all_reduce %eq3A_2514 {dim = 0 : i64, kind = #tpu.reduction_kind<sum>} : vector<16xi1> -> vector<16xi32>
      %add3A_2516 = arith.addi %add3A_2509, %all_reduce_population_count3A_2515 : vector<16xi32>
      %get3A_2517 = arith.constant 1360 : index
      %get3A_2518 = tpu.vector_load %arg6[%get3A_2517] {strides = array<i32>} : memref<1600xi32, #tpu.memory_space<vmem>>, vector<16xi32>,
      %eq3A_2519 = arith.constant 0 : i32
      %eq3A_2520 = vector.broadcast %eq3A_2519 : i32 to vector<16xi32>
      %eq3A_2521 = arith.cmpi eq, %get3A_2518, %eq3A_2520 : vector<16xi32>
      %all_reduce_population_count3A_2522 = tpu.all_reduce %eq3A_2521 {dim = 0 : i64, kind = #tpu.reduction_kind<sum>} : vector<16xi1> -> vector<16xi32>
      %add3A_2523 = arith.addi %add3A_2516, %all_reduce_population_count3A_2522 : vector<16xi32>
      %get3A_2524 = arith.constant 1376 : index
      %get3A_2525 = tpu.vector_load %arg6[%get3A_2524] {strides = array<i32>} : memref<1600xi32, #tpu.memory_space<vmem>>, vector<16xi32>,
      %eq3A_2526 = arith.constant 0 : i32
      %eq3A_2527 = vector.broadcast %eq3A_2526 : i32 to vector<16xi32>
      %eq3A_2528 = arith.cmpi eq, %get3A_2525, %eq3A_2527 : vector<16xi32>
      %all_reduce_population_count3A_2529 = tpu.all_reduce %eq3A_2528 {dim = 0 : i64, kind = #tpu.reduction_kind<sum>} : vector<16xi1> -> vector<16xi32>
      %add3A_2530 = arith.addi %add3A_2523, %all_reduce_population_count3A_2529 : vector<16xi32>
      %get3A_2531 = arith.constant 1384 : index
      %get3A_2532 = tpu.vector_load %arg6[%get3A_2531] {strides = array<i32>} : memref<1600xi32, #tpu.memory_space<vmem>>, vector<16xi32>,
      %iota3A_2533 = tpu.iota {dimensions = array<i32: 0>} : vector<16xi32>
      %ge3A_2534 = arith.constant 8 : i32
      %ge3A_2535 = vector.broadcast %ge3A_2534 : i32 to vector<16xi32>
      %ge3A_2536 = arith.cmpi sge, %iota3A_2533, %ge3A_2535 : vector<16xi32>
      %eq3A_2537 = arith.constant 0 : i32
      %eq3A_2538 = vector.broadcast %eq3A_2537 : i32 to vector<16xi32>
      %eq3A_2539 = arith.cmpi eq, %get3A_2532, %eq3A_2538 : vector<16xi32>
      %and3A_2540 = arith.andi %ge3A_2536, %eq3A_2539 : vector<16xi1>
      %all_reduce_population_count3A_2541 = tpu.all_reduce %and3A_2540 {dim = 0 : i64, kind = #tpu.reduction_kind<sum>} : vector<16xi1> -> vector<16xi32>
      %add3A_2542 = arith.addi %add3A_2530, %all_reduce_population_count3A_2541 : vector<16xi32>
      %broadcast_in_dim3A_2543 = arith.constant 0.000000e+00 : f32
      %broadcast_in_dim3A_2544 = vector.broadcast %broadcast_in_dim3A_2543 : f32 to vector<16xf32>
      %scan3A_2545 = arith.constant 0 : i32
      %scan3A_2546 = arith.constant 50 : i32
      %scan3A_2547 = arith.addi %scan3A_2545, %scan3A_2546 : i32
      %scan3A_2548 = arith.constant 1 : i32
      %scan3A_2549:8 = scf.for %scan3A_2741 = %scan3A_2545 to %scan3A_2547 step %scan3A_2548 iter_args(%scan3A_2742 = %broadcast_in_dim3A_2544, %scan3A_2743 = %broadcast_in_dim3A_2544, %scan3A_2744 = %broadcast_in_dim3A_2544, %scan3A_2745 = %broadcast_in_dim3A_2544, %scan3A_2746 = %broadcast_in_dim3A_2544, %scan3A_2747 = %broadcast_in_dim3A_2544, %scan3A_2748 = %broadcast_in_dim3A_2544, %scan3A_2749 = %broadcast_in_dim3A_2544) -> (vector<16xf32>, vector<16xf32>, vector<16xf32>, vector<16xf32>, vector<16xf32>, vector<16xf32>, vector<16xf32>, vector<16xf32>)  : i32 {
        %mul3A_2750 = arith.constant 4 : i32
        %mul3A_2751 = arith.muli %mul3A_2750, %scan3A_2741 : i32
        %add3A_2752 = arith.constant 1200 : i32
        %add3A_2753 = arith.addi %add3A_2752, %mul3A_2751 : i32
        %add3A_2754 = arith.constant 0 : i32
        %add3A_2755 = arith.addi %add3A_2753, %add3A_2754 : i32
        %get3A_2756 = arith.index_cast %add3A_2755 : i32 to index
        %get3A_2757 = arith.constant 0 : index
        %get3A_2758 = tpu.vector_load %arg8[%get3A_2756, %get3A_2757] {strides = array<i32>} : memref<1600x32xf32, #tpu.memory_space<vmem>>, vector<16xf32>,
        %add3A_2759 = arith.addf %scan3A_2742, %get3A_2758 : vector<16xf32>
        %add3A_2760 = arith.constant 0 : i32
        %add3A_2761 = arith.addi %add3A_2753, %add3A_2760 : i32
        %get3A_2762 = arith.index_cast %add3A_2761 : i32 to index
        %get3A_2763 = arith.constant 16 : index
        %get3A_2764 = tpu.vector_load %arg8[%get3A_2762, %get3A_2763] {strides = array<i32>} : memref<1600x32xf32, #tpu.memory_space<vmem>>, vector<16xf32>,
        %add3A_2765 = arith.addf %scan3A_2743, %get3A_2764 : vector<16xf32>
        %add3A_2766 = arith.constant 1 : i32
        %add3A_2767 = arith.addi %add3A_2753, %add3A_2766 : i32
        %get3A_2768 = arith.index_cast %add3A_2767 : i32 to index
        %get3A_2769 = arith.constant 0 : index
        %get3A_2770 = tpu.vector_load %arg8[%get3A_2768, %get3A_2769] {strides = array<i32>} : memref<1600x32xf32, #tpu.memory_space<vmem>>, vector<16xf32>,
        %add3A_2771 = arith.addf %scan3A_2744, %get3A_2770 : vector<16xf32>
        %add3A_2772 = arith.constant 1 : i32
        %add3A_2773 = arith.addi %add3A_2753, %add3A_2772 : i32
        %get3A_2774 = arith.index_cast %add3A_2773 : i32 to index
        %get3A_2775 = arith.constant 16 : index
        %get3A_2776 = tpu.vector_load %arg8[%get3A_2774, %get3A_2775] {strides = array<i32>} : memref<1600x32xf32, #tpu.memory_space<vmem>>, vector<16xf32>,
        %add3A_2777 = arith.addf %scan3A_2745, %get3A_2776 : vector<16xf32>
        %add3A_2778 = arith.constant 2 : i32
        %add3A_2779 = arith.addi %add3A_2753, %add3A_2778 : i32
        %get3A_2780 = arith.index_cast %add3A_2779 : i32 to index
        %get3A_2781 = arith.constant 0 : index
        %get3A_2782 = tpu.vector_load %arg8[%get3A_2780, %get3A_2781] {strides = array<i32>} : memref<1600x32xf32, #tpu.memory_space<vmem>>, vector<16xf32>,
        %add3A_2783 = arith.addf %scan3A_2746, %get3A_2782 : vector<16xf32>
        %add3A_2784 = arith.constant 2 : i32
        %add3A_2785 = arith.addi %add3A_2753, %add3A_2784 : i32
        %get3A_2786 = arith.index_cast %add3A_2785 : i32 to index
        %get3A_2787 = arith.constant 16 : index
        %get3A_2788 = tpu.vector_load %arg8[%get3A_2786, %get3A_2787] {strides = array<i32>} : memref<1600x32xf32, #tpu.memory_space<vmem>>, vector<16xf32>,
        %add3A_2789 = arith.addf %scan3A_2747, %get3A_2788 : vector<16xf32>
        %add3A_2790 = arith.constant 3 : i32
        %add3A_2791 = arith.addi %add3A_2753, %add3A_2790 : i32
        %get3A_2792 = arith.index_cast %add3A_2791 : i32 to index
        %get3A_2793 = arith.constant 0 : index
        %get3A_2794 = tpu.vector_load %arg8[%get3A_2792, %get3A_2793] {strides = array<i32>} : memref<1600x32xf32, #tpu.memory_space<vmem>>, vector<16xf32>,
        %add3A_2795 = arith.addf %scan3A_2748, %get3A_2794 : vector<16xf32>
        %add3A_2796 = arith.constant 3 : i32
        %add3A_2797 = arith.addi %add3A_2753, %add3A_2796 : i32
        %get3A_2798 = arith.index_cast %add3A_2797 : i32 to index
        %get3A_2799 = arith.constant 16 : index
        %get3A_2800 = tpu.vector_load %arg8[%get3A_2798, %get3A_2799] {strides = array<i32>} : memref<1600x32xf32, #tpu.memory_space<vmem>>, vector<16xf32>,
        %add3A_2801 = arith.addf %scan3A_2749, %get3A_2800 : vector<16xf32>
        scf.yield %add3A_2759, %add3A_2765, %add3A_2771, %add3A_2777, %add3A_2783, %add3A_2789, %add3A_2795, %add3A_2801 : vector<16xf32>, vector<16xf32>, vector<16xf32>, vector<16xf32>, vector<16xf32>, vector<16xf32>, vector<16xf32>, vector<16xf32>
      }
      %scan3A_2550 = arith.constant 50 : i32
      %add3A_2551 = arith.addf %scan3A_2549#0, %scan3A_2549#2 : vector<16xf32>
      %add3A_2552 = arith.addf %scan3A_2549#4, %scan3A_2549#6 : vector<16xf32>
      %add3A_2553 = arith.addf %add3A_2551, %add3A_2552 : vector<16xf32>
      %add3A_2554 = arith.addf %scan3A_2549#1, %scan3A_2549#3 : vector<16xf32>
      %add3A_2555 = arith.addf %scan3A_2549#5, %scan3A_2549#7 : vector<16xf32>
      %add3A_2556 = arith.addf %add3A_2554, %add3A_2555 : vector<16xf32>
      %convert_element_type3A_2557 = arith.sitofp %add3A_2542 : vector<16xi32> to vector<16xf32>
      %sub3A_2558 = arith.constant 2.000000e+02 : f32
      %sub3A_2559 = vector.broadcast %sub3A_2558 : f32 to vector<16xf32>
      %sub3A_2560 = arith.subf %sub3A_2559, %convert_element_type3A_2557 : vector<16xf32>
      %max3A_2561 = arith.constant 1.000000e+00 : f32
      %max3A_2562 = vector.broadcast %max3A_2561 : f32 to vector<16xf32>
      %max3A_2563 = arith.maximumf %sub3A_2560, %max3A_2562 : vector<16xf32>
      %get3A_2564 = arith.constant 0 : i32
      %get3A_2565 = arith.index_cast %get3A_2564 : i32 to index
      %get3A_2566 = arith.constant 0 : index
      %get3A_2567 = tpu.vector_load %arg11[%get3A_2565, %get3A_2566] {strides = array<i32>} : memref<1x32xf32, #tpu.memory_space<vmem>>, vector<16xf32>,
      %get3A_2568 = arith.constant 0 : i32
      %get3A_2569 = arith.index_cast %get3A_2568 : i32 to index
      %get3A_2570 = arith.constant 16 : index
      %get3A_2571 = tpu.vector_load %arg11[%get3A_2569, %get3A_2570] {strides = array<i32>} : memref<1x32xf32, #tpu.memory_space<vmem>>, vector<16xf32>,
      %mul3A_2572 = arith.mulf %convert_element_type3A_2557, %get3A_2567 : vector<16xf32>
      %sub3A_2573 = arith.subf %add3A_2553, %mul3A_2572 : vector<16xf32>
      %div3A_2574 = arith.divf %sub3A_2573, %max3A_2563 : vector<16xf32>
      %swap3A_2575 = arith.constant 6 : i32
      %swap3A_2576 = arith.index_cast %swap3A_2575 : i32 to index
      %swap3A_2577 = arith.constant 0 : index
      %swap3A_2578 = tpu.vector_load %arg10[%swap3A_2576, %swap3A_2577] {strides = array<i32>} : memref<8x32xf32, #tpu.memory_space<vmem>>, vector<16xf32>,
      tpu.vector_store %arg10[%swap3A_2576, %swap3A_2577], %div3A_2574 {strides = array<i32>} : memref<8x32xf32, #tpu.memory_space<vmem>>, vector<16xf32>,
      %mul3A_2579 = arith.mulf %convert_element_type3A_2557, %get3A_2571 : vector<16xf32>
      %sub3A_2580 = arith.subf %add3A_2556, %mul3A_2579 : vector<16xf32>
      %div3A_2581 = arith.divf %sub3A_2580, %max3A_2563 : vector<16xf32>
      %swap3A_2582 = arith.constant 6 : i32
      %swap3A_2583 = arith.index_cast %swap3A_2582 : i32 to index
      %swap3A_2584 = arith.constant 16 : index
      %swap3A_2585 = tpu.vector_load %arg10[%swap3A_2583, %swap3A_2584] {strides = array<i32>} : memref<8x32xf32, #tpu.memory_space<vmem>>, vector<16xf32>,
      tpu.vector_store %arg10[%swap3A_2583, %swap3A_2584], %div3A_2581 {strides = array<i32>} : memref<8x32xf32, #tpu.memory_space<vmem>>, vector<16xf32>,
      %broadcast_in_dim3A_2586 = arith.constant 0 : i32
      %broadcast_in_dim3A_2587 = vector.broadcast %broadcast_in_dim3A_2586 : i32 to vector<16xi32>
      %get3A_2588 = arith.constant 1400 : index
      %get3A_2589 = tpu.vector_load %arg6[%get3A_2588] {strides = array<i32>} : memref<1600xi32, #tpu.memory_space<vmem>>, vector<16xi32>,
      %eq3A_2590 = arith.constant 0 : i32
      %eq3A_2591 = vector.broadcast %eq3A_2590 : i32 to vector<16xi32>
      %eq3A_2592 = arith.cmpi eq, %get3A_2589, %eq3A_2591 : vector<16xi32>
      %all_reduce_population_count3A_2593 = tpu.all_reduce %eq3A_2592 {dim = 0 : i64, kind = #tpu.reduction_kind<sum>} : vector<16xi1> -> vector<16xi32>
      %add3A_2594 = arith.addi %broadcast_in_dim3A_2587, %all_reduce_population_count3A_2593 : vector<16xi32>
      %get3A_2595 = arith.constant 1416 : index
      %get3A_2596 = tpu.vector_load %arg6[%get3A_2595] {strides = array<i32>} : memref<1600xi32, #tpu.memory_space<vmem>>, vector<16xi32>,
      %eq3A_2597 = arith.constant 0 : i32
      %eq3A_2598 = vector.broadcast %eq3A_2597 : i32 to vector<16xi32>
      %eq3A_2599 = arith.cmpi eq, %get3A_2596, %eq3A_2598 : vector<16xi32>
      %all_reduce_population_count3A_2600 = tpu.all_reduce %eq3A_2599 {dim = 0 : i64, kind = #tpu.reduction_kind<sum>} : vector<16xi1> -> vector<16xi32>
      %add3A_2601 = arith.addi %add3A_2594, %all_reduce_population_count3A_2600 : vector<16xi32>
      %get3A_2602 = arith.constant 1432 : index
      %get3A_2603 = tpu.vector_load %arg6[%get3A_2602] {strides = array<i32>} : memref<1600xi32, #tpu.memory_space<vmem>>, vector<16xi32>,
      %eq3A_2604 = arith.constant 0 : i32
      %eq3A_2605 = vector.broadcast %eq3A_2604 : i32 to vector<16xi32>
      %eq3A_2606 = arith.cmpi eq, %get3A_2603, %eq3A_2605 : vector<16xi32>
      %all_reduce_population_count3A_2607 = tpu.all_reduce %eq3A_2606 {dim = 0 : i64, kind = #tpu.reduction_kind<sum>} : vector<16xi1> -> vector<16xi32>
      %add3A_2608 = arith.addi %add3A_2601, %all_reduce_population_count3A_2607 : vector<16xi32>
      %get3A_2609 = arith.constant 1448 : index
      %get3A_2610 = tpu.vector_load %arg6[%get3A_2609] {strides = array<i32>} : memref<1600xi32, #tpu.memory_space<vmem>>, vector<16xi32>,
      %eq3A_2611 = arith.constant 0 : i32
      %eq3A_2612 = vector.broadcast %eq3A_2611 : i32 to vector<16xi32>
      %eq3A_2613 = arith.cmpi eq, %get3A_2610, %eq3A_2612 : vector<16xi32>
      %all_reduce_population_count3A_2614 = tpu.all_reduce %eq3A_2613 {dim = 0 : i64, kind = #tpu.reduction_kind<sum>} : vector<16xi1> -> vector<16xi32>
      %add3A_2615 = arith.addi %add3A_2608, %all_reduce_population_count3A_2614 : vector<16xi32>
      %get3A_2616 = arith.constant 1464 : index
      %get3A_2617 = tpu.vector_load %arg6[%get3A_2616] {strides = array<i32>} : memref<1600xi32, #tpu.memory_space<vmem>>, vector<16xi32>,
      %eq3A_2618 = arith.constant 0 : i32
      %eq3A_2619 = vector.broadcast %eq3A_2618 : i32 to vector<16xi32>
      %eq3A_2620 = arith.cmpi eq, %get3A_2617, %eq3A_2619 : vector<16xi32>
      %all_reduce_population_count3A_2621 = tpu.all_reduce %eq3A_2620 {dim = 0 : i64, kind = #tpu.reduction_kind<sum>} : vector<16xi1> -> vector<16xi32>
      %add3A_2622 = arith.addi %add3A_2615, %all_reduce_population_count3A_2621 : vector<16xi32>
      %get3A_2623 = arith.constant 1480 : index
      %get3A_2624 = tpu.vector_load %arg6[%get3A_2623] {strides = array<i32>} : memref<1600xi32, #tpu.memory_space<vmem>>, vector<16xi32>,
      %eq3A_2625 = arith.constant 0 : i32
      %eq3A_2626 = vector.broadcast %eq3A_2625 : i32 to vector<16xi32>
      %eq3A_2627 = arith.cmpi eq, %get3A_2624, %eq3A_2626 : vector<16xi32>
      %all_reduce_population_count3A_2628 = tpu.all_reduce %eq3A_2627 {dim = 0 : i64, kind = #tpu.reduction_kind<sum>} : vector<16xi1> -> vector<16xi32>
      %add3A_2629 = arith.addi %add3A_2622, %all_reduce_population_count3A_2628 : vector<16xi32>
      %get3A_2630 = arith.constant 1496 : index
      %get3A_2631 = tpu.vector_load %arg6[%get3A_2630] {strides = array<i32>} : memref<1600xi32, #tpu.memory_space<vmem>>, vector<16xi32>,
      %eq3A_2632 = arith.constant 0 : i32
      %eq3A_2633 = vector.broadcast %eq3A_2632 : i32 to vector<16xi32>
      %eq3A_2634 = arith.cmpi eq, %get3A_2631, %eq3A_2633 : vector<16xi32>
      %all_reduce_population_count3A_2635 = tpu.all_reduce %eq3A_2634 {dim = 0 : i64, kind = #tpu.reduction_kind<sum>} : vector<16xi1> -> vector<16xi32>
      %add3A_2636 = arith.addi %add3A_2629, %all_reduce_population_count3A_2635 : vector<16xi32>
      %get3A_2637 = arith.constant 1512 : index
      %get3A_2638 = tpu.vector_load %arg6[%get3A_2637] {strides = array<i32>} : memref<1600xi32, #tpu.memory_space<vmem>>, vector<16xi32>,
      %eq3A_2639 = arith.constant 0 : i32
      %eq3A_2640 = vector.broadcast %eq3A_2639 : i32 to vector<16xi32>
      %eq3A_2641 = arith.cmpi eq, %get3A_2638, %eq3A_2640 : vector<16xi32>
      %all_reduce_population_count3A_2642 = tpu.all_reduce %eq3A_2641 {dim = 0 : i64, kind = #tpu.reduction_kind<sum>} : vector<16xi1> -> vector<16xi32>
      %add3A_2643 = arith.addi %add3A_2636, %all_reduce_population_count3A_2642 : vector<16xi32>
      %get3A_2644 = arith.constant 1528 : index
      %get3A_2645 = tpu.vector_load %arg6[%get3A_2644] {strides = array<i32>} : memref<1600xi32, #tpu.memory_space<vmem>>, vector<16xi32>,
      %eq3A_2646 = arith.constant 0 : i32
      %eq3A_2647 = vector.broadcast %eq3A_2646 : i32 to vector<16xi32>
      %eq3A_2648 = arith.cmpi eq, %get3A_2645, %eq3A_2647 : vector<16xi32>
      %all_reduce_population_count3A_2649 = tpu.all_reduce %eq3A_2648 {dim = 0 : i64, kind = #tpu.reduction_kind<sum>} : vector<16xi1> -> vector<16xi32>
      %add3A_2650 = arith.addi %add3A_2643, %all_reduce_population_count3A_2649 : vector<16xi32>
      %get3A_2651 = arith.constant 1544 : index
      %get3A_2652 = tpu.vector_load %arg6[%get3A_2651] {strides = array<i32>} : memref<1600xi32, #tpu.memory_space<vmem>>, vector<16xi32>,
      %eq3A_2653 = arith.constant 0 : i32
      %eq3A_2654 = vector.broadcast %eq3A_2653 : i32 to vector<16xi32>
      %eq3A_2655 = arith.cmpi eq, %get3A_2652, %eq3A_2654 : vector<16xi32>
      %all_reduce_population_count3A_2656 = tpu.all_reduce %eq3A_2655 {dim = 0 : i64, kind = #tpu.reduction_kind<sum>} : vector<16xi1> -> vector<16xi32>
      %add3A_2657 = arith.addi %add3A_2650, %all_reduce_population_count3A_2656 : vector<16xi32>
      %get3A_2658 = arith.constant 1560 : index
      %get3A_2659 = tpu.vector_load %arg6[%get3A_2658] {strides = array<i32>} : memref<1600xi32, #tpu.memory_space<vmem>>, vector<16xi32>,
      %eq3A_2660 = arith.constant 0 : i32
      %eq3A_2661 = vector.broadcast %eq3A_2660 : i32 to vector<16xi32>
      %eq3A_2662 = arith.cmpi eq, %get3A_2659, %eq3A_2661 : vector<16xi32>
      %all_reduce_population_count3A_2663 = tpu.all_reduce %eq3A_2662 {dim = 0 : i64, kind = #tpu.reduction_kind<sum>} : vector<16xi1> -> vector<16xi32>
      %add3A_2664 = arith.addi %add3A_2657, %all_reduce_population_count3A_2663 : vector<16xi32>
      %get3A_2665 = arith.constant 1576 : index
      %get3A_2666 = tpu.vector_load %arg6[%get3A_2665] {strides = array<i32>} : memref<1600xi32, #tpu.memory_space<vmem>>, vector<16xi32>,
      %eq3A_2667 = arith.constant 0 : i32
      %eq3A_2668 = vector.broadcast %eq3A_2667 : i32 to vector<16xi32>
      %eq3A_2669 = arith.cmpi eq, %get3A_2666, %eq3A_2668 : vector<16xi32>
      %all_reduce_population_count3A_2670 = tpu.all_reduce %eq3A_2669 {dim = 0 : i64, kind = #tpu.reduction_kind<sum>} : vector<16xi1> -> vector<16xi32>
      %add3A_2671 = arith.addi %add3A_2664, %all_reduce_population_count3A_2670 : vector<16xi32>
      %get3A_2672 = arith.constant 1584 : index
      %get3A_2673 = tpu.vector_load %arg6[%get3A_2672] {strides = array<i32>} : memref<1600xi32, #tpu.memory_space<vmem>>, vector<16xi32>,
      %iota3A_2674 = tpu.iota {dimensions = array<i32: 0>} : vector<16xi32>
      %ge3A_2675 = arith.constant 8 : i32
      %ge3A_2676 = vector.broadcast %ge3A_2675 : i32 to vector<16xi32>
      %ge3A_2677 = arith.cmpi sge, %iota3A_2674, %ge3A_2676 : vector<16xi32>
      %eq3A_2678 = arith.constant 0 : i32
      %eq3A_2679 = vector.broadcast %eq3A_2678 : i32 to vector<16xi32>
      %eq3A_2680 = arith.cmpi eq, %get3A_2673, %eq3A_2679 : vector<16xi32>
      %and3A_2681 = arith.andi %ge3A_2677, %eq3A_2680 : vector<16xi1>
      %all_reduce_population_count3A_2682 = tpu.all_reduce %and3A_2681 {dim = 0 : i64, kind = #tpu.reduction_kind<sum>} : vector<16xi1> -> vector<16xi32>
      %add3A_2683 = arith.addi %add3A_2671, %all_reduce_population_count3A_2682 : vector<16xi32>
      %broadcast_in_dim3A_2684 = arith.constant 0.000000e+00 : f32
      %broadcast_in_dim3A_2685 = vector.broadcast %broadcast_in_dim3A_2684 : f32 to vector<16xf32>
      %scan3A_2686 = arith.constant 0 : i32
      %scan3A_2687 = arith.constant 50 : i32
      %scan3A_2688 = arith.addi %scan3A_2686, %scan3A_2687 : i32
      %scan3A_2689 = arith.constant 1 : i32
      %scan3A_2690:8 = scf.for %scan3A_2741 = %scan3A_2686 to %scan3A_2688 step %scan3A_2689 iter_args(%scan3A_2742 = %broadcast_in_dim3A_2685, %scan3A_2743 = %broadcast_in_dim3A_2685, %scan3A_2744 = %broadcast_in_dim3A_2685, %scan3A_2745 = %broadcast_in_dim3A_2685, %scan3A_2746 = %broadcast_in_dim3A_2685, %scan3A_2747 = %broadcast_in_dim3A_2685, %scan3A_2748 = %broadcast_in_dim3A_2685, %scan3A_2749 = %broadcast_in_dim3A_2685) -> (vector<16xf32>, vector<16xf32>, vector<16xf32>, vector<16xf32>, vector<16xf32>, vector<16xf32>, vector<16xf32>, vector<16xf32>)  : i32 {
        %mul3A_2750 = arith.constant 4 : i32
        %mul3A_2751 = arith.muli %mul3A_2750, %scan3A_2741 : i32
        %add3A_2752 = arith.constant 1400 : i32
        %add3A_2753 = arith.addi %add3A_2752, %mul3A_2751 : i32
        %add3A_2754 = arith.constant 0 : i32
        %add3A_2755 = arith.addi %add3A_2753, %add3A_2754 : i32
        %get3A_2756 = arith.index_cast %add3A_2755 : i32 to index
        %get3A_2757 = arith.constant 0 : index
        %get3A_2758 = tpu.vector_load %arg8[%get3A_2756, %get3A_2757] {strides = array<i32>} : memref<1600x32xf32, #tpu.memory_space<vmem>>, vector<16xf32>,
        %add3A_2759 = arith.addf %scan3A_2742, %get3A_2758 : vector<16xf32>
        %add3A_2760 = arith.constant 0 : i32
        %add3A_2761 = arith.addi %add3A_2753, %add3A_2760 : i32
        %get3A_2762 = arith.index_cast %add3A_2761 : i32 to index
        %get3A_2763 = arith.constant 16 : index
        %get3A_2764 = tpu.vector_load %arg8[%get3A_2762, %get3A_2763] {strides = array<i32>} : memref<1600x32xf32, #tpu.memory_space<vmem>>, vector<16xf32>,
        %add3A_2765 = arith.addf %scan3A_2743, %get3A_2764 : vector<16xf32>
        %add3A_2766 = arith.constant 1 : i32
        %add3A_2767 = arith.addi %add3A_2753, %add3A_2766 : i32
        %get3A_2768 = arith.index_cast %add3A_2767 : i32 to index
        %get3A_2769 = arith.constant 0 : index
        %get3A_2770 = tpu.vector_load %arg8[%get3A_2768, %get3A_2769] {strides = array<i32>} : memref<1600x32xf32, #tpu.memory_space<vmem>>, vector<16xf32>,
        %add3A_2771 = arith.addf %scan3A_2744, %get3A_2770 : vector<16xf32>
        %add3A_2772 = arith.constant 1 : i32
        %add3A_2773 = arith.addi %add3A_2753, %add3A_2772 : i32
        %get3A_2774 = arith.index_cast %add3A_2773 : i32 to index
        %get3A_2775 = arith.constant 16 : index
        %get3A_2776 = tpu.vector_load %arg8[%get3A_2774, %get3A_2775] {strides = array<i32>} : memref<1600x32xf32, #tpu.memory_space<vmem>>, vector<16xf32>,
        %add3A_2777 = arith.addf %scan3A_2745, %get3A_2776 : vector<16xf32>
        %add3A_2778 = arith.constant 2 : i32
        %add3A_2779 = arith.addi %add3A_2753, %add3A_2778 : i32
        %get3A_2780 = arith.index_cast %add3A_2779 : i32 to index
        %get3A_2781 = arith.constant 0 : index
        %get3A_2782 = tpu.vector_load %arg8[%get3A_2780, %get3A_2781] {strides = array<i32>} : memref<1600x32xf32, #tpu.memory_space<vmem>>, vector<16xf32>,
        %add3A_2783 = arith.addf %scan3A_2746, %get3A_2782 : vector<16xf32>
        %add3A_2784 = arith.constant 2 : i32
        %add3A_2785 = arith.addi %add3A_2753, %add3A_2784 : i32
        %get3A_2786 = arith.index_cast %add3A_2785 : i32 to index
        %get3A_2787 = arith.constant 16 : index
        %get3A_2788 = tpu.vector_load %arg8[%get3A_2786, %get3A_2787] {strides = array<i32>} : memref<1600x32xf32, #tpu.memory_space<vmem>>, vector<16xf32>,
        %add3A_2789 = arith.addf %scan3A_2747, %get3A_2788 : vector<16xf32>
        %add3A_2790 = arith.constant 3 : i32
        %add3A_2791 = arith.addi %add3A_2753, %add3A_2790 : i32
        %get3A_2792 = arith.index_cast %add3A_2791 : i32 to index
        %get3A_2793 = arith.constant 0 : index
        %get3A_2794 = tpu.vector_load %arg8[%get3A_2792, %get3A_2793] {strides = array<i32>} : memref<1600x32xf32, #tpu.memory_space<vmem>>, vector<16xf32>,
        %add3A_2795 = arith.addf %scan3A_2748, %get3A_2794 : vector<16xf32>
        %add3A_2796 = arith.constant 3 : i32
        %add3A_2797 = arith.addi %add3A_2753, %add3A_2796 : i32
        %get3A_2798 = arith.index_cast %add3A_2797 : i32 to index
        %get3A_2799 = arith.constant 16 : index
        %get3A_2800 = tpu.vector_load %arg8[%get3A_2798, %get3A_2799] {strides = array<i32>} : memref<1600x32xf32, #tpu.memory_space<vmem>>, vector<16xf32>,
        %add3A_2801 = arith.addf %scan3A_2749, %get3A_2800 : vector<16xf32>
        scf.yield %add3A_2759, %add3A_2765, %add3A_2771, %add3A_2777, %add3A_2783, %add3A_2789, %add3A_2795, %add3A_2801 : vector<16xf32>, vector<16xf32>, vector<16xf32>, vector<16xf32>, vector<16xf32>, vector<16xf32>, vector<16xf32>, vector<16xf32>
      }
      %scan3A_2691 = arith.constant 50 : i32
      %add3A_2692 = arith.addf %scan3A_2690#0, %scan3A_2690#2 : vector<16xf32>
      %add3A_2693 = arith.addf %scan3A_2690#4, %scan3A_2690#6 : vector<16xf32>
      %add3A_2694 = arith.addf %add3A_2692, %add3A_2693 : vector<16xf32>
      %add3A_2695 = arith.addf %scan3A_2690#1, %scan3A_2690#3 : vector<16xf32>
      %add3A_2696 = arith.addf %scan3A_2690#5, %scan3A_2690#7 : vector<16xf32>
      %add3A_2697 = arith.addf %add3A_2695, %add3A_2696 : vector<16xf32>
      %convert_element_type3A_2698 = arith.sitofp %add3A_2683 : vector<16xi32> to vector<16xf32>
      %sub3A_2699 = arith.constant 2.000000e+02 : f32
      %sub3A_2700 = vector.broadcast %sub3A_2699 : f32 to vector<16xf32>
      %sub3A_2701 = arith.subf %sub3A_2700, %convert_element_type3A_2698 : vector<16xf32>
      %max3A_2702 = arith.constant 1.000000e+00 : f32
      %max3A_2703 = vector.broadcast %max3A_2702 : f32 to vector<16xf32>
      %max3A_2704 = arith.maximumf %sub3A_2701, %max3A_2703 : vector<16xf32>
      %get3A_2705 = arith.constant 0 : i32
      %get3A_2706 = arith.index_cast %get3A_2705 : i32 to index
      %get3A_2707 = arith.constant 0 : index
      %get3A_2708 = tpu.vector_load %arg11[%get3A_2706, %get3A_2707] {strides = array<i32>} : memref<1x32xf32, #tpu.memory_space<vmem>>, vector<16xf32>,
      %get3A_2709 = arith.constant 0 : i32
      %get3A_2710 = arith.index_cast %get3A_2709 : i32 to index
      %get3A_2711 = arith.constant 16 : index
      %get3A_2712 = tpu.vector_load %arg11[%get3A_2710, %get3A_2711] {strides = array<i32>} : memref<1x32xf32, #tpu.memory_space<vmem>>, vector<16xf32>,
      %mul3A_2713 = arith.mulf %convert_element_type3A_2698, %get3A_2708 : vector<16xf32>
      %sub3A_2714 = arith.subf %add3A_2694, %mul3A_2713 : vector<16xf32>
      %div3A_2715 = arith.divf %sub3A_2714, %max3A_2704 : vector<16xf32>
      %swap3A_2716 = arith.constant 7 : i32
      %swap3A_2717 = arith.index_cast %swap3A_2716 : i32 to index
      %swap3A_2718 = arith.constant 0 : index
      %swap3A_2719 = tpu.vector_load %arg10[%swap3A_2717, %swap3A_2718] {strides = array<i32>} : memref<8x32xf32, #tpu.memory_space<vmem>>, vector<16xf32>,
      tpu.vector_store %arg10[%swap3A_2717, %swap3A_2718], %div3A_2715 {strides = array<i32>} : memref<8x32xf32, #tpu.memory_space<vmem>>, vector<16xf32>,
      %mul3A_2720 = arith.mulf %convert_element_type3A_2698, %get3A_2712 : vector<16xf32>
      %sub3A_2721 = arith.subf %add3A_2697, %mul3A_2720 : vector<16xf32>
      %div3A_2722 = arith.divf %sub3A_2721, %max3A_2704 : vector<16xf32>
      %swap3A_2723 = arith.constant 7 : i32
      %swap3A_2724 = arith.index_cast %swap3A_2723 : i32 to index
      %swap3A_2725 = arith.constant 16 : index
      %swap3A_2726 = tpu.vector_load %arg10[%swap3A_2724, %swap3A_2725] {strides = array<i32>} : memref<8x32xf32, #tpu.memory_space<vmem>>, vector<16xf32>,
      tpu.vector_store %arg10[%swap3A_2724, %swap3A_2725], %div3A_2722 {strides = array<i32>} : memref<8x32xf32, #tpu.memory_space<vmem>>, vector<16xf32>,
      %mul3A_2727 = arith.constant 8 : i32
      %mul3A_2728 = arith.muli %add3A_1489, %mul3A_2727 : i32
      %add3A_2729 = arith.addi %mul3A_2, %mul3A_2728 : i32
      %dma_start3A_2730 = arith.constant 0 : i32
      %dma_start3A_2731 = tpu.memref_slice %arg4[%add3A_2729, %dma_start3A_2730] : memref<16384x32xf32, #tpu.memory_space<hbm>> -> memref<8x32xf32, #tpu.memory_space<hbm>>
      %dma_start3A_2732 = arith.constant 0 : i32
      %dma_start3A_2733 = tpu.memref_slice %arg4[%add3A_2729, %dma_start3A_2732] : memref<16384x32xf32, #tpu.memory_space<hbm>> -> memref<8x32xf32, #tpu.memory_space<hbm>>
      tpu.enqueue_dma source(%arg10 : memref<8x32xf32, #tpu.memory_space<vmem>>) target(%dma_start3A_2733 : memref<8x32xf32, #tpu.memory_space<hbm>>) target_semaphore(%arg17 : memref<!tpu.dma_semaphore, #tpu.memory_space<semaphore_mem>>)
      %add3A_2734 = arith.constant 2 : i32
      %add3A_2735 = arith.addi %add3A_1489, %add3A_2734 : i32
      %lt3A_2736 = arith.constant 64 : i32
      %lt3A_2737 = arith.cmpi slt, %add3A_2735, %lt3A_2736 : i32
      %convert_element_type3A_2738 = arith.extui %lt3A_2737 : i1 to i32
      %cond3A_2739 = arith.constant 0 : i32
      %cond3A_2740 = arith.cmpi ne, %convert_element_type3A_2738, %cond3A_2739 : i32
      scf.if %cond3A_2740 {
        %add3A_2741 = arith.constant 2 : i32
        %add3A_2742 = arith.addi %add3A_1489, %add3A_2741 : i32
        %mul3A_2743 = arith.constant 1600 : i32
        %mul3A_2744 = arith.muli %add3A_2742, %mul3A_2743 : i32
        %add3A_2745 = arith.addi %mul3A_4, %mul3A_2744 : i32
        %dma_start3A_2746 = tpu.memref_slice %arg2[%add3A_2745] : memref<3276800xi32, #tpu.memory_space<hbm>> -> memref<1600xi32, #tpu.memory_space<hbm>>
        %dma_start3A_2747 = tpu.memref_slice %arg2[%add3A_2745] : memref<3276800xi32, #tpu.memory_space<hbm>> -> memref<1600xi32, #tpu.memory_space<hbm>>
        tpu.enqueue_dma source(%dma_start3A_2747 : memref<1600xi32, #tpu.memory_space<hbm>>) target(%arg6 : memref<1600xi32, #tpu.memory_space<vmem>>) target_semaphore(%arg13 : memref<!tpu.dma_semaphore, #tpu.memory_space<semaphore_mem>>)
        %add3A_2748 = arith.constant 2 : i32
        %add3A_2749 = arith.addi %add3A_1489, %add3A_2748 : i32
        %mul3A_2750 = arith.constant 1600 : i32
        %mul3A_2751 = arith.muli %add3A_2749, %mul3A_2750 : i32
        %add3A_2752 = arith.addi %mul3A_4, %mul3A_2751 : i32
        %dma_wait3A_2753 = tpu.memref_slice %arg2[%add3A_2752] : memref<3276800xi32, #tpu.memory_space<hbm>> -> memref<1600xi32, #tpu.memory_space<hbm>>
        %dma_wait3A_2754 = tpu.memref_slice %arg2[%add3A_2752] : memref<3276800xi32, #tpu.memory_space<hbm>> -> memref<1600xi32, #tpu.memory_space<hbm>>
        tpu.wait_dma2 semaphore(%arg13 : memref<!tpu.dma_semaphore, #tpu.memory_space<semaphore_mem>>) src(%dma_wait3A_2754 : memref<1600xi32, #tpu.memory_space<hbm>>) dst(%arg6 : memref<1600xi32, #tpu.memory_space<vmem>>)
        %dma_start3A_2755 = arith.constant 0 : i32
        %dma_start3A_2756 = arith.constant 0 : i32
        %dma_start3A_2757 = tpu.memref_slice %arg8[%dma_start3A_2755, %dma_start3A_2756] : memref<1600x32xf32, #tpu.memory_space<vmem>> -> memref<128x32xf32, #tpu.memory_space<vmem>>
        %dma_start3A_2758 = arith.constant 0 : i32
        %dma_start3A_2759 = tpu.memref_slice %arg6[%dma_start3A_2758] : memref<1600xi32, #tpu.memory_space<vmem>> -> memref<128xi32, #tpu.memory_space<vmem>>
        %dma_start3A_2760 = arith.constant 0 : i32
        %dma_start3A_2761 = arith.constant 0 : i32
        %dma_start3A_2762 = tpu.memref_slice %arg3[%dma_start3A_2760, %dma_start3A_2761] : memref<1000000x32xf32, #tpu.memory_space<hbm>> -> memref<1000000x32xf32, #tpu.memory_space<hbm>>
        tpu.enqueue_indirect_dma source(%dma_start3A_2762 : memref<1000000x32xf32, #tpu.memory_space<hbm>>) target(%dma_start3A_2757 : memref<128x32xf32, #tpu.memory_space<vmem>>) offsets(%dma_start3A_2759 : memref<128xi32, #tpu.memory_space<vmem>>) semaphore(%arg15 : memref<!tpu.dma_semaphore, #tpu.memory_space<semaphore_mem>>)
        %dma_start3A_2763 = arith.constant 128 : i32
        %dma_start3A_2764 = arith.constant 0 : i32
        %dma_start3A_2765 = tpu.memref_slice %arg8[%dma_start3A_2763, %dma_start3A_2764] : memref<1600x32xf32, #tpu.memory_space<vmem>> -> memref<128x32xf32, #tpu.memory_space<vmem>>
        %dma_start3A_2766 = arith.constant 128 : i32
        %dma_start3A_2767 = tpu.memref_slice %arg6[%dma_start3A_2766] : memref<1600xi32, #tpu.memory_space<vmem>> -> memref<128xi32, #tpu.memory_space<vmem>>
        %dma_start3A_2768 = arith.constant 0 : i32
        %dma_start3A_2769 = arith.constant 0 : i32
        %dma_start3A_2770 = tpu.memref_slice %arg3[%dma_start3A_2768, %dma_start3A_2769] : memref<1000000x32xf32, #tpu.memory_space<hbm>> -> memref<1000000x32xf32, #tpu.memory_space<hbm>>
        tpu.enqueue_indirect_dma source(%dma_start3A_2770 : memref<1000000x32xf32, #tpu.memory_space<hbm>>) target(%dma_start3A_2765 : memref<128x32xf32, #tpu.memory_space<vmem>>) offsets(%dma_start3A_2767 : memref<128xi32, #tpu.memory_space<vmem>>) semaphore(%arg15 : memref<!tpu.dma_semaphore, #tpu.memory_space<semaphore_mem>>)
        %dma_start3A_2771 = arith.constant 256 : i32
        %dma_start3A_2772 = arith.constant 0 : i32
        %dma_start3A_2773 = tpu.memref_slice %arg8[%dma_start3A_2771, %dma_start3A_2772] : memref<1600x32xf32, #tpu.memory_space<vmem>> -> memref<128x32xf32, #tpu.memory_space<vmem>>
        %dma_start3A_2774 = arith.constant 256 : i32
        %dma_start3A_2775 = tpu.memref_slice %arg6[%dma_start3A_2774] : memref<1600xi32, #tpu.memory_space<vmem>> -> memref<128xi32, #tpu.memory_space<vmem>>
        %dma_start3A_2776 = arith.constant 0 : i32
        %dma_start3A_2777 = arith.constant 0 : i32
        %dma_start3A_2778 = tpu.memref_slice %arg3[%dma_start3A_2776, %dma_start3A_2777] : memref<1000000x32xf32, #tpu.memory_space<hbm>> -> memref<1000000x32xf32, #tpu.memory_space<hbm>>
        tpu.enqueue_indirect_dma source(%dma_start3A_2778 : memref<1000000x32xf32, #tpu.memory_space<hbm>>) target(%dma_start3A_2773 : memref<128x32xf32, #tpu.memory_space<vmem>>) offsets(%dma_start3A_2775 : memref<128xi32, #tpu.memory_space<vmem>>) semaphore(%arg15 : memref<!tpu.dma_semaphore, #tpu.memory_space<semaphore_mem>>)
        %dma_start3A_2779 = arith.constant 384 : i32
        %dma_start3A_2780 = arith.constant 0 : i32
        %dma_start3A_2781 = tpu.memref_slice %arg8[%dma_start3A_2779, %dma_start3A_2780] : memref<1600x32xf32, #tpu.memory_space<vmem>> -> memref<128x32xf32, #tpu.memory_space<vmem>>
        %dma_start3A_2782 = arith.constant 384 : i32
        %dma_start3A_2783 = tpu.memref_slice %arg6[%dma_start3A_2782] : memref<1600xi32, #tpu.memory_space<vmem>> -> memref<128xi32, #tpu.memory_space<vmem>>
        %dma_start3A_2784 = arith.constant 0 : i32
        %dma_start3A_2785 = arith.constant 0 : i32
        %dma_start3A_2786 = tpu.memref_slice %arg3[%dma_start3A_2784, %dma_start3A_2785] : memref<1000000x32xf32, #tpu.memory_space<hbm>> -> memref<1000000x32xf32, #tpu.memory_space<hbm>>
        tpu.enqueue_indirect_dma source(%dma_start3A_2786 : memref<1000000x32xf32, #tpu.memory_space<hbm>>) target(%dma_start3A_2781 : memref<128x32xf32, #tpu.memory_space<vmem>>) offsets(%dma_start3A_2783 : memref<128xi32, #tpu.memory_space<vmem>>) semaphore(%arg15 : memref<!tpu.dma_semaphore, #tpu.memory_space<semaphore_mem>>)
        %dma_start3A_2787 = arith.constant 512 : i32
        %dma_start3A_2788 = arith.constant 0 : i32
        %dma_start3A_2789 = tpu.memref_slice %arg8[%dma_start3A_2787, %dma_start3A_2788] : memref<1600x32xf32, #tpu.memory_space<vmem>> -> memref<128x32xf32, #tpu.memory_space<vmem>>
        %dma_start3A_2790 = arith.constant 512 : i32
        %dma_start3A_2791 = tpu.memref_slice %arg6[%dma_start3A_2790] : memref<1600xi32, #tpu.memory_space<vmem>> -> memref<128xi32, #tpu.memory_space<vmem>>
        %dma_start3A_2792 = arith.constant 0 : i32
        %dma_start3A_2793 = arith.constant 0 : i32
        %dma_start3A_2794 = tpu.memref_slice %arg3[%dma_start3A_2792, %dma_start3A_2793] : memref<1000000x32xf32, #tpu.memory_space<hbm>> -> memref<1000000x32xf32, #tpu.memory_space<hbm>>
        tpu.enqueue_indirect_dma source(%dma_start3A_2794 : memref<1000000x32xf32, #tpu.memory_space<hbm>>) target(%dma_start3A_2789 : memref<128x32xf32, #tpu.memory_space<vmem>>) offsets(%dma_start3A_2791 : memref<128xi32, #tpu.memory_space<vmem>>) semaphore(%arg15 : memref<!tpu.dma_semaphore, #tpu.memory_space<semaphore_mem>>)
        %dma_start3A_2795 = arith.constant 640 : i32
        %dma_start3A_2796 = arith.constant 0 : i32
        %dma_start3A_2797 = tpu.memref_slice %arg8[%dma_start3A_2795, %dma_start3A_2796] : memref<1600x32xf32, #tpu.memory_space<vmem>> -> memref<128x32xf32, #tpu.memory_space<vmem>>
        %dma_start3A_2798 = arith.constant 640 : i32
        %dma_start3A_2799 = tpu.memref_slice %arg6[%dma_start3A_2798] : memref<1600xi32, #tpu.memory_space<vmem>> -> memref<128xi32, #tpu.memory_space<vmem>>
        %dma_start3A_2800 = arith.constant 0 : i32
        %dma_start3A_2801 = arith.constant 0 : i32
        %dma_start3A_2802 = tpu.memref_slice %arg3[%dma_start3A_2800, %dma_start3A_2801] : memref<1000000x32xf32, #tpu.memory_space<hbm>> -> memref<1000000x32xf32, #tpu.memory_space<hbm>>
        tpu.enqueue_indirect_dma source(%dma_start3A_2802 : memref<1000000x32xf32, #tpu.memory_space<hbm>>) target(%dma_start3A_2797 : memref<128x32xf32, #tpu.memory_space<vmem>>) offsets(%dma_start3A_2799 : memref<128xi32, #tpu.memory_space<vmem>>) semaphore(%arg15 : memref<!tpu.dma_semaphore, #tpu.memory_space<semaphore_mem>>)
        %dma_start3A_2803 = arith.constant 768 : i32
        %dma_start3A_2804 = arith.constant 0 : i32
        %dma_start3A_2805 = tpu.memref_slice %arg8[%dma_start3A_2803, %dma_start3A_2804] : memref<1600x32xf32, #tpu.memory_space<vmem>> -> memref<128x32xf32, #tpu.memory_space<vmem>>
        %dma_start3A_2806 = arith.constant 768 : i32
        %dma_start3A_2807 = tpu.memref_slice %arg6[%dma_start3A_2806] : memref<1600xi32, #tpu.memory_space<vmem>> -> memref<128xi32, #tpu.memory_space<vmem>>
        %dma_start3A_2808 = arith.constant 0 : i32
        %dma_start3A_2809 = arith.constant 0 : i32
        %dma_start3A_2810 = tpu.memref_slice %arg3[%dma_start3A_2808, %dma_start3A_2809] : memref<1000000x32xf32, #tpu.memory_space<hbm>> -> memref<1000000x32xf32, #tpu.memory_space<hbm>>
        tpu.enqueue_indirect_dma source(%dma_start3A_2810 : memref<1000000x32xf32, #tpu.memory_space<hbm>>) target(%dma_start3A_2805 : memref<128x32xf32, #tpu.memory_space<vmem>>) offsets(%dma_start3A_2807 : memref<128xi32, #tpu.memory_space<vmem>>) semaphore(%arg15 : memref<!tpu.dma_semaphore, #tpu.memory_space<semaphore_mem>>)
        %dma_start3A_2811 = arith.constant 896 : i32
        %dma_start3A_2812 = arith.constant 0 : i32
        %dma_start3A_2813 = tpu.memref_slice %arg8[%dma_start3A_2811, %dma_start3A_2812] : memref<1600x32xf32, #tpu.memory_space<vmem>> -> memref<128x32xf32, #tpu.memory_space<vmem>>
        %dma_start3A_2814 = arith.constant 896 : i32
        %dma_start3A_2815 = tpu.memref_slice %arg6[%dma_start3A_2814] : memref<1600xi32, #tpu.memory_space<vmem>> -> memref<128xi32, #tpu.memory_space<vmem>>
        %dma_start3A_2816 = arith.constant 0 : i32
        %dma_start3A_2817 = arith.constant 0 : i32
        %dma_start3A_2818 = tpu.memref_slice %arg3[%dma_start3A_2816, %dma_start3A_2817] : memref<1000000x32xf32, #tpu.memory_space<hbm>> -> memref<1000000x32xf32, #tpu.memory_space<hbm>>
        tpu.enqueue_indirect_dma source(%dma_start3A_2818 : memref<1000000x32xf32, #tpu.memory_space<hbm>>) target(%dma_start3A_2813 : memref<128x32xf32, #tpu.memory_space<vmem>>) offsets(%dma_start3A_2815 : memref<128xi32, #tpu.memory_space<vmem>>) semaphore(%arg15 : memref<!tpu.dma_semaphore, #tpu.memory_space<semaphore_mem>>)
        %dma_start3A_2819 = arith.constant 1024 : i32
        %dma_start3A_2820 = arith.constant 0 : i32
        %dma_start3A_2821 = tpu.memref_slice %arg8[%dma_start3A_2819, %dma_start3A_2820] : memref<1600x32xf32, #tpu.memory_space<vmem>> -> memref<128x32xf32, #tpu.memory_space<vmem>>
        %dma_start3A_2822 = arith.constant 1024 : i32
        %dma_start3A_2823 = tpu.memref_slice %arg6[%dma_start3A_2822] : memref<1600xi32, #tpu.memory_space<vmem>> -> memref<128xi32, #tpu.memory_space<vmem>>
        %dma_start3A_2824 = arith.constant 0 : i32
        %dma_start3A_2825 = arith.constant 0 : i32
        %dma_start3A_2826 = tpu.memref_slice %arg3[%dma_start3A_2824, %dma_start3A_2825] : memref<1000000x32xf32, #tpu.memory_space<hbm>> -> memref<1000000x32xf32, #tpu.memory_space<hbm>>
        tpu.enqueue_indirect_dma source(%dma_start3A_2826 : memref<1000000x32xf32, #tpu.memory_space<hbm>>) target(%dma_start3A_2821 : memref<128x32xf32, #tpu.memory_space<vmem>>) offsets(%dma_start3A_2823 : memref<128xi32, #tpu.memory_space<vmem>>) semaphore(%arg15 : memref<!tpu.dma_semaphore, #tpu.memory_space<semaphore_mem>>)
        %dma_start3A_2827 = arith.constant 1152 : i32
        %dma_start3A_2828 = arith.constant 0 : i32
        %dma_start3A_2829 = tpu.memref_slice %arg8[%dma_start3A_2827, %dma_start3A_2828] : memref<1600x32xf32, #tpu.memory_space<vmem>> -> memref<128x32xf32, #tpu.memory_space<vmem>>
        %dma_start3A_2830 = arith.constant 1152 : i32
        %dma_start3A_2831 = tpu.memref_slice %arg6[%dma_start3A_2830] : memref<1600xi32, #tpu.memory_space<vmem>> -> memref<128xi32, #tpu.memory_space<vmem>>
        %dma_start3A_2832 = arith.constant 0 : i32
        %dma_start3A_2833 = arith.constant 0 : i32
        %dma_start3A_2834 = tpu.memref_slice %arg3[%dma_start3A_2832, %dma_start3A_2833] : memref<1000000x32xf32, #tpu.memory_space<hbm>> -> memref<1000000x32xf32, #tpu.memory_space<hbm>>
        tpu.enqueue_indirect_dma source(%dma_start3A_2834 : memref<1000000x32xf32, #tpu.memory_space<hbm>>) target(%dma_start3A_2829 : memref<128x32xf32, #tpu.memory_space<vmem>>) offsets(%dma_start3A_2831 : memref<128xi32, #tpu.memory_space<vmem>>) semaphore(%arg15 : memref<!tpu.dma_semaphore, #tpu.memory_space<semaphore_mem>>)
        %dma_start3A_2835 = arith.constant 1280 : i32
        %dma_start3A_2836 = arith.constant 0 : i32
        %dma_start3A_2837 = tpu.memref_slice %arg8[%dma_start3A_2835, %dma_start3A_2836] : memref<1600x32xf32, #tpu.memory_space<vmem>> -> memref<128x32xf32, #tpu.memory_space<vmem>>
        %dma_start3A_2838 = arith.constant 1280 : i32
        %dma_start3A_2839 = tpu.memref_slice %arg6[%dma_start3A_2838] : memref<1600xi32, #tpu.memory_space<vmem>> -> memref<128xi32, #tpu.memory_space<vmem>>
        %dma_start3A_2840 = arith.constant 0 : i32
        %dma_start3A_2841 = arith.constant 0 : i32
        %dma_start3A_2842 = tpu.memref_slice %arg3[%dma_start3A_2840, %dma_start3A_2841] : memref<1000000x32xf32, #tpu.memory_space<hbm>> -> memref<1000000x32xf32, #tpu.memory_space<hbm>>
        tpu.enqueue_indirect_dma source(%dma_start3A_2842 : memref<1000000x32xf32, #tpu.memory_space<hbm>>) target(%dma_start3A_2837 : memref<128x32xf32, #tpu.memory_space<vmem>>) offsets(%dma_start3A_2839 : memref<128xi32, #tpu.memory_space<vmem>>) semaphore(%arg15 : memref<!tpu.dma_semaphore, #tpu.memory_space<semaphore_mem>>)
        %dma_start3A_2843 = arith.constant 1408 : i32
        %dma_start3A_2844 = arith.constant 0 : i32
        %dma_start3A_2845 = tpu.memref_slice %arg8[%dma_start3A_2843, %dma_start3A_2844] : memref<1600x32xf32, #tpu.memory_space<vmem>> -> memref<128x32xf32, #tpu.memory_space<vmem>>
        %dma_start3A_2846 = arith.constant 1408 : i32
        %dma_start3A_2847 = tpu.memref_slice %arg6[%dma_start3A_2846] : memref<1600xi32, #tpu.memory_space<vmem>> -> memref<128xi32, #tpu.memory_space<vmem>>
        %dma_start3A_2848 = arith.constant 0 : i32
        %dma_start3A_2849 = arith.constant 0 : i32
        %dma_start3A_2850 = tpu.memref_slice %arg3[%dma_start3A_2848, %dma_start3A_2849] : memref<1000000x32xf32, #tpu.memory_space<hbm>> -> memref<1000000x32xf32, #tpu.memory_space<hbm>>
        tpu.enqueue_indirect_dma source(%dma_start3A_2850 : memref<1000000x32xf32, #tpu.memory_space<hbm>>) target(%dma_start3A_2845 : memref<128x32xf32, #tpu.memory_space<vmem>>) offsets(%dma_start3A_2847 : memref<128xi32, #tpu.memory_space<vmem>>) semaphore(%arg15 : memref<!tpu.dma_semaphore, #tpu.memory_space<semaphore_mem>>)
        %dma_start3A_2851 = arith.constant 1536 : i32
        %dma_start3A_2852 = arith.constant 0 : i32
        %dma_start3A_2853 = tpu.memref_slice %arg8[%dma_start3A_2851, %dma_start3A_2852] : memref<1600x32xf32, #tpu.memory_space<vmem>> -> memref<64x32xf32, #tpu.memory_space<vmem>>
        %dma_start3A_2854 = arith.constant 1536 : i32
        %dma_start3A_2855 = tpu.memref_slice %arg6[%dma_start3A_2854] : memref<1600xi32, #tpu.memory_space<vmem>> -> memref<64xi32, #tpu.memory_space<vmem>>
        %dma_start3A_2856 = arith.constant 0 : i32
        %dma_start3A_2857 = arith.constant 0 : i32
        %dma_start3A_2858 = tpu.memref_slice %arg3[%dma_start3A_2856, %dma_start3A_2857] : memref<1000000x32xf32, #tpu.memory_space<hbm>> -> memref<1000000x32xf32, #tpu.memory_space<hbm>>
        tpu.enqueue_indirect_dma source(%dma_start3A_2858 : memref<1000000x32xf32, #tpu.memory_space<hbm>>) target(%dma_start3A_2853 : memref<64x32xf32, #tpu.memory_space<vmem>>) offsets(%dma_start3A_2855 : memref<64xi32, #tpu.memory_space<vmem>>) semaphore(%arg15 : memref<!tpu.dma_semaphore, #tpu.memory_space<semaphore_mem>>)
      } else {
      }
    }
    %scan3A_231 = arith.constant 32 : i32
    %add3A_232 = arith.constant 496 : i32
    %add3A_233 = arith.addi %mul3A_2, %add3A_232 : i32
    %dma_wait3A_234 = arith.constant 0 : i32
    %dma_wait3A_235 = tpu.memref_slice %arg4[%add3A_233, %dma_wait3A_234] : memref<16384x32xf32, #tpu.memory_space<hbm>> -> memref<8x32xf32, #tpu.memory_space<hbm>>
    %dma_wait3A_236 = arith.constant 0 : i32
    %dma_wait3A_237 = tpu.memref_slice %arg4[%add3A_233, %dma_wait3A_236] : memref<16384x32xf32, #tpu.memory_space<hbm>> -> memref<8x32xf32, #tpu.memory_space<hbm>>
    tpu.wait_dma2 semaphore(%arg16 : memref<!tpu.dma_semaphore, #tpu.memory_space<semaphore_mem>>) src(%arg9 : memref<8x32xf32, #tpu.memory_space<vmem>>) dst(%dma_wait3A_237 : memref<8x32xf32, #tpu.memory_space<hbm>>)
    %add3A_238 = arith.constant 504 : i32
    %add3A_239 = arith.addi %mul3A_2, %add3A_238 : i32
    %dma_wait3A_240 = arith.constant 0 : i32
    %dma_wait3A_241 = tpu.memref_slice %arg4[%add3A_239, %dma_wait3A_240] : memref<16384x32xf32, #tpu.memory_space<hbm>> -> memref<8x32xf32, #tpu.memory_space<hbm>>
    %dma_wait3A_242 = arith.constant 0 : i32
    %dma_wait3A_243 = tpu.memref_slice %arg4[%add3A_239, %dma_wait3A_242] : memref<16384x32xf32, #tpu.memory_space<hbm>> -> memref<8x32xf32, #tpu.memory_space<hbm>>
    tpu.wait_dma2 semaphore(%arg17 : memref<!tpu.dma_semaphore, #tpu.memory_space<semaphore_mem>>) src(%arg10 : memref<8x32xf32, #tpu.memory_space<vmem>>) dst(%dma_wait3A_243 : memref<8x32xf32, #tpu.memory_space<hbm>>)
    return
  }
}

</mosaic_0001>

<sc_bundles>
// kernel: kernel.3.cloned.1.call-start
scs
__scs_entry_jumppad:
0x0: {  	(pc) =	sbr.rel $0x88, $3  }
0x1: {  	(tag) =	ssettag $0x0;
	lr =	simm.s32 $0x1  }
0x2: {  	[smem:$0x3F9F] =	sst lr;
	_ =	strace $0xD0000000  }
0x3: {  	_ = 	snop  }
0x4: {  	_ = 	snop  }
0x5: {  	_ = 	snop  }
0x6: {  	_ = 	snop  }
0x7: {  	_ = 	snop  }
__scs_overlays_trampoline_lowered:
0x8: {  	[smem:$0x3FAE] =	sst s0  }
0x9: {  	[smem:$0x3FAF] =	sst s1  }
0xa: {  	[smem:$0x3FB0] =	sst s2  }
0xb: {  	[smem:$0x3FB1] =	sst s3  }
0xc: {  	[smem:$0x3FB2] =	sst s4  }
0xd: {  	[smem:$0x3FB3] =	sst s5  }
0xe: {  	[smem:$0x3FB4] =	sst s6  }
0xf: {  	[smem:$0x3FB5] =	sst s7  }
0x10: {  	[smem:$0x3FB6] =	sst s8  }
0x11: {  	[smem:$0x3FB7] =	sst s9;
	s0 =	simm.s32 @!p0 $0x0  }
0x12: {  	s1 =	sld [smem:$0x3F9D];
	s0 =	simm.s32 @p0 $0x1  }
0x13: {  	[smem:$0x3FB8] =	sst s0;
	s0 =	simm.s32 @!p1 $0x0  }
0x14: {  	s2 =	sld [smem:$0x3F9C];
	s0 =	simm.s32 @p1 $0x1  }
0x15: {  	[smem:$0x3FB9] =	sst s0;
	s0 =	simm.s32 @!p2 $0x0  }
0x16: {  	s3 =	sld [smem:$0x3FDB];
	s0 =	simm.s32 @p2 $0x1  }
0x17: {  	s4 =	simm.s32 $0x1BF5;
	[smem:$0x3FBB] =	sst s0  }
0x18: {  	s0 =	sld [smem:$0x3F9E];
	_ =	swait.ge [sflag:s4], $0x0  }
0x19: {  	s7 =	sld [smem:$0x3F9F]  }
0x1a: {  	s8 =	sadd.s32 $0xFFFFE003, lr  }
0x1b: {  	s9 =	sadd.s32 $0xFFFFFEF7, lr;
	s5 =	simm.s32 $0xFFFFFFFF;
	p2 =	slt.u32 s8, $0xFFFFF086  }
0x1c: {  	p1 =	slt.u32 s9, $0xF7A;
	s5 =	simm.s32 @!p2 $0x0  }
0x1d: {  	s5 =	simm.s32 @p1 $0x1;
	p0 =	seq.s32 s7, s2  }
0x1e: {  	s7 =	smul.u32 @!p0 $0xF7A, s2;
	p2 =	seq.s32 @!p0 s5, $0x0  }
0x1f: {  	s9 =	smul.u32 $0xF7A, s1;
	s8 =	simm.s32 @!p0 $0x1BF5;
	p2 =	por !p2, p0  }
0x20: {  	[sflag:s8] =	ssyncset.s32 @!p0 $0xFFFFF086;
	s6 =	sadd.s32 @!p0 s3, s7;
	s7 =	simm.s32 @!p0 $0x108  }
0x21: {  	s3 =	sadd.s32 s3, s9;
	s6 =	sadd.s32 @!p0 $0x88, s6;
	s7 =	simm.s32 @p2 $0x1082  }
0x22: {  	[simem:s7], [sflag:s8] =	dma.local @!p0 [hbm:s6], $0xF7A  }
0x23: {  	s9 =	sor.u32 $0xD0000000, s2;
	s6 =	simm.s32 $0x108;
	_ =	swait.ge @!p0 [sflag:s8], $0x0  }
0x24: {  	s3 =	sadd.s32 $0x88, s3;
	s6 =	simm.s32 @!p1 $0x1082;
	[sflag:s4] =	ssyncset.s32 $0xFFFFF086  }
0x25: {  	[simem:s6], [sflag:s4] =	dma.local [hbm:s3], $0xF7A  }
0x26: {  	[smem:$0x3F9F] =	sst s1;
	(tag) =	ssettag s2;
	_ =	strace s9  }
0x27: {  	s1 =	sld [smem:$0x3FAF]  }
0x28: {  	s2 =	sld [smem:$0x3FB0]  }
0x29: {  	s4 =	sld [smem:$0x3FB2]  }
0x2a: {  	p0 =	seq.s32 s5, $0x0;
	s5 =	sld [smem:$0x3FB3]  }
0x2b: {  	s6 =	sld [smem:$0x3FB4]  }
0x2c: {  	s7 =	sld [smem:$0x3FB5]  }
0x2d: {  	s3 =	simm.s32 $0x108;
	s8 =	sld [smem:$0x3FB6]  }
0x2e: {  	s3 =	simm.s32 @!p0 $0x1082;
	s9 =	sld [smem:$0x3FB7]  }
0x2f: {  	lr =	sadd.s32 s0, s3;
	s0 =	sld [smem:$0x3FAE]  }
0x30: {  	s3 =	sld [smem:$0x3FB1]  }
0x31: {  	[smem:$0x3FBA] =	sst s10  }
0x32: {  	s10 =	sld [smem:$0x3FB8];
	_ =	sdelay $0x3  }
0x33: {  	p0 =	seq.s32 s10, $0x1;
	s10 =	sld [smem:$0x3FBA];
	_ =	sdelay $0x3  }
0x34: {  	[smem:$0x3FBA] =	sst s10  }
0x35: {  	s10 =	sld [smem:$0x3FB9];
	_ =	sdelay $0x3  }
0x36: {  	p1 =	seq.s32 s10, $0x1;
	s10 =	sld [smem:$0x3FBA];
	_ =	sdelay $0x3  }
0x37: {  	[smem:$0x3FBA] =	sst s10  }
0x38: {  	s10 =	sld [smem:$0x3FBB]  }
0x39: {  	_ = 	snop;
	(pc) =	sbr.ind lr, $3  }
0x3a: {  	_ = 	snop  }
0x3b: {  	_ = 	snop  }
0x3c: {  	p2 =	seq.s32 s10, $0x1;
	s10 =	sld [smem:$0x3FBA]  }
0x3d: {  	_ =	shalt  }
0x3e: {  	_ =	shalt  }
0x3f: {  	_ =	shalt  }
0x40: {  	_ =	shalt  }
0x41: {  	_ =	shalt  }
0x42: {  	_ =	shalt  }
0x43: {  	_ =	shalt  }
0x44: {  	_ =	shalt  }
0x45: {  	_ =	shalt  }
0x46: {  	_ =	shalt  }
0x47: {  	_ =	shalt  }
0x48: {  	_ =	shalt  }
0x49: {  	_ =	shalt  }
0x4a: {  	_ =	shalt  }
0x4b: {  	_ =	shalt  }
0x4c: {  	_ =	shalt  }
0x4d: {  	_ =	shalt  }
0x4e: {  	_ =	shalt  }
0x4f: {  	_ =	shalt  }
0x50: {  	_ =	shalt  }
0x51: {  	_ =	shalt  }
0x52: {  	_ =	shalt  }
0x53: {  	_ =	shalt  }
0x54: {  	_ =	shalt  }
0x55: {  	_ =	shalt  }
0x56: {  	_ =	shalt  }
0x57: {  	_ =	shalt  }
0x58: {  	_ =	shalt  }
0x59: {  	_ =	shalt  }
0x5a: {  	_ =	shalt  }
0x5b: {  	_ =	shalt  }
0x5c: {  	_ =	shalt  }
0x5d: {  	_ =	shalt  }
0x5e: {  	_ =	shalt  }
0x5f: {  	_ =	shalt  }
0x60: {  	_ =	shalt  }
0x61: {  	_ =	shalt  }
0x62: {  	_ =	shalt  }
0x63: {  	_ =	shalt  }
0x64: {  	_ =	shalt  }
0x65: {  	_ =	shalt  }
0x66: {  	_ =	shalt  }
0x67: {  	_ =	shalt  }
0x68: {  	_ =	shalt  }
0x69: {  	_ =	shalt  }
0x6a: {  	_ =	shalt  }
0x6b: {  	_ =	shalt  }
0x6c: {  	_ =	shalt  }
0x6d: {  	_ =	shalt  }
0x6e: {  	_ =	shalt  }
0x6f: {  	_ =	shalt  }
0x70: {  	_ =	shalt  }
0x71: {  	_ =	shalt  }
0x72: {  	_ =	shalt  }
0x73: {  	_ =	shalt  }
0x74: {  	_ =	shalt  }
0x75: {  	_ =	shalt  }
0x76: {  	_ =	shalt  }
0x77: {  	_ =	shalt  }
0x78: {  	_ =	shalt  }
0x79: {  	_ =	shalt  }
0x7a: {  	_ =	shalt  }
0x7b: {  	_ =	shalt  }
0x7c: {  	_ =	shalt  }
0x7d: {  	_ =	shalt  }
0x7e: {  	_ =	shalt  }
0x7f: {  	_ =	shalt  }
0x80: {  	_ =	shalt  }
0x81: {  	_ =	shalt  }
0x82: {  	_ =	shalt  }
0x83: {  	_ =	shalt  }
0x84: {  	_ =	shalt  }
0x85: {  	_ =	shalt  }
0x86: {  	_ =	shalt  }
0x87: {  	_ =	shalt  }
.Lfunc_end0:
.L_simem_size_0:
called_computation_lowered:
.L_overlay_start_0:
0x88: {  	s2 =	sld [smem:$0x3FD9]  }
0x89: {  	s3 =	sld [smem:$0x3FFE];
	_ =	sdelay $0x1  }
0x8a: {  	s1 =	srdreg.scid  }
0x8b: {  	s0 =	sand.u32 $0x1, s1  }
0x8c: {  	s17 =	sshll.u32 s0, $0xA;
	s2 =	sadd.s32 s3, s2  }
0x8d: {  	s2 =	sadd.s32 s2, s17  }
0x8e: {  	[smem:$0x3FC6] =	sst s2  }
0x8f: {  	_ = 	snop  }
0x90: {  	s2 =	sld [smem:$0x3FD0];
	(tm) =	ssettm $0x1  }
0x91: {  	s18 =	sld [smem:$0x3FFB];
	_ =	sdelay $0x3  }
0x92: {  	_ =	strace s18  }
0x93: {  	s3 =	sld [smem:$0x3FFC];
	_ =	sdelay $0x3  }
0x94: {  	_ =	strace s3  }
0x95: {  	s3 =	sld [smem:$0x3FFD];
	_ =	sdelay $0x3  }
0x96: {  	_ =	strace s3  }
0x97: {  	_ =	strace $0x8FFFFFFF  }
0x98: {  	s19 =	sld [smem:$0x3FDB];
	_ =	sdelay $0x1  }
0x99: {  	s4 =	simm.s32 $_scs_section_size  }
0x9a: {  	s5 =	simm.s32 $_size__tile_overlayer_lowered;
	s6 =	simm.s32 $_tile_overlayer_lowered  }
0x9b: {  	s22 =	simm.s32 $0x1BFF;
	s21 =	sshll.u32 s6, $0x1;
	s3 =	sadd.s32 s4, s19  }
0x9c: {  	s7 =	simm.s32 $0x0;
	s20 =	sshll.u32 s5, $0x1;
	s5 =	sadd.s32 s21, s3  }
0x9d: {  	[timem:s7], [sflag:s22] =	dma.local [hbm:s5], s20  }
0x9e: {  	_ =	swait.ge [sflag:s22], s20  }
0x9f: {  	s4 =	ssub.s32 $0x0, s20;
	[sflag:s22] =	ssyncset.done $0x0  }
0xa0: {  	[sflag:s22] =	ssyncadd.s32 s4;
	_ =	sdelay $0x1  }
0xa1: {  	s23 =	simm.s32 $0x1B8B  }
0xa2: {  	_ =	swait.ge [sflag:s23], $0x1  }
0xa3: {  	[sflag:s23] =	ssyncset.done $0x0  }
0xa4: {  	s25 =	simm.s32 $0x1B8E;
	s24 =	sld [smem:$0x3FFE];
	[sflag:s23] =	ssyncadd.s32 $0xFFFFFFFF  }
0xa5: {  	s26 =	simm.s32 $execute0_lowered;
	[smem:$0x3FD2] =	sst s25  }
0xa6: {  	s5 =	sshll.u32 s26, $0x1;
	_ =	strace $0x80000046;
	[dreg:$0x1] =	wrdreg $0xFFFFFFFF  }
0xa7: {  	s28 =	simm.s32 $_size_execute0_lowered;
	s3 =	sadd.s32 s3, s5;
	[dreg:$0x0] =	wrdreg $0x0  }
0xa8: {  	s5 =	sshll.u32 s28, $0x1;
	[dreg:$0x2] =	wrdreg s3  }
0xa9: {  	[dreg:$0x3] =	wrdreg s5  }
0xaa: {  	[dreg:$0x4] =	wrdreg $0xC0  }
0xab: {  	_ =	task [dreg:s7], $0x5FFFF  }
0xac: {  	[dreg:$0x1] =	wrdreg $0xFFFFFFFF  }
0xad: {  	[dreg:$0x0] =	wrdreg $0x60  }
0xae: {  	[dreg:$0x2] =	wrdreg s24  }
0xaf: {  	[dreg:$0x3] =	wrdreg s2  }
0xb0: {  	[dreg:$0x4] =	wrdreg $0x9  }
0xb1: {  	_ =	task.clear_ibuf [dreg:s7], $0x5FFFF;
	_ =	strace $0x90000046  }
0xb2: {  	s29 =	simm.s32 $0x9;
	_ =	strace $0x80000048  }
0xb3: {  	_ =	swait.ge [sflag:s29], $0x1  }
0xb4: {  	[sflag:s29] =	ssyncadd.s32 $0xFFFFFFFF  }
0xb5: {  	_ =	strace $0x90000048  }
0xb6: {  	_ =	sfence  }
0xb7: {  	s30 =	sld [smem:$0x0];
	_ =	sdelay $0x2  }
0xb8: {  	s31 =	sshll.u32 s1, $0xD;
	s1 =	sshrl.u32 s1, $0x2  }
0xb9: {  	s3 =	sand.u32 $0x4000, s31;
	s1 =	sadd.s32 s1, s30  }
0xba: {  	s0 =	sor.u32 s3, s0;
	s1 =	sshll.u32 s1, $0x11  }
0xbb: {  	s0 =	sor.u32 s1, s0  }
0xbc: {  	s0 =	sadd.s32 $0x8F2B, s0  }
0xbd: {  	[sflag:s0] =	ssyncadd.remote.s32 $0x1  }
0xbe: {  	_ =	sfence.sel $0xFFFF  }
0xbf: {  	[dreg:$0x0] =	wrdreg $0xFFFFFFFF;
	(pc) =	sbr.abs _section_cstart, $3  }
0xc0: {  	[dreg:$0x1] =	wrdreg $0xFFFFFFFF  }
0xc1: {  	_ =	task.clear_ibuf [dreg:s7], $0x2FFFF;
	_ =	strace $0x9FFFFFFF  }
0xc2: {  	(tm) =	ssettm $0x7FFFFFFF  }
0xc3: {  	_ =	shalt  }
tec
execute0_lowered:
.L_overlay_start_1:
0x0: {  	(tag) =	ssettag $0x1  }
0x1: {  	s0 =	rddreg [dreg:$0x0];
	s1 =	srdreg.scid  }
0x2: {  	s2 =	stileid.u32;
	s5 =	rddreg [dreg:$0x1]  }
0x3: {  	s13 =	simm.s32 $0x640;
	s15 =	simm.s32 $0x80;
	s20 =	simm.s32 $0x40  }
0x4: {  	s23 =	simm.s32 $0x2;
	s19 =	simm.s32 $0x9C0;
	s21 =	simm.s32 $0x14480  }
0x5: {  	s22 =	simm.s32 $0xA40;
	s10 =	simm.s32 $0xAC0;
	s12 =	simm.s32 $0xB40  }
0x6: {  	s14 =	simm.s32 $0x17480;
	s24 =	simm.s32 $0xBC0;
	s28 =	simm.s32 $0x19480  }
0x7: {  	s29 =	simm.s32 $0x3;
	s30 =	simm.s32 $0x19C80;
	s31 =	simm.s32 $0x4  }
0x8: {  	s16 =	simm.s32 $0x0;
	s1 =	sand.u32 $0x1, s1;
	s3 =	sshll.u32 s2, $0x1  }
0x9: {  	s2 =	simm.s32 $0x0;
	s4 =	sadd.s32 $0xF42A00, s0;
	s6 =	sor.u32 s1, s3  }
0xa: {  	[smem:$0x7FF] =	sst s2;
	s3 =	sadd.s32 $0x600, s0;
	s25 =	ssub.s32 $0x2, s1  }
0xb: {  	s9 =	smul.u32 $0x19000, s6;
	s7 =	sshrl.u32 s25, $0x1;
	s6 =	sshll.u32 s6, $0xB  }
0xc: {  	_ =	strace $0x80000047;
	s0 =	ssub.s32 s25, s7;
	s7 =	sadd.s32 s5, s6  }
.Ltmp0:
0xd: {  	s6 =	simm.s32 $0x15480;
	s5 =	simm.s32 $0x16480;
	(pc) =	sbr.rel .LBB2_1-.Ltmp0, $4  }
0xe: {  	s25 =	simm.s32 $0x18480;
	s26 =	sshrl.u32 s9, $0x3;
	s0 =	smax.u32 s0, $0x1  }
0xf: {  	s8 =	sor.u32 $0xC80, s9;
	s1 =	sadd.s32 s3, s26;
	[dreg:$0x5] =	wrdreg s0  }
0x10: {  	s9 =	sadd.s32 $0x12C0, s9;
	[dreg:$0x3] =	wrdreg s1;
	s1 =	sadd.s32 $0xC8, s1  }
0x11: {  	vm0 =	vcmask $0x3F20;
	s26 =	simm.s32 $0xC40;
	[dreg:$0x4] =	wrdreg s1;
	s1 =	simm.s32 $0x19D80  }
.LBB2_36:
0x12: {  	s0 =	simm.s32 $0x5  }
0x13: {  	_ =	swait.ge [sflag:s0], $0x100  }
0x14: {  	[sflag:s0] =	ssyncset.done $0x0  }
0x15: {  	s11 =	simm.s32 $0x6;
	[sflag:s0] =	ssyncadd.s32 $0xFFFFFF00  }
0x16: {  	_ =	swait.ge [sflag:s11], $0x100  }
0x17: {  	s16 =	rddreg [dreg:$0x6]  }
0x18: {  	s18 =	rddreg [dreg:$0x5];
	s16 =	sadd.s32 $0x1, s16  }
0x19: {  	p0 =	sne.s32 s16, s18  }
.Ltmp1:
0x1a: {  	_ = 	snop;
	(pc) =	sbr.rel @!p0 .LBB2_37-.Ltmp1, $3  }
0x1b: {  	_ =	sdelay $0x1  }
0x1c: {  	[sflag:s11] =	ssyncset.done $0x0  }
0x1d: {  	[sflag:s11] =	ssyncadd.s32 $0xFFFFFF00  }
.LBB2_1:
0x1e: {  	[dreg:$0x6] =	wrdreg s16;
	s0 =	simm.s32 $0x19E80;
	s18 =	simm.s32 $0x7  }
0x1f: {  	[tilespmem:s0], [sflag:$0x7] =	stream.linear.gather [hbm4b:s4+s2], $0x20, $0x38;
	[tilespmem:$0x19EA0] =	vst v63  }
0x20: {  	_ =	swait.ge [sflag:s18], $0x20  }
0x21: {  	[sflag:s18] =	ssyncset.done $0x0  }
0x22: {  	s11 =	rddreg [dreg:$0x3];
	[sflag:s18] =	ssyncadd.s32 $0xFFFFFFE0  }
0x23: {  	[tilespmem:s2], [sflag:$0x1] =	stream.linear.gather [hbm4b:s11+s2], $0x640, $0x38;
	[tilespmem:$0x19EA0] =	vst v63  }
0x24: {  	s17 =	simm.s32 $0x1;
	s16 =	rddreg [dreg:$0x4]  }
0x25: {  	[tilespmem:s13], [sflag:$0x2] =	stream.linear.gather [hbm4b:s16+s2], $0x640, $0x38;
	[tilespmem:$0x19EA0] =	vst v63  }
0x26: {  	_ =	swait.ge [sflag:s17], $0x640  }
0x27: {  	[sflag:s17] =	ssyncset.done $0x0  }
0x28: {  	s18 =	simm.s32 $0xC80;
	[sflag:s17] =	ssyncadd.s32 $0xFFFFF9C0  }
0x29: {  	[tilespmem:s18], [sflag:$0x3] =	stream.indirect.gather [hbm4b:s4+s15], $0x20, s2, s15, $0xb8;
	[tilespmem:$0x19EA0] =	vst v63  }
0x2a: {  	s11 =	simm.s32 $0x1C80  }
0x2b: {  	[tilespmem:s11], [sflag:$0x3] =	stream.indirect.gather [hbm4b:s4+s15], $0x20, s15, s15, $0xb8;
	[tilespmem:$0x19EA0] =	vst v63  }
0x2c: {  	s16 =	simm.s32 $0x100;
	s11 =	simm.s32 $0x2C80  }
0x2d: {  	[tilespmem:s11], [sflag:$0x3] =	stream.indirect.gather [hbm4b:s4+s15], $0x20, s16, s15, $0xb8;
	[tilespmem:$0x19EA0] =	vst v63  }
0x2e: {  	s17 =	simm.s32 $0x180;
	s18 =	simm.s32 $0x3C80  }
0x2f: {  	[tilespmem:s18], [sflag:$0x3] =	stream.indirect.gather [hbm4b:s4+s15], $0x20, s17, s15, $0xb8;
	[tilespmem:$0x19EA0] =	vst v63  }
0x30: {  	s11 =	simm.s32 $0x200;
	s16 =	simm.s32 $0x4C80  }
0x31: {  	[tilespmem:s16], [sflag:$0x3] =	stream.indirect.gather [hbm4b:s4+s15], $0x20, s11, s15, $0xb8;
	[tilespmem:$0x19EA0] =	vst v63  }
0x32: {  	s17 =	simm.s32 $0x280;
	s18 =	simm.s32 $0x5C80  }
0x33: {  	[tilespmem:s18], [sflag:$0x3] =	stream.indirect.gather [hbm4b:s4+s15], $0x20, s17, s15, $0xb8;
	[tilespmem:$0x19EA0] =	vst v63  }
0x34: {  	s11 =	simm.s32 $0x300;
	s16 =	simm.s32 $0x6C80  }
0x35: {  	[tilespmem:s16], [sflag:$0x3] =	stream.indirect.gather [hbm4b:s4+s15], $0x20, s11, s15, $0xb8;
	[tilespmem:$0x19EA0] =	vst v63  }
0x36: {  	s17 =	simm.s32 $0x380;
	s18 =	simm.s32 $0x7C80  }
0x37: {  	[tilespmem:s18], [sflag:$0x3] =	stream.indirect.gather [hbm4b:s4+s15], $0x20, s17, s15, $0xb8;
	[tilespmem:$0x19EA0] =	vst v63  }
0x38: {  	s11 =	simm.s32 $0x400;
	s16 =	simm.s32 $0x8C80  }
0x39: {  	[tilespmem:s16], [sflag:$0x3] =	stream.indirect.gather [hbm4b:s4+s15], $0x20, s11, s15, $0xb8;
	[tilespmem:$0x19EA0] =	vst v63  }
0x3a: {  	s17 =	simm.s32 $0x480;
	s18 =	simm.s32 $0x9C80  }
0x3b: {  	[tilespmem:s18], [sflag:$0x3] =	stream.indirect.gather [hbm4b:s4+s15], $0x20, s17, s15, $0xb8;
	[tilespmem:$0x19EA0] =	vst v63  }
0x3c: {  	s11 =	simm.s32 $0x500;
	s16 =	simm.s32 $0xAC80  }
0x3d: {  	[tilespmem:s16], [sflag:$0x3] =	stream.indirect.gather [hbm4b:s4+s15], $0x20, s11, s15, $0xb8;
	[tilespmem:$0x19EA0] =	vst v63  }
0x3e: {  	s17 =	simm.s32 $0x580;
	s18 =	simm.s32 $0xBC80  }
0x3f: {  	[tilespmem:s18], [sflag:$0x3] =	stream.indirect.gather [hbm4b:s4+s15], $0x20, s17, s15, $0xb8;
	[tilespmem:$0x19EA0] =	vst v63  }
0x40: {  	s16 =	simm.s32 $0x600;
	s17 =	simm.s32 $0xCC80  }
0x41: {  	[tilespmem:s17], [sflag:$0x3] =	stream.indirect.gather [hbm4b:s4+s20], $0x20, s16, s20, $0xb8;
	[tilespmem:$0x19EA0] =	vst v63  }
0x42: {  	_ =	swait.ge [sflag:s23], $0x640  }
0x43: {  	[sflag:s23] =	ssyncset.done $0x0  }
0x44: {  	s18 =	simm.s32 $0xD480;
	[sflag:s23] =	ssyncadd.s32 $0xFFFFF9C0  }
0x45: {  	[tilespmem:s18], [sflag:$0x4] =	stream.indirect.gather [hbm4b:s4+s15], $0x20, s13, s15, $0xb8;
	[tilespmem:$0x19EA0] =	vst v63  }
0x46: {  	s11 =	simm.s32 $0x6C0;
	s16 =	simm.s32 $0xE480  }
0x47: {  	[tilespmem:s16], [sflag:$0x4] =	stream.indirect.gather [hbm4b:s4+s15], $0x20, s11, s15, $0xb8;
	[tilespmem:$0x19EA0] =	vst v63  }
0x48: {  	s17 =	simm.s32 $0x740;
	s18 =	simm.s32 $0xF480  }
0x49: {  	[tilespmem:s18], [sflag:$0x4] =	stream.indirect.gather [hbm4b:s4+s15], $0x20, s17, s15, $0xb8;
	[tilespmem:$0x19EA0] =	vst v63  }
0x4a: {  	s11 =	simm.s32 $0x7C0;
	s16 =	simm.s32 $0x10480  }
0x4b: {  	[tilespmem:s16], [sflag:$0x4] =	stream.indirect.gather [hbm4b:s4+s15], $0x20, s11, s15, $0xb8;
	[tilespmem:$0x19EA0] =	vst v63  }
0x4c: {  	s17 =	simm.s32 $0x840;
	s18 =	simm.s32 $0x11480  }
0x4d: {  	[tilespmem:s18], [sflag:$0x4] =	stream.indirect.gather [hbm4b:s4+s15], $0x20, s17, s15, $0xb8;
	[tilespmem:$0x19EA0] =	vst v63  }
0x4e: {  	s11 =	simm.s32 $0x8C0;
	s16 =	simm.s32 $0x12480  }
0x4f: {  	[tilespmem:s16], [sflag:$0x4] =	stream.indirect.gather [hbm4b:s4+s15], $0x20, s11, s15, $0xb8;
	[tilespmem:$0x19EA0] =	vst v63  }
0x50: {  	s17 =	simm.s32 $0x940;
	s18 =	simm.s32 $0x13480  }
0x51: {  	[tilespmem:s18], [sflag:$0x4] =	stream.indirect.gather [hbm4b:s4+s15], $0x20, s17, s15, $0xb8;
	[tilespmem:$0x19EA0] =	vst v63  }
0x52: {  	_ = 	snop  }
0x53: {  	[tilespmem:s21], [sflag:$0x4] =	stream.indirect.gather [hbm4b:s4+s15], $0x20, s19, s15, $0xb8;
	[tilespmem:$0x19EA0] =	vst v63  }
0x54: {  	_ = 	snop  }
0x55: {  	[tilespmem:s6], [sflag:$0x4] =	stream.indirect.gather [hbm4b:s4+s15], $0x20, s22, s15, $0xb8;
	[tilespmem:$0x19EA0] =	vst v63  }
0x56: {  	_ = 	snop  }
0x57: {  	[tilespmem:s5], [sflag:$0x4] =	stream.indirect.gather [hbm4b:s4+s15], $0x20, s10, s15, $0xb8;
	[tilespmem:$0x19EA0] =	vst v63  }
0x58: {  	_ = 	snop  }
0x59: {  	[tilespmem:s14], [sflag:$0x4] =	stream.indirect.gather [hbm4b:s4+s15], $0x20, s12, s15, $0xb8;
	[tilespmem:$0x19EA0] =	vst v63  }
0x5a: {  	_ = 	snop  }
0x5b: {  	[tilespmem:s25], [sflag:$0x4] =	stream.indirect.gather [hbm4b:s4+s15], $0x20, s24, s15, $0xb8;
	[tilespmem:$0x19EA0] =	vst v63  }
0x5c: {  	s0 =	simm.s32 $0x0  }
0x5d: {  	[tilespmem:s28], [sflag:$0x4] =	stream.indirect.gather [hbm4b:s4+s20], $0x20, s26, s20, $0xb8;
	[tilespmem:$0x19EA0] =	vst v63  }
.LBB2_2:
0x5e: {  	_ =	swait.ge [sflag:s29], $0x1000  }
0x5f: {  	[sflag:s29] =	ssyncset.done $0x0  }
0x60: {  	[sflag:s29] =	ssyncadd.s32 $0xFFFFF000  }
0x61: {  	_ =	swait.ge [sflag:s29], $0x1000  }
0x62: {  	[sflag:s29] =	ssyncset.done $0x0  }
0x63: {  	[sflag:s29] =	ssyncadd.s32 $0xFFFFF000  }
0x64: {  	_ =	swait.ge [sflag:s29], $0x1000  }
0x65: {  	[sflag:s29] =	ssyncset.done $0x0  }
0x66: {  	[sflag:s29] =	ssyncadd.s32 $0xFFFFF000  }
0x67: {  	_ =	swait.ge [sflag:s29], $0x1000  }
0x68: {  	[sflag:s29] =	ssyncset.done $0x0  }
0x69: {  	[sflag:s29] =	ssyncadd.s32 $0xFFFFF000  }
0x6a: {  	_ =	swait.ge [sflag:s29], $0x1000  }
0x6b: {  	[sflag:s29] =	ssyncset.done $0x0  }
0x6c: {  	[sflag:s29] =	ssyncadd.s32 $0xFFFFF000  }
0x6d: {  	_ =	swait.ge [sflag:s29], $0x1000  }
0x6e: {  	[sflag:s29] =	ssyncset.done $0x0  }
0x6f: {  	[sflag:s29] =	ssyncadd.s32 $0xFFFFF000  }
0x70: {  	_ =	swait.ge [sflag:s29], $0x1000  }
0x71: {  	[sflag:s29] =	ssyncset.done $0x0  }
0x72: {  	[sflag:s29] =	ssyncadd.s32 $0xFFFFF000  }
0x73: {  	_ =	swait.ge [sflag:s29], $0x1000  }
0x74: {  	[sflag:s29] =	ssyncset.done $0x0  }
0x75: {  	[sflag:s29] =	ssyncadd.s32 $0xFFFFF000  }
0x76: {  	_ =	swait.ge [sflag:s29], $0x1000  }
0x77: {  	[sflag:s29] =	ssyncset.done $0x0  }
0x78: {  	[sflag:s29] =	ssyncadd.s32 $0xFFFFF000  }
0x79: {  	_ =	swait.ge [sflag:s29], $0x1000  }
0x7a: {  	[sflag:s29] =	ssyncset.done $0x0  }
0x7b: {  	[sflag:s29] =	ssyncadd.s32 $0xFFFFF000  }
0x7c: {  	_ =	swait.ge [sflag:s29], $0x1000  }
0x7d: {  	[sflag:s29] =	ssyncset.done $0x0  }
0x7e: {  	[sflag:s29] =	ssyncadd.s32 $0xFFFFF000  }
0x7f: {  	_ =	swait.ge [sflag:s29], $0x1000  }
0x80: {  	[sflag:s29] =	ssyncset.done $0x0  }
0x81: {  	[sflag:s29] =	ssyncadd.s32 $0xFFFFF000  }
0x82: {  	_ =	swait.ge [sflag:s29], $0x800  }
0x83: {  	p0 =	seq.s32 s0, $0x0;
	[sflag:s29] =	ssyncset.done $0x0  }
0x84: {  	s11 =	simm.s32 @!p0 $0x5;
	[sflag:s29] =	ssyncadd.s32 $0xFFFFF800  }
0x85: {  	_ =	swait.ge @!p0 [sflag:s11], $0x100  }
0x86: {  	[sflag:s11] =	ssyncset.done @!p0 $0x0  }
0x87: {  	[sflag:s11] =	ssyncadd.s32 @!p0 $0xFFFFFF00  }
0x88: {  	v0 =	vld [tilespmem:$0x0]  }
0x89: {  	v1 =	vld [tilespmem:$0x10]  }
0x8a: {  	v2 =	vld [tilespmem:$0x20]  }
0x8b: {  	v3 =	vld [tilespmem:$0x30]  }
0x8c: {  	v4 =	vld [tilespmem:$0x40]  }
0x8d: {  	v5 =	vld [tilespmem:$0x50]  }
0x8e: {  	v9 =	vld [tilespmem:$0x60]  }
0x8f: {  	v10 =	vld [tilespmem:$0x70]  }
0x90: {  	v12 =	vld [tilespmem:$0x80]  }
0x91: {  	v23 =	vimm.f32 $0.0e+00;
	v13 =	vld [tilespmem:$0x90];
	vm1 =	veq.s32 v0, $0x0  }
0x92: {  	v22 =	vimm.f32 $0.0e+00;
	v14 =	vld [tilespmem:$0xA0];
	vm2 =	veq.s32 v1, $0x0;
	v0 =	vmpcnt.ones.xlane vm1  }
0x93: {  	s17 =	simm.s32 $0x0;
	v16 =	vld [tilespmem:$0xB0];
	v1 =	vmpcnt.ones.xlane vm2;
	vm1 =	veq.s32 v2, $0x0;
	vm2 =	veq.s32 v4, $0x0  }
0x94: {  	v4 =	vld [tilespmem:s17+$0xCF0];
	v2 =	vmpcnt.ones.xlane vm1;
	vm1 =	veq.s32 v3, $0x0;
	v7 =	vmpcnt.ones.xlane vm2  }
0x95: {  	v3 =	vld [tilespmem:$0xB8];
	vm2 =	veq.s32 v10, $0x0;
	v6 =	vmpcnt.ones.xlane vm1;
	vm1 =	veq.s32 v5, $0x0  }
0x96: {  	v21 =	vld [tilespmem:s17+$0xC90];
	v11 =	vmpcnt.ones.xlane vm2;
	v8 =	vmpcnt.ones.xlane vm1;
	vm1 =	veq.s32 v9, $0x0  }
0x97: {  	v5 =	vld [tilespmem:s17+$0xC80];
	vm2 =	veq.s32 v14, $0x0;
	v10 =	vmpcnt.ones.xlane vm1;
	vm1 =	veq.s32 v12, $0x0  }
0x98: {  	v15 =	vld [tilespmem:s17+$0xCA0];
	v9 =	vimm.f32 $0.0e+00;
	v12 =	vmpcnt.ones.xlane vm1;
	vm1 =	veq.s32 v13, $0x0  }
0x99: {  	v17 =	vld [tilespmem:s17+$0xCB0];
	v13 =	vmpcnt.ones.xlane vm2;
	vm2 =	veq.s32 v16, $0x0;
	v4 =	vadd.f32 v4, v9  }
0x9a: {  	v20 =	vld [tilespmem:s17+$0xCC0];
	v16 =	vimm.f32 $0.0e+00;
	v14 =	vmpcnt.ones.xlane vm1;
	vm1 =	veq.s32 v3, $0x0  }
0x9b: {  	v24 =	vld [tilespmem:s17+$0xCD0];
	v19 =	vmpcnt.ones.xlane vm2;
	v3 =	vadd.f32 v21, v9;
	vm1 =	vmand vm1, vm0  }
0x9c: {  	s16 =	simm.s32 $0x400;
	s11 =	simm.s32 $0x80;
	v25 =	vld [tilespmem:s17+$0xCE0];
	v21 =	vimm.f32 $0.0e+00;
	v5 =	vadd.f32 v5, v9;
	v18 =	vmpcnt.ones.xlane vm1  }
.LBB2_3:
0x9d: {  	p1 =	sne.s32 s16, $0x6200;
	v26 =	vld [tilespmem:s11+$0xCF0];
	v9 =	vadd.f32 v15, v9  }
0x9e: {  	v27 =	vld [tilespmem:s11+$0xC80];
	v16 =	vadd.f32 v17, v16  }
0x9f: {  	v28 =	vld [tilespmem:s11+$0xC90];
	v23 =	vadd.f32 v20, v23  }
.Ltmp2:
0xa0: {  	v15 =	vld [tilespmem:s11+$0xCA0];
	v21 =	vadd.f32 v24, v21;
	(pc) =	sbr.rel @p1 .LBB2_3-.Ltmp2, $4  }
0xa1: {  	v17 =	vld [tilespmem:s11+$0xCB0];
	v22 =	vadd.f32 v25, v22  }
0xa2: {  	v20 =	vld [tilespmem:s11+$0xCC0];
	v4 =	vadd.f32 v26, v4  }
0xa3: {  	v5 =	vadd.f32 v27, v5;
	v24 =	vld [tilespmem:s11+$0xCD0]  }
0xa4: {  	v3 =	vadd.f32 v28, v3;
	v25 =	vld [tilespmem:s11+$0xCE0];
	s11 =	sshra.s32 s16, $0x2;
	s16 =	sadd.s32 $0x200, s16  }
0xa5: {  	v0 =	vadd.s32 v0, v1  }
0xa6: {  	v0 =	vadd.s32 v2, v0  }
0xa7: {  	v0 =	vadd.s32 v6, v0  }
0xa8: {  	v0 =	vadd.s32 v7, v0  }
0xa9: {  	v0 =	vadd.s32 v8, v0  }
0xaa: {  	v0 =	vadd.s32 v10, v0  }
0xab: {  	v0 =	vadd.s32 v11, v0  }
0xac: {  	v0 =	vadd.s32 v12, v0  }
0xad: {  	v1 =	vld [tilespmem:s11+$0xCF0];
	v0 =	vadd.s32 v14, v0  }
0xae: {  	v2 =	vld [tilespmem:s11+$0xC80];
	v0 =	vadd.s32 v13, v0  }
0xaf: {  	v6 =	vld [tilespmem:s11+$0xC90];
	v0 =	vadd.s32 v19, v0  }
0xb0: {  	v7 =	vld [tilespmem:s11+$0xCA0];
	v0 =	vadd.s32 v18, v0  }
0xb1: {  	v10 =	vld [tilespmem:s11+$0xCC0];
	v0 =	vcvt.s32.f32 v0  }
0xb2: {  	v9 =	vadd.f32 v15, v9;
	v1 =	vadd.f32 v1, v4;
	v11 =	vld [tilespmem:s11+$0xCE0]  }
0xb3: {  	v8 =	vld [tilespmem:s11+$0xCB0];
	v2 =	vadd.f32 v2, v5;
	v12 =	vsub.f32 $2.000000000e+02, v0  }
0xb4: {  	v15 =	vld [tilespmem:s11+$0xCD0];
	v3 =	vadd.f32 v6, v3;
	v14 =	vadd.f32 v20, v23  }
0xb5: {  	v13 =	vadd.f32 v17, v16;
	v17 =	vadd.f32 v25, v22;
	v12 =	vmax.f32 v12, $1.000000000e+00  }
0xb6: {  	v5 =	vadd.f32 v7, v9;
	v16 =	vadd.f32 v24, v21;
	v18 =	vld [tilespmem:$0x19E80];
	(erf) = vrcp.f32 v12  }
0xb7: {  	v4 =	vld [tilespmem:$0x19E90];
	v7 =	vadd.f32 v10, v14;
	v9 =	vadd.f32 v11, v17  }
0xb8: {  	v6 =	vld [tilespmem:$0xC8];
	v2 =	vadd.f32 v5, v2;
	v8 =	vadd.f32 v8, v13  }
0xb9: {  	v10 =	vld [tilespmem:$0xD8];
	v11 =	vadd.f32 v15, v16;
	v5 =	vadd.f32 v9, v7  }
0xba: {  	v14 =	vld [tilespmem:$0x158];
	v3 =	vadd.f32 v8, v3  }
0xbb: {  	v13 =	vld [tilespmem:$0x148];
	v1 =	vadd.f32 v1, v11;
	v2 =	vadd.f32 v5, v2;
	v5 =	vmul.f32 v0, v18  }
0xbc: {  	v7 =	vld [tilespmem:$0xF8]  }
0xbd: {  	v1 =	vadd.f32 v1, v3;
	v0 =	vmul.f32 v0, v4;
	v12 =	vld [tilespmem:$0xE8]  }
0xbe: {  	v8 =	vld [tilespmem:$0x108];
	v2 =	vsub.f32 v2, v5  }
0xbf: {  	v9 =	vld [tilespmem:$0x118];
	v0 =	vsub.f32 v1, v0;
	v5 =	vpop (erf)  }
0xc0: {  	v3 =	vld [tilespmem:$0x128];
	v1 =	vmul.f32 v2, v5  }
0xc1: {  	v23 =	vimm.f32 $0.0e+00;
	vm1 =	veq.s32 v6, $0x0;
	v4 =	vld [tilespmem:$0x138];
	v2 =	vmul.f32 v0, v5  }
0xc2: {  	v15 =	vld [tilespmem:$0x180];
	vm2 =	veq.s32 v10, $0x0;
	v0 =	vmpcnt.ones.xlane vm1;
	vm1 =	veq.s32 v12, $0x0;
	[tilespmem:$0x19C80] =	vst v1  }
0xc3: {  	v5 =	vld [tilespmem:$0x168];
	v1 =	vmpcnt.ones.xlane vm2;
	[tilespmem:$0x19C90] =	vst v2;
	v2 =	vmpcnt.ones.xlane vm1;
	vm1 =	veq.s32 v7, $0x0  }
0xc4: {  	s17 =	simm.s32 $0x0;
	v16 =	vld [tilespmem:$0x178];
	vm2 =	veq.s32 v8, $0x0;
	v6 =	vmpcnt.ones.xlane vm1;
	vm1 =	veq.s32 v9, $0x0  }
0xc5: {  	v7 =	vmpcnt.ones.xlane vm2;
	v21 =	vld [tilespmem:s17+$0x25F0];
	v8 =	vmpcnt.ones.xlane vm1;
	vm1 =	veq.s32 v3, $0x0  }
0xc6: {  	vm2 =	veq.s32 v4, $0x0;
	v22 =	vld [tilespmem:s17+$0x2590];
	v10 =	vmpcnt.ones.xlane vm1;
	vm1 =	veq.s32 v13, $0x0  }
0xc7: {  	v3 =	vld [tilespmem:s17+$0x2580];
	v11 =	vmpcnt.ones.xlane vm2;
	v12 =	vmpcnt.ones.xlane vm1;
	vm1 =	veq.s32 v14, $0x0  }
0xc8: {  	vm2 =	veq.s32 v5, $0x0;
	v14 =	vmpcnt.ones.xlane vm1;
	vm1 =	veq.s32 v15, $0x0;
	v15 =	vld [tilespmem:s17+$0x25A0]  }
0xc9: {  	v9 =	vimm.f32 $0.0e+00;
	v17 =	vld [tilespmem:s17+$0x25B0];
	v13 =	vmpcnt.ones.xlane vm2;
	vm2 =	veq.s32 v16, $0x0  }
0xca: {  	v20 =	vld [tilespmem:s17+$0x25C0];
	v16 =	vimm.f32 $0.0e+00;
	v19 =	vmpcnt.ones.xlane vm2;
	vm1 =	vmand vm1, vm0  }
0xcb: {  	v24 =	vld [tilespmem:s17+$0x25D0];
	v4 =	vadd.f32 v21, v9;
	v21 =	vimm.f32 $0.0e+00;
	v18 =	vmpcnt.ones.xlane vm1  }
0xcc: {  	s16 =	simm.s32 $0x400;
	s11 =	simm.s32 $0x80;
	v25 =	vld [tilespmem:s17+$0x25E0];
	v5 =	vadd.f32 v3, v9;
	v3 =	vadd.f32 v22, v9;
	v22 =	vimm.f32 $0.0e+00  }
.LBB2_5:
0xcd: {  	p1 =	sne.s32 s16, $0x6200;
	v26 =	vld [tilespmem:s11+$0x25F0];
	v9 =	vadd.f32 v15, v9  }
0xce: {  	v27 =	vld [tilespmem:s11+$0x2580];
	v16 =	vadd.f32 v17, v16  }
0xcf: {  	v28 =	vld [tilespmem:s11+$0x2590];
	v23 =	vadd.f32 v20, v23  }
.Ltmp3:
0xd0: {  	v15 =	vld [tilespmem:s11+$0x25A0];
	v21 =	vadd.f32 v24, v21;
	(pc) =	sbr.rel @p1 .LBB2_5-.Ltmp3, $4  }
0xd1: {  	v17 =	vld [tilespmem:s11+$0x25B0];
	v22 =	vadd.f32 v25, v22  }
0xd2: {  	v20 =	vld [tilespmem:s11+$0x25C0];
	v4 =	vadd.f32 v26, v4  }
0xd3: {  	v5 =	vadd.f32 v27, v5;
	v24 =	vld [tilespmem:s11+$0x25D0]  }
0xd4: {  	v3 =	vadd.f32 v28, v3;
	v25 =	vld [tilespmem:s11+$0x25E0];
	s11 =	sshra.s32 s16, $0x2;
	s16 =	sadd.s32 $0x200, s16  }
0xd5: {  	v0 =	vadd.s32 v0, v1  }
0xd6: {  	v0 =	vadd.s32 v2, v0  }
0xd7: {  	v0 =	vadd.s32 v6, v0  }
0xd8: {  	v0 =	vadd.s32 v7, v0  }
0xd9: {  	v0 =	vadd.s32 v8, v0  }
0xda: {  	v0 =	vadd.s32 v10, v0  }
0xdb: {  	v0 =	vadd.s32 v11, v0  }
0xdc: {  	v0 =	vadd.s32 v12, v0  }
0xdd: {  	v1 =	vld [tilespmem:s11+$0x25F0];
	v0 =	vadd.s32 v14, v0  }
0xde: {  	v2 =	vld [tilespmem:s11+$0x2580];
	v0 =	vadd.s32 v13, v0  }
0xdf: {  	v6 =	vld [tilespmem:s11+$0x2590];
	v0 =	vadd.s32 v19, v0  }
0xe0: {  	v7 =	vld [tilespmem:s11+$0x25A0];
	v0 =	vadd.s32 v18, v0  }
0xe1: {  	v10 =	vld [tilespmem:s11+$0x25C0];
	v0 =	vcvt.s32.f32 v0  }
0xe2: {  	v9 =	vadd.f32 v15, v9;
	v1 =	vadd.f32 v1, v4;
	v11 =	vld [tilespmem:s11+$0x25E0]  }
0xe3: {  	v8 =	vld [tilespmem:s11+$0x25B0];
	v2 =	vadd.f32 v2, v5;
	v12 =	vsub.f32 $2.000000000e+02, v0  }
0xe4: {  	v15 =	vld [tilespmem:s11+$0x25D0];
	v3 =	vadd.f32 v6, v3;
	v14 =	vadd.f32 v20, v23  }
0xe5: {  	v13 =	vadd.f32 v17, v16;
	v17 =	vadd.f32 v25, v22;
	v12 =	vmax.f32 v12, $1.000000000e+00  }
0xe6: {  	v5 =	vadd.f32 v7, v9;
	v16 =	vadd.f32 v24, v21;
	v18 =	vld [tilespmem:$0x19E80];
	(erf) = vrcp.f32 v12  }
0xe7: {  	v4 =	vld [tilespmem:$0x19E90];
	v7 =	vadd.f32 v10, v14;
	v9 =	vadd.f32 v11, v17  }
0xe8: {  	v6 =	vld [tilespmem:$0x190];
	v2 =	vadd.f32 v5, v2;
	v8 =	vadd.f32 v8, v13  }
0xe9: {  	v10 =	vld [tilespmem:$0x1A0];
	v11 =	vadd.f32 v15, v16;
	v5 =	vadd.f32 v9, v7  }
0xea: {  	v14 =	vld [tilespmem:$0x220];
	v3 =	vadd.f32 v8, v3  }
0xeb: {  	v13 =	vld [tilespmem:$0x210];
	v1 =	vadd.f32 v1, v11;
	v2 =	vadd.f32 v5, v2;
	v5 =	vmul.f32 v0, v18  }
0xec: {  	v7 =	vld [tilespmem:$0x1C0]  }
0xed: {  	v1 =	vadd.f32 v1, v3;
	v0 =	vmul.f32 v0, v4;
	v12 =	vld [tilespmem:$0x1B0]  }
0xee: {  	v8 =	vld [tilespmem:$0x1D0];
	v2 =	vsub.f32 v2, v5  }
0xef: {  	v9 =	vld [tilespmem:$0x1E0];
	v0 =	vsub.f32 v1, v0;
	v5 =	vpop (erf)  }
0xf0: {  	v3 =	vld [tilespmem:$0x1F0];
	v1 =	vmul.f32 v2, v5  }
0xf1: {  	v23 =	vimm.f32 $0.0e+00;
	vm1 =	veq.s32 v6, $0x0;
	v4 =	vld [tilespmem:$0x200];
	v2 =	vmul.f32 v0, v5  }
0xf2: {  	v15 =	vld [tilespmem:$0x248];
	vm2 =	veq.s32 v10, $0x0;
	v0 =	vmpcnt.ones.xlane vm1;
	vm1 =	veq.s32 v12, $0x0;
	[tilespmem:$0x19CA0] =	vst v1  }
0xf3: {  	v5 =	vld [tilespmem:$0x230];
	v1 =	vmpcnt.ones.xlane vm2;
	[tilespmem:$0x19CB0] =	vst v2;
	v2 =	vmpcnt.ones.xlane vm1;
	vm1 =	veq.s32 v7, $0x0  }
0xf4: {  	s17 =	simm.s32 $0x0;
	v16 =	vld [tilespmem:$0x240];
	vm2 =	veq.s32 v8, $0x0;
	v6 =	vmpcnt.ones.xlane vm1;
	vm1 =	veq.s32 v9, $0x0  }
0xf5: {  	v7 =	vmpcnt.ones.xlane vm2;
	v21 =	vld [tilespmem:s17+$0x3EF0];
	v8 =	vmpcnt.ones.xlane vm1;
	vm1 =	veq.s32 v3, $0x0  }
0xf6: {  	vm2 =	veq.s32 v4, $0x0;
	v22 =	vld [tilespmem:s17+$0x3E90];
	v10 =	vmpcnt.ones.xlane vm1;
	vm1 =	veq.s32 v13, $0x0  }
0xf7: {  	v3 =	vld [tilespmem:s17+$0x3E80];
	v11 =	vmpcnt.ones.xlane vm2;
	v12 =	vmpcnt.ones.xlane vm1;
	vm1 =	veq.s32 v14, $0x0  }
0xf8: {  	vm2 =	veq.s32 v5, $0x0;
	v14 =	vmpcnt.ones.xlane vm1;
	vm1 =	veq.s32 v15, $0x0;
	v15 =	vld [tilespmem:s17+$0x3EA0]  }
0xf9: {  	v9 =	vimm.f32 $0.0e+00;
	v17 =	vld [tilespmem:s17+$0x3EB0];
	v13 =	vmpcnt.ones.xlane vm2;
	vm2 =	veq.s32 v16, $0x0  }
0xfa: {  	v20 =	vld [tilespmem:s17+$0x3EC0];
	v16 =	vimm.f32 $0.0e+00;
	v19 =	vmpcnt.ones.xlane vm2;
	vm1 =	vmand vm1, vm0  }
0xfb: {  	v24 =	vld [tilespmem:s17+$0x3ED0];
	v4 =	vadd.f32 v21, v9;
	v21 =	vimm.f32 $0.0e+00;
	v18 =	vmpcnt.ones.xlane vm1  }
0xfc: {  	s16 =	simm.s32 $0x400;
	s11 =	simm.s32 $0x80;
	v25 =	vld [tilespmem:s17+$0x3EE0];
	v5 =	vadd.f32 v3, v9;
	v3 =	vadd.f32 v22, v9;
	v22 =	vimm.f32 $0.0e+00  }
.LBB2_7:
0xfd: {  	p1 =	sne.s32 s16, $0x6200;
	v26 =	vld [tilespmem:s11+$0x3EF0];
	v9 =	vadd.f32 v15, v9  }
0xfe: {  	v27 =	vld [tilespmem:s11+$0x3E80];
	v16 =	vadd.f32 v17, v16  }
0xff: {  	v28 =	vld [tilespmem:s11+$0x3E90];
	v23 =	vadd.f32 v20, v23  }
.Ltmp4:
0x100: {  	v15 =	vld [tilespmem:s11+$0x3EA0];
	v21 =	vadd.f32 v24, v21;
	(pc) =	sbr.rel @p1 .LBB2_7-.Ltmp4, $4  }
0x101: {  	v17 =	vld [tilespmem:s11+$0x3EB0];
	v22 =	vadd.f32 v25, v22  }
0x102: {  	v20 =	vld [tilespmem:s11+$0x3EC0];
	v4 =	vadd.f32 v26, v4  }
0x103: {  	v5 =	vadd.f32 v27, v5;
	v24 =	vld [tilespmem:s11+$0x3ED0]  }
0x104: {  	v3 =	vadd.f32 v28, v3;
	v25 =	vld [tilespmem:s11+$0x3EE0];
	s11 =	sshra.s32 s16, $0x2;
	s16 =	sadd.s32 $0x200, s16  }
0x105: {  	v0 =	vadd.s32 v0, v1  }
0x106: {  	v0 =	vadd.s32 v2, v0  }
0x107: {  	v0 =	vadd.s32 v6, v0  }
0x108: {  	v0 =	vadd.s32 v7, v0  }
0x109: {  	v0 =	vadd.s32 v8, v0  }
0x10a: {  	v0 =	vadd.s32 v10, v0  }
0x10b: {  	v0 =	vadd.s32 v11, v0  }
0x10c: {  	v0 =	vadd.s32 v12, v0  }
0x10d: {  	v1 =	vld [tilespmem:s11+$0x3EF0];
	v0 =	vadd.s32 v14, v0  }
0x10e: {  	v2 =	vld [tilespmem:s11+$0x3E80];
	v0 =	vadd.s32 v13, v0  }
0x10f: {  	v6 =	vld [tilespmem:s11+$0x3E90];
	v0 =	vadd.s32 v19, v0  }
0x110: {  	v7 =	vld [tilespmem:s11+$0x3EA0];
	v0 =	vadd.s32 v18, v0  }
0x111: {  	v10 =	vld [tilespmem:s11+$0x3EC0];
	v0 =	vcvt.s32.f32 v0  }
0x112: {  	v9 =	vadd.f32 v15, v9;
	v1 =	vadd.f32 v1, v4;
	v11 =	vld [tilespmem:s11+$0x3EE0]  }
0x113: {  	v8 =	vld [tilespmem:s11+$0x3EB0];
	v2 =	vadd.f32 v2, v5;
	v12 =	vsub.f32 $2.000000000e+02, v0  }
0x114: {  	v15 =	vld [tilespmem:s11+$0x3ED0];
	v3 =	vadd.f32 v6, v3;
	v14 =	vadd.f32 v20, v23  }
0x115: {  	v13 =	vadd.f32 v17, v16;
	v17 =	vadd.f32 v25, v22;
	v12 =	vmax.f32 v12, $1.000000000e+00  }
0x116: {  	v5 =	vadd.f32 v7, v9;
	v16 =	vadd.f32 v24, v21;
	v18 =	vld [tilespmem:$0x19E80];
	(erf) = vrcp.f32 v12  }
0x117: {  	v4 =	vld [tilespmem:$0x19E90];
	v7 =	vadd.f32 v10, v14;
	v9 =	vadd.f32 v11, v17  }
0x118: {  	v6 =	vld [tilespmem:$0x258];
	v2 =	vadd.f32 v5, v2;
	v8 =	vadd.f32 v8, v13  }
0x119: {  	v10 =	vld [tilespmem:$0x268];
	v11 =	vadd.f32 v15, v16;
	v5 =	vadd.f32 v9, v7  }
0x11a: {  	v14 =	vld [tilespmem:$0x2E8];
	v3 =	vadd.f32 v8, v3  }
0x11b: {  	v13 =	vld [tilespmem:$0x2D8];
	v1 =	vadd.f32 v1, v11;
	v2 =	vadd.f32 v5, v2;
	v5 =	vmul.f32 v0, v18  }
0x11c: {  	v7 =	vld [tilespmem:$0x288]  }
0x11d: {  	v1 =	vadd.f32 v1, v3;
	v0 =	vmul.f32 v0, v4;
	v12 =	vld [tilespmem:$0x278]  }
0x11e: {  	v8 =	vld [tilespmem:$0x298];
	v2 =	vsub.f32 v2, v5  }
0x11f: {  	v9 =	vld [tilespmem:$0x2A8];
	v0 =	vsub.f32 v1, v0;
	v5 =	vpop (erf)  }
0x120: {  	v3 =	vld [tilespmem:$0x2B8];
	v1 =	vmul.f32 v2, v5  }
0x121: {  	v23 =	vimm.f32 $0.0e+00;
	vm1 =	veq.s32 v6, $0x0;
	v4 =	vld [tilespmem:$0x2C8];
	v2 =	vmul.f32 v0, v5  }
0x122: {  	v15 =	vld [tilespmem:$0x310];
	vm2 =	veq.s32 v10, $0x0;
	v0 =	vmpcnt.ones.xlane vm1;
	vm1 =	veq.s32 v12, $0x0;
	[tilespmem:$0x19CC0] =	vst v1  }
0x123: {  	v5 =	vld [tilespmem:$0x2F8];
	v1 =	vmpcnt.ones.xlane vm2;
	[tilespmem:$0x19CD0] =	vst v2;
	v2 =	vmpcnt.ones.xlane vm1;
	vm1 =	veq.s32 v7, $0x0  }
0x124: {  	s17 =	simm.s32 $0x0;
	v16 =	vld [tilespmem:$0x308];
	vm2 =	veq.s32 v8, $0x0;
	v6 =	vmpcnt.ones.xlane vm1;
	vm1 =	veq.s32 v9, $0x0  }
0x125: {  	v7 =	vmpcnt.ones.xlane vm2;
	v21 =	vld [tilespmem:s17+$0x57F0];
	v8 =	vmpcnt.ones.xlane vm1;
	vm1 =	veq.s32 v3, $0x0  }
0x126: {  	vm2 =	veq.s32 v4, $0x0;
	v22 =	vld [tilespmem:s17+$0x5790];
	v10 =	vmpcnt.ones.xlane vm1;
	vm1 =	veq.s32 v13, $0x0  }
0x127: {  	v3 =	vld [tilespmem:s17+$0x5780];
	v11 =	vmpcnt.ones.xlane vm2;
	v12 =	vmpcnt.ones.xlane vm1;
	vm1 =	veq.s32 v14, $0x0  }
0x128: {  	vm2 =	veq.s32 v5, $0x0;
	v14 =	vmpcnt.ones.xlane vm1;
	vm1 =	veq.s32 v15, $0x0;
	v15 =	vld [tilespmem:s17+$0x57A0]  }
0x129: {  	v9 =	vimm.f32 $0.0e+00;
	v17 =	vld [tilespmem:s17+$0x57B0];
	v13 =	vmpcnt.ones.xlane vm2;
	vm2 =	veq.s32 v16, $0x0  }
0x12a: {  	v20 =	vld [tilespmem:s17+$0x57C0];
	v16 =	vimm.f32 $0.0e+00;
	v19 =	vmpcnt.ones.xlane vm2;
	vm1 =	vmand vm1, vm0  }
0x12b: {  	v24 =	vld [tilespmem:s17+$0x57D0];
	v4 =	vadd.f32 v21, v9;
	v21 =	vimm.f32 $0.0e+00;
	v18 =	vmpcnt.ones.xlane vm1  }
0x12c: {  	s16 =	simm.s32 $0x400;
	s11 =	simm.s32 $0x80;
	v25 =	vld [tilespmem:s17+$0x57E0];
	v5 =	vadd.f32 v3, v9;
	v3 =	vadd.f32 v22, v9;
	v22 =	vimm.f32 $0.0e+00  }
.LBB2_9:
0x12d: {  	p1 =	sne.s32 s16, $0x6200;
	v26 =	vld [tilespmem:s11+$0x57F0];
	v9 =	vadd.f32 v15, v9  }
0x12e: {  	v27 =	vld [tilespmem:s11+$0x5780];
	v16 =	vadd.f32 v17, v16  }
0x12f: {  	v28 =	vld [tilespmem:s11+$0x5790];
	v23 =	vadd.f32 v20, v23  }
.Ltmp5:
0x130: {  	v15 =	vld [tilespmem:s11+$0x57A0];
	v21 =	vadd.f32 v24, v21;
	(pc) =	sbr.rel @p1 .LBB2_9-.Ltmp5, $4  }
0x131: {  	v17 =	vld [tilespmem:s11+$0x57B0];
	v22 =	vadd.f32 v25, v22  }
0x132: {  	v20 =	vld [tilespmem:s11+$0x57C0];
	v4 =	vadd.f32 v26, v4  }
0x133: {  	v5 =	vadd.f32 v27, v5;
	v24 =	vld [tilespmem:s11+$0x57D0]  }
0x134: {  	v3 =	vadd.f32 v28, v3;
	v25 =	vld [tilespmem:s11+$0x57E0];
	s11 =	sshra.s32 s16, $0x2;
	s16 =	sadd.s32 $0x200, s16  }
0x135: {  	v0 =	vadd.s32 v0, v1  }
0x136: {  	v0 =	vadd.s32 v2, v0  }
0x137: {  	v0 =	vadd.s32 v6, v0  }
0x138: {  	v0 =	vadd.s32 v7, v0  }
0x139: {  	v0 =	vadd.s32 v8, v0  }
0x13a: {  	v0 =	vadd.s32 v10, v0  }
0x13b: {  	v0 =	vadd.s32 v11, v0  }
0x13c: {  	v0 =	vadd.s32 v12, v0  }
0x13d: {  	v1 =	vld [tilespmem:s11+$0x57F0];
	v0 =	vadd.s32 v14, v0  }
0x13e: {  	v2 =	vld [tilespmem:s11+$0x5780];
	v0 =	vadd.s32 v13, v0  }
0x13f: {  	v6 =	vld [tilespmem:s11+$0x5790];
	v0 =	vadd.s32 v19, v0  }
0x140: {  	v7 =	vld [tilespmem:s11+$0x57A0];
	v0 =	vadd.s32 v18, v0  }
0x141: {  	v10 =	vld [tilespmem:s11+$0x57C0];
	v0 =	vcvt.s32.f32 v0  }
0x142: {  	v9 =	vadd.f32 v15, v9;
	v1 =	vadd.f32 v1, v4;
	v11 =	vld [tilespmem:s11+$0x57E0]  }
0x143: {  	v8 =	vld [tilespmem:s11+$0x57B0];
	v2 =	vadd.f32 v2, v5;
	v12 =	vsub.f32 $2.000000000e+02, v0  }
0x144: {  	v15 =	vld [tilespmem:s11+$0x57D0];
	v3 =	vadd.f32 v6, v3;
	v14 =	vadd.f32 v20, v23  }
0x145: {  	v13 =	vadd.f32 v17, v16;
	v17 =	vadd.f32 v25, v22;
	v12 =	vmax.f32 v12, $1.000000000e+00  }
0x146: {  	v5 =	vadd.f32 v7, v9;
	v16 =	vadd.f32 v24, v21;
	v18 =	vld [tilespmem:$0x19E80];
	(erf) = vrcp.f32 v12  }
0x147: {  	v4 =	vld [tilespmem:$0x19E90];
	v7 =	vadd.f32 v10, v14;
	v9 =	vadd.f32 v11, v17  }
0x148: {  	v6 =	vld [tilespmem:$0x320];
	v2 =	vadd.f32 v5, v2;
	v8 =	vadd.f32 v8, v13  }
0x149: {  	v10 =	vld [tilespmem:$0x330];
	v11 =	vadd.f32 v15, v16;
	v5 =	vadd.f32 v9, v7  }
0x14a: {  	v14 =	vld [tilespmem:$0x3B0];
	v3 =	vadd.f32 v8, v3  }
0x14b: {  	v13 =	vld [tilespmem:$0x3A0];
	v1 =	vadd.f32 v1, v11;
	v2 =	vadd.f32 v5, v2;
	v5 =	vmul.f32 v0, v18  }
0x14c: {  	v7 =	vld [tilespmem:$0x350]  }
0x14d: {  	v1 =	vadd.f32 v1, v3;
	v0 =	vmul.f32 v0, v4;
	v12 =	vld [tilespmem:$0x340]  }
0x14e: {  	v8 =	vld [tilespmem:$0x360];
	v2 =	vsub.f32 v2, v5  }
0x14f: {  	v9 =	vld [tilespmem:$0x370];
	v0 =	vsub.f32 v1, v0;
	v5 =	vpop (erf)  }
0x150: {  	v3 =	vld [tilespmem:$0x380];
	v1 =	vmul.f32 v2, v5  }
0x151: {  	v23 =	vimm.f32 $0.0e+00;
	vm1 =	veq.s32 v6, $0x0;
	v4 =	vld [tilespmem:$0x390];
	v2 =	vmul.f32 v0, v5  }
0x152: {  	v15 =	vld [tilespmem:$0x3D8];
	vm2 =	veq.s32 v10, $0x0;
	v0 =	vmpcnt.ones.xlane vm1;
	vm1 =	veq.s32 v12, $0x0;
	[tilespmem:$0x19CE0] =	vst v1  }
0x153: {  	v5 =	vld [tilespmem:$0x3C0];
	v1 =	vmpcnt.ones.xlane vm2;
	[tilespmem:$0x19CF0] =	vst v2;
	v2 =	vmpcnt.ones.xlane vm1;
	vm1 =	veq.s32 v7, $0x0  }
0x154: {  	s17 =	simm.s32 $0x0;
	v16 =	vld [tilespmem:$0x3D0];
	vm2 =	veq.s32 v8, $0x0;
	v6 =	vmpcnt.ones.xlane vm1;
	vm1 =	veq.s32 v9, $0x0  }
0x155: {  	v7 =	vmpcnt.ones.xlane vm2;
	v21 =	vld [tilespmem:s17+$0x70F0];
	v8 =	vmpcnt.ones.xlane vm1;
	vm1 =	veq.s32 v3, $0x0  }
0x156: {  	vm2 =	veq.s32 v4, $0x0;
	v22 =	vld [tilespmem:s17+$0x7090];
	v10 =	vmpcnt.ones.xlane vm1;
	vm1 =	veq.s32 v13, $0x0  }
0x157: {  	v3 =	vld [tilespmem:s17+$0x7080];
	v11 =	vmpcnt.ones.xlane vm2;
	v12 =	vmpcnt.ones.xlane vm1;
	vm1 =	veq.s32 v14, $0x0  }
0x158: {  	vm2 =	veq.s32 v5, $0x0;
	v14 =	vmpcnt.ones.xlane vm1;
	vm1 =	veq.s32 v15, $0x0;
	v15 =	vld [tilespmem:s17+$0x70A0]  }
0x159: {  	v9 =	vimm.f32 $0.0e+00;
	v17 =	vld [tilespmem:s17+$0x70B0];
	v13 =	vmpcnt.ones.xlane vm2;
	vm2 =	veq.s32 v16, $0x0  }
0x15a: {  	v20 =	vld [tilespmem:s17+$0x70C0];
	v16 =	vimm.f32 $0.0e+00;
	v19 =	vmpcnt.ones.xlane vm2;
	vm1 =	vmand vm1, vm0  }
0x15b: {  	v24 =	vld [tilespmem:s17+$0x70D0];
	v4 =	vadd.f32 v21, v9;
	v21 =	vimm.f32 $0.0e+00;
	v18 =	vmpcnt.ones.xlane vm1  }
0x15c: {  	s16 =	simm.s32 $0x400;
	s11 =	simm.s32 $0x80;
	v25 =	vld [tilespmem:s17+$0x70E0];
	v5 =	vadd.f32 v3, v9;
	v3 =	vadd.f32 v22, v9;
	v22 =	vimm.f32 $0.0e+00  }
.LBB2_11:
0x15d: {  	p1 =	sne.s32 s16, $0x6200;
	v26 =	vld [tilespmem:s11+$0x70F0];
	v9 =	vadd.f32 v15, v9  }
0x15e: {  	v27 =	vld [tilespmem:s11+$0x7080];
	v16 =	vadd.f32 v17, v16  }
0x15f: {  	v28 =	vld [tilespmem:s11+$0x7090];
	v23 =	vadd.f32 v20, v23  }
.Ltmp6:
0x160: {  	v15 =	vld [tilespmem:s11+$0x70A0];
	v21 =	vadd.f32 v24, v21;
	(pc) =	sbr.rel @p1 .LBB2_11-.Ltmp6, $4  }
0x161: {  	v17 =	vld [tilespmem:s11+$0x70B0];
	v22 =	vadd.f32 v25, v22  }
0x162: {  	v20 =	vld [tilespmem:s11+$0x70C0];
	v4 =	vadd.f32 v26, v4  }
0x163: {  	v5 =	vadd.f32 v27, v5;
	v24 =	vld [tilespmem:s11+$0x70D0]  }
0x164: {  	v3 =	vadd.f32 v28, v3;
	v25 =	vld [tilespmem:s11+$0x70E0];
	s11 =	sshra.s32 s16, $0x2;
	s16 =	sadd.s32 $0x200, s16  }
0x165: {  	v0 =	vadd.s32 v0, v1  }
0x166: {  	v0 =	vadd.s32 v2, v0  }
0x167: {  	v0 =	vadd.s32 v6, v0  }
0x168: {  	v0 =	vadd.s32 v7, v0  }
0x169: {  	v0 =	vadd.s32 v8, v0  }
0x16a: {  	v0 =	vadd.s32 v10, v0  }
0x16b: {  	v0 =	vadd.s32 v11, v0  }
0x16c: {  	v0 =	vadd.s32 v12, v0  }
0x16d: {  	v1 =	vld [tilespmem:s11+$0x70F0];
	v0 =	vadd.s32 v14, v0  }
0x16e: {  	v2 =	vld [tilespmem:s11+$0x7080];
	v0 =	vadd.s32 v13, v0  }
0x16f: {  	v6 =	vld [tilespmem:s11+$0x7090];
	v0 =	vadd.s32 v19, v0  }
0x170: {  	v7 =	vld [tilespmem:s11+$0x70A0];
	v0 =	vadd.s32 v18, v0  }
0x171: {  	v10 =	vld [tilespmem:s11+$0x70C0];
	v0 =	vcvt.s32.f32 v0  }
0x172: {  	v9 =	vadd.f32 v15, v9;
	v1 =	vadd.f32 v1, v4;
	v11 =	vld [tilespmem:s11+$0x70E0]  }
0x173: {  	v8 =	vld [tilespmem:s11+$0x70B0];
	v2 =	vadd.f32 v2, v5;
	v12 =	vsub.f32 $2.000000000e+02, v0  }
0x174: {  	v15 =	vld [tilespmem:s11+$0x70D0];
	v3 =	vadd.f32 v6, v3;
	v14 =	vadd.f32 v20, v23  }
0x175: {  	v13 =	vadd.f32 v17, v16;
	v17 =	vadd.f32 v25, v22;
	v12 =	vmax.f32 v12, $1.000000000e+00  }
0x176: {  	v5 =	vadd.f32 v7, v9;
	v16 =	vadd.f32 v24, v21;
	v18 =	vld [tilespmem:$0x19E80];
	(erf) = vrcp.f32 v12  }
0x177: {  	v4 =	vld [tilespmem:$0x19E90];
	v7 =	vadd.f32 v10, v14;
	v9 =	vadd.f32 v11, v17  }
0x178: {  	v6 =	vld [tilespmem:$0x3E8];
	v2 =	vadd.f32 v5, v2;
	v8 =	vadd.f32 v8, v13  }
0x179: {  	v10 =	vld [tilespmem:$0x3F8];
	v11 =	vadd.f32 v15, v16;
	v5 =	vadd.f32 v9, v7  }
0x17a: {  	v14 =	vld [tilespmem:$0x478];
	v3 =	vadd.f32 v8, v3  }
0x17b: {  	v13 =	vld [tilespmem:$0x468];
	v1 =	vadd.f32 v1, v11;
	v2 =	vadd.f32 v5, v2;
	v5 =	vmul.f32 v0, v18  }
0x17c: {  	v7 =	vld [tilespmem:$0x418]  }
0x17d: {  	v1 =	vadd.f32 v1, v3;
	v0 =	vmul.f32 v0, v4;
	v12 =	vld [tilespmem:$0x408]  }
0x17e: {  	v8 =	vld [tilespmem:$0x428];
	v2 =	vsub.f32 v2, v5  }
0x17f: {  	v9 =	vld [tilespmem:$0x438];
	v0 =	vsub.f32 v1, v0;
	v5 =	vpop (erf)  }
0x180: {  	v3 =	vld [tilespmem:$0x448];
	v1 =	vmul.f32 v2, v5  }
0x181: {  	v23 =	vimm.f32 $0.0e+00;
	vm1 =	veq.s32 v6, $0x0;
	v4 =	vld [tilespmem:$0x458];
	v2 =	vmul.f32 v0, v5  }
0x182: {  	v15 =	vld [tilespmem:$0x4A0];
	vm2 =	veq.s32 v10, $0x0;
	v0 =	vmpcnt.ones.xlane vm1;
	vm1 =	veq.s32 v12, $0x0;
	[tilespmem:$0x19D00] =	vst v1  }
0x183: {  	v5 =	vld [tilespmem:$0x488];
	v1 =	vmpcnt.ones.xlane vm2;
	[tilespmem:$0x19D10] =	vst v2;
	v2 =	vmpcnt.ones.xlane vm1;
	vm1 =	veq.s32 v7, $0x0  }
0x184: {  	s17 =	simm.s32 $0x0;
	v16 =	vld [tilespmem:$0x498];
	vm2 =	veq.s32 v8, $0x0;
	v6 =	vmpcnt.ones.xlane vm1;
	vm1 =	veq.s32 v9, $0x0  }
0x185: {  	v7 =	vmpcnt.ones.xlane vm2;
	v21 =	vld [tilespmem:s17+$0x89F0];
	v8 =	vmpcnt.ones.xlane vm1;
	vm1 =	veq.s32 v3, $0x0  }
0x186: {  	vm2 =	veq.s32 v4, $0x0;
	v22 =	vld [tilespmem:s17+$0x8990];
	v10 =	vmpcnt.ones.xlane vm1;
	vm1 =	veq.s32 v13, $0x0  }
0x187: {  	v3 =	vld [tilespmem:s17+$0x8980];
	v11 =	vmpcnt.ones.xlane vm2;
	v12 =	vmpcnt.ones.xlane vm1;
	vm1 =	veq.s32 v14, $0x0  }
0x188: {  	vm2 =	veq.s32 v5, $0x0;
	v14 =	vmpcnt.ones.xlane vm1;
	vm1 =	veq.s32 v15, $0x0;
	v15 =	vld [tilespmem:s17+$0x89A0]  }
0x189: {  	v9 =	vimm.f32 $0.0e+00;
	v17 =	vld [tilespmem:s17+$0x89B0];
	v13 =	vmpcnt.ones.xlane vm2;
	vm2 =	veq.s32 v16, $0x0  }
0x18a: {  	v20 =	vld [tilespmem:s17+$0x89C0];
	v16 =	vimm.f32 $0.0e+00;
	v19 =	vmpcnt.ones.xlane vm2;
	vm1 =	vmand vm1, vm0  }
0x18b: {  	v24 =	vld [tilespmem:s17+$0x89D0];
	v4 =	vadd.f32 v21, v9;
	v21 =	vimm.f32 $0.0e+00;
	v18 =	vmpcnt.ones.xlane vm1  }
0x18c: {  	s16 =	simm.s32 $0x400;
	s11 =	simm.s32 $0x80;
	v25 =	vld [tilespmem:s17+$0x89E0];
	v5 =	vadd.f32 v3, v9;
	v3 =	vadd.f32 v22, v9;
	v22 =	vimm.f32 $0.0e+00  }
.LBB2_13:
0x18d: {  	p1 =	sne.s32 s16, $0x6200;
	v26 =	vld [tilespmem:s11+$0x89F0];
	v9 =	vadd.f32 v15, v9  }
0x18e: {  	v27 =	vld [tilespmem:s11+$0x8980];
	v16 =	vadd.f32 v17, v16  }
0x18f: {  	v28 =	vld [tilespmem:s11+$0x8990];
	v23 =	vadd.f32 v20, v23  }
.Ltmp7:
0x190: {  	v15 =	vld [tilespmem:s11+$0x89A0];
	v21 =	vadd.f32 v24, v21;
	(pc) =	sbr.rel @p1 .LBB2_13-.Ltmp7, $4  }
0x191: {  	v17 =	vld [tilespmem:s11+$0x89B0];
	v22 =	vadd.f32 v25, v22  }
0x192: {  	v20 =	vld [tilespmem:s11+$0x89C0];
	v4 =	vadd.f32 v26, v4  }
0x193: {  	v5 =	vadd.f32 v27, v5;
	v24 =	vld [tilespmem:s11+$0x89D0]  }
0x194: {  	v3 =	vadd.f32 v28, v3;
	v25 =	vld [tilespmem:s11+$0x89E0];
	s11 =	sshra.s32 s16, $0x2;
	s16 =	sadd.s32 $0x200, s16  }
0x195: {  	v0 =	vadd.s32 v0, v1  }
0x196: {  	v0 =	vadd.s32 v2, v0  }
0x197: {  	v0 =	vadd.s32 v6, v0  }
0x198: {  	v0 =	vadd.s32 v7, v0  }
0x199: {  	v0 =	vadd.s32 v8, v0  }
0x19a: {  	v0 =	vadd.s32 v10, v0  }
0x19b: {  	v0 =	vadd.s32 v11, v0  }
0x19c: {  	v0 =	vadd.s32 v12, v0  }
0x19d: {  	v1 =	vld [tilespmem:s11+$0x89F0];
	v0 =	vadd.s32 v14, v0  }
0x19e: {  	v2 =	vld [tilespmem:s11+$0x8980];
	v0 =	vadd.s32 v13, v0  }
0x19f: {  	v6 =	vld [tilespmem:s11+$0x8990];
	v0 =	vadd.s32 v19, v0  }
0x1a0: {  	v7 =	vld [tilespmem:s11+$0x89A0];
	v0 =	vadd.s32 v18, v0  }
0x1a1: {  	v10 =	vld [tilespmem:s11+$0x89C0];
	v0 =	vcvt.s32.f32 v0  }
0x1a2: {  	v9 =	vadd.f32 v15, v9;
	v1 =	vadd.f32 v1, v4;
	v11 =	vld [tilespmem:s11+$0x89E0]  }
0x1a3: {  	v8 =	vld [tilespmem:s11+$0x89B0];
	v2 =	vadd.f32 v2, v5;
	v12 =	vsub.f32 $2.000000000e+02, v0  }
0x1a4: {  	v15 =	vld [tilespmem:s11+$0x89D0];
	v3 =	vadd.f32 v6, v3;
	v14 =	vadd.f32 v20, v23  }
0x1a5: {  	v13 =	vadd.f32 v17, v16;
	v17 =	vadd.f32 v25, v22;
	v12 =	vmax.f32 v12, $1.000000000e+00  }
0x1a6: {  	v5 =	vadd.f32 v7, v9;
	v16 =	vadd.f32 v24, v21;
	v18 =	vld [tilespmem:$0x19E80];
	(erf) = vrcp.f32 v12  }
0x1a7: {  	v4 =	vld [tilespmem:$0x19E90];
	v7 =	vadd.f32 v10, v14;
	v9 =	vadd.f32 v11, v17  }
0x1a8: {  	v6 =	vld [tilespmem:$0x4B0];
	v2 =	vadd.f32 v5, v2;
	v8 =	vadd.f32 v8, v13  }
0x1a9: {  	v10 =	vld [tilespmem:$0x4C0];
	v11 =	vadd.f32 v15, v16;
	v5 =	vadd.f32 v9, v7  }
0x1aa: {  	v14 =	vld [tilespmem:$0x540];
	v3 =	vadd.f32 v8, v3  }
0x1ab: {  	v13 =	vld [tilespmem:$0x530];
	v1 =	vadd.f32 v1, v11;
	v2 =	vadd.f32 v5, v2;
	v5 =	vmul.f32 v0, v18  }
0x1ac: {  	v7 =	vld [tilespmem:$0x4E0]  }
0x1ad: {  	v1 =	vadd.f32 v1, v3;
	v0 =	vmul.f32 v0, v4;
	v12 =	vld [tilespmem:$0x4D0]  }
0x1ae: {  	v8 =	vld [tilespmem:$0x4F0];
	v2 =	vsub.f32 v2, v5  }
0x1af: {  	v9 =	vld [tilespmem:$0x500];
	v0 =	vsub.f32 v1, v0;
	v5 =	vpop (erf)  }
0x1b0: {  	v3 =	vld [tilespmem:$0x510];
	v1 =	vmul.f32 v2, v5  }
0x1b1: {  	v23 =	vimm.f32 $0.0e+00;
	vm1 =	veq.s32 v6, $0x0;
	v4 =	vld [tilespmem:$0x520];
	v2 =	vmul.f32 v0, v5  }
0x1b2: {  	v15 =	vld [tilespmem:$0x568];
	vm2 =	veq.s32 v10, $0x0;
	v0 =	vmpcnt.ones.xlane vm1;
	vm1 =	veq.s32 v12, $0x0;
	[tilespmem:$0x19D20] =	vst v1  }
0x1b3: {  	v5 =	vld [tilespmem:$0x550];
	v1 =	vmpcnt.ones.xlane vm2;
	[tilespmem:$0x19D30] =	vst v2;
	v2 =	vmpcnt.ones.xlane vm1;
	vm1 =	veq.s32 v7, $0x0  }
0x1b4: {  	s17 =	simm.s32 $0x0;
	v16 =	vld [tilespmem:$0x560];
	vm2 =	veq.s32 v8, $0x0;
	v6 =	vmpcnt.ones.xlane vm1;
	vm1 =	veq.s32 v9, $0x0  }
0x1b5: {  	v7 =	vmpcnt.ones.xlane vm2;
	v21 =	vld [tilespmem:s17+$0xA2F0];
	v8 =	vmpcnt.ones.xlane vm1;
	vm1 =	veq.s32 v3, $0x0  }
0x1b6: {  	vm2 =	veq.s32 v4, $0x0;
	v22 =	vld [tilespmem:s17+$0xA290];
	v10 =	vmpcnt.ones.xlane vm1;
	vm1 =	veq.s32 v13, $0x0  }
0x1b7: {  	v3 =	vld [tilespmem:s17+$0xA280];
	v11 =	vmpcnt.ones.xlane vm2;
	v12 =	vmpcnt.ones.xlane vm1;
	vm1 =	veq.s32 v14, $0x0  }
0x1b8: {  	vm2 =	veq.s32 v5, $0x0;
	v14 =	vmpcnt.ones.xlane vm1;
	vm1 =	veq.s32 v15, $0x0;
	v15 =	vld [tilespmem:s17+$0xA2A0]  }
0x1b9: {  	v9 =	vimm.f32 $0.0e+00;
	v17 =	vld [tilespmem:s17+$0xA2B0];
	v13 =	vmpcnt.ones.xlane vm2;
	vm2 =	veq.s32 v16, $0x0  }
0x1ba: {  	v20 =	vld [tilespmem:s17+$0xA2C0];
	v16 =	vimm.f32 $0.0e+00;
	v19 =	vmpcnt.ones.xlane vm2;
	vm1 =	vmand vm1, vm0  }
0x1bb: {  	v24 =	vld [tilespmem:s17+$0xA2D0];
	v4 =	vadd.f32 v21, v9;
	v21 =	vimm.f32 $0.0e+00;
	v18 =	vmpcnt.ones.xlane vm1  }
0x1bc: {  	s16 =	simm.s32 $0x400;
	s11 =	simm.s32 $0x80;
	v25 =	vld [tilespmem:s17+$0xA2E0];
	v5 =	vadd.f32 v3, v9;
	v3 =	vadd.f32 v22, v9;
	v22 =	vimm.f32 $0.0e+00  }
.LBB2_15:
0x1bd: {  	p1 =	sne.s32 s16, $0x6200;
	v26 =	vld [tilespmem:s11+$0xA2F0];
	v9 =	vadd.f32 v15, v9  }
0x1be: {  	v27 =	vld [tilespmem:s11+$0xA280];
	v16 =	vadd.f32 v17, v16  }
0x1bf: {  	v28 =	vld [tilespmem:s11+$0xA290];
	v23 =	vadd.f32 v20, v23  }
.Ltmp8:
0x1c0: {  	v15 =	vld [tilespmem:s11+$0xA2A0];
	v21 =	vadd.f32 v24, v21;
	(pc) =	sbr.rel @p1 .LBB2_15-.Ltmp8, $4  }
0x1c1: {  	v17 =	vld [tilespmem:s11+$0xA2B0];
	v22 =	vadd.f32 v25, v22  }
0x1c2: {  	v20 =	vld [tilespmem:s11+$0xA2C0];
	v4 =	vadd.f32 v26, v4  }
0x1c3: {  	v5 =	vadd.f32 v27, v5;
	v24 =	vld [tilespmem:s11+$0xA2D0]  }
0x1c4: {  	v3 =	vadd.f32 v28, v3;
	v25 =	vld [tilespmem:s11+$0xA2E0];
	s11 =	sshra.s32 s16, $0x2;
	s16 =	sadd.s32 $0x200, s16  }
0x1c5: {  	v0 =	vadd.s32 v0, v1  }
0x1c6: {  	v0 =	vadd.s32 v2, v0  }
0x1c7: {  	v0 =	vadd.s32 v6, v0  }
0x1c8: {  	v0 =	vadd.s32 v7, v0  }
0x1c9: {  	v0 =	vadd.s32 v8, v0  }
0x1ca: {  	v0 =	vadd.s32 v10, v0  }
0x1cb: {  	v0 =	vadd.s32 v11, v0  }
0x1cc: {  	v0 =	vadd.s32 v12, v0  }
0x1cd: {  	v1 =	vld [tilespmem:s11+$0xA2F0];
	v0 =	vadd.s32 v14, v0  }
0x1ce: {  	v9 =	vadd.f32 v15, v9;
	v15 =	vld [tilespmem:s11+$0xA2D0];
	v0 =	vadd.s32 v13, v0  }
0x1cf: {  	v2 =	vld [tilespmem:s11+$0xA280];
	v0 =	vadd.s32 v19, v0  }
0x1d0: {  	v6 =	vld [tilespmem:s11+$0xA290];
	v0 =	vadd.s32 v18, v0  }
0x1d1: {  	v7 =	vld [tilespmem:s11+$0xA2A0];
	v0 =	vcvt.s32.f32 v0  }
0x1d2: {  	v10 =	vld [tilespmem:s11+$0xA2C0]  }
0x1d3: {  	v11 =	vld [tilespmem:s11+$0xA2E0];
	v12 =	vsub.f32 $2.000000000e+02, v0  }
0x1d4: {  	v8 =	vld [tilespmem:s11+$0xA2B0];
	v1 =	vadd.f32 v1, v4;
	v2 =	vadd.f32 v2, v5  }
0x1d5: {  	v4 =	vld [tilespmem:$0x19E90];
	v3 =	vadd.f32 v6, v3;
	v14 =	vadd.f32 v20, v23;
	v12 =	vmax.f32 v12, $1.000000000e+00  }
0x1d6: {  	v6 =	vld [tilespmem:$0x578];
	v13 =	vadd.f32 v17, v16;
	v17 =	vadd.f32 v25, v22;
	(erf) = vrcp.f32 v12  }
0x1d7: {  	v5 =	vadd.f32 v7, v9;
	v16 =	vadd.f32 v24, v21;
	v18 =	vld [tilespmem:$0x19E80]  }
0x1d8: {  	v7 =	vadd.f32 v10, v14;
	v10 =	vld [tilespmem:$0x588];
	v9 =	vadd.f32 v11, v17  }
0x1d9: {  	v14 =	vld [tilespmem:$0x608];
	v8 =	vadd.f32 v8, v13;
	v11 =	vadd.f32 v15, v16  }
0x1da: {  	v2 =	vadd.f32 v5, v2;
	v13 =	vld [tilespmem:$0x5F8];
	v5 =	vadd.f32 v9, v7  }
0x1db: {  	vm1 =	veq.s32 v6, $0x0;
	v6 =	vld [tilespmem:$0x618];
	v3 =	vadd.f32 v8, v3;
	v1 =	vadd.f32 v1, v11  }
0x1dc: {  	v7 =	vld [tilespmem:$0x5A8];
	v2 =	vadd.f32 v5, v2;
	v5 =	vmul.f32 v0, v18  }
0x1dd: {  	v1 =	vadd.f32 v1, v3;
	v0 =	vmul.f32 v0, v4;
	v12 =	vld [tilespmem:$0x598]  }
0x1de: {  	v8 =	vld [tilespmem:$0x5B8];
	v2 =	vsub.f32 v2, v5  }
0x1df: {  	v9 =	vld [tilespmem:$0x5C8];
	v0 =	vsub.f32 v1, v0;
	v3 =	vpop (erf)  }
0x1e0: {  	v5 =	vld [tilespmem:$0x5E8];
	v1 =	vmul.f32 v2, v3  }
0x1e1: {  	v11 =	vld [tilespmem:$0x5D8];
	vm2 =	veq.s32 v10, $0x0;
	v2 =	vmul.f32 v0, v3  }
0x1e2: {  	v16 =	vld [tilespmem:$0x628];
	v0 =	vmpcnt.ones.xlane vm1;
	vm1 =	veq.s32 v12, $0x0;
	[tilespmem:$0x19D40] =	vst v1;
	v1 =	vmpcnt.ones.xlane vm2  }
0x1e3: {  	s17 =	simm.s32 $0x0;
	[tilespmem:$0x19D50] =	vst v2;
	v2 =	vmpcnt.ones.xlane vm1;
	vm1 =	veq.s32 v7, $0x0;
	vm2 =	veq.s32 v8, $0x0;
	v7 =	vld [tilespmem:$0x630]  }
0x1e4: {  	v3 =	vmpcnt.ones.xlane vm1;
	v4 =	vmpcnt.ones.xlane vm2;
	vm1 =	veq.s32 v9, $0x0;
	v21 =	vld [tilespmem:s17+$0xBBF0]  }
0x1e5: {  	vm2 =	veq.s32 v5, $0x0;
	v22 =	vld [tilespmem:s17+$0xBB80];
	v9 =	vimm.f32 $0.0e+00;
	v8 =	vmpcnt.ones.xlane vm1  }
0x1e6: {  	v23 =	vld [tilespmem:s17+$0xBB90];
	vm1 =	veq.s32 v11, $0x0;
	v11 =	vmpcnt.ones.xlane vm2;
	vm2 =	veq.s32 v6, $0x0  }
0x1e7: {  	v10 =	vmpcnt.ones.xlane vm1;
	vm1 =	veq.s32 v13, $0x0;
	v13 =	vmpcnt.ones.xlane vm2  }
0x1e8: {  	v15 =	vld [tilespmem:s17+$0xBBA0];
	vm2 =	veq.s32 v16, $0x0;
	v12 =	vmpcnt.ones.xlane vm1;
	vm1 =	veq.s32 v14, $0x0  }
0x1e9: {  	v17 =	vld [tilespmem:s17+$0xBBB0];
	v16 =	vimm.f32 $0.0e+00;
	v14 =	vmpcnt.ones.xlane vm1;
	vm1 =	veq.s32 v7, $0x0  }
0x1ea: {  	v20 =	vld [tilespmem:s17+$0xBBC0];
	v19 =	vmpcnt.ones.xlane vm2;
	vm1 =	vmand vm1, vm0;
	v5 =	vadd.f32 v21, v9  }
0x1eb: {  	v24 =	vld [tilespmem:s17+$0xBBD0];
	v6 =	vadd.f32 v22, v9;
	v7 =	vadd.f32 v23, v9;
	v23 =	vimm.f32 $0.0e+00  }
0x1ec: {  	s16 =	simm.s32 $0x400;
	s11 =	simm.s32 $0x80;
	v25 =	vld [tilespmem:s17+$0xBBE0];
	v21 =	vimm.f32 $0.0e+00;
	v22 =	vimm.f32 $0.0e+00;
	v18 =	vmpcnt.ones.xlane vm1  }
.LBB2_17:
0x1ed: {  	p1 =	sne.s32 s16, $0x6200;
	v26 =	vld [tilespmem:s11+$0xBBF0];
	v9 =	vadd.f32 v15, v9  }
0x1ee: {  	v27 =	vld [tilespmem:s11+$0xBB80];
	v16 =	vadd.f32 v17, v16  }
0x1ef: {  	v28 =	vld [tilespmem:s11+$0xBB90];
	v23 =	vadd.f32 v20, v23  }
.Ltmp9:
0x1f0: {  	v15 =	vld [tilespmem:s11+$0xBBA0];
	v21 =	vadd.f32 v24, v21;
	(pc) =	sbr.rel @p1 .LBB2_17-.Ltmp9, $4  }
0x1f1: {  	v17 =	vld [tilespmem:s11+$0xBBB0];
	v22 =	vadd.f32 v25, v22  }
0x1f2: {  	v20 =	vld [tilespmem:s11+$0xBBC0];
	v5 =	vadd.f32 v26, v5  }
0x1f3: {  	v6 =	vadd.f32 v27, v6;
	v24 =	vld [tilespmem:s11+$0xBBD0]  }
0x1f4: {  	v7 =	vadd.f32 v28, v7;
	v25 =	vld [tilespmem:s11+$0xBBE0];
	s11 =	sshra.s32 s16, $0x2;
	s16 =	sadd.s32 $0x200, s16  }
0x1f5: {  	v0 =	vadd.s32 v0, v1  }
0x1f6: {  	v0 =	vadd.s32 v2, v0  }
0x1f7: {  	v0 =	vadd.s32 v3, v0  }
0x1f8: {  	v0 =	vadd.s32 v4, v0  }
0x1f9: {  	v0 =	vadd.s32 v8, v0  }
0x1fa: {  	v0 =	vadd.s32 v10, v0  }
0x1fb: {  	v0 =	vadd.s32 v11, v0  }
0x1fc: {  	v0 =	vadd.s32 v12, v0  }
0x1fd: {  	v1 =	vld [tilespmem:s11+$0xBBF0];
	v0 =	vadd.s32 v14, v0  }
0x1fe: {  	v9 =	vadd.f32 v15, v9;
	v15 =	vld [tilespmem:s11+$0xBBD0];
	v0 =	vadd.s32 v13, v0  }
0x1ff: {  	v2 =	vld [tilespmem:s11+$0xBB80];
	v0 =	vadd.s32 v19, v0  }
0x200: {  	v3 =	vld [tilespmem:s11+$0xBB90];
	v0 =	vadd.s32 v18, v0  }
0x201: {  	v4 =	vld [tilespmem:s11+$0xBBA0];
	v0 =	vcvt.s32.f32 v0  }
0x202: {  	v10 =	vld [tilespmem:s11+$0xBBC0]  }
0x203: {  	v11 =	vld [tilespmem:s11+$0xBBE0];
	v12 =	vsub.f32 $2.000000000e+02, v0  }
0x204: {  	v8 =	vld [tilespmem:s11+$0xBBB0];
	v1 =	vadd.f32 v1, v5;
	v2 =	vadd.f32 v2, v6  }
0x205: {  	v3 =	vadd.f32 v3, v7;
	v14 =	vadd.f32 v20, v23;
	v12 =	vmax.f32 v12, $1.000000000e+00  }
0x206: {  	v13 =	vadd.f32 v17, v16;
	v17 =	vadd.f32 v25, v22;
	(erf) = vrcp.f32 v12  }
0x207: {  	v5 =	vld [tilespmem:$0x19E80];
	v4 =	vadd.f32 v4, v9;
	v16 =	vadd.f32 v24, v21  }
0x208: {  	v9 =	vld [tilespmem:$0x19E90];
	v6 =	vadd.f32 v10, v14;
	v7 =	vadd.f32 v11, v17  }
0x209: {  	v8 =	vadd.f32 v8, v13;
	v10 =	vadd.f32 v15, v16  }
0x20a: {  	v2 =	vadd.f32 v4, v2;
	v4 =	vadd.f32 v7, v6  }
0x20b: {  	v3 =	vadd.f32 v8, v3;
	v1 =	vadd.f32 v1, v10  }
0x20c: {  	v2 =	vadd.f32 v4, v2;
	v4 =	vmul.f32 v0, v5  }
0x20d: {  	v1 =	vadd.f32 v1, v3;
	v0 =	vmul.f32 v0, v9  }
0x20e: {  	v2 =	vsub.f32 v2, v4  }
0x20f: {  	p1 =	seq.s32 s0, $0x1F;
	v0 =	vsub.f32 v1, v0;
	v3 =	vpop (erf)  }
0x210: {  	s16 =	smul.u32 @!p1 $0xC80, s0;
	v1 =	vmul.f32 v2, v3  }
0x211: {  	v0 =	vmul.f32 v0, v3  }
0x212: {  	s18 =	sshll.u32 s0, $0x6;
	s16 =	sadd.s32 @!p1 s16, s8;
	[tilespmem:$0x19D60] =	vst v1  }
0x213: {  	s16 =	sshrl.u32 @!p1 s16, $0x3;
	s11 =	sadd.s32 s18, s7;
	[tilespmem:$0x19D70] =	vst v0  }
0x214: {  	[hbm4b:s11+s2] =	stream.linear.scatter [tilespmem:s30], [sflag:$0x5], $0x100, $0x38;
	[tilespmem:$0x19EA0] =	vst v63  }
0x215: {  	s17 =	simm.s32 @!p1 $0x0;
	s16 =	sadd.s32 @!p1 s3, s16  }
0x216: {  	[tilespmem:s17], [sflag:$0x1] =	stream.linear.gather @!p1 [hbm4b:s16+s17], $0x640, $0x38;
	[tilespmem:$0x19EA0] =	vst v63  }
0x217: {  	s16 =	simm.s32 @!p1 $0x1  }
0x218: {  	_ =	swait.ge @!p1 [sflag:s16], $0x640  }
0x219: {  	[sflag:s16] =	ssyncset.done @!p1 $0x0  }
0x21a: {  	s18 =	simm.s32 @!p1 $0xC80;
	[sflag:s16] =	ssyncadd.s32 @!p1 $0xFFFFF9C0;
	s16 =	simm.s32 @!p1 $0x80  }
0x21b: {  	[tilespmem:s18], [sflag:$0x3] =	stream.indirect.gather @!p1 [hbm4b:s4+s16], $0x20, s17, s16, $0xb8;
	[tilespmem:$0x19EA0] =	vst v63  }
0x21c: {  	s17 =	simm.s32 @!p1 $0x1C80  }
0x21d: {  	[tilespmem:s17], [sflag:$0x3] =	stream.indirect.gather @!p1 [hbm4b:s4+s16], $0x20, s16, s16, $0xb8;
	[tilespmem:$0x19EA0] =	vst v63  }
0x21e: {  	s18 =	simm.s32 @!p1 $0x2C80;
	s17 =	simm.s32 @!p1 $0x100  }
0x21f: {  	[tilespmem:s18], [sflag:$0x3] =	stream.indirect.gather @!p1 [hbm4b:s4+s16], $0x20, s17, s16, $0xb8;
	[tilespmem:$0x19EA0] =	vst v63  }
0x220: {  	s17 =	simm.s32 @!p1 $0x180;
	s18 =	simm.s32 @!p1 $0x3C80  }
0x221: {  	[tilespmem:s18], [sflag:$0x3] =	stream.indirect.gather @!p1 [hbm4b:s4+s16], $0x20, s17, s16, $0xb8;
	[tilespmem:$0x19EA0] =	vst v63  }
0x222: {  	s17 =	simm.s32 @!p1 $0x200;
	s18 =	simm.s32 @!p1 $0x4C80  }
0x223: {  	[tilespmem:s18], [sflag:$0x3] =	stream.indirect.gather @!p1 [hbm4b:s4+s16], $0x20, s17, s16, $0xb8;
	[tilespmem:$0x19EA0] =	vst v63  }
0x224: {  	s17 =	simm.s32 @!p1 $0x280;
	s18 =	simm.s32 @!p1 $0x5C80  }
0x225: {  	[tilespmem:s18], [sflag:$0x3] =	stream.indirect.gather @!p1 [hbm4b:s4+s16], $0x20, s17, s16, $0xb8;
	[tilespmem:$0x19EA0] =	vst v63  }
0x226: {  	s17 =	simm.s32 @!p1 $0x300;
	s18 =	simm.s32 @!p1 $0x6C80  }
0x227: {  	[tilespmem:s18], [sflag:$0x3] =	stream.indirect.gather @!p1 [hbm4b:s4+s16], $0x20, s17, s16, $0xb8;
	[tilespmem:$0x19EA0] =	vst v63  }
0x228: {  	s17 =	simm.s32 @!p1 $0x380;
	s18 =	simm.s32 @!p1 $0x7C80  }
0x229: {  	[tilespmem:s18], [sflag:$0x3] =	stream.indirect.gather @!p1 [hbm4b:s4+s16], $0x20, s17, s16, $0xb8;
	[tilespmem:$0x19EA0] =	vst v63  }
0x22a: {  	s17 =	simm.s32 @!p1 $0x400;
	s18 =	simm.s32 @!p1 $0x8C80  }
0x22b: {  	[tilespmem:s18], [sflag:$0x3] =	stream.indirect.gather @!p1 [hbm4b:s4+s16], $0x20, s17, s16, $0xb8;
	[tilespmem:$0x19EA0] =	vst v63  }
0x22c: {  	s17 =	simm.s32 @!p1 $0x480;
	s18 =	simm.s32 @!p1 $0x9C80  }
0x22d: {  	[tilespmem:s18], [sflag:$0x3] =	stream.indirect.gather @!p1 [hbm4b:s4+s16], $0x20, s17, s16, $0xb8;
	[tilespmem:$0x19EA0] =	vst v63  }
0x22e: {  	s17 =	simm.s32 @!p1 $0x500;
	s18 =	simm.s32 @!p1 $0xAC80  }
0x22f: {  	[tilespmem:s18], [sflag:$0x3] =	stream.indirect.gather @!p1 [hbm4b:s4+s16], $0x20, s17, s16, $0xb8;
	[tilespmem:$0x19EA0] =	vst v63  }
0x230: {  	s17 =	simm.s32 @!p1 $0x580;
	s18 =	simm.s32 @!p1 $0xBC80  }
0x231: {  	[tilespmem:s18], [sflag:$0x3] =	stream.indirect.gather @!p1 [hbm4b:s4+s16], $0x20, s17, s16, $0xb8;
	[tilespmem:$0x19EA0] =	vst v63  }
0x232: {  	s16 =	simm.s32 @!p1 $0x40;
	s17 =	simm.s32 @!p1 $0x600;
	s18 =	simm.s32 @!p1 $0xCC80  }
0x233: {  	[tilespmem:s18], [sflag:$0x3] =	stream.indirect.gather @!p1 [hbm4b:s4+s16], $0x20, s17, s16, $0xb8;
	[tilespmem:$0x19EA0] =	vst v63  }
0x234: {  	_ =	swait.ge [sflag:s31], $0x1000  }
0x235: {  	[sflag:s31] =	ssyncset.done $0x0  }
0x236: {  	[sflag:s31] =	ssyncadd.s32 $0xFFFFF000  }
0x237: {  	_ =	swait.ge [sflag:s31], $0x1000  }
0x238: {  	[sflag:s31] =	ssyncset.done $0x0  }
0x239: {  	[sflag:s31] =	ssyncadd.s32 $0xFFFFF000  }
0x23a: {  	_ =	swait.ge [sflag:s31], $0x1000  }
0x23b: {  	[sflag:s31] =	ssyncset.done $0x0  }
0x23c: {  	[sflag:s31] =	ssyncadd.s32 $0xFFFFF000  }
0x23d: {  	_ =	swait.ge [sflag:s31], $0x1000  }
0x23e: {  	[sflag:s31] =	ssyncset.done $0x0  }
0x23f: {  	[sflag:s31] =	ssyncadd.s32 $0xFFFFF000  }
0x240: {  	_ =	swait.ge [sflag:s31], $0x1000  }
0x241: {  	[sflag:s31] =	ssyncset.done $0x0  }
0x242: {  	[sflag:s31] =	ssyncadd.s32 $0xFFFFF000  }
0x243: {  	_ =	swait.ge [sflag:s31], $0x1000  }
0x244: {  	[sflag:s31] =	ssyncset.done $0x0  }
0x245: {  	[sflag:s31] =	ssyncadd.s32 $0xFFFFF000  }
0x246: {  	_ =	swait.ge [sflag:s31], $0x1000  }
0x247: {  	[sflag:s31] =	ssyncset.done $0x0  }
0x248: {  	[sflag:s31] =	ssyncadd.s32 $0xFFFFF000  }
0x249: {  	_ =	swait.ge [sflag:s31], $0x1000  }
0x24a: {  	[sflag:s31] =	ssyncset.done $0x0  }
0x24b: {  	[sflag:s31] =	ssyncadd.s32 $0xFFFFF000  }
0x24c: {  	_ =	swait.ge [sflag:s31], $0x1000  }
0x24d: {  	[sflag:s31] =	ssyncset.done $0x0  }
0x24e: {  	[sflag:s31] =	ssyncadd.s32 $0xFFFFF000  }
0x24f: {  	_ =	swait.ge [sflag:s31], $0x1000  }
0x250: {  	[sflag:s31] =	ssyncset.done $0x0  }
0x251: {  	[sflag:s31] =	ssyncadd.s32 $0xFFFFF000  }
0x252: {  	_ =	swait.ge [sflag:s31], $0x1000  }
0x253: {  	[sflag:s31] =	ssyncset.done $0x0  }
0x254: {  	[sflag:s31] =	ssyncadd.s32 $0xFFFFF000  }
0x255: {  	_ =	swait.ge [sflag:s31], $0x1000  }
0x256: {  	[sflag:s31] =	ssyncset.done $0x0  }
0x257: {  	[sflag:s31] =	ssyncadd.s32 $0xFFFFF000  }
0x258: {  	_ =	swait.ge [sflag:s31], $0x800  }
0x259: {  	[sflag:s31] =	ssyncset.done $0x0  }
0x25a: {  	s16 =	simm.s32 @!p0 $0x6;
	[sflag:s31] =	ssyncadd.s32 $0xFFFFF800  }
0x25b: {  	_ =	swait.ge @!p0 [sflag:s16], $0x100  }
0x25c: {  	[sflag:s16] =	ssyncset.done @!p0 $0x0  }
0x25d: {  	[sflag:s16] =	ssyncadd.s32 @!p0 $0xFFFFFF00  }
0x25e: {  	v0 =	vld [tilespmem:$0x640]  }
0x25f: {  	v1 =	vld [tilespmem:$0x650]  }
0x260: {  	v2 =	vld [tilespmem:$0x660]  }
0x261: {  	v3 =	vld [tilespmem:$0x670]  }
0x262: {  	v4 =	vld [tilespmem:$0x680]  }
0x263: {  	v5 =	vld [tilespmem:$0x690]  }
0x264: {  	v9 =	vld [tilespmem:$0x6A0]  }
0x265: {  	v10 =	vld [tilespmem:$0x6B0]  }
0x266: {  	v12 =	vld [tilespmem:$0x6C0]  }
0x267: {  	v23 =	vimm.f32 $0.0e+00;
	v13 =	vld [tilespmem:$0x6D0];
	vm1 =	veq.s32 v0, $0x0  }
0x268: {  	v22 =	vimm.f32 $0.0e+00;
	v14 =	vld [tilespmem:$0x6E0];
	vm2 =	veq.s32 v1, $0x0;
	v0 =	vmpcnt.ones.xlane vm1  }
0x269: {  	s18 =	simm.s32 $0x0;
	v16 =	vld [tilespmem:$0x6F0];
	v1 =	vmpcnt.ones.xlane vm2;
	vm1 =	veq.s32 v2, $0x0;
	vm2 =	veq.s32 v4, $0x0  }
0x26a: {  	v4 =	vld [tilespmem:s18+$0xD4F0];
	v2 =	vmpcnt.ones.xlane vm1;
	vm1 =	veq.s32 v3, $0x0;
	v7 =	vmpcnt.ones.xlane vm2  }
0x26b: {  	v3 =	vld [tilespmem:$0x6F8];
	vm2 =	veq.s32 v10, $0x0;
	v6 =	vmpcnt.ones.xlane vm1;
	vm1 =	veq.s32 v5, $0x0  }
0x26c: {  	v21 =	vld [tilespmem:s18+$0xD490];
	v11 =	vmpcnt.ones.xlane vm2;
	v8 =	vmpcnt.ones.xlane vm1;
	vm1 =	veq.s32 v9, $0x0  }
0x26d: {  	v5 =	vld [tilespmem:s18+$0xD480];
	vm2 =	veq.s32 v14, $0x0;
	v10 =	vmpcnt.ones.xlane vm1;
	vm1 =	veq.s32 v12, $0x0  }
0x26e: {  	v15 =	vld [tilespmem:s18+$0xD4A0];
	v9 =	vimm.f32 $0.0e+00;
	v12 =	vmpcnt.ones.xlane vm1;
	vm1 =	veq.s32 v13, $0x0  }
0x26f: {  	v17 =	vld [tilespmem:s18+$0xD4B0];
	v13 =	vmpcnt.ones.xlane vm2;
	vm2 =	veq.s32 v16, $0x0;
	v4 =	vadd.f32 v4, v9  }
0x270: {  	v20 =	vld [tilespmem:s18+$0xD4C0];
	v16 =	vimm.f32 $0.0e+00;
	v14 =	vmpcnt.ones.xlane vm1;
	vm1 =	veq.s32 v3, $0x0  }
0x271: {  	v24 =	vld [tilespmem:s18+$0xD4D0];
	v19 =	vmpcnt.ones.xlane vm2;
	v3 =	vadd.f32 v21, v9;
	vm1 =	vmand vm1, vm0  }
0x272: {  	s17 =	simm.s32 $0x400;
	s16 =	simm.s32 $0x80;
	v25 =	vld [tilespmem:s18+$0xD4E0];
	v21 =	vimm.f32 $0.0e+00;
	v5 =	vadd.f32 v5, v9;
	v18 =	vmpcnt.ones.xlane vm1  }
.LBB2_19:
0x273: {  	p0 =	sne.s32 s17, $0x6200;
	v26 =	vld [tilespmem:s16+$0xD4F0];
	v9 =	vadd.f32 v15, v9  }
0x274: {  	v27 =	vld [tilespmem:s16+$0xD480];
	v16 =	vadd.f32 v17, v16  }
0x275: {  	v28 =	vld [tilespmem:s16+$0xD490];
	v23 =	vadd.f32 v20, v23  }
.Ltmp10:
0x276: {  	v15 =	vld [tilespmem:s16+$0xD4A0];
	v21 =	vadd.f32 v24, v21;
	(pc) =	sbr.rel @p0 .LBB2_19-.Ltmp10, $4  }
0x277: {  	v17 =	vld [tilespmem:s16+$0xD4B0];
	v22 =	vadd.f32 v25, v22  }
0x278: {  	v20 =	vld [tilespmem:s16+$0xD4C0];
	v4 =	vadd.f32 v26, v4  }
0x279: {  	v5 =	vadd.f32 v27, v5;
	v24 =	vld [tilespmem:s16+$0xD4D0]  }
0x27a: {  	v3 =	vadd.f32 v28, v3;
	v25 =	vld [tilespmem:s16+$0xD4E0];
	s16 =	sshra.s32 s17, $0x2;
	s17 =	sadd.s32 $0x200, s17  }
0x27b: {  	v0 =	vadd.s32 v0, v1  }
0x27c: {  	v0 =	vadd.s32 v2, v0  }
0x27d: {  	v0 =	vadd.s32 v6, v0  }
0x27e: {  	v0 =	vadd.s32 v7, v0  }
0x27f: {  	v0 =	vadd.s32 v8, v0  }
0x280: {  	v0 =	vadd.s32 v10, v0  }
0x281: {  	v0 =	vadd.s32 v11, v0  }
0x282: {  	v0 =	vadd.s32 v12, v0  }
0x283: {  	v1 =	vld [tilespmem:s16+$0xD4F0];
	v0 =	vadd.s32 v14, v0  }
0x284: {  	v2 =	vld [tilespmem:s16+$0xD480];
	v0 =	vadd.s32 v13, v0  }
0x285: {  	v6 =	vld [tilespmem:s16+$0xD490];
	v0 =	vadd.s32 v19, v0  }
0x286: {  	v7 =	vld [tilespmem:s16+$0xD4A0];
	v0 =	vadd.s32 v18, v0  }
0x287: {  	v10 =	vld [tilespmem:s16+$0xD4C0];
	v0 =	vcvt.s32.f32 v0  }
0x288: {  	v9 =	vadd.f32 v15, v9;
	v1 =	vadd.f32 v1, v4;
	v11 =	vld [tilespmem:s16+$0xD4E0]  }
0x289: {  	v8 =	vld [tilespmem:s16+$0xD4B0];
	v2 =	vadd.f32 v2, v5;
	v12 =	vsub.f32 $2.000000000e+02, v0  }
0x28a: {  	v15 =	vld [tilespmem:s16+$0xD4D0];
	v3 =	vadd.f32 v6, v3;
	v14 =	vadd.f32 v20, v23  }
0x28b: {  	v13 =	vadd.f32 v17, v16;
	v17 =	vadd.f32 v25, v22;
	v12 =	vmax.f32 v12, $1.000000000e+00  }
0x28c: {  	v5 =	vadd.f32 v7, v9;
	v16 =	vadd.f32 v24, v21;
	v18 =	vld [tilespmem:$0x19E80];
	(erf) = vrcp.f32 v12  }
0x28d: {  	v4 =	vld [tilespmem:$0x19E90];
	v7 =	vadd.f32 v10, v14;
	v9 =	vadd.f32 v11, v17  }
0x28e: {  	v6 =	vld [tilespmem:$0x708];
	v2 =	vadd.f32 v5, v2;
	v8 =	vadd.f32 v8, v13  }
0x28f: {  	v10 =	vld [tilespmem:$0x718];
	v11 =	vadd.f32 v15, v16;
	v5 =	vadd.f32 v9, v7  }
0x290: {  	v14 =	vld [tilespmem:$0x798];
	v3 =	vadd.f32 v8, v3  }
0x291: {  	v13 =	vld [tilespmem:$0x788];
	v1 =	vadd.f32 v1, v11;
	v2 =	vadd.f32 v5, v2;
	v5 =	vmul.f32 v0, v18  }
0x292: {  	v7 =	vld [tilespmem:$0x738]  }
0x293: {  	v1 =	vadd.f32 v1, v3;
	v0 =	vmul.f32 v0, v4;
	v12 =	vld [tilespmem:$0x728]  }
0x294: {  	v8 =	vld [tilespmem:$0x748];
	v2 =	vsub.f32 v2, v5  }
0x295: {  	v9 =	vld [tilespmem:$0x758];
	v0 =	vsub.f32 v1, v0;
	v5 =	vpop (erf)  }
0x296: {  	v3 =	vld [tilespmem:$0x768];
	v1 =	vmul.f32 v2, v5  }
0x297: {  	v23 =	vimm.f32 $0.0e+00;
	vm1 =	veq.s32 v6, $0x0;
	v4 =	vld [tilespmem:$0x778];
	v2 =	vmul.f32 v0, v5  }
0x298: {  	v15 =	vld [tilespmem:$0x7C0];
	vm2 =	veq.s32 v10, $0x0;
	v0 =	vmpcnt.ones.xlane vm1;
	vm1 =	veq.s32 v12, $0x0;
	[tilespmem:$0x19D80] =	vst v1  }
0x299: {  	v5 =	vld [tilespmem:$0x7A8];
	v1 =	vmpcnt.ones.xlane vm2;
	[tilespmem:$0x19D90] =	vst v2;
	v2 =	vmpcnt.ones.xlane vm1;
	vm1 =	veq.s32 v7, $0x0  }
0x29a: {  	s18 =	simm.s32 $0x0;
	v16 =	vld [tilespmem:$0x7B8];
	vm2 =	veq.s32 v8, $0x0;
	v6 =	vmpcnt.ones.xlane vm1;
	vm1 =	veq.s32 v9, $0x0  }
0x29b: {  	v7 =	vmpcnt.ones.xlane vm2;
	v21 =	vld [tilespmem:s18+$0xEDF0];
	v8 =	vmpcnt.ones.xlane vm1;
	vm1 =	veq.s32 v3, $0x0  }
0x29c: {  	vm2 =	veq.s32 v4, $0x0;
	v22 =	vld [tilespmem:s18+$0xED90];
	v10 =	vmpcnt.ones.xlane vm1;
	vm1 =	veq.s32 v13, $0x0  }
0x29d: {  	v3 =	vld [tilespmem:s18+$0xED80];
	v11 =	vmpcnt.ones.xlane vm2;
	v12 =	vmpcnt.ones.xlane vm1;
	vm1 =	veq.s32 v14, $0x0  }
0x29e: {  	vm2 =	veq.s32 v5, $0x0;
	v14 =	vmpcnt.ones.xlane vm1;
	vm1 =	veq.s32 v15, $0x0;
	v15 =	vld [tilespmem:s18+$0xEDA0]  }
0x29f: {  	v9 =	vimm.f32 $0.0e+00;
	v17 =	vld [tilespmem:s18+$0xEDB0];
	v13 =	vmpcnt.ones.xlane vm2;
	vm2 =	veq.s32 v16, $0x0  }
0x2a0: {  	v20 =	vld [tilespmem:s18+$0xEDC0];
	v16 =	vimm.f32 $0.0e+00;
	v19 =	vmpcnt.ones.xlane vm2;
	vm1 =	vmand vm1, vm0  }
0x2a1: {  	v24 =	vld [tilespmem:s18+$0xEDD0];
	v4 =	vadd.f32 v21, v9;
	v21 =	vimm.f32 $0.0e+00;
	v18 =	vmpcnt.ones.xlane vm1  }
0x2a2: {  	s17 =	simm.s32 $0x400;
	s16 =	simm.s32 $0x80;
	v25 =	vld [tilespmem:s18+$0xEDE0];
	v5 =	vadd.f32 v3, v9;
	v3 =	vadd.f32 v22, v9;
	v22 =	vimm.f32 $0.0e+00  }
.LBB2_21:
0x2a3: {  	p0 =	sne.s32 s17, $0x6200;
	v26 =	vld [tilespmem:s16+$0xEDF0];
	v9 =	vadd.f32 v15, v9  }
0x2a4: {  	v27 =	vld [tilespmem:s16+$0xED80];
	v16 =	vadd.f32 v17, v16  }
0x2a5: {  	v28 =	vld [tilespmem:s16+$0xED90];
	v23 =	vadd.f32 v20, v23  }
.Ltmp11:
0x2a6: {  	v15 =	vld [tilespmem:s16+$0xEDA0];
	v21 =	vadd.f32 v24, v21;
	(pc) =	sbr.rel @p0 .LBB2_21-.Ltmp11, $4  }
0x2a7: {  	v17 =	vld [tilespmem:s16+$0xEDB0];
	v22 =	vadd.f32 v25, v22  }
0x2a8: {  	v20 =	vld [tilespmem:s16+$0xEDC0];
	v4 =	vadd.f32 v26, v4  }
0x2a9: {  	v5 =	vadd.f32 v27, v5;
	v24 =	vld [tilespmem:s16+$0xEDD0]  }
0x2aa: {  	v3 =	vadd.f32 v28, v3;
	v25 =	vld [tilespmem:s16+$0xEDE0];
	s16 =	sshra.s32 s17, $0x2;
	s17 =	sadd.s32 $0x200, s17  }
0x2ab: {  	v0 =	vadd.s32 v0, v1  }
0x2ac: {  	v0 =	vadd.s32 v2, v0  }
0x2ad: {  	v0 =	vadd.s32 v6, v0  }
0x2ae: {  	v0 =	vadd.s32 v7, v0  }
0x2af: {  	v0 =	vadd.s32 v8, v0  }
0x2b0: {  	v0 =	vadd.s32 v10, v0  }
0x2b1: {  	v0 =	vadd.s32 v11, v0  }
0x2b2: {  	v0 =	vadd.s32 v12, v0  }
0x2b3: {  	v1 =	vld [tilespmem:s16+$0xEDF0];
	v0 =	vadd.s32 v14, v0  }
0x2b4: {  	v2 =	vld [tilespmem:s16+$0xED80];
	v0 =	vadd.s32 v13, v0  }
0x2b5: {  	v6 =	vld [tilespmem:s16+$0xED90];
	v0 =	vadd.s32 v19, v0  }
0x2b6: {  	v7 =	vld [tilespmem:s16+$0xEDA0];
	v0 =	vadd.s32 v18, v0  }
0x2b7: {  	v10 =	vld [tilespmem:s16+$0xEDC0];
	v0 =	vcvt.s32.f32 v0  }
0x2b8: {  	v9 =	vadd.f32 v15, v9;
	v1 =	vadd.f32 v1, v4;
	v11 =	vld [tilespmem:s16+$0xEDE0]  }
0x2b9: {  	v8 =	vld [tilespmem:s16+$0xEDB0];
	v2 =	vadd.f32 v2, v5;
	v12 =	vsub.f32 $2.000000000e+02, v0  }
0x2ba: {  	v15 =	vld [tilespmem:s16+$0xEDD0];
	v3 =	vadd.f32 v6, v3;
	v14 =	vadd.f32 v20, v23  }
0x2bb: {  	v13 =	vadd.f32 v17, v16;
	v17 =	vadd.f32 v25, v22;
	v12 =	vmax.f32 v12, $1.000000000e+00  }
0x2bc: {  	v5 =	vadd.f32 v7, v9;
	v16 =	vadd.f32 v24, v21;
	v18 =	vld [tilespmem:$0x19E80];
	(erf) = vrcp.f32 v12  }
0x2bd: {  	v4 =	vld [tilespmem:$0x19E90];
	v7 =	vadd.f32 v10, v14;
	v9 =	vadd.f32 v11, v17  }
0x2be: {  	v6 =	vld [tilespmem:$0x7D0];
	v2 =	vadd.f32 v5, v2;
	v8 =	vadd.f32 v8, v13  }
0x2bf: {  	v10 =	vld [tilespmem:$0x7E0];
	v11 =	vadd.f32 v15, v16;
	v5 =	vadd.f32 v9, v7  }
0x2c0: {  	v14 =	vld [tilespmem:$0x860];
	v3 =	vadd.f32 v8, v3  }
0x2c1: {  	v13 =	vld [tilespmem:$0x850];
	v1 =	vadd.f32 v1, v11;
	v2 =	vadd.f32 v5, v2;
	v5 =	vmul.f32 v0, v18  }
0x2c2: {  	v7 =	vld [tilespmem:$0x800]  }
0x2c3: {  	v1 =	vadd.f32 v1, v3;
	v0 =	vmul.f32 v0, v4;
	v12 =	vld [tilespmem:$0x7F0]  }
0x2c4: {  	v8 =	vld [tilespmem:$0x810];
	v2 =	vsub.f32 v2, v5  }
0x2c5: {  	v9 =	vld [tilespmem:$0x820];
	v0 =	vsub.f32 v1, v0;
	v5 =	vpop (erf)  }
0x2c6: {  	v3 =	vld [tilespmem:$0x830];
	v1 =	vmul.f32 v2, v5  }
0x2c7: {  	v23 =	vimm.f32 $0.0e+00;
	vm1 =	veq.s32 v6, $0x0;
	v4 =	vld [tilespmem:$0x840];
	v2 =	vmul.f32 v0, v5  }
0x2c8: {  	v15 =	vld [tilespmem:$0x888];
	vm2 =	veq.s32 v10, $0x0;
	v0 =	vmpcnt.ones.xlane vm1;
	vm1 =	veq.s32 v12, $0x0;
	[tilespmem:$0x19DA0] =	vst v1  }
0x2c9: {  	v5 =	vld [tilespmem:$0x870];
	v1 =	vmpcnt.ones.xlane vm2;
	[tilespmem:$0x19DB0] =	vst v2;
	v2 =	vmpcnt.ones.xlane vm1;
	vm1 =	veq.s32 v7, $0x0  }
0x2ca: {  	s18 =	simm.s32 $0x0;
	v16 =	vld [tilespmem:$0x880];
	vm2 =	veq.s32 v8, $0x0;
	v6 =	vmpcnt.ones.xlane vm1;
	vm1 =	veq.s32 v9, $0x0  }
0x2cb: {  	v7 =	vmpcnt.ones.xlane vm2;
	v21 =	vld [tilespmem:s18+$0x106F0];
	v8 =	vmpcnt.ones.xlane vm1;
	vm1 =	veq.s32 v3, $0x0  }
0x2cc: {  	vm2 =	veq.s32 v4, $0x0;
	v22 =	vld [tilespmem:s18+$0x10690];
	v10 =	vmpcnt.ones.xlane vm1;
	vm1 =	veq.s32 v13, $0x0  }
0x2cd: {  	v3 =	vld [tilespmem:s18+$0x10680];
	v11 =	vmpcnt.ones.xlane vm2;
	v12 =	vmpcnt.ones.xlane vm1;
	vm1 =	veq.s32 v14, $0x0  }
0x2ce: {  	vm2 =	veq.s32 v5, $0x0;
	v14 =	vmpcnt.ones.xlane vm1;
	vm1 =	veq.s32 v15, $0x0;
	v15 =	vld [tilespmem:s18+$0x106A0]  }
0x2cf: {  	v9 =	vimm.f32 $0.0e+00;
	v17 =	vld [tilespmem:s18+$0x106B0];
	v13 =	vmpcnt.ones.xlane vm2;
	vm2 =	veq.s32 v16, $0x0  }
0x2d0: {  	v20 =	vld [tilespmem:s18+$0x106C0];
	v16 =	vimm.f32 $0.0e+00;
	v19 =	vmpcnt.ones.xlane vm2;
	vm1 =	vmand vm1, vm0  }
0x2d1: {  	v24 =	vld [tilespmem:s18+$0x106D0];
	v4 =	vadd.f32 v21, v9;
	v21 =	vimm.f32 $0.0e+00;
	v18 =	vmpcnt.ones.xlane vm1  }
0x2d2: {  	s17 =	simm.s32 $0x400;
	s16 =	simm.s32 $0x80;
	v25 =	vld [tilespmem:s18+$0x106E0];
	v5 =	vadd.f32 v3, v9;
	v3 =	vadd.f32 v22, v9;
	v22 =	vimm.f32 $0.0e+00  }
.LBB2_23:
0x2d3: {  	p0 =	sne.s32 s17, $0x6200;
	v26 =	vld [tilespmem:s16+$0x106F0];
	v9 =	vadd.f32 v15, v9  }
0x2d4: {  	v27 =	vld [tilespmem:s16+$0x10680];
	v16 =	vadd.f32 v17, v16  }
0x2d5: {  	v28 =	vld [tilespmem:s16+$0x10690];
	v23 =	vadd.f32 v20, v23  }
.Ltmp12:
0x2d6: {  	v15 =	vld [tilespmem:s16+$0x106A0];
	v21 =	vadd.f32 v24, v21;
	(pc) =	sbr.rel @p0 .LBB2_23-.Ltmp12, $4  }
0x2d7: {  	v17 =	vld [tilespmem:s16+$0x106B0];
	v22 =	vadd.f32 v25, v22  }
0x2d8: {  	v20 =	vld [tilespmem:s16+$0x106C0];
	v4 =	vadd.f32 v26, v4  }
0x2d9: {  	v5 =	vadd.f32 v27, v5;
	v24 =	vld [tilespmem:s16+$0x106D0]  }
0x2da: {  	v3 =	vadd.f32 v28, v3;
	v25 =	vld [tilespmem:s16+$0x106E0];
	s16 =	sshra.s32 s17, $0x2;
	s17 =	sadd.s32 $0x200, s17  }
0x2db: {  	v0 =	vadd.s32 v0, v1  }
0x2dc: {  	v0 =	vadd.s32 v2, v0  }
0x2dd: {  	v0 =	vadd.s32 v6, v0  }
0x2de: {  	v0 =	vadd.s32 v7, v0  }
0x2df: {  	v0 =	vadd.s32 v8, v0  }
0x2e0: {  	v0 =	vadd.s32 v10, v0  }
0x2e1: {  	v0 =	vadd.s32 v11, v0  }
0x2e2: {  	v0 =	vadd.s32 v12, v0  }
0x2e3: {  	v1 =	vld [tilespmem:s16+$0x106F0];
	v0 =	vadd.s32 v14, v0  }
0x2e4: {  	v2 =	vld [tilespmem:s16+$0x10680];
	v0 =	vadd.s32 v13, v0  }
0x2e5: {  	v6 =	vld [tilespmem:s16+$0x10690];
	v0 =	vadd.s32 v19, v0  }
0x2e6: {  	v7 =	vld [tilespmem:s16+$0x106A0];
	v0 =	vadd.s32 v18, v0  }
0x2e7: {  	v10 =	vld [tilespmem:s16+$0x106C0];
	v0 =	vcvt.s32.f32 v0  }
0x2e8: {  	v9 =	vadd.f32 v15, v9;
	v1 =	vadd.f32 v1, v4;
	v11 =	vld [tilespmem:s16+$0x106E0]  }
0x2e9: {  	v8 =	vld [tilespmem:s16+$0x106B0];
	v2 =	vadd.f32 v2, v5;
	v12 =	vsub.f32 $2.000000000e+02, v0  }
0x2ea: {  	v15 =	vld [tilespmem:s16+$0x106D0];
	v3 =	vadd.f32 v6, v3;
	v14 =	vadd.f32 v20, v23  }
0x2eb: {  	v13 =	vadd.f32 v17, v16;
	v17 =	vadd.f32 v25, v22;
	v12 =	vmax.f32 v12, $1.000000000e+00  }
0x2ec: {  	v5 =	vadd.f32 v7, v9;
	v16 =	vadd.f32 v24, v21;
	v18 =	vld [tilespmem:$0x19E80];
	(erf) = vrcp.f32 v12  }
0x2ed: {  	v4 =	vld [tilespmem:$0x19E90];
	v7 =	vadd.f32 v10, v14;
	v9 =	vadd.f32 v11, v17  }
0x2ee: {  	v6 =	vld [tilespmem:$0x898];
	v2 =	vadd.f32 v5, v2;
	v8 =	vadd.f32 v8, v13  }
0x2ef: {  	v10 =	vld [tilespmem:$0x8A8];
	v11 =	vadd.f32 v15, v16;
	v5 =	vadd.f32 v9, v7  }
0x2f0: {  	v14 =	vld [tilespmem:$0x928];
	v3 =	vadd.f32 v8, v3  }
0x2f1: {  	v13 =	vld [tilespmem:$0x918];
	v1 =	vadd.f32 v1, v11;
	v2 =	vadd.f32 v5, v2;
	v5 =	vmul.f32 v0, v18  }
0x2f2: {  	v7 =	vld [tilespmem:$0x8C8]  }
0x2f3: {  	v1 =	vadd.f32 v1, v3;
	v0 =	vmul.f32 v0, v4;
	v12 =	vld [tilespmem:$0x8B8]  }
0x2f4: {  	v8 =	vld [tilespmem:$0x8D8];
	v2 =	vsub.f32 v2, v5  }
0x2f5: {  	v9 =	vld [tilespmem:$0x8E8];
	v0 =	vsub.f32 v1, v0;
	v5 =	vpop (erf)  }
0x2f6: {  	v3 =	vld [tilespmem:$0x8F8];
	v1 =	vmul.f32 v2, v5  }
0x2f7: {  	v23 =	vimm.f32 $0.0e+00;
	vm1 =	veq.s32 v6, $0x0;
	v4 =	vld [tilespmem:$0x908];
	v2 =	vmul.f32 v0, v5  }
0x2f8: {  	v15 =	vld [tilespmem:$0x950];
	vm2 =	veq.s32 v10, $0x0;
	v0 =	vmpcnt.ones.xlane vm1;
	vm1 =	veq.s32 v12, $0x0;
	[tilespmem:$0x19DC0] =	vst v1  }
0x2f9: {  	v5 =	vld [tilespmem:$0x938];
	v1 =	vmpcnt.ones.xlane vm2;
	[tilespmem:$0x19DD0] =	vst v2;
	v2 =	vmpcnt.ones.xlane vm1;
	vm1 =	veq.s32 v7, $0x0  }
0x2fa: {  	s18 =	simm.s32 $0x0;
	v16 =	vld [tilespmem:$0x948];
	vm2 =	veq.s32 v8, $0x0;
	v6 =	vmpcnt.ones.xlane vm1;
	vm1 =	veq.s32 v9, $0x0  }
0x2fb: {  	v7 =	vmpcnt.ones.xlane vm2;
	v21 =	vld [tilespmem:s18+$0x11FF0];
	v8 =	vmpcnt.ones.xlane vm1;
	vm1 =	veq.s32 v3, $0x0  }
0x2fc: {  	vm2 =	veq.s32 v4, $0x0;
	v22 =	vld [tilespmem:s18+$0x11F90];
	v10 =	vmpcnt.ones.xlane vm1;
	vm1 =	veq.s32 v13, $0x0  }
0x2fd: {  	v3 =	vld [tilespmem:s18+$0x11F80];
	v11 =	vmpcnt.ones.xlane vm2;
	v12 =	vmpcnt.ones.xlane vm1;
	vm1 =	veq.s32 v14, $0x0  }
0x2fe: {  	vm2 =	veq.s32 v5, $0x0;
	v14 =	vmpcnt.ones.xlane vm1;
	vm1 =	veq.s32 v15, $0x0;
	v15 =	vld [tilespmem:s18+$0x11FA0]  }
0x2ff: {  	v9 =	vimm.f32 $0.0e+00;
	v17 =	vld [tilespmem:s18+$0x11FB0];
	v13 =	vmpcnt.ones.xlane vm2;
	vm2 =	veq.s32 v16, $0x0  }
0x300: {  	v20 =	vld [tilespmem:s18+$0x11FC0];
	v16 =	vimm.f32 $0.0e+00;
	v19 =	vmpcnt.ones.xlane vm2;
	vm1 =	vmand vm1, vm0  }
0x301: {  	v24 =	vld [tilespmem:s18+$0x11FD0];
	v4 =	vadd.f32 v21, v9;
	v21 =	vimm.f32 $0.0e+00;
	v18 =	vmpcnt.ones.xlane vm1  }
0x302: {  	s17 =	simm.s32 $0x400;
	s16 =	simm.s32 $0x80;
	v25 =	vld [tilespmem:s18+$0x11FE0];
	v5 =	vadd.f32 v3, v9;
	v3 =	vadd.f32 v22, v9;
	v22 =	vimm.f32 $0.0e+00  }
.LBB2_25:
0x303: {  	p0 =	sne.s32 s17, $0x6200;
	v26 =	vld [tilespmem:s16+$0x11FF0];
	v9 =	vadd.f32 v15, v9  }
0x304: {  	v27 =	vld [tilespmem:s16+$0x11F80];
	v16 =	vadd.f32 v17, v16  }
0x305: {  	v28 =	vld [tilespmem:s16+$0x11F90];
	v23 =	vadd.f32 v20, v23  }
.Ltmp13:
0x306: {  	v15 =	vld [tilespmem:s16+$0x11FA0];
	v21 =	vadd.f32 v24, v21;
	(pc) =	sbr.rel @p0 .LBB2_25-.Ltmp13, $4  }
0x307: {  	v17 =	vld [tilespmem:s16+$0x11FB0];
	v22 =	vadd.f32 v25, v22  }
0x308: {  	v20 =	vld [tilespmem:s16+$0x11FC0];
	v4 =	vadd.f32 v26, v4  }
0x309: {  	v5 =	vadd.f32 v27, v5;
	v24 =	vld [tilespmem:s16+$0x11FD0]  }
0x30a: {  	v3 =	vadd.f32 v28, v3;
	v25 =	vld [tilespmem:s16+$0x11FE0];
	s16 =	sshra.s32 s17, $0x2;
	s17 =	sadd.s32 $0x200, s17  }
0x30b: {  	v0 =	vadd.s32 v0, v1  }
0x30c: {  	v0 =	vadd.s32 v2, v0  }
0x30d: {  	v0 =	vadd.s32 v6, v0  }
0x30e: {  	v0 =	vadd.s32 v7, v0  }
0x30f: {  	v0 =	vadd.s32 v8, v0  }
0x310: {  	v0 =	vadd.s32 v10, v0  }
0x311: {  	v0 =	vadd.s32 v11, v0  }
0x312: {  	v0 =	vadd.s32 v12, v0  }
0x313: {  	v1 =	vld [tilespmem:s16+$0x11FF0];
	v0 =	vadd.s32 v14, v0  }
0x314: {  	v2 =	vld [tilespmem:s16+$0x11F80];
	v0 =	vadd.s32 v13, v0  }
0x315: {  	v6 =	vld [tilespmem:s16+$0x11F90];
	v0 =	vadd.s32 v19, v0  }
0x316: {  	v7 =	vld [tilespmem:s16+$0x11FA0];
	v0 =	vadd.s32 v18, v0  }
0x317: {  	v10 =	vld [tilespmem:s16+$0x11FC0];
	v0 =	vcvt.s32.f32 v0  }
0x318: {  	v9 =	vadd.f32 v15, v9;
	v1 =	vadd.f32 v1, v4;
	v11 =	vld [tilespmem:s16+$0x11FE0]  }
0x319: {  	v8 =	vld [tilespmem:s16+$0x11FB0];
	v2 =	vadd.f32 v2, v5;
	v12 =	vsub.f32 $2.000000000e+02, v0  }
0x31a: {  	v15 =	vld [tilespmem:s16+$0x11FD0];
	v3 =	vadd.f32 v6, v3;
	v14 =	vadd.f32 v20, v23  }
0x31b: {  	v13 =	vadd.f32 v17, v16;
	v17 =	vadd.f32 v25, v22;
	v12 =	vmax.f32 v12, $1.000000000e+00  }
0x31c: {  	v5 =	vadd.f32 v7, v9;
	v16 =	vadd.f32 v24, v21;
	v18 =	vld [tilespmem:$0x19E80];
	(erf) = vrcp.f32 v12  }
0x31d: {  	v4 =	vld [tilespmem:$0x19E90];
	v7 =	vadd.f32 v10, v14;
	v9 =	vadd.f32 v11, v17  }
0x31e: {  	v6 =	vld [tilespmem:$0x960];
	v2 =	vadd.f32 v5, v2;
	v8 =	vadd.f32 v8, v13  }
0x31f: {  	v10 =	vld [tilespmem:$0x970];
	v11 =	vadd.f32 v15, v16;
	v5 =	vadd.f32 v9, v7  }
0x320: {  	v14 =	vld [tilespmem:$0x9F0];
	v3 =	vadd.f32 v8, v3  }
0x321: {  	v13 =	vld [tilespmem:$0x9E0];
	v1 =	vadd.f32 v1, v11;
	v2 =	vadd.f32 v5, v2;
	v5 =	vmul.f32 v0, v18  }
0x322: {  	v7 =	vld [tilespmem:$0x990]  }
0x323: {  	v1 =	vadd.f32 v1, v3;
	v0 =	vmul.f32 v0, v4;
	v12 =	vld [tilespmem:$0x980]  }
0x324: {  	v8 =	vld [tilespmem:$0x9A0];
	v2 =	vsub.f32 v2, v5  }
0x325: {  	v9 =	vld [tilespmem:$0x9B0];
	v0 =	vsub.f32 v1, v0;
	v5 =	vpop (erf)  }
0x326: {  	v3 =	vld [tilespmem:$0x9C0];
	v1 =	vmul.f32 v2, v5  }
0x327: {  	v23 =	vimm.f32 $0.0e+00;
	vm1 =	veq.s32 v6, $0x0;
	v4 =	vld [tilespmem:$0x9D0];
	v2 =	vmul.f32 v0, v5  }
0x328: {  	v15 =	vld [tilespmem:$0xA18];
	vm2 =	veq.s32 v10, $0x0;
	v0 =	vmpcnt.ones.xlane vm1;
	vm1 =	veq.s32 v12, $0x0;
	[tilespmem:$0x19DE0] =	vst v1  }
0x329: {  	v5 =	vld [tilespmem:$0xA00];
	v1 =	vmpcnt.ones.xlane vm2;
	[tilespmem:$0x19DF0] =	vst v2;
	v2 =	vmpcnt.ones.xlane vm1;
	vm1 =	veq.s32 v7, $0x0  }
0x32a: {  	s18 =	simm.s32 $0x0;
	v16 =	vld [tilespmem:$0xA10];
	vm2 =	veq.s32 v8, $0x0;
	v6 =	vmpcnt.ones.xlane vm1;
	vm1 =	veq.s32 v9, $0x0  }
0x32b: {  	v7 =	vmpcnt.ones.xlane vm2;
	v21 =	vld [tilespmem:s18+$0x138F0];
	v8 =	vmpcnt.ones.xlane vm1;
	vm1 =	veq.s32 v3, $0x0  }
0x32c: {  	vm2 =	veq.s32 v4, $0x0;
	v22 =	vld [tilespmem:s18+$0x13890];
	v10 =	vmpcnt.ones.xlane vm1;
	vm1 =	veq.s32 v13, $0x0  }
0x32d: {  	v3 =	vld [tilespmem:s18+$0x13880];
	v11 =	vmpcnt.ones.xlane vm2;
	v12 =	vmpcnt.ones.xlane vm1;
	vm1 =	veq.s32 v14, $0x0  }
0x32e: {  	vm2 =	veq.s32 v5, $0x0;
	v14 =	vmpcnt.ones.xlane vm1;
	vm1 =	veq.s32 v15, $0x0;
	v15 =	vld [tilespmem:s18+$0x138A0]  }
0x32f: {  	v9 =	vimm.f32 $0.0e+00;
	v17 =	vld [tilespmem:s18+$0x138B0];
	v13 =	vmpcnt.ones.xlane vm2;
	vm2 =	veq.s32 v16, $0x0  }
0x330: {  	v20 =	vld [tilespmem:s18+$0x138C0];
	v16 =	vimm.f32 $0.0e+00;
	v19 =	vmpcnt.ones.xlane vm2;
	vm1 =	vmand vm1, vm0  }
0x331: {  	v24 =	vld [tilespmem:s18+$0x138D0];
	v4 =	vadd.f32 v21, v9;
	v21 =	vimm.f32 $0.0e+00;
	v18 =	vmpcnt.ones.xlane vm1  }
0x332: {  	s17 =	simm.s32 $0x400;
	s16 =	simm.s32 $0x80;
	v25 =	vld [tilespmem:s18+$0x138E0];
	v5 =	vadd.f32 v3, v9;
	v3 =	vadd.f32 v22, v9;
	v22 =	vimm.f32 $0.0e+00  }
.LBB2_27:
0x333: {  	p0 =	sne.s32 s17, $0x6200;
	v26 =	vld [tilespmem:s16+$0x138F0];
	v9 =	vadd.f32 v15, v9  }
0x334: {  	v27 =	vld [tilespmem:s16+$0x13880];
	v16 =	vadd.f32 v17, v16  }
0x335: {  	v28 =	vld [tilespmem:s16+$0x13890];
	v23 =	vadd.f32 v20, v23  }
.Ltmp14:
0x336: {  	v15 =	vld [tilespmem:s16+$0x138A0];
	v21 =	vadd.f32 v24, v21;
	(pc) =	sbr.rel @p0 .LBB2_27-.Ltmp14, $4  }
0x337: {  	v17 =	vld [tilespmem:s16+$0x138B0];
	v22 =	vadd.f32 v25, v22  }
0x338: {  	v20 =	vld [tilespmem:s16+$0x138C0];
	v4 =	vadd.f32 v26, v4  }
0x339: {  	v5 =	vadd.f32 v27, v5;
	v24 =	vld [tilespmem:s16+$0x138D0]  }
0x33a: {  	v3 =	vadd.f32 v28, v3;
	v25 =	vld [tilespmem:s16+$0x138E0];
	s16 =	sshra.s32 s17, $0x2;
	s17 =	sadd.s32 $0x200, s17  }
0x33b: {  	v0 =	vadd.s32 v0, v1  }
0x33c: {  	v0 =	vadd.s32 v2, v0  }
0x33d: {  	v0 =	vadd.s32 v6, v0  }
0x33e: {  	v0 =	vadd.s32 v7, v0  }
0x33f: {  	v0 =	vadd.s32 v8, v0  }
0x340: {  	v0 =	vadd.s32 v10, v0  }
0x341: {  	v0 =	vadd.s32 v11, v0  }
0x342: {  	v0 =	vadd.s32 v12, v0  }
0x343: {  	v1 =	vld [tilespmem:s16+$0x138F0];
	v0 =	vadd.s32 v14, v0  }
0x344: {  	v2 =	vld [tilespmem:s16+$0x13880];
	v0 =	vadd.s32 v13, v0  }
0x345: {  	v6 =	vld [tilespmem:s16+$0x13890];
	v0 =	vadd.s32 v19, v0  }
0x346: {  	v7 =	vld [tilespmem:s16+$0x138A0];
	v0 =	vadd.s32 v18, v0  }
0x347: {  	v10 =	vld [tilespmem:s16+$0x138C0];
	v0 =	vcvt.s32.f32 v0  }
0x348: {  	v9 =	vadd.f32 v15, v9;
	v1 =	vadd.f32 v1, v4;
	v11 =	vld [tilespmem:s16+$0x138E0]  }
0x349: {  	v8 =	vld [tilespmem:s16+$0x138B0];
	v2 =	vadd.f32 v2, v5;
	v12 =	vsub.f32 $2.000000000e+02, v0  }
0x34a: {  	v15 =	vld [tilespmem:s16+$0x138D0];
	v3 =	vadd.f32 v6, v3;
	v14 =	vadd.f32 v20, v23  }
0x34b: {  	v13 =	vadd.f32 v17, v16;
	v17 =	vadd.f32 v25, v22;
	v12 =	vmax.f32 v12, $1.000000000e+00  }
0x34c: {  	v5 =	vadd.f32 v7, v9;
	v16 =	vadd.f32 v24, v21;
	v18 =	vld [tilespmem:$0x19E80];
	(erf) = vrcp.f32 v12  }
0x34d: {  	v4 =	vld [tilespmem:$0x19E90];
	v7 =	vadd.f32 v10, v14;
	v9 =	vadd.f32 v11, v17  }
0x34e: {  	v6 =	vld [tilespmem:$0xA28];
	v2 =	vadd.f32 v5, v2;
	v8 =	vadd.f32 v8, v13  }
0x34f: {  	v10 =	vld [tilespmem:$0xA38];
	v11 =	vadd.f32 v15, v16;
	v5 =	vadd.f32 v9, v7  }
0x350: {  	v14 =	vld [tilespmem:$0xAB8];
	v3 =	vadd.f32 v8, v3  }
0x351: {  	v13 =	vld [tilespmem:$0xAA8];
	v1 =	vadd.f32 v1, v11;
	v2 =	vadd.f32 v5, v2;
	v5 =	vmul.f32 v0, v18  }
0x352: {  	v7 =	vld [tilespmem:$0xA58]  }
0x353: {  	v1 =	vadd.f32 v1, v3;
	v0 =	vmul.f32 v0, v4;
	v12 =	vld [tilespmem:$0xA48]  }
0x354: {  	v8 =	vld [tilespmem:$0xA68];
	v2 =	vsub.f32 v2, v5  }
0x355: {  	v9 =	vld [tilespmem:$0xA78];
	v0 =	vsub.f32 v1, v0;
	v5 =	vpop (erf)  }
0x356: {  	v3 =	vld [tilespmem:$0xA88];
	v1 =	vmul.f32 v2, v5  }
0x357: {  	v23 =	vimm.f32 $0.0e+00;
	vm1 =	veq.s32 v6, $0x0;
	v4 =	vld [tilespmem:$0xA98];
	v2 =	vmul.f32 v0, v5  }
0x358: {  	v15 =	vld [tilespmem:$0xAE0];
	vm2 =	veq.s32 v10, $0x0;
	v0 =	vmpcnt.ones.xlane vm1;
	vm1 =	veq.s32 v12, $0x0;
	[tilespmem:$0x19E00] =	vst v1  }
0x359: {  	v5 =	vld [tilespmem:$0xAC8];
	v1 =	vmpcnt.ones.xlane vm2;
	[tilespmem:$0x19E10] =	vst v2;
	v2 =	vmpcnt.ones.xlane vm1;
	vm1 =	veq.s32 v7, $0x0  }
0x35a: {  	s18 =	simm.s32 $0x0;
	v16 =	vld [tilespmem:$0xAD8];
	vm2 =	veq.s32 v8, $0x0;
	v6 =	vmpcnt.ones.xlane vm1;
	vm1 =	veq.s32 v9, $0x0  }
0x35b: {  	v7 =	vmpcnt.ones.xlane vm2;
	v21 =	vld [tilespmem:s18+$0x151F0];
	v8 =	vmpcnt.ones.xlane vm1;
	vm1 =	veq.s32 v3, $0x0  }
0x35c: {  	vm2 =	veq.s32 v4, $0x0;
	v22 =	vld [tilespmem:s18+$0x15190];
	v10 =	vmpcnt.ones.xlane vm1;
	vm1 =	veq.s32 v13, $0x0  }
0x35d: {  	v3 =	vld [tilespmem:s18+$0x15180];
	v11 =	vmpcnt.ones.xlane vm2;
	v12 =	vmpcnt.ones.xlane vm1;
	vm1 =	veq.s32 v14, $0x0  }
0x35e: {  	vm2 =	veq.s32 v5, $0x0;
	v14 =	vmpcnt.ones.xlane vm1;
	vm1 =	veq.s32 v15, $0x0;
	v15 =	vld [tilespmem:s18+$0x151A0]  }
0x35f: {  	v9 =	vimm.f32 $0.0e+00;
	v17 =	vld [tilespmem:s18+$0x151B0];
	v13 =	vmpcnt.ones.xlane vm2;
	vm2 =	veq.s32 v16, $0x0  }
0x360: {  	v20 =	vld [tilespmem:s18+$0x151C0];
	v16 =	vimm.f32 $0.0e+00;
	v19 =	vmpcnt.ones.xlane vm2;
	vm1 =	vmand vm1, vm0  }
0x361: {  	v24 =	vld [tilespmem:s18+$0x151D0];
	v4 =	vadd.f32 v21, v9;
	v21 =	vimm.f32 $0.0e+00;
	v18 =	vmpcnt.ones.xlane vm1  }
0x362: {  	s17 =	simm.s32 $0x400;
	s16 =	simm.s32 $0x80;
	v25 =	vld [tilespmem:s18+$0x151E0];
	v5 =	vadd.f32 v3, v9;
	v3 =	vadd.f32 v22, v9;
	v22 =	vimm.f32 $0.0e+00  }
.LBB2_29:
0x363: {  	p0 =	sne.s32 s17, $0x6200;
	v26 =	vld [tilespmem:s16+$0x151F0];
	v9 =	vadd.f32 v15, v9  }
0x364: {  	v27 =	vld [tilespmem:s16+$0x15180];
	v16 =	vadd.f32 v17, v16  }
0x365: {  	v28 =	vld [tilespmem:s16+$0x15190];
	v23 =	vadd.f32 v20, v23  }
.Ltmp15:
0x366: {  	v15 =	vld [tilespmem:s16+$0x151A0];
	v21 =	vadd.f32 v24, v21;
	(pc) =	sbr.rel @p0 .LBB2_29-.Ltmp15, $4  }
0x367: {  	v17 =	vld [tilespmem:s16+$0x151B0];
	v22 =	vadd.f32 v25, v22  }
0x368: {  	v20 =	vld [tilespmem:s16+$0x151C0];
	v4 =	vadd.f32 v26, v4  }
0x369: {  	v5 =	vadd.f32 v27, v5;
	v24 =	vld [tilespmem:s16+$0x151D0]  }
0x36a: {  	v3 =	vadd.f32 v28, v3;
	v25 =	vld [tilespmem:s16+$0x151E0];
	s16 =	sshra.s32 s17, $0x2;
	s17 =	sadd.s32 $0x200, s17  }
0x36b: {  	v0 =	vadd.s32 v0, v1  }
0x36c: {  	v0 =	vadd.s32 v2, v0  }
0x36d: {  	v0 =	vadd.s32 v6, v0  }
0x36e: {  	v0 =	vadd.s32 v7, v0  }
0x36f: {  	v0 =	vadd.s32 v8, v0  }
0x370: {  	v0 =	vadd.s32 v10, v0  }
0x371: {  	v0 =	vadd.s32 v11, v0  }
0x372: {  	v0 =	vadd.s32 v12, v0  }
0x373: {  	v1 =	vld [tilespmem:s16+$0x151F0];
	v0 =	vadd.s32 v14, v0  }
0x374: {  	v2 =	vld [tilespmem:s16+$0x15180];
	v0 =	vadd.s32 v13, v0  }
0x375: {  	v6 =	vld [tilespmem:s16+$0x15190];
	v0 =	vadd.s32 v19, v0  }
0x376: {  	v7 =	vld [tilespmem:s16+$0x151A0];
	v0 =	vadd.s32 v18, v0  }
0x377: {  	v10 =	vld [tilespmem:s16+$0x151C0];
	v0 =	vcvt.s32.f32 v0  }
0x378: {  	v9 =	vadd.f32 v15, v9;
	v1 =	vadd.f32 v1, v4;
	v11 =	vld [tilespmem:s16+$0x151E0]  }
0x379: {  	v8 =	vld [tilespmem:s16+$0x151B0];
	v2 =	vadd.f32 v2, v5;
	v12 =	vsub.f32 $2.000000000e+02, v0  }
0x37a: {  	v15 =	vld [tilespmem:s16+$0x151D0];
	v3 =	vadd.f32 v6, v3;
	v14 =	vadd.f32 v20, v23  }
0x37b: {  	v13 =	vadd.f32 v17, v16;
	v17 =	vadd.f32 v25, v22;
	v12 =	vmax.f32 v12, $1.000000000e+00  }
0x37c: {  	v5 =	vadd.f32 v7, v9;
	v16 =	vadd.f32 v24, v21;
	v18 =	vld [tilespmem:$0x19E80];
	(erf) = vrcp.f32 v12  }
0x37d: {  	v4 =	vld [tilespmem:$0x19E90];
	v7 =	vadd.f32 v10, v14;
	v9 =	vadd.f32 v11, v17  }
0x37e: {  	v6 =	vld [tilespmem:$0xAF0];
	v2 =	vadd.f32 v5, v2;
	v8 =	vadd.f32 v8, v13  }
0x37f: {  	v10 =	vld [tilespmem:$0xB00];
	v11 =	vadd.f32 v15, v16;
	v5 =	vadd.f32 v9, v7  }
0x380: {  	v14 =	vld [tilespmem:$0xB80];
	v3 =	vadd.f32 v8, v3  }
0x381: {  	v13 =	vld [tilespmem:$0xB70];
	v1 =	vadd.f32 v1, v11;
	v2 =	vadd.f32 v5, v2;
	v5 =	vmul.f32 v0, v18  }
0x382: {  	v7 =	vld [tilespmem:$0xB20]  }
0x383: {  	v1 =	vadd.f32 v1, v3;
	v0 =	vmul.f32 v0, v4;
	v12 =	vld [tilespmem:$0xB10]  }
0x384: {  	v8 =	vld [tilespmem:$0xB30];
	v2 =	vsub.f32 v2, v5  }
0x385: {  	v9 =	vld [tilespmem:$0xB40];
	v0 =	vsub.f32 v1, v0;
	v5 =	vpop (erf)  }
0x386: {  	v3 =	vld [tilespmem:$0xB50];
	v1 =	vmul.f32 v2, v5  }
0x387: {  	v23 =	vimm.f32 $0.0e+00;
	vm1 =	veq.s32 v6, $0x0;
	v4 =	vld [tilespmem:$0xB60];
	v2 =	vmul.f32 v0, v5  }
0x388: {  	v15 =	vld [tilespmem:$0xBA8];
	vm2 =	veq.s32 v10, $0x0;
	v0 =	vmpcnt.ones.xlane vm1;
	vm1 =	veq.s32 v12, $0x0;
	[tilespmem:$0x19E20] =	vst v1  }
0x389: {  	v5 =	vld [tilespmem:$0xB90];
	v1 =	vmpcnt.ones.xlane vm2;
	[tilespmem:$0x19E30] =	vst v2;
	v2 =	vmpcnt.ones.xlane vm1;
	vm1 =	veq.s32 v7, $0x0  }
0x38a: {  	s18 =	simm.s32 $0x0;
	v16 =	vld [tilespmem:$0xBA0];
	vm2 =	veq.s32 v8, $0x0;
	v6 =	vmpcnt.ones.xlane vm1;
	vm1 =	veq.s32 v9, $0x0  }
0x38b: {  	v7 =	vmpcnt.ones.xlane vm2;
	v21 =	vld [tilespmem:s18+$0x16AF0];
	v8 =	vmpcnt.ones.xlane vm1;
	vm1 =	veq.s32 v3, $0x0  }
0x38c: {  	vm2 =	veq.s32 v4, $0x0;
	v22 =	vld [tilespmem:s18+$0x16A90];
	v10 =	vmpcnt.ones.xlane vm1;
	vm1 =	veq.s32 v13, $0x0  }
0x38d: {  	v3 =	vld [tilespmem:s18+$0x16A80];
	v11 =	vmpcnt.ones.xlane vm2;
	v12 =	vmpcnt.ones.xlane vm1;
	vm1 =	veq.s32 v14, $0x0  }
0x38e: {  	vm2 =	veq.s32 v5, $0x0;
	v14 =	vmpcnt.ones.xlane vm1;
	vm1 =	veq.s32 v15, $0x0;
	v15 =	vld [tilespmem:s18+$0x16AA0]  }
0x38f: {  	v9 =	vimm.f32 $0.0e+00;
	v17 =	vld [tilespmem:s18+$0x16AB0];
	v13 =	vmpcnt.ones.xlane vm2;
	vm2 =	veq.s32 v16, $0x0  }
0x390: {  	v20 =	vld [tilespmem:s18+$0x16AC0];
	v16 =	vimm.f32 $0.0e+00;
	v19 =	vmpcnt.ones.xlane vm2;
	vm1 =	vmand vm1, vm0  }
0x391: {  	v24 =	vld [tilespmem:s18+$0x16AD0];
	v4 =	vadd.f32 v21, v9;
	v21 =	vimm.f32 $0.0e+00;
	v18 =	vmpcnt.ones.xlane vm1  }
0x392: {  	s17 =	simm.s32 $0x400;
	s16 =	simm.s32 $0x80;
	v25 =	vld [tilespmem:s18+$0x16AE0];
	v5 =	vadd.f32 v3, v9;
	v3 =	vadd.f32 v22, v9;
	v22 =	vimm.f32 $0.0e+00  }
.LBB2_31:
0x393: {  	p0 =	sne.s32 s17, $0x6200;
	v26 =	vld [tilespmem:s16+$0x16AF0];
	v9 =	vadd.f32 v15, v9  }
0x394: {  	v27 =	vld [tilespmem:s16+$0x16A80];
	v16 =	vadd.f32 v17, v16  }
0x395: {  	v28 =	vld [tilespmem:s16+$0x16A90];
	v23 =	vadd.f32 v20, v23  }
.Ltmp16:
0x396: {  	v15 =	vld [tilespmem:s16+$0x16AA0];
	v21 =	vadd.f32 v24, v21;
	(pc) =	sbr.rel @p0 .LBB2_31-.Ltmp16, $4  }
0x397: {  	v17 =	vld [tilespmem:s16+$0x16AB0];
	v22 =	vadd.f32 v25, v22  }
0x398: {  	v20 =	vld [tilespmem:s16+$0x16AC0];
	v4 =	vadd.f32 v26, v4  }
0x399: {  	v5 =	vadd.f32 v27, v5;
	v24 =	vld [tilespmem:s16+$0x16AD0]  }
0x39a: {  	v3 =	vadd.f32 v28, v3;
	v25 =	vld [tilespmem:s16+$0x16AE0];
	s16 =	sshra.s32 s17, $0x2;
	s17 =	sadd.s32 $0x200, s17  }
0x39b: {  	v0 =	vadd.s32 v0, v1  }
0x39c: {  	v0 =	vadd.s32 v2, v0  }
0x39d: {  	v0 =	vadd.s32 v6, v0  }
0x39e: {  	v0 =	vadd.s32 v7, v0  }
0x39f: {  	v0 =	vadd.s32 v8, v0  }
0x3a0: {  	v0 =	vadd.s32 v10, v0  }
0x3a1: {  	v0 =	vadd.s32 v11, v0  }
0x3a2: {  	v0 =	vadd.s32 v12, v0  }
0x3a3: {  	v1 =	vld [tilespmem:s16+$0x16AF0];
	v0 =	vadd.s32 v14, v0  }
0x3a4: {  	v9 =	vadd.f32 v15, v9;
	v15 =	vld [tilespmem:s16+$0x16AD0];
	v0 =	vadd.s32 v13, v0  }
0x3a5: {  	v2 =	vld [tilespmem:s16+$0x16A80];
	v0 =	vadd.s32 v19, v0  }
0x3a6: {  	v6 =	vld [tilespmem:s16+$0x16A90];
	v0 =	vadd.s32 v18, v0  }
0x3a7: {  	v7 =	vld [tilespmem:s16+$0x16AA0];
	v0 =	vcvt.s32.f32 v0  }
0x3a8: {  	v10 =	vld [tilespmem:s16+$0x16AC0]  }
0x3a9: {  	v11 =	vld [tilespmem:s16+$0x16AE0];
	v12 =	vsub.f32 $2.000000000e+02, v0  }
0x3aa: {  	v8 =	vld [tilespmem:s16+$0x16AB0];
	v1 =	vadd.f32 v1, v4;
	v2 =	vadd.f32 v2, v5  }
0x3ab: {  	v4 =	vld [tilespmem:$0x19E90];
	v3 =	vadd.f32 v6, v3;
	v14 =	vadd.f32 v20, v23;
	v12 =	vmax.f32 v12, $1.000000000e+00  }
0x3ac: {  	v6 =	vld [tilespmem:$0xBB8];
	v13 =	vadd.f32 v17, v16;
	v17 =	vadd.f32 v25, v22;
	(erf) = vrcp.f32 v12  }
0x3ad: {  	v5 =	vadd.f32 v7, v9;
	v16 =	vadd.f32 v24, v21;
	v18 =	vld [tilespmem:$0x19E80]  }
0x3ae: {  	v7 =	vadd.f32 v10, v14;
	v10 =	vld [tilespmem:$0xBC8];
	v9 =	vadd.f32 v11, v17  }
0x3af: {  	v14 =	vld [tilespmem:$0xC48];
	v8 =	vadd.f32 v8, v13;
	v11 =	vadd.f32 v15, v16  }
0x3b0: {  	v2 =	vadd.f32 v5, v2;
	v13 =	vld [tilespmem:$0xC38];
	v5 =	vadd.f32 v9, v7  }
0x3b1: {  	vm1 =	veq.s32 v6, $0x0;
	v6 =	vld [tilespmem:$0xC58];
	v3 =	vadd.f32 v8, v3;
	v1 =	vadd.f32 v1, v11  }
0x3b2: {  	v7 =	vld [tilespmem:$0xBE8];
	v2 =	vadd.f32 v5, v2;
	v5 =	vmul.f32 v0, v18  }
0x3b3: {  	v1 =	vadd.f32 v1, v3;
	v0 =	vmul.f32 v0, v4;
	v12 =	vld [tilespmem:$0xBD8]  }
0x3b4: {  	v8 =	vld [tilespmem:$0xBF8];
	v2 =	vsub.f32 v2, v5  }
0x3b5: {  	v9 =	vld [tilespmem:$0xC08];
	v0 =	vsub.f32 v1, v0;
	v3 =	vpop (erf)  }
0x3b6: {  	v5 =	vld [tilespmem:$0xC28];
	v1 =	vmul.f32 v2, v3  }
0x3b7: {  	v11 =	vld [tilespmem:$0xC18];
	vm2 =	veq.s32 v10, $0x0;
	v2 =	vmul.f32 v0, v3  }
0x3b8: {  	v16 =	vld [tilespmem:$0xC68];
	v0 =	vmpcnt.ones.xlane vm1;
	vm1 =	veq.s32 v12, $0x0;
	[tilespmem:$0x19E40] =	vst v1;
	v1 =	vmpcnt.ones.xlane vm2  }
0x3b9: {  	s18 =	simm.s32 $0x0;
	[tilespmem:$0x19E50] =	vst v2;
	v2 =	vmpcnt.ones.xlane vm1;
	vm1 =	veq.s32 v7, $0x0;
	vm2 =	veq.s32 v8, $0x0;
	v7 =	vld [tilespmem:$0xC70]  }
0x3ba: {  	v3 =	vmpcnt.ones.xlane vm1;
	v4 =	vmpcnt.ones.xlane vm2;
	vm1 =	veq.s32 v9, $0x0;
	v21 =	vld [tilespmem:s18+$0x183F0]  }
0x3bb: {  	vm2 =	veq.s32 v5, $0x0;
	v22 =	vld [tilespmem:s18+$0x18380];
	v9 =	vimm.f32 $0.0e+00;
	v8 =	vmpcnt.ones.xlane vm1  }
0x3bc: {  	v23 =	vld [tilespmem:s18+$0x18390];
	vm1 =	veq.s32 v11, $0x0;
	v11 =	vmpcnt.ones.xlane vm2;
	vm2 =	veq.s32 v6, $0x0  }
0x3bd: {  	v10 =	vmpcnt.ones.xlane vm1;
	vm1 =	veq.s32 v13, $0x0;
	v13 =	vmpcnt.ones.xlane vm2  }
0x3be: {  	v15 =	vld [tilespmem:s18+$0x183A0];
	vm2 =	veq.s32 v16, $0x0;
	v12 =	vmpcnt.ones.xlane vm1;
	vm1 =	veq.s32 v14, $0x0  }
0x3bf: {  	v17 =	vld [tilespmem:s18+$0x183B0];
	v16 =	vimm.f32 $0.0e+00;
	v14 =	vmpcnt.ones.xlane vm1;
	vm1 =	veq.s32 v7, $0x0  }
0x3c0: {  	v20 =	vld [tilespmem:s18+$0x183C0];
	v19 =	vmpcnt.ones.xlane vm2;
	vm1 =	vmand vm1, vm0;
	v5 =	vadd.f32 v21, v9  }
0x3c1: {  	v24 =	vld [tilespmem:s18+$0x183D0];
	v6 =	vadd.f32 v22, v9;
	v7 =	vadd.f32 v23, v9;
	v23 =	vimm.f32 $0.0e+00  }
0x3c2: {  	s17 =	simm.s32 $0x400;
	s16 =	simm.s32 $0x80;
	v25 =	vld [tilespmem:s18+$0x183E0];
	v21 =	vimm.f32 $0.0e+00;
	v22 =	vimm.f32 $0.0e+00;
	v18 =	vmpcnt.ones.xlane vm1  }
.LBB2_33:
0x3c3: {  	p0 =	sne.s32 s17, $0x6200;
	v26 =	vld [tilespmem:s16+$0x183F0];
	v9 =	vadd.f32 v15, v9  }
0x3c4: {  	v27 =	vld [tilespmem:s16+$0x18380];
	v16 =	vadd.f32 v17, v16  }
0x3c5: {  	v28 =	vld [tilespmem:s16+$0x18390];
	v23 =	vadd.f32 v20, v23  }
.Ltmp17:
0x3c6: {  	v15 =	vld [tilespmem:s16+$0x183A0];
	v21 =	vadd.f32 v24, v21;
	(pc) =	sbr.rel @p0 .LBB2_33-.Ltmp17, $4  }
0x3c7: {  	v17 =	vld [tilespmem:s16+$0x183B0];
	v22 =	vadd.f32 v25, v22  }
0x3c8: {  	v20 =	vld [tilespmem:s16+$0x183C0];
	v5 =	vadd.f32 v26, v5  }
0x3c9: {  	v6 =	vadd.f32 v27, v6;
	v24 =	vld [tilespmem:s16+$0x183D0]  }
0x3ca: {  	v7 =	vadd.f32 v28, v7;
	v25 =	vld [tilespmem:s16+$0x183E0];
	s16 =	sshra.s32 s17, $0x2;
	s17 =	sadd.s32 $0x200, s17  }
0x3cb: {  	v0 =	vadd.s32 v0, v1  }
0x3cc: {  	v0 =	vadd.s32 v2, v0  }
0x3cd: {  	v0 =	vadd.s32 v3, v0  }
0x3ce: {  	v0 =	vadd.s32 v4, v0  }
0x3cf: {  	v0 =	vadd.s32 v8, v0  }
0x3d0: {  	v0 =	vadd.s32 v10, v0  }
0x3d1: {  	v0 =	vadd.s32 v11, v0  }
0x3d2: {  	v0 =	vadd.s32 v12, v0  }
0x3d3: {  	v42 =	vld [tilespmem:s16+$0x183F0];
	v0 =	vadd.s32 v14, v0  }
0x3d4: {  	v43 =	vld [tilespmem:s16+$0x18380];
	v0 =	vadd.s32 v13, v0  }
0x3d5: {  	v44 =	vld [tilespmem:s16+$0x18390];
	v0 =	vadd.s32 v19, v0  }
0x3d6: {  	v45 =	vld [tilespmem:s16+$0x183A0];
	v0 =	vadd.s32 v18, v0  }
0x3d7: {  	v46 =	vld [tilespmem:s16+$0x183B0];
	v0 =	vcvt.s32.f32 v0  }
0x3d8: {  	v47 =	vld [tilespmem:s16+$0x183C0]  }
0x3d9: {  	v9 =	vadd.f32 v15, v9;
	v48 =	vld [tilespmem:s16+$0x183E0];
	v49 =	vsub.f32 $2.000000000e+02, v0  }
0x3da: {  	v52 =	vld [tilespmem:s16+$0x183D0];
	v50 =	vadd.f32 v17, v16;
	v51 =	vadd.f32 v20, v23  }
0x3db: {  	v53 =	vadd.f32 v24, v21;
	v54 =	vadd.f32 v25, v22;
	v12 =	vmax.f32 v49, $1.000000000e+00  }
0x3dc: {  	v1 =	vadd.f32 v42, v5;
	v2 =	vadd.f32 v43, v6;
	(erf) = vrcp.f32 v12  }
0x3dd: {  	v55 =	vld [tilespmem:$0x19E80];
	v3 =	vadd.f32 v44, v7;
	v4 =	vadd.f32 v45, v9  }
0x3de: {  	v58 =	vld [tilespmem:$0x19E90];
	v56 =	vadd.f32 v47, v51;
	v57 =	vadd.f32 v48, v54  }
0x3df: {  	v8 =	vadd.f32 v46, v50;
	v59 =	vadd.f32 v52, v53  }
0x3e0: {  	v2 =	vadd.f32 v4, v2;
	v60 =	vadd.f32 v57, v56  }
0x3e1: {  	v3 =	vadd.f32 v8, v3;
	v1 =	vadd.f32 v1, v59  }
0x3e2: {  	v2 =	vadd.f32 v60, v2;
	v61 =	vmul.f32 v0, v55  }
0x3e3: {  	v1 =	vadd.f32 v1, v3;
	v0 =	vmul.f32 v0, v58  }
0x3e4: {  	v2 =	vsub.f32 v2, v61  }
0x3e5: {  	v0 =	vsub.f32 v1, v0;
	v62 =	vpop (erf)  }
.Ltmp18:
0x3e6: {  	v63 =	vmul.f32 v2, v62;
	(pc) =	sbr.rel @p1 .LBB2_36-.Ltmp18, $4  }
0x3e7: {  	v0 =	vmul.f32 v0, v62  }
0x3e8: {  	[tilespmem:$0x19E60] =	vst v63  }
0x3e9: {  	s11 =	sadd.s32 $0x20, s11;
	[tilespmem:$0x19E70] =	vst v0  }
0x3ea: {  	[hbm4b:s11+s2] =	stream.linear.scatter [tilespmem:s1], [sflag:$0x6], $0x100, $0x38;
	[tilespmem:$0x19EA0] =	vst v63  }
0x3eb: {  	s11 =	smul.u32 $0xC80, s0;
	_ =	sdelay $0x1  }
0x3ec: {  	s11 =	sadd.s32 s11, s9  }
0x3ed: {  	s11 =	sshrl.u32 s11, $0x3  }
0x3ee: {  	s11 =	sadd.s32 s3, s11  }
0x3ef: {  	[tilespmem:s13], [sflag:$0x2] =	stream.linear.gather [hbm4b:s11+s2], $0x640, $0x38;
	[tilespmem:$0x19EA0] =	vst v63  }
0x3f0: {  	_ =	swait.ge [sflag:s23], $0x640  }
0x3f1: {  	[sflag:s23] =	ssyncset.done $0x0  }
0x3f2: {  	s17 =	simm.s32 $0xD480;
	[sflag:s23] =	ssyncadd.s32 $0xFFFFF9C0  }
0x3f3: {  	[tilespmem:s17], [sflag:$0x4] =	stream.indirect.gather [hbm4b:s4+s15], $0x20, s13, s15, $0xb8;
	[tilespmem:$0x19EA0] =	vst v63  }
0x3f4: {  	s18 =	simm.s32 $0x6C0;
	s16 =	simm.s32 $0xE480  }
0x3f5: {  	[tilespmem:s16], [sflag:$0x4] =	stream.indirect.gather [hbm4b:s4+s15], $0x20, s18, s15, $0xb8;
	[tilespmem:$0x19EA0] =	vst v63  }
0x3f6: {  	s17 =	simm.s32 $0x740;
	s18 =	simm.s32 $0xF480  }
0x3f7: {  	[tilespmem:s18], [sflag:$0x4] =	stream.indirect.gather [hbm4b:s4+s15], $0x20, s17, s15, $0xb8;
	[tilespmem:$0x19EA0] =	vst v63  }
0x3f8: {  	s17 =	simm.s32 $0x7C0;
	s18 =	simm.s32 $0x10480  }
0x3f9: {  	[tilespmem:s18], [sflag:$0x4] =	stream.indirect.gather [hbm4b:s4+s15], $0x20, s17, s15, $0xb8;
	[tilespmem:$0x19EA0] =	vst v63  }
0x3fa: {  	s17 =	simm.s32 $0x840;
	s18 =	simm.s32 $0x11480  }
0x3fb: {  	[tilespmem:s18], [sflag:$0x4] =	stream.indirect.gather [hbm4b:s4+s15], $0x20, s17, s15, $0xb8;
	[tilespmem:$0x19EA0] =	vst v63  }
0x3fc: {  	s17 =	simm.s32 $0x8C0;
	s18 =	simm.s32 $0x12480  }
0x3fd: {  	[tilespmem:s18], [sflag:$0x4] =	stream.indirect.gather [hbm4b:s4+s15], $0x20, s17, s15, $0xb8;
	[tilespmem:$0x19EA0] =	vst v63  }
0x3fe: {  	s17 =	simm.s32 $0x940;
	s18 =	simm.s32 $0x13480  }
0x3ff: {  	[tilespmem:s18], [sflag:$0x4] =	stream.indirect.gather [hbm4b:s4+s15], $0x20, s17, s15, $0xb8;
	[tilespmem:$0x19EA0] =	vst v63  }
0x400: {  	_ = 	snop  }
0x401: {  	[tilespmem:s21], [sflag:$0x4] =	stream.indirect.gather [hbm4b:s4+s15], $0x20, s19, s15, $0xb8;
	[tilespmem:$0x19EA0] =	vst v63  }
0x402: {  	_ = 	snop  }
0x403: {  	[tilespmem:s6], [sflag:$0x4] =	stream.indirect.gather [hbm4b:s4+s15], $0x20, s22, s15, $0xb8;
	[tilespmem:$0x19EA0] =	vst v63  }
0x404: {  	_ = 	snop  }
0x405: {  	[tilespmem:s5], [sflag:$0x4] =	stream.indirect.gather [hbm4b:s4+s15], $0x20, s10, s15, $0xb8;
	[tilespmem:$0x19EA0] =	vst v63  }
0x406: {  	_ = 	snop  }
0x407: {  	[tilespmem:s14], [sflag:$0x4] =	stream.indirect.gather [hbm4b:s4+s15], $0x20, s12, s15, $0xb8;
	[tilespmem:$0x19EA0] =	vst v63  }
.Ltmp19:
0x408: {  	_ = 	snop;
	(pc) =	sbr.rel .LBB2_2-.Ltmp19, $4  }
0x409: {  	_ = 	snop  }
0x40a: {  	[tilespmem:s25], [sflag:$0x4] =	stream.indirect.gather [hbm4b:s4+s15], $0x20, s24, s15, $0xb8;
	[tilespmem:$0x19EA0] =	vst v63  }
0x40b: {  	s0 =	sadd.s32 $0x1, s0  }
0x40c: {  	[tilespmem:s28], [sflag:$0x4] =	stream.indirect.gather [hbm4b:s4+s20], $0x20, s26, s20, $0xb8;
	[tilespmem:$0x19EA0] =	vst v63  }
.LBB2_37:
0x40d: {  	_ =	sfence.sel $0x180000  }
0x40e: {  	[bflag:$0x0] =	sbarrier.arrive $0xFFFF  }
0x40f: {  	_ =	strace $0x90000047  }
0x410: {  	s0 =	stileid.u32;
	[bflag:$0x2] =	sbarrier.arrive $0xFFFF  }
0x411: {  	p0 =	sne.s32 s0, $0x0;
	s0 =	rddreg [dreg:$0x2]  }
0x412: {  	s0 =	sadd.s32 @!p0 $0x100000, s0  }
0x413: {  	[sflag:s0] =	ssyncadd.tile.s32 @!p0 $0x1;
	_ =	shalt  }
.Lfunc_end2:
_tile_overlayer_lowered:
.L_overlay_start_2:
0x414: {  	(tag) =	ssettag $0x2  }
0x415: {  	s0 =	rddreg [dreg:$0x0];
	s2 =	stileid.u32  }
0x416: {  	s1 =	rddreg [dreg:$0x1];
	p0 =	sne.s32 s2, $0x0  }
0x417: {  	s3 =	rddreg [dreg:$0x2];
	[bflag:$0x3] =	sbarrier.arrive $0xFFFF;
	s2 =	simm.s32 @!p0 $0x1C07  }
0x418: {  	[timem:s3], [sflag:s2] =	dma.local @!p0 [hbm:s0], s1  }
0x419: {  	s0 =	simm.s32 @!p0 $0x7  }
0x41a: {  	_ =	swait.ge @!p0 [sflag:s0], s1  }
0x41b: {  	s1 =	ssub.s32 @!p0 $0x0, s1;
	[sflag:s0] =	ssyncset.done @!p0 $0x0  }
0x41c: {  	[sflag:s0] =	ssyncadd.s32 @!p0 s1  }
0x41d: {  	[bflag:$0x3] =	sbarrier.arrive $0xFFFF  }
0x41e: {  	_ =	shalt  }

</sc_bundles>
